<compile_context>
chip_gen: v7x
topology: tpu7x:2x2x1
jax: 0.10.2.dev20260603
libtpu: 0.0.44.dev20260713+nightly
codegen_flags: <defaults>
</compile_context>

<pallas_src>
import functools

import jax
import jax.numpy as jnp
from jax import lax
from jax.experimental import pallas as pl
from jax.experimental.pallas import tpu as pltpu
from jax.experimental.pallas import tpu_sc as plsc

N = 10000
E = 320000
DIN = 128
DH = 256
DOUT = 128
G = 64

NUM_TILES = 16
CHUNK = 128
NPAD = 10240
RPT = NPAD // NUM_TILES
EPAD = -(-E // (64 * CHUNK)) * (64 * CHUNK)
EPT1 = EPAD // 32
NCHUNK1 = EPT1 // CHUNK
EPT2 = EPAD // NUM_TILES
NCHUNK2 = EPT2 // CHUNK
BM = 512
NBLK = NPAD // BM

_MESH = plsc.VectorSubcoreMesh(core_axis_name="c", subcore_axis_name="s")


BLKC = 8
BLKE = BLKC * CHUNK


def _edge_loop(table, srcp, dst, acc, bufs, ebase_src, ebase_dst, nchunk):
    sbuf, dbuf, r, gsem, ssem = bufs

    def load_blk(k, p):
        pltpu.sync_copy(srcp.at[pl.ds(ebase_src + k * BLKE, BLKE)], sbuf[p])
        pltpu.sync_copy(dst.at[pl.ds(ebase_dst + k * BLKE, BLKE)], dbuf[p])

    def sidx(m):
        return sbuf[(m // BLKC) % 2].at[pl.ds((m % BLKC) * CHUNK, CHUNK)]

    def didx(m):
        return dbuf[(m // BLKC) % 2].at[pl.ds((m % BLKC) * CHUNK, CHUNK)]

    def gather(m):
        pltpu.async_copy(table.at[sidx(m)], r[m % 2], gsem[m % 2])

    def gwait(m):
        pltpu.make_async_copy(table.at[sidx(m)], r[m % 2],
                              gsem[m % 2]).wait()

    def scatter(m):
        pltpu.async_copy(r[m % 2], acc.at[didx(m)], ssem[m % 2], add=True)

    def swait(m):
        pltpu.make_async_copy(r[m % 2], acc.at[didx(m)], ssem[m % 2]).wait()

    def step(j, m):
        if m != 0:
            swait(m - 1)
        else:
            swait(15)
        if m % BLKC == 0:
            load_blk(j // BLKC + 1, (m // BLKC + 1) % 2)
        gather(m + 1)
        gwait(m)
        scatter(m)

    load_blk(0, 0)
    gather(0)
    load_blk(1, 1)
    gather(1)
    gwait(0)
    scatter(0)
    for j in range(1, 16):
        step(j, j)

    def body(k2, carry):
        j0 = 16 + k2 * 16
        for m in range(16):
            step(j0 + m, m)
        return carry

    lax.fori_loop(0, (nchunk - 16) // 16, body, 0)
    swait(nchunk - 1)
    gwait(nchunk)


def _sc_scratch(dc):
    return [
        [pltpu.VMEM((BLKE,), jnp.int32)] * 2,
        [pltpu.VMEM((BLKE,), jnp.int32)] * 2,
        [pltpu.VMEM((CHUNK, dc), jnp.float32)] * 2,
        [pltpu.SemaphoreType.DMA] * 2,
        [pltpu.SemaphoreType.DMA] * 2,
        pltpu.VMEM_SHARED((NPAD, dc), jnp.float32),
    ]


@functools.partial(
    pl.kernel,
    out_type=jax.ShapeDtypeStruct((2, NPAD, DIN), jnp.float32),
    mesh=_MESH,
    scratch_types=_sc_scratch(DIN),
)
def _sc_agg1(table, src1d, dst1d, zeros, z,
             sbuf, dbuf, r, gsem, ssem, acc):
    c = lax.axis_index("c")
    s = lax.axis_index("s")
    rr = s * RPT

    @pl.when(c == 0)
    def _():
        pltpu.sync_copy(table.at[pl.ds(rr, RPT)], acc.at[pl.ds(rr, RPT)])

    @pl.when(c == 1)
    def _():
        pltpu.sync_copy(zeros, acc.at[pl.ds(rr, RPT)])

    plsc.subcore_barrier()
    ebase = (c * NUM_TILES + s) * EPT1
    _edge_loop(table, src1d, dst1d, acc,
               (sbuf, dbuf, r, gsem, ssem),
               ebase, ebase, NCHUNK1)
    plsc.subcore_barrier()
    pltpu.sync_copy(acc.at[pl.ds(rr, RPT)], z.at[c, pl.ds(rr, RPT)])


@functools.partial(
    pl.kernel,
    out_type=jax.ShapeDtypeStruct((2, NPAD, DH // 2), jnp.float32),
    mesh=_MESH,
    scratch_types=_sc_scratch(DH // 2),
)
def _sc_agg2(table, srcp1d, dst1d, z,
             sbuf, dbuf, r, gsem, ssem, acc):
    c = lax.axis_index("c")
    s = lax.axis_index("s")
    rr = s * RPT
    pltpu.sync_copy(table.at[pl.ds(c * NPAD + rr, RPT)],
                    acc.at[pl.ds(rr, RPT)])
    plsc.subcore_barrier()
    _edge_loop(table, srcp1d, dst1d, acc,
               (sbuf, dbuf, r, gsem, ssem),
               c * EPAD + s * EPT2, s * EPT2, NCHUNK2)
    plsc.subcore_barrier()
    pltpu.sync_copy(acc.at[pl.ds(rr, RPT)], z.at[c, pl.ds(rr, RPT)])


def _mm1_body(z_ref, w_ref, b_ref, out_ref):
    zsum = z_ref[0] + z_ref[1]
    h = jnp.dot(zsum, w_ref[...], preferred_element_type=jnp.float32)
    h = jnp.maximum(h + b_ref[...], 0.0)
    out_ref[0] = h[:, : DH // 2]
    out_ref[1] = h[:, DH // 2:]


def _tc_mm1(z, w, b):
    return pl.pallas_call(
        _mm1_body,
        grid=(NBLK,),
        in_specs=[
            pl.BlockSpec((2, BM, DIN), lambda i: (0, i, 0)),
            pl.BlockSpec((DIN, DH), lambda i: (0, 0)),
            pl.BlockSpec((1, DH), lambda i: (0, 0)),
        ],
        out_specs=pl.BlockSpec((2, BM, DH // 2), lambda i: (0, i, 0)),
        out_shape=jax.ShapeDtypeStruct((2, NPAD, DH // 2), jnp.float32),
    )(z, w, b)


def _mm2_body(z_ref, w2_ref, b2_ref, batch_ref, w3_ref, b3_ref, out_ref,
              acc_ref, cnt_ref):
    i = pl.program_id(0)

    @pl.when(i == 0)
    def _():
        acc_ref[...] = jnp.zeros_like(acc_ref)
        cnt_ref[...] = jnp.zeros_like(cnt_ref)

    h = jnp.dot(z_ref[0], w2_ref[...][: DH // 2],
                preferred_element_type=jnp.float32)
    h += jnp.dot(z_ref[1], w2_ref[...][DH // 2:],
                 preferred_element_type=jnp.float32)
    h = jnp.maximum(h + b2_ref[...], 0.0)
    gid = lax.broadcasted_iota(jnp.int32, (BM, G), 1)
    onehot = (batch_ref[...] == gid).astype(jnp.float32)
    acc_ref[...] += lax.dot_general(
        onehot, h, (((0,), (0,)), ((), ())),
        preferred_element_type=jnp.float32)
    cnt_ref[...] += lax.dot_general(
        onehot, jnp.ones((BM, 1), jnp.float32), (((0,), (0,)), ((), ())),
        preferred_element_type=jnp.float32)

    @pl.when(i == NBLK - 1)
    def _():
        pooled = acc_ref[...] / jnp.maximum(cnt_ref[...], 1.0)
        out_ref[...] = jnp.dot(
            pooled, w3_ref[...], preferred_element_type=jnp.float32
        ) + b3_ref[...]


def _tc_mm2(z, w2, b2, batch2d, w3, b3):
    return pl.pallas_call(
        _mm2_body,
        grid=(NBLK,),
        in_specs=[
            pl.BlockSpec((2, BM, DH // 2), lambda i: (0, i, 0)),
            pl.BlockSpec((DH, DH), lambda i: (0, 0)),
            pl.BlockSpec((1, DH), lambda i: (0, 0)),
            pl.BlockSpec((BM, 1), lambda i: (i, 0)),
            pl.BlockSpec((DH, DOUT), lambda i: (0, 0)),
            pl.BlockSpec((1, DOUT), lambda i: (0, 0)),
        ],
        out_specs=pl.BlockSpec((G, DOUT), lambda i: (0, 0)),
        out_shape=jax.ShapeDtypeStruct((G, DOUT), jnp.float32),
        scratch_shapes=[
            pltpu.VMEM((G, DH), jnp.float32),
            pltpu.VMEM((G, 1), jnp.float32),
        ],
    )(z, w2, b2, batch2d, w3, b3)


def kernel(x, edge_index, batch, W1, b1, W2, b2, W3, b3):
    src = edge_index[0]
    dst = edge_index[1]
    pad_e = EPAD - E
    src_p = jnp.concatenate([src, jnp.zeros((pad_e,), jnp.int32)])
    pad_dst = N + (jnp.arange(pad_e, dtype=jnp.int32) % (NPAD - N))
    dst_p = jnp.concatenate([dst, pad_dst])
    srcp2 = jnp.concatenate([src_p, src_p + NPAD])
    tail = jnp.zeros((BLKE,), jnp.int32)
    src_p = jnp.concatenate([src_p, tail])
    dst_p = jnp.concatenate([dst_p, tail])
    srcp2 = jnp.concatenate([srcp2, tail])

    xpad = jnp.pad(x, ((0, NPAD - N), (0, 0)))
    zeros_tile = jnp.zeros((RPT, DIN), jnp.float32)

    z1 = _sc_agg1(xpad, src_p, dst_p, zeros_tile)
    h1 = _tc_mm1(z1, W1, b1.reshape(1, DH))
    z2 = _sc_agg2(h1.reshape(2 * NPAD, DH // 2), srcp2, dst_p)

    batch_p = jnp.pad(batch, (0, NPAD - N), constant_values=G)
    return _tc_mm2(z2, W2, b2.reshape(1, DH), batch_p.reshape(NPAD, 1),
                   W3, b3.reshape(1, DOUT))

# --- scband reference (transcript-rebuilt; emitter-appended) ---
"""Pipeline reference for scband-gin-2layer-11510512353340 (READ-ONLY COPY).

The authoritative reference and input builder live on the scoring server;
editing this copy changes nothing except your own understanding.
"""

import jax, jax.numpy as jnp
import numpy as np

N = 10000
E = 320000
DIN = 128
DH = 256
DOUT = 128
G = 64


def setup_inputs(seed: int = 0) -> dict:
    key = jax.random.key(seed)
    ks = jax.random.split(key, 10)
    x = jax.random.normal(ks[0], (N, DIN), dtype=jnp.float32)
    edge_index = jax.random.randint(ks[1], (2, E), 0, N, dtype=jnp.int32)
    batch = jnp.sort(jax.random.randint(ks[2], (N,), 0, G, dtype=jnp.int32))
    # Parameters (PyTorch Linear y = x @ W.T + b; stored here as [in, out])
    W1 = jax.random.normal(ks[3], (DIN, DH), dtype=jnp.float32) * (1.0 / np.sqrt(DIN))
    b1 = jnp.zeros((DH,), dtype=jnp.float32)
    W2 = jax.random.normal(ks[4], (DH, DH), dtype=jnp.float32) * (1.0 / np.sqrt(DH))
    b2 = jnp.zeros((DH,), dtype=jnp.float32)
    W3 = jax.random.normal(ks[5], (DH, DOUT), dtype=jnp.float32) * (1.0 / np.sqrt(DH))
    b3 = jnp.zeros((DOUT,), dtype=jnp.float32)
    return {"x": x, "edge_index": edge_index, "batch": batch,
            "W1": W1, "b1": b1, "W2": W2, "b2": b2, "W3": W3, "b3": b3}


def gin_conv(h, src, dst, W, b):
    # GINConv with default eps=0: mlp((1+eps)*x + sum_{j in N(i)} x_j)
    agg = jax.ops.segment_sum(h[src], dst, num_segments=N)
    return (h + agg) @ W + b


def reference(x, edge_index, batch, W1, b1, W2, b2, W3, b3):
    src = edge_index[0]
    dst = edge_index[1]
    h = jax.nn.relu(gin_conv(x, src, dst, W1, b1))
    h = jax.nn.relu(gin_conv(h, src, dst, W2, b2))
    # global_mean_pool over graphs
    sums = jax.ops.segment_sum(h, batch, num_segments=G)
    counts = jax.ops.segment_sum(jnp.ones((N, 1), dtype=jnp.float32), batch, num_segments=G)
    pooled = sums / jnp.maximum(counts, 1.0)
    return pooled @ W3 + b3

if __name__ == "__main__":
    import jax
    _d = setup_inputs()
    print(jax.jit(kernel)(*tuple(_d.values())))

</pallas_src>

<mosaic_0001>
#map = affine_map<(d0, d1) -> (0, 0)>
#map1 = affine_map<(d0, d1) -> (0)>
#map2 = affine_map<(d0, d1) -> (0, 0, 0)>
module attributes {stable_mosaic.version = 14 : i64} {
  func.func @_sc_agg1(%arg0: i32, %arg1: i32, %arg2: memref<10240x128xf32, #tpu.memory_space<hbm>>, %arg3: memref<328704xi32, #tpu.memory_space<hbm>>, %arg4: memref<328704xi32, #tpu.memory_space<hbm>>, %arg5: memref<640x128xf32, #tpu.memory_space<hbm>>, %arg6: memref<2x10240x128xf32, #tpu.memory_space<hbm>>, %arg7: memref<1024xi32, #tpu.memory_space<vmem>>, %arg8: memref<1024xi32, #tpu.memory_space<vmem>>, %arg9: memref<1024xi32, #tpu.memory_space<vmem>>, %arg10: memref<1024xi32, #tpu.memory_space<vmem>>, %arg11: memref<128x128xf32, #tpu.memory_space<vmem>>, %arg12: memref<128x128xf32, #tpu.memory_space<vmem>>, %arg13: memref<!tpu.dma_semaphore, #tpu.memory_space<semaphore_mem>>, %arg14: memref<!tpu.dma_semaphore, #tpu.memory_space<semaphore_mem>>, %arg15: memref<!tpu.dma_semaphore, #tpu.memory_space<semaphore_mem>>, %arg16: memref<!tpu.dma_semaphore, #tpu.memory_space<semaphore_mem>>, %arg17: memref<10240x128xf32, #tpu.memory_space<vmem_shared>>) attributes {dimension_semantics = [#tpu.dimension_semantics<core_parallel>, #tpu.dimension_semantics<subcore_parallel>], iteration_bounds = array<i64: 2, 16>, scalar_prefetch = 0 : i64, scratch_operands = 11 : i64, tpu.core_type = #tpu.core_type<sc_vector_subcore>, window_params = [{transform_indices = #map}, {transform_indices = #map1}, {transform_indices = #map1}, {transform_indices = #map}, {transform_indices = #map2}]} {
    %mul3A = arith.constant 640 : i32
    %mul3A_0 = arith.muli %arg1, %mul3A : i32
    %eq3A = arith.constant 0 : i32
    %eq3A_1 = arith.cmpi eq, %arg0, %eq3A : i32
    %convert_element_type3A = arith.extui %eq3A_1 : i1 to i32
    %cond3A = arith.constant 0 : i32
    %cond3A_2 = arith.cmpi ne, %convert_element_type3A, %cond3A : i32
    scf.if %cond3A_2 {
      "tpu.region"() ({
        %run_scoped3A = tpu.sem_alloc : memref<!tpu.dma_semaphore, #tpu.memory_space<semaphore_mem>>
        %dma_start3A_358 = arith.constant 0 : i32
        %dma_start3A_359 = tpu.memref_slice %arg17[%mul3A_0, %dma_start3A_358] : memref<10240x128xf32, #tpu.memory_space<vmem_shared>> -> memref<640x128xf32, #tpu.memory_space<vmem_shared>>
        %dma_start3A_360 = arith.constant 0 : i32
        %dma_start3A_361 = tpu.memref_slice %arg2[%mul3A_0, %dma_start3A_360] : memref<10240x128xf32, #tpu.memory_space<hbm>> -> memref<640x128xf32, #tpu.memory_space<hbm>>
        tpu.enqueue_dma source(%dma_start3A_361 : memref<640x128xf32, #tpu.memory_space<hbm>>) target(%dma_start3A_359 : memref<640x128xf32, #tpu.memory_space<vmem_shared>>) target_semaphore(%run_scoped3A : memref<!tpu.dma_semaphore, #tpu.memory_space<semaphore_mem>>)
        %dma_wait3A_362 = arith.constant 0 : i32
        %dma_wait3A_363 = tpu.memref_slice %arg17[%mul3A_0, %dma_wait3A_362] : memref<10240x128xf32, #tpu.memory_space<vmem_shared>> -> memref<640x128xf32, #tpu.memory_space<vmem_shared>>
        %dma_wait3A_364 = arith.constant 0 : i32
        %dma_wait3A_365 = tpu.memref_slice %arg2[%mul3A_0, %dma_wait3A_364] : memref<10240x128xf32, #tpu.memory_space<hbm>> -> memref<640x128xf32, #tpu.memory_space<hbm>>
        tpu.wait_dma2 semaphore(%run_scoped3A : memref<!tpu.dma_semaphore, #tpu.memory_space<semaphore_mem>>) src(%dma_wait3A_365 : memref<640x128xf32, #tpu.memory_space<hbm>>) dst(%dma_wait3A_363 : memref<640x128xf32, #tpu.memory_space<vmem_shared>>)
        tpu.yield
      }) : () -> ()
    } else {
    }
    %eq3A_3 = arith.constant 1 : i32
    %eq3A_4 = arith.cmpi eq, %arg0, %eq3A_3 : i32
    %convert_element_type3A_5 = arith.extui %eq3A_4 : i1 to i32
    %cond3A_6 = arith.constant 0 : i32
    %cond3A_7 = arith.cmpi ne, %convert_element_type3A_5, %cond3A_6 : i32
    scf.if %cond3A_7 {
      "tpu.region"() ({
        %run_scoped3A = tpu.sem_alloc : memref<!tpu.dma_semaphore, #tpu.memory_space<semaphore_mem>>
        %dma_start3A_358 = arith.constant 0 : i32
        %dma_start3A_359 = tpu.memref_slice %arg17[%mul3A_0, %dma_start3A_358] : memref<10240x128xf32, #tpu.memory_space<vmem_shared>> -> memref<640x128xf32, #tpu.memory_space<vmem_shared>>
        tpu.enqueue_dma source(%arg5 : memref<640x128xf32, #tpu.memory_space<hbm>>) target(%dma_start3A_359 : memref<640x128xf32, #tpu.memory_space<vmem_shared>>) target_semaphore(%run_scoped3A : memref<!tpu.dma_semaphore, #tpu.memory_space<semaphore_mem>>)
        %dma_wait3A_360 = arith.constant 0 : i32
        %dma_wait3A_361 = tpu.memref_slice %arg17[%mul3A_0, %dma_wait3A_360] : memref<10240x128xf32, #tpu.memory_space<vmem_shared>> -> memref<640x128xf32, #tpu.memory_space<vmem_shared>>
        tpu.wait_dma2 semaphore(%run_scoped3A : memref<!tpu.dma_semaphore, #tpu.memory_space<semaphore_mem>>) src(%arg5 : memref<640x128xf32, #tpu.memory_space<hbm>>) dst(%dma_wait3A_361 : memref<640x128xf32, #tpu.memory_space<vmem_shared>>)
        tpu.yield
      }) : () -> ()
    } else {
    }
    %barrier3A = arith.constant 0 : index
    tpu.barrier barrier_id(%barrier3A)
    %mul3A_8 = arith.constant 16 : i32
    %mul3A_9 = arith.muli %arg0, %mul3A_8 : i32
    %add3A = arith.addi %mul3A_9, %arg1 : i32
    %mul3A_10 = arith.constant 10240 : i32
    %mul3A_11 = arith.muli %add3A, %mul3A_10 : i32
    %add3A_12 = arith.constant 0 : i32
    %add3A_13 = arith.addi %mul3A_11, %add3A_12 : i32
    "tpu.region"() ({
      %run_scoped3A = tpu.sem_alloc : memref<!tpu.dma_semaphore, #tpu.memory_space<semaphore_mem>>
      %dma_start3A_358 = tpu.memref_slice %arg3[%add3A_13] : memref<328704xi32, #tpu.memory_space<hbm>> -> memref<1024xi32, #tpu.memory_space<hbm>>
      %dma_start3A_359 = tpu.memref_slice %arg3[%add3A_13] : memref<328704xi32, #tpu.memory_space<hbm>> -> memref<1024xi32, #tpu.memory_space<hbm>>
      tpu.enqueue_dma source(%dma_start3A_359 : memref<1024xi32, #tpu.memory_space<hbm>>) target(%arg7 : memref<1024xi32, #tpu.memory_space<vmem>>) target_semaphore(%run_scoped3A : memref<!tpu.dma_semaphore, #tpu.memory_space<semaphore_mem>>)
      %dma_wait3A_360 = tpu.memref_slice %arg3[%add3A_13] : memref<328704xi32, #tpu.memory_space<hbm>> -> memref<1024xi32, #tpu.memory_space<hbm>>
      %dma_wait3A_361 = tpu.memref_slice %arg3[%add3A_13] : memref<328704xi32, #tpu.memory_space<hbm>> -> memref<1024xi32, #tpu.memory_space<hbm>>
      tpu.wait_dma2 semaphore(%run_scoped3A : memref<!tpu.dma_semaphore, #tpu.memory_space<semaphore_mem>>) src(%dma_wait3A_361 : memref<1024xi32, #tpu.memory_space<hbm>>) dst(%arg7 : memref<1024xi32, #tpu.memory_space<vmem>>)
      tpu.yield
    }) : () -> ()
    %add3A_14 = arith.constant 0 : i32
    %add3A_15 = arith.addi %mul3A_11, %add3A_14 : i32
    "tpu.region"() ({
      %run_scoped3A = tpu.sem_alloc : memref<!tpu.dma_semaphore, #tpu.memory_space<semaphore_mem>>
      %dma_start3A_358 = tpu.memref_slice %arg4[%add3A_15] : memref<328704xi32, #tpu.memory_space<hbm>> -> memref<1024xi32, #tpu.memory_space<hbm>>
      %dma_start3A_359 = tpu.memref_slice %arg4[%add3A_15] : memref<328704xi32, #tpu.memory_space<hbm>> -> memref<1024xi32, #tpu.memory_space<hbm>>
      tpu.enqueue_dma source(%dma_start3A_359 : memref<1024xi32, #tpu.memory_space<hbm>>) target(%arg9 : memref<1024xi32, #tpu.memory_space<vmem>>) target_semaphore(%run_scoped3A : memref<!tpu.dma_semaphore, #tpu.memory_space<semaphore_mem>>)
      %dma_wait3A_360 = tpu.memref_slice %arg4[%add3A_15] : memref<328704xi32, #tpu.memory_space<hbm>> -> memref<1024xi32, #tpu.memory_space<hbm>>
      %dma_wait3A_361 = tpu.memref_slice %arg4[%add3A_15] : memref<328704xi32, #tpu.memory_space<hbm>> -> memref<1024xi32, #tpu.memory_space<hbm>>
      tpu.wait_dma2 semaphore(%run_scoped3A : memref<!tpu.dma_semaphore, #tpu.memory_space<semaphore_mem>>) src(%dma_wait3A_361 : memref<1024xi32, #tpu.memory_space<hbm>>) dst(%arg9 : memref<1024xi32, #tpu.memory_space<vmem>>)
      tpu.yield
    }) : () -> ()
    %dma_start3A = arith.constant 0 : i32
    %dma_start3A_16 = tpu.memref_slice %arg7[%dma_start3A] : memref<1024xi32, #tpu.memory_space<vmem>> -> memref<128xi32, #tpu.memory_space<vmem>>
    %dma_start3A_17 = arith.constant 0 : i32
    %dma_start3A_18 = arith.constant 0 : i32
    %dma_start3A_19 = tpu.memref_slice %arg2[%dma_start3A_17, %dma_start3A_18] : memref<10240x128xf32, #tpu.memory_space<hbm>> -> memref<10240x128xf32, #tpu.memory_space<hbm>>
    tpu.enqueue_indirect_dma source(%dma_start3A_19 : memref<10240x128xf32, #tpu.memory_space<hbm>>) target(%arg11 : memref<128x128xf32, #tpu.memory_space<vmem>>) offsets(%dma_start3A_16 : memref<128xi32, #tpu.memory_space<vmem>>) semaphore(%arg13 : memref<!tpu.dma_semaphore, #tpu.memory_space<semaphore_mem>>)
    %add3A_20 = arith.constant 1024 : i32
    %add3A_21 = arith.addi %mul3A_11, %add3A_20 : i32
    "tpu.region"() ({
      %run_scoped3A = tpu.sem_alloc : memref<!tpu.dma_semaphore, #tpu.memory_space<semaphore_mem>>
      %dma_start3A_358 = tpu.memref_slice %arg3[%add3A_21] : memref<328704xi32, #tpu.memory_space<hbm>> -> memref<1024xi32, #tpu.memory_space<hbm>>
      %dma_start3A_359 = tpu.memref_slice %arg3[%add3A_21] : memref<328704xi32, #tpu.memory_space<hbm>> -> memref<1024xi32, #tpu.memory_space<hbm>>
      tpu.enqueue_dma source(%dma_start3A_359 : memref<1024xi32, #tpu.memory_space<hbm>>) target(%arg8 : memref<1024xi32, #tpu.memory_space<vmem>>) target_semaphore(%run_scoped3A : memref<!tpu.dma_semaphore, #tpu.memory_space<semaphore_mem>>)
      %dma_wait3A_360 = tpu.memref_slice %arg3[%add3A_21] : memref<328704xi32, #tpu.memory_space<hbm>> -> memref<1024xi32, #tpu.memory_space<hbm>>
      %dma_wait3A_361 = tpu.memref_slice %arg3[%add3A_21] : memref<328704xi32, #tpu.memory_space<hbm>> -> memref<1024xi32, #tpu.memory_space<hbm>>
      tpu.wait_dma2 semaphore(%run_scoped3A : memref<!tpu.dma_semaphore, #tpu.memory_space<semaphore_mem>>) src(%dma_wait3A_361 : memref<1024xi32, #tpu.memory_space<hbm>>) dst(%arg8 : memref<1024xi32, #tpu.memory_space<vmem>>)
      tpu.yield
    }) : () -> ()
    %add3A_22 = arith.constant 1024 : i32
    %add3A_23 = arith.addi %mul3A_11, %add3A_22 : i32
    "tpu.region"() ({
      %run_scoped3A = tpu.sem_alloc : memref<!tpu.dma_semaphore, #tpu.memory_space<semaphore_mem>>
      %dma_start3A_358 = tpu.memref_slice %arg4[%add3A_23] : memref<328704xi32, #tpu.memory_space<hbm>> -> memref<1024xi32, #tpu.memory_space<hbm>>
      %dma_start3A_359 = tpu.memref_slice %arg4[%add3A_23] : memref<328704xi32, #tpu.memory_space<hbm>> -> memref<1024xi32, #tpu.memory_space<hbm>>
      tpu.enqueue_dma source(%dma_start3A_359 : memref<1024xi32, #tpu.memory_space<hbm>>) target(%arg10 : memref<1024xi32, #tpu.memory_space<vmem>>) target_semaphore(%run_scoped3A : memref<!tpu.dma_semaphore, #tpu.memory_space<semaphore_mem>>)
      %dma_wait3A_360 = tpu.memref_slice %arg4[%add3A_23] : memref<328704xi32, #tpu.memory_space<hbm>> -> memref<1024xi32, #tpu.memory_space<hbm>>
      %dma_wait3A_361 = tpu.memref_slice %arg4[%add3A_23] : memref<328704xi32, #tpu.memory_space<hbm>> -> memref<1024xi32, #tpu.memory_space<hbm>>
      tpu.wait_dma2 semaphore(%run_scoped3A : memref<!tpu.dma_semaphore, #tpu.memory_space<semaphore_mem>>) src(%dma_wait3A_361 : memref<1024xi32, #tpu.memory_space<hbm>>) dst(%arg10 : memref<1024xi32, #tpu.memory_space<vmem>>)
      tpu.yield
    }) : () -> ()
    %dma_start3A_24 = arith.constant 128 : i32
    %dma_start3A_25 = tpu.memref_slice %arg7[%dma_start3A_24] : memref<1024xi32, #tpu.memory_space<vmem>> -> memref<128xi32, #tpu.memory_space<vmem>>
    %dma_start3A_26 = arith.constant 0 : i32
    %dma_start3A_27 = arith.constant 0 : i32
    %dma_start3A_28 = tpu.memref_slice %arg2[%dma_start3A_26, %dma_start3A_27] : memref<10240x128xf32, #tpu.memory_space<hbm>> -> memref<10240x128xf32, #tpu.memory_space<hbm>>
    tpu.enqueue_indirect_dma source(%dma_start3A_28 : memref<10240x128xf32, #tpu.memory_space<hbm>>) target(%arg12 : memref<128x128xf32, #tpu.memory_space<vmem>>) offsets(%dma_start3A_25 : memref<128xi32, #tpu.memory_space<vmem>>) semaphore(%arg14 : memref<!tpu.dma_semaphore, #tpu.memory_space<semaphore_mem>>)
    %dma_wait3A = arith.constant 0 : i32
    %dma_wait3A_29 = tpu.memref_slice %arg7[%dma_wait3A] : memref<1024xi32, #tpu.memory_space<vmem>> -> memref<128xi32, #tpu.memory_space<vmem>>
    %dma_wait3A_30 = arith.constant 0 : i32
    %dma_wait3A_31 = arith.constant 0 : i32
    %dma_wait3A_32 = tpu.memref_slice %arg2[%dma_wait3A_30, %dma_wait3A_31] : memref<10240x128xf32, #tpu.memory_space<hbm>> -> memref<10240x128xf32, #tpu.memory_space<hbm>>
    tpu.wait_indirect_dma semaphore(%arg13 : memref<!tpu.dma_semaphore, #tpu.memory_space<semaphore_mem>>) src(%dma_wait3A_32 : memref<10240x128xf32, #tpu.memory_space<hbm>>) dst(%arg11 : memref<128x128xf32, #tpu.memory_space<vmem>>)
    %dma_start3A_33 = arith.constant 0 : i32
    %dma_start3A_34 = tpu.memref_slice %arg9[%dma_start3A_33] : memref<1024xi32, #tpu.memory_space<vmem>> -> memref<128xi32, #tpu.memory_space<vmem>>
    %dma_start3A_35 = arith.constant 0 : i32
    %dma_start3A_36 = arith.constant 0 : i32
    %dma_start3A_37 = tpu.memref_slice %arg17[%dma_start3A_35, %dma_start3A_36] : memref<10240x128xf32, #tpu.memory_space<vmem_shared>> -> memref<10240x128xf32, #tpu.memory_space<vmem_shared>>
    tpu.enqueue_indirect_dma source(%arg11 : memref<128x128xf32, #tpu.memory_space<vmem>>) target(%dma_start3A_37 : memref<10240x128xf32, #tpu.memory_space<vmem_shared>>) offsets(%dma_start3A_34 : memref<128xi32, #tpu.memory_space<vmem>>) semaphore(%arg15 : memref<!tpu.dma_semaphore, #tpu.memory_space<semaphore_mem>>) {add = true}
    %dma_wait3A_38 = arith.constant 0 : i32
    %dma_wait3A_39 = tpu.memref_slice %arg9[%dma_wait3A_38] : memref<1024xi32, #tpu.memory_space<vmem>> -> memref<128xi32, #tpu.memory_space<vmem>>
    %dma_wait3A_40 = arith.constant 0 : i32
    %dma_wait3A_41 = arith.constant 0 : i32
    %dma_wait3A_42 = tpu.memref_slice %arg17[%dma_wait3A_40, %dma_wait3A_41] : memref<10240x128xf32, #tpu.memory_space<vmem_shared>> -> memref<10240x128xf32, #tpu.memory_space<vmem_shared>>
    tpu.wait_indirect_dma semaphore(%arg15 : memref<!tpu.dma_semaphore, #tpu.memory_space<semaphore_mem>>) src(%arg11 : memref<128x128xf32, #tpu.memory_space<vmem>>) dst(%dma_wait3A_42 : memref<10240x128xf32, #tpu.memory_space<vmem_shared>>)
    %dma_start3A_43 = arith.constant 256 : i32
    %dma_start3A_44 = tpu.memref_slice %arg7[%dma_start3A_43] : memref<1024xi32, #tpu.memory_space<vmem>> -> memref<128xi32, #tpu.memory_space<vmem>>
    %dma_start3A_45 = arith.constant 0 : i32
    %dma_start3A_46 = arith.constant 0 : i32
    %dma_start3A_47 = tpu.memref_slice %arg2[%dma_start3A_45, %dma_start3A_46] : memref<10240x128xf32, #tpu.memory_space<hbm>> -> memref<10240x128xf32, #tpu.memory_space<hbm>>
    tpu.enqueue_indirect_dma source(%dma_start3A_47 : memref<10240x128xf32, #tpu.memory_space<hbm>>) target(%arg11 : memref<128x128xf32, #tpu.memory_space<vmem>>) offsets(%dma_start3A_44 : memref<128xi32, #tpu.memory_space<vmem>>) semaphore(%arg13 : memref<!tpu.dma_semaphore, #tpu.memory_space<semaphore_mem>>)
    %dma_wait3A_48 = arith.constant 128 : i32
    %dma_wait3A_49 = tpu.memref_slice %arg7[%dma_wait3A_48] : memref<1024xi32, #tpu.memory_space<vmem>> -> memref<128xi32, #tpu.memory_space<vmem>>
    %dma_wait3A_50 = arith.constant 0 : i32
    %dma_wait3A_51 = arith.constant 0 : i32
    %dma_wait3A_52 = tpu.memref_slice %arg2[%dma_wait3A_50, %dma_wait3A_51] : memref<10240x128xf32, #tpu.memory_space<hbm>> -> memref<10240x128xf32, #tpu.memory_space<hbm>>
    tpu.wait_indirect_dma semaphore(%arg14 : memref<!tpu.dma_semaphore, #tpu.memory_space<semaphore_mem>>) src(%dma_wait3A_52 : memref<10240x128xf32, #tpu.memory_space<hbm>>) dst(%arg12 : memref<128x128xf32, #tpu.memory_space<vmem>>)
    %dma_start3A_53 = arith.constant 128 : i32
    %dma_start3A_54 = tpu.memref_slice %arg9[%dma_start3A_53] : memref<1024xi32, #tpu.memory_space<vmem>> -> memref<128xi32, #tpu.memory_space<vmem>>
    %dma_start3A_55 = arith.constant 0 : i32
    %dma_start3A_56 = arith.constant 0 : i32
    %dma_start3A_57 = tpu.memref_slice %arg17[%dma_start3A_55, %dma_start3A_56] : memref<10240x128xf32, #tpu.memory_space<vmem_shared>> -> memref<10240x128xf32, #tpu.memory_space<vmem_shared>>
    tpu.enqueue_indirect_dma source(%arg12 : memref<128x128xf32, #tpu.memory_space<vmem>>) target(%dma_start3A_57 : memref<10240x128xf32, #tpu.memory_space<vmem_shared>>) offsets(%dma_start3A_54 : memref<128xi32, #tpu.memory_space<vmem>>) semaphore(%arg16 : memref<!tpu.dma_semaphore, #tpu.memory_space<semaphore_mem>>) {add = true}
    %dma_wait3A_58 = arith.constant 128 : i32
    %dma_wait3A_59 = tpu.memref_slice %arg9[%dma_wait3A_58] : memref<1024xi32, #tpu.memory_space<vmem>> -> memref<128xi32, #tpu.memory_space<vmem>>
    %dma_wait3A_60 = arith.constant 0 : i32
    %dma_wait3A_61 = arith.constant 0 : i32
    %dma_wait3A_62 = tpu.memref_slice %arg17[%dma_wait3A_60, %dma_wait3A_61] : memref<10240x128xf32, #tpu.memory_space<vmem_shared>> -> memref<10240x128xf32, #tpu.memory_space<vmem_shared>>
    tpu.wait_indirect_dma semaphore(%arg16 : memref<!tpu.dma_semaphore, #tpu.memory_space<semaphore_mem>>) src(%arg12 : memref<128x128xf32, #tpu.memory_space<vmem>>) dst(%dma_wait3A_62 : memref<10240x128xf32, #tpu.memory_space<vmem_shared>>)
    %dma_start3A_63 = arith.constant 384 : i32
    %dma_start3A_64 = tpu.memref_slice %arg7[%dma_start3A_63] : memref<1024xi32, #tpu.memory_space<vmem>> -> memref<128xi32, #tpu.memory_space<vmem>>
    %dma_start3A_65 = arith.constant 0 : i32
    %dma_start3A_66 = arith.constant 0 : i32
    %dma_start3A_67 = tpu.memref_slice %arg2[%dma_start3A_65, %dma_start3A_66] : memref<10240x128xf32, #tpu.memory_space<hbm>> -> memref<10240x128xf32, #tpu.memory_space<hbm>>
    tpu.enqueue_indirect_dma source(%dma_start3A_67 : memref<10240x128xf32, #tpu.memory_space<hbm>>) target(%arg12 : memref<128x128xf32, #tpu.memory_space<vmem>>) offsets(%dma_start3A_64 : memref<128xi32, #tpu.memory_space<vmem>>) semaphore(%arg14 : memref<!tpu.dma_semaphore, #tpu.memory_space<semaphore_mem>>)
    %dma_wait3A_68 = arith.constant 256 : i32
    %dma_wait3A_69 = tpu.memref_slice %arg7[%dma_wait3A_68] : memref<1024xi32, #tpu.memory_space<vmem>> -> memref<128xi32, #tpu.memory_space<vmem>>
    %dma_wait3A_70 = arith.constant 0 : i32
    %dma_wait3A_71 = arith.constant 0 : i32
    %dma_wait3A_72 = tpu.memref_slice %arg2[%dma_wait3A_70, %dma_wait3A_71] : memref<10240x128xf32, #tpu.memory_space<hbm>> -> memref<10240x128xf32, #tpu.memory_space<hbm>>
    tpu.wait_indirect_dma semaphore(%arg13 : memref<!tpu.dma_semaphore, #tpu.memory_space<semaphore_mem>>) src(%dma_wait3A_72 : memref<10240x128xf32, #tpu.memory_space<hbm>>) dst(%arg11 : memref<128x128xf32, #tpu.memory_space<vmem>>)
    %dma_start3A_73 = arith.constant 256 : i32
    %dma_start3A_74 = tpu.memref_slice %arg9[%dma_start3A_73] : memref<1024xi32, #tpu.memory_space<vmem>> -> memref<128xi32, #tpu.memory_space<vmem>>
    %dma_start3A_75 = arith.constant 0 : i32
    %dma_start3A_76 = arith.constant 0 : i32
    %dma_start3A_77 = tpu.memref_slice %arg17[%dma_start3A_75, %dma_start3A_76] : memref<10240x128xf32, #tpu.memory_space<vmem_shared>> -> memref<10240x128xf32, #tpu.memory_space<vmem_shared>>
    tpu.enqueue_indirect_dma source(%arg11 : memref<128x128xf32, #tpu.memory_space<vmem>>) target(%dma_start3A_77 : memref<10240x128xf32, #tpu.memory_space<vmem_shared>>) offsets(%dma_start3A_74 : memref<128xi32, #tpu.memory_space<vmem>>) semaphore(%arg15 : memref<!tpu.dma_semaphore, #tpu.memory_space<semaphore_mem>>) {add = true}
    %dma_wait3A_78 = arith.constant 256 : i32
    %dma_wait3A_79 = tpu.memref_slice %arg9[%dma_wait3A_78] : memref<1024xi32, #tpu.memory_space<vmem>> -> memref<128xi32, #tpu.memory_space<vmem>>
    %dma_wait3A_80 = arith.constant 0 : i32
    %dma_wait3A_81 = arith.constant 0 : i32
    %dma_wait3A_82 = tpu.memref_slice %arg17[%dma_wait3A_80, %dma_wait3A_81] : memref<10240x128xf32, #tpu.memory_space<vmem_shared>> -> memref<10240x128xf32, #tpu.memory_space<vmem_shared>>
    tpu.wait_indirect_dma semaphore(%arg15 : memref<!tpu.dma_semaphore, #tpu.memory_space<semaphore_mem>>) src(%arg11 : memref<128x128xf32, #tpu.memory_space<vmem>>) dst(%dma_wait3A_82 : memref<10240x128xf32, #tpu.memory_space<vmem_shared>>)
    %dma_start3A_83 = arith.constant 512 : i32
    %dma_start3A_84 = tpu.memref_slice %arg7[%dma_start3A_83] : memref<1024xi32, #tpu.memory_space<vmem>> -> memref<128xi32, #tpu.memory_space<vmem>>
    %dma_start3A_85 = arith.constant 0 : i32
    %dma_start3A_86 = arith.constant 0 : i32
    %dma_start3A_87 = tpu.memref_slice %arg2[%dma_start3A_85, %dma_start3A_86] : memref<10240x128xf32, #tpu.memory_space<hbm>> -> memref<10240x128xf32, #tpu.memory_space<hbm>>
    tpu.enqueue_indirect_dma source(%dma_start3A_87 : memref<10240x128xf32, #tpu.memory_space<hbm>>) target(%arg11 : memref<128x128xf32, #tpu.memory_space<vmem>>) offsets(%dma_start3A_84 : memref<128xi32, #tpu.memory_space<vmem>>) semaphore(%arg13 : memref<!tpu.dma_semaphore, #tpu.memory_space<semaphore_mem>>)
    %dma_wait3A_88 = arith.constant 384 : i32
    %dma_wait3A_89 = tpu.memref_slice %arg7[%dma_wait3A_88] : memref<1024xi32, #tpu.memory_space<vmem>> -> memref<128xi32, #tpu.memory_space<vmem>>
    %dma_wait3A_90 = arith.constant 0 : i32
    %dma_wait3A_91 = arith.constant 0 : i32
    %dma_wait3A_92 = tpu.memref_slice %arg2[%dma_wait3A_90, %dma_wait3A_91] : memref<10240x128xf32, #tpu.memory_space<hbm>> -> memref<10240x128xf32, #tpu.memory_space<hbm>>
    tpu.wait_indirect_dma semaphore(%arg14 : memref<!tpu.dma_semaphore, #tpu.memory_space<semaphore_mem>>) src(%dma_wait3A_92 : memref<10240x128xf32, #tpu.memory_space<hbm>>) dst(%arg12 : memref<128x128xf32, #tpu.memory_space<vmem>>)
    %dma_start3A_93 = arith.constant 384 : i32
    %dma_start3A_94 = tpu.memref_slice %arg9[%dma_start3A_93] : memref<1024xi32, #tpu.memory_space<vmem>> -> memref<128xi32, #tpu.memory_space<vmem>>
    %dma_start3A_95 = arith.constant 0 : i32
    %dma_start3A_96 = arith.constant 0 : i32
    %dma_start3A_97 = tpu.memref_slice %arg17[%dma_start3A_95, %dma_start3A_96] : memref<10240x128xf32, #tpu.memory_space<vmem_shared>> -> memref<10240x128xf32, #tpu.memory_space<vmem_shared>>
    tpu.enqueue_indirect_dma source(%arg12 : memref<128x128xf32, #tpu.memory_space<vmem>>) target(%dma_start3A_97 : memref<10240x128xf32, #tpu.memory_space<vmem_shared>>) offsets(%dma_start3A_94 : memref<128xi32, #tpu.memory_space<vmem>>) semaphore(%arg16 : memref<!tpu.dma_semaphore, #tpu.memory_space<semaphore_mem>>) {add = true}
    %dma_wait3A_98 = arith.constant 384 : i32
    %dma_wait3A_99 = tpu.memref_slice %arg9[%dma_wait3A_98] : memref<1024xi32, #tpu.memory_space<vmem>> -> memref<128xi32, #tpu.memory_space<vmem>>
    %dma_wait3A_100 = arith.constant 0 : i32
    %dma_wait3A_101 = arith.constant 0 : i32
    %dma_wait3A_102 = tpu.memref_slice %arg17[%dma_wait3A_100, %dma_wait3A_101] : memref<10240x128xf32, #tpu.memory_space<vmem_shared>> -> memref<10240x128xf32, #tpu.memory_space<vmem_shared>>
    tpu.wait_indirect_dma semaphore(%arg16 : memref<!tpu.dma_semaphore, #tpu.memory_space<semaphore_mem>>) src(%arg12 : memref<128x128xf32, #tpu.memory_space<vmem>>) dst(%dma_wait3A_102 : memref<10240x128xf32, #tpu.memory_space<vmem_shared>>)
    %dma_start3A_103 = arith.constant 640 : i32
    %dma_start3A_104 = tpu.memref_slice %arg7[%dma_start3A_103] : memref<1024xi32, #tpu.memory_space<vmem>> -> memref<128xi32, #tpu.memory_space<vmem>>
    %dma_start3A_105 = arith.constant 0 : i32
    %dma_start3A_106 = arith.constant 0 : i32
    %dma_start3A_107 = tpu.memref_slice %arg2[%dma_start3A_105, %dma_start3A_106] : memref<10240x128xf32, #tpu.memory_space<hbm>> -> memref<10240x128xf32, #tpu.memory_space<hbm>>
    tpu.enqueue_indirect_dma source(%dma_start3A_107 : memref<10240x128xf32, #tpu.memory_space<hbm>>) target(%arg12 : memref<128x128xf32, #tpu.memory_space<vmem>>) offsets(%dma_start3A_104 : memref<128xi32, #tpu.memory_space<vmem>>) semaphore(%arg14 : memref<!tpu.dma_semaphore, #tpu.memory_space<semaphore_mem>>)
    %dma_wait3A_108 = arith.constant 512 : i32
    %dma_wait3A_109 = tpu.memref_slice %arg7[%dma_wait3A_108] : memref<1024xi32, #tpu.memory_space<vmem>> -> memref<128xi32, #tpu.memory_space<vmem>>
    %dma_wait3A_110 = arith.constant 0 : i32
    %dma_wait3A_111 = arith.constant 0 : i32
    %dma_wait3A_112 = tpu.memref_slice %arg2[%dma_wait3A_110, %dma_wait3A_111] : memref<10240x128xf32, #tpu.memory_space<hbm>> -> memref<10240x128xf32, #tpu.memory_space<hbm>>
    tpu.wait_indirect_dma semaphore(%arg13 : memref<!tpu.dma_semaphore, #tpu.memory_space<semaphore_mem>>) src(%dma_wait3A_112 : memref<10240x128xf32, #tpu.memory_space<hbm>>) dst(%arg11 : memref<128x128xf32, #tpu.memory_space<vmem>>)
    %dma_start3A_113 = arith.constant 512 : i32
    %dma_start3A_114 = tpu.memref_slice %arg9[%dma_start3A_113] : memref<1024xi32, #tpu.memory_space<vmem>> -> memref<128xi32, #tpu.memory_space<vmem>>
    %dma_start3A_115 = arith.constant 0 : i32
    %dma_start3A_116 = arith.constant 0 : i32
    %dma_start3A_117 = tpu.memref_slice %arg17[%dma_start3A_115, %dma_start3A_116] : memref<10240x128xf32, #tpu.memory_space<vmem_shared>> -> memref<10240x128xf32, #tpu.memory_space<vmem_shared>>
    tpu.enqueue_indirect_dma source(%arg11 : memref<128x128xf32, #tpu.memory_space<vmem>>) target(%dma_start3A_117 : memref<10240x128xf32, #tpu.memory_space<vmem_shared>>) offsets(%dma_start3A_114 : memref<128xi32, #tpu.memory_space<vmem>>) semaphore(%arg15 : memref<!tpu.dma_semaphore, #tpu.memory_space<semaphore_mem>>) {add = true}
    %dma_wait3A_118 = arith.constant 512 : i32
    %dma_wait3A_119 = tpu.memref_slice %arg9[%dma_wait3A_118] : memref<1024xi32, #tpu.memory_space<vmem>> -> memref<128xi32, #tpu.memory_space<vmem>>
    %dma_wait3A_120 = arith.constant 0 : i32
    %dma_wait3A_121 = arith.constant 0 : i32
    %dma_wait3A_122 = tpu.memref_slice %arg17[%dma_wait3A_120, %dma_wait3A_121] : memref<10240x128xf32, #tpu.memory_space<vmem_shared>> -> memref<10240x128xf32, #tpu.memory_space<vmem_shared>>
    tpu.wait_indirect_dma semaphore(%arg15 : memref<!tpu.dma_semaphore, #tpu.memory_space<semaphore_mem>>) src(%arg11 : memref<128x128xf32, #tpu.memory_space<vmem>>) dst(%dma_wait3A_122 : memref<10240x128xf32, #tpu.memory_space<vmem_shared>>)
    %dma_start3A_123 = arith.constant 768 : i32
    %dma_start3A_124 = tpu.memref_slice %arg7[%dma_start3A_123] : memref<1024xi32, #tpu.memory_space<vmem>> -> memref<128xi32, #tpu.memory_space<vmem>>
    %dma_start3A_125 = arith.constant 0 : i32
    %dma_start3A_126 = arith.constant 0 : i32
    %dma_start3A_127 = tpu.memref_slice %arg2[%dma_start3A_125, %dma_start3A_126] : memref<10240x128xf32, #tpu.memory_space<hbm>> -> memref<10240x128xf32, #tpu.memory_space<hbm>>
    tpu.enqueue_indirect_dma source(%dma_start3A_127 : memref<10240x128xf32, #tpu.memory_space<hbm>>) target(%arg11 : memref<128x128xf32, #tpu.memory_space<vmem>>) offsets(%dma_start3A_124 : memref<128xi32, #tpu.memory_space<vmem>>) semaphore(%arg13 : memref<!tpu.dma_semaphore, #tpu.memory_space<semaphore_mem>>)
    %dma_wait3A_128 = arith.constant 640 : i32
    %dma_wait3A_129 = tpu.memref_slice %arg7[%dma_wait3A_128] : memref<1024xi32, #tpu.memory_space<vmem>> -> memref<128xi32, #tpu.memory_space<vmem>>
    %dma_wait3A_130 = arith.constant 0 : i32
    %dma_wait3A_131 = arith.constant 0 : i32
    %dma_wait3A_132 = tpu.memref_slice %arg2[%dma_wait3A_130, %dma_wait3A_131] : memref<10240x128xf32, #tpu.memory_space<hbm>> -> memref<10240x128xf32, #tpu.memory_space<hbm>>
    tpu.wait_indirect_dma semaphore(%arg14 : memref<!tpu.dma_semaphore, #tpu.memory_space<semaphore_mem>>) src(%dma_wait3A_132 : memref<10240x128xf32, #tpu.memory_space<hbm>>) dst(%arg12 : memref<128x128xf32, #tpu.memory_space<vmem>>)
    %dma_start3A_133 = arith.constant 640 : i32
    %dma_start3A_134 = tpu.memref_slice %arg9[%dma_start3A_133] : memref<1024xi32, #tpu.memory_space<vmem>> -> memref<128xi32, #tpu.memory_space<vmem>>
    %dma_start3A_135 = arith.constant 0 : i32
    %dma_start3A_136 = arith.constant 0 : i32
    %dma_start3A_137 = tpu.memref_slice %arg17[%dma_start3A_135, %dma_start3A_136] : memref<10240x128xf32, #tpu.memory_space<vmem_shared>> -> memref<10240x128xf32, #tpu.memory_space<vmem_shared>>
    tpu.enqueue_indirect_dma source(%arg12 : memref<128x128xf32, #tpu.memory_space<vmem>>) target(%dma_start3A_137 : memref<10240x128xf32, #tpu.memory_space<vmem_shared>>) offsets(%dma_start3A_134 : memref<128xi32, #tpu.memory_space<vmem>>) semaphore(%arg16 : memref<!tpu.dma_semaphore, #tpu.memory_space<semaphore_mem>>) {add = true}
    %dma_wait3A_138 = arith.constant 640 : i32
    %dma_wait3A_139 = tpu.memref_slice %arg9[%dma_wait3A_138] : memref<1024xi32, #tpu.memory_space<vmem>> -> memref<128xi32, #tpu.memory_space<vmem>>
    %dma_wait3A_140 = arith.constant 0 : i32
    %dma_wait3A_141 = arith.constant 0 : i32
    %dma_wait3A_142 = tpu.memref_slice %arg17[%dma_wait3A_140, %dma_wait3A_141] : memref<10240x128xf32, #tpu.memory_space<vmem_shared>> -> memref<10240x128xf32, #tpu.memory_space<vmem_shared>>
    tpu.wait_indirect_dma semaphore(%arg16 : memref<!tpu.dma_semaphore, #tpu.memory_space<semaphore_mem>>) src(%arg12 : memref<128x128xf32, #tpu.memory_space<vmem>>) dst(%dma_wait3A_142 : memref<10240x128xf32, #tpu.memory_space<vmem_shared>>)
    %dma_start3A_143 = arith.constant 896 : i32
    %dma_start3A_144 = tpu.memref_slice %arg7[%dma_start3A_143] : memref<1024xi32, #tpu.memory_space<vmem>> -> memref<128xi32, #tpu.memory_space<vmem>>
    %dma_start3A_145 = arith.constant 0 : i32
    %dma_start3A_146 = arith.constant 0 : i32
    %dma_start3A_147 = tpu.memref_slice %arg2[%dma_start3A_145, %dma_start3A_146] : memref<10240x128xf32, #tpu.memory_space<hbm>> -> memref<10240x128xf32, #tpu.memory_space<hbm>>
    tpu.enqueue_indirect_dma source(%dma_start3A_147 : memref<10240x128xf32, #tpu.memory_space<hbm>>) target(%arg12 : memref<128x128xf32, #tpu.memory_space<vmem>>) offsets(%dma_start3A_144 : memref<128xi32, #tpu.memory_space<vmem>>) semaphore(%arg14 : memref<!tpu.dma_semaphore, #tpu.memory_space<semaphore_mem>>)
    %dma_wait3A_148 = arith.constant 768 : i32
    %dma_wait3A_149 = tpu.memref_slice %arg7[%dma_wait3A_148] : memref<1024xi32, #tpu.memory_space<vmem>> -> memref<128xi32, #tpu.memory_space<vmem>>
    %dma_wait3A_150 = arith.constant 0 : i32
    %dma_wait3A_151 = arith.constant 0 : i32
    %dma_wait3A_152 = tpu.memref_slice %arg2[%dma_wait3A_150, %dma_wait3A_151] : memref<10240x128xf32, #tpu.memory_space<hbm>> -> memref<10240x128xf32, #tpu.memory_space<hbm>>
    tpu.wait_indirect_dma semaphore(%arg13 : memref<!tpu.dma_semaphore, #tpu.memory_space<semaphore_mem>>) src(%dma_wait3A_152 : memref<10240x128xf32, #tpu.memory_space<hbm>>) dst(%arg11 : memref<128x128xf32, #tpu.memory_space<vmem>>)
    %dma_start3A_153 = arith.constant 768 : i32
    %dma_start3A_154 = tpu.memref_slice %arg9[%dma_start3A_153] : memref<1024xi32, #tpu.memory_space<vmem>> -> memref<128xi32, #tpu.memory_space<vmem>>
    %dma_start3A_155 = arith.constant 0 : i32
    %dma_start3A_156 = arith.constant 0 : i32
    %dma_start3A_157 = tpu.memref_slice %arg17[%dma_start3A_155, %dma_start3A_156] : memref<10240x128xf32, #tpu.memory_space<vmem_shared>> -> memref<10240x128xf32, #tpu.memory_space<vmem_shared>>
    tpu.enqueue_indirect_dma source(%arg11 : memref<128x128xf32, #tpu.memory_space<vmem>>) target(%dma_start3A_157 : memref<10240x128xf32, #tpu.memory_space<vmem_shared>>) offsets(%dma_start3A_154 : memref<128xi32, #tpu.memory_space<vmem>>) semaphore(%arg15 : memref<!tpu.dma_semaphore, #tpu.memory_space<semaphore_mem>>) {add = true}
    %dma_wait3A_158 = arith.constant 768 : i32
    %dma_wait3A_159 = tpu.memref_slice %arg9[%dma_wait3A_158] : memref<1024xi32, #tpu.memory_space<vmem>> -> memref<128xi32, #tpu.memory_space<vmem>>
    %dma_wait3A_160 = arith.constant 0 : i32
    %dma_wait3A_161 = arith.constant 0 : i32
    %dma_wait3A_162 = tpu.memref_slice %arg17[%dma_wait3A_160, %dma_wait3A_161] : memref<10240x128xf32, #tpu.memory_space<vmem_shared>> -> memref<10240x128xf32, #tpu.memory_space<vmem_shared>>
    tpu.wait_indirect_dma semaphore(%arg15 : memref<!tpu.dma_semaphore, #tpu.memory_space<semaphore_mem>>) src(%arg11 : memref<128x128xf32, #tpu.memory_space<vmem>>) dst(%dma_wait3A_162 : memref<10240x128xf32, #tpu.memory_space<vmem_shared>>)
    %dma_start3A_163 = arith.constant 0 : i32
    %dma_start3A_164 = tpu.memref_slice %arg8[%dma_start3A_163] : memref<1024xi32, #tpu.memory_space<vmem>> -> memref<128xi32, #tpu.memory_space<vmem>>
    %dma_start3A_165 = arith.constant 0 : i32
    %dma_start3A_166 = arith.constant 0 : i32
    %dma_start3A_167 = tpu.memref_slice %arg2[%dma_start3A_165, %dma_start3A_166] : memref<10240x128xf32, #tpu.memory_space<hbm>> -> memref<10240x128xf32, #tpu.memory_space<hbm>>
    tpu.enqueue_indirect_dma source(%dma_start3A_167 : memref<10240x128xf32, #tpu.memory_space<hbm>>) target(%arg11 : memref<128x128xf32, #tpu.memory_space<vmem>>) offsets(%dma_start3A_164 : memref<128xi32, #tpu.memory_space<vmem>>) semaphore(%arg13 : memref<!tpu.dma_semaphore, #tpu.memory_space<semaphore_mem>>)
    %dma_wait3A_168 = arith.constant 896 : i32
    %dma_wait3A_169 = tpu.memref_slice %arg7[%dma_wait3A_168] : memref<1024xi32, #tpu.memory_space<vmem>> -> memref<128xi32, #tpu.memory_space<vmem>>
    %dma_wait3A_170 = arith.constant 0 : i32
    %dma_wait3A_171 = arith.constant 0 : i32
    %dma_wait3A_172 = tpu.memref_slice %arg2[%dma_wait3A_170, %dma_wait3A_171] : memref<10240x128xf32, #tpu.memory_space<hbm>> -> memref<10240x128xf32, #tpu.memory_space<hbm>>
    tpu.wait_indirect_dma semaphore(%arg14 : memref<!tpu.dma_semaphore, #tpu.memory_space<semaphore_mem>>) src(%dma_wait3A_172 : memref<10240x128xf32, #tpu.memory_space<hbm>>) dst(%arg12 : memref<128x128xf32, #tpu.memory_space<vmem>>)
    %dma_start3A_173 = arith.constant 896 : i32
    %dma_start3A_174 = tpu.memref_slice %arg9[%dma_start3A_173] : memref<1024xi32, #tpu.memory_space<vmem>> -> memref<128xi32, #tpu.memory_space<vmem>>
    %dma_start3A_175 = arith.constant 0 : i32
    %dma_start3A_176 = arith.constant 0 : i32
    %dma_start3A_177 = tpu.memref_slice %arg17[%dma_start3A_175, %dma_start3A_176] : memref<10240x128xf32, #tpu.memory_space<vmem_shared>> -> memref<10240x128xf32, #tpu.memory_space<vmem_shared>>
    tpu.enqueue_indirect_dma source(%arg12 : memref<128x128xf32, #tpu.memory_space<vmem>>) target(%dma_start3A_177 : memref<10240x128xf32, #tpu.memory_space<vmem_shared>>) offsets(%dma_start3A_174 : memref<128xi32, #tpu.memory_space<vmem>>) semaphore(%arg16 : memref<!tpu.dma_semaphore, #tpu.memory_space<semaphore_mem>>) {add = true}
    %dma_wait3A_178 = arith.constant 896 : i32
    %dma_wait3A_179 = tpu.memref_slice %arg9[%dma_wait3A_178] : memref<1024xi32, #tpu.memory_space<vmem>> -> memref<128xi32, #tpu.memory_space<vmem>>
    %dma_wait3A_180 = arith.constant 0 : i32
    %dma_wait3A_181 = arith.constant 0 : i32
    %dma_wait3A_182 = tpu.memref_slice %arg17[%dma_wait3A_180, %dma_wait3A_181] : memref<10240x128xf32, #tpu.memory_space<vmem_shared>> -> memref<10240x128xf32, #tpu.memory_space<vmem_shared>>
    tpu.wait_indirect_dma semaphore(%arg16 : memref<!tpu.dma_semaphore, #tpu.memory_space<semaphore_mem>>) src(%arg12 : memref<128x128xf32, #tpu.memory_space<vmem>>) dst(%dma_wait3A_182 : memref<10240x128xf32, #tpu.memory_space<vmem_shared>>)
    %add3A_183 = arith.constant 2048 : i32
    %add3A_184 = arith.addi %mul3A_11, %add3A_183 : i32
    "tpu.region"() ({
      %run_scoped3A = tpu.sem_alloc : memref<!tpu.dma_semaphore, #tpu.memory_space<semaphore_mem>>
      %dma_start3A_358 = tpu.memref_slice %arg3[%add3A_184] : memref<328704xi32, #tpu.memory_space<hbm>> -> memref<1024xi32, #tpu.memory_space<hbm>>
      %dma_start3A_359 = tpu.memref_slice %arg3[%add3A_184] : memref<328704xi32, #tpu.memory_space<hbm>> -> memref<1024xi32, #tpu.memory_space<hbm>>
      tpu.enqueue_dma source(%dma_start3A_359 : memref<1024xi32, #tpu.memory_space<hbm>>) target(%arg7 : memref<1024xi32, #tpu.memory_space<vmem>>) target_semaphore(%run_scoped3A : memref<!tpu.dma_semaphore, #tpu.memory_space<semaphore_mem>>)
      %dma_wait3A_360 = tpu.memref_slice %arg3[%add3A_184] : memref<328704xi32, #tpu.memory_space<hbm>> -> memref<1024xi32, #tpu.memory_space<hbm>>
      %dma_wait3A_361 = tpu.memref_slice %arg3[%add3A_184] : memref<328704xi32, #tpu.memory_space<hbm>> -> memref<1024xi32, #tpu.memory_space<hbm>>
      tpu.wait_dma2 semaphore(%run_scoped3A : memref<!tpu.dma_semaphore, #tpu.memory_space<semaphore_mem>>) src(%dma_wait3A_361 : memref<1024xi32, #tpu.memory_space<hbm>>) dst(%arg7 : memref<1024xi32, #tpu.memory_space<vmem>>)
      tpu.yield
    }) : () -> ()
    %add3A_185 = arith.constant 2048 : i32
    %add3A_186 = arith.addi %mul3A_11, %add3A_185 : i32
    "tpu.region"() ({
      %run_scoped3A = tpu.sem_alloc : memref<!tpu.dma_semaphore, #tpu.memory_space<semaphore_mem>>
      %dma_start3A_358 = tpu.memref_slice %arg4[%add3A_186] : memref<328704xi32, #tpu.memory_space<hbm>> -> memref<1024xi32, #tpu.memory_space<hbm>>
      %dma_start3A_359 = tpu.memref_slice %arg4[%add3A_186] : memref<328704xi32, #tpu.memory_space<hbm>> -> memref<1024xi32, #tpu.memory_space<hbm>>
      tpu.enqueue_dma source(%dma_start3A_359 : memref<1024xi32, #tpu.memory_space<hbm>>) target(%arg9 : memref<1024xi32, #tpu.memory_space<vmem>>) target_semaphore(%run_scoped3A : memref<!tpu.dma_semaphore, #tpu.memory_space<semaphore_mem>>)
      %dma_wait3A_360 = tpu.memref_slice %arg4[%add3A_186] : memref<328704xi32, #tpu.memory_space<hbm>> -> memref<1024xi32, #tpu.memory_space<hbm>>
      %dma_wait3A_361 = tpu.memref_slice %arg4[%add3A_186] : memref<328704xi32, #tpu.memory_space<hbm>> -> memref<1024xi32, #tpu.memory_space<hbm>>
      tpu.wait_dma2 semaphore(%run_scoped3A : memref<!tpu.dma_semaphore, #tpu.memory_space<semaphore_mem>>) src(%dma_wait3A_361 : memref<1024xi32, #tpu.memory_space<hbm>>) dst(%arg9 : memref<1024xi32, #tpu.memory_space<vmem>>)
      tpu.yield
    }) : () -> ()
    %dma_start3A_187 = arith.constant 128 : i32
    %dma_start3A_188 = tpu.memref_slice %arg8[%dma_start3A_187] : memref<1024xi32, #tpu.memory_space<vmem>> -> memref<128xi32, #tpu.memory_space<vmem>>
    %dma_start3A_189 = arith.constant 0 : i32
    %dma_start3A_190 = arith.constant 0 : i32
    %dma_start3A_191 = tpu.memref_slice %arg2[%dma_start3A_189, %dma_start3A_190] : memref<10240x128xf32, #tpu.memory_space<hbm>> -> memref<10240x128xf32, #tpu.memory_space<hbm>>
    tpu.enqueue_indirect_dma source(%dma_start3A_191 : memref<10240x128xf32, #tpu.memory_space<hbm>>) target(%arg12 : memref<128x128xf32, #tpu.memory_space<vmem>>) offsets(%dma_start3A_188 : memref<128xi32, #tpu.memory_space<vmem>>) semaphore(%arg14 : memref<!tpu.dma_semaphore, #tpu.memory_space<semaphore_mem>>)
    %dma_wait3A_192 = arith.constant 0 : i32
    %dma_wait3A_193 = tpu.memref_slice %arg8[%dma_wait3A_192] : memref<1024xi32, #tpu.memory_space<vmem>> -> memref<128xi32, #tpu.memory_space<vmem>>
    %dma_wait3A_194 = arith.constant 0 : i32
    %dma_wait3A_195 = arith.constant 0 : i32
    %dma_wait3A_196 = tpu.memref_slice %arg2[%dma_wait3A_194, %dma_wait3A_195] : memref<10240x128xf32, #tpu.memory_space<hbm>> -> memref<10240x128xf32, #tpu.memory_space<hbm>>
    tpu.wait_indirect_dma semaphore(%arg13 : memref<!tpu.dma_semaphore, #tpu.memory_space<semaphore_mem>>) src(%dma_wait3A_196 : memref<10240x128xf32, #tpu.memory_space<hbm>>) dst(%arg11 : memref<128x128xf32, #tpu.memory_space<vmem>>)
    %dma_start3A_197 = arith.constant 0 : i32
    %dma_start3A_198 = tpu.memref_slice %arg10[%dma_start3A_197] : memref<1024xi32, #tpu.memory_space<vmem>> -> memref<128xi32, #tpu.memory_space<vmem>>
    %dma_start3A_199 = arith.constant 0 : i32
    %dma_start3A_200 = arith.constant 0 : i32
    %dma_start3A_201 = tpu.memref_slice %arg17[%dma_start3A_199, %dma_start3A_200] : memref<10240x128xf32, #tpu.memory_space<vmem_shared>> -> memref<10240x128xf32, #tpu.memory_space<vmem_shared>>
    tpu.enqueue_indirect_dma source(%arg11 : memref<128x128xf32, #tpu.memory_space<vmem>>) target(%dma_start3A_201 : memref<10240x128xf32, #tpu.memory_space<vmem_shared>>) offsets(%dma_start3A_198 : memref<128xi32, #tpu.memory_space<vmem>>) semaphore(%arg15 : memref<!tpu.dma_semaphore, #tpu.memory_space<semaphore_mem>>) {add = true}
    %dma_wait3A_202 = arith.constant 0 : i32
    %dma_wait3A_203 = tpu.memref_slice %arg10[%dma_wait3A_202] : memref<1024xi32, #tpu.memory_space<vmem>> -> memref<128xi32, #tpu.memory_space<vmem>>
    %dma_wait3A_204 = arith.constant 0 : i32
    %dma_wait3A_205 = arith.constant 0 : i32
    %dma_wait3A_206 = tpu.memref_slice %arg17[%dma_wait3A_204, %dma_wait3A_205] : memref<10240x128xf32, #tpu.memory_space<vmem_shared>> -> memref<10240x128xf32, #tpu.memory_space<vmem_shared>>
    tpu.wait_indirect_dma semaphore(%arg15 : memref<!tpu.dma_semaphore, #tpu.memory_space<semaphore_mem>>) src(%arg11 : memref<128x128xf32, #tpu.memory_space<vmem>>) dst(%dma_wait3A_206 : memref<10240x128xf32, #tpu.memory_space<vmem_shared>>)
    %dma_start3A_207 = arith.constant 256 : i32
    %dma_start3A_208 = tpu.memref_slice %arg8[%dma_start3A_207] : memref<1024xi32, #tpu.memory_space<vmem>> -> memref<128xi32, #tpu.memory_space<vmem>>
    %dma_start3A_209 = arith.constant 0 : i32
    %dma_start3A_210 = arith.constant 0 : i32
    %dma_start3A_211 = tpu.memref_slice %arg2[%dma_start3A_209, %dma_start3A_210] : memref<10240x128xf32, #tpu.memory_space<hbm>> -> memref<10240x128xf32, #tpu.memory_space<hbm>>
    tpu.enqueue_indirect_dma source(%dma_start3A_211 : memref<10240x128xf32, #tpu.memory_space<hbm>>) target(%arg11 : memref<128x128xf32, #tpu.memory_space<vmem>>) offsets(%dma_start3A_208 : memref<128xi32, #tpu.memory_space<vmem>>) semaphore(%arg13 : memref<!tpu.dma_semaphore, #tpu.memory_space<semaphore_mem>>)
    %dma_wait3A_212 = arith.constant 128 : i32
    %dma_wait3A_213 = tpu.memref_slice %arg8[%dma_wait3A_212] : memref<1024xi32, #tpu.memory_space<vmem>> -> memref<128xi32, #tpu.memory_space<vmem>>
    %dma_wait3A_214 = arith.constant 0 : i32
    %dma_wait3A_215 = arith.constant 0 : i32
    %dma_wait3A_216 = tpu.memref_slice %arg2[%dma_wait3A_214, %dma_wait3A_215] : memref<10240x128xf32, #tpu.memory_space<hbm>> -> memref<10240x128xf32, #tpu.memory_space<hbm>>
    tpu.wait_indirect_dma semaphore(%arg14 : memref<!tpu.dma_semaphore, #tpu.memory_space<semaphore_mem>>) src(%dma_wait3A_216 : memref<10240x128xf32, #tpu.memory_space<hbm>>) dst(%arg12 : memref<128x128xf32, #tpu.memory_space<vmem>>)
    %dma_start3A_217 = arith.constant 128 : i32
    %dma_start3A_218 = tpu.memref_slice %arg10[%dma_start3A_217] : memref<1024xi32, #tpu.memory_space<vmem>> -> memref<128xi32, #tpu.memory_space<vmem>>
    %dma_start3A_219 = arith.constant 0 : i32
    %dma_start3A_220 = arith.constant 0 : i32
    %dma_start3A_221 = tpu.memref_slice %arg17[%dma_start3A_219, %dma_start3A_220] : memref<10240x128xf32, #tpu.memory_space<vmem_shared>> -> memref<10240x128xf32, #tpu.memory_space<vmem_shared>>
    tpu.enqueue_indirect_dma source(%arg12 : memref<128x128xf32, #tpu.memory_space<vmem>>) target(%dma_start3A_221 : memref<10240x128xf32, #tpu.memory_space<vmem_shared>>) offsets(%dma_start3A_218 : memref<128xi32, #tpu.memory_space<vmem>>) semaphore(%arg16 : memref<!tpu.dma_semaphore, #tpu.memory_space<semaphore_mem>>) {add = true}
    %dma_wait3A_222 = arith.constant 128 : i32
    %dma_wait3A_223 = tpu.memref_slice %arg10[%dma_wait3A_222] : memref<1024xi32, #tpu.memory_space<vmem>> -> memref<128xi32, #tpu.memory_space<vmem>>
    %dma_wait3A_224 = arith.constant 0 : i32
    %dma_wait3A_225 = arith.constant 0 : i32
    %dma_wait3A_226 = tpu.memref_slice %arg17[%dma_wait3A_224, %dma_wait3A_225] : memref<10240x128xf32, #tpu.memory_space<vmem_shared>> -> memref<10240x128xf32, #tpu.memory_space<vmem_shared>>
    tpu.wait_indirect_dma semaphore(%arg16 : memref<!tpu.dma_semaphore, #tpu.memory_space<semaphore_mem>>) src(%arg12 : memref<128x128xf32, #tpu.memory_space<vmem>>) dst(%dma_wait3A_226 : memref<10240x128xf32, #tpu.memory_space<vmem_shared>>)
    %dma_start3A_227 = arith.constant 384 : i32
    %dma_start3A_228 = tpu.memref_slice %arg8[%dma_start3A_227] : memref<1024xi32, #tpu.memory_space<vmem>> -> memref<128xi32, #tpu.memory_space<vmem>>
    %dma_start3A_229 = arith.constant 0 : i32
    %dma_start3A_230 = arith.constant 0 : i32
    %dma_start3A_231 = tpu.memref_slice %arg2[%dma_start3A_229, %dma_start3A_230] : memref<10240x128xf32, #tpu.memory_space<hbm>> -> memref<10240x128xf32, #tpu.memory_space<hbm>>
    tpu.enqueue_indirect_dma source(%dma_start3A_231 : memref<10240x128xf32, #tpu.memory_space<hbm>>) target(%arg12 : memref<128x128xf32, #tpu.memory_space<vmem>>) offsets(%dma_start3A_228 : memref<128xi32, #tpu.memory_space<vmem>>) semaphore(%arg14 : memref<!tpu.dma_semaphore, #tpu.memory_space<semaphore_mem>>)
    %dma_wait3A_232 = arith.constant 256 : i32
    %dma_wait3A_233 = tpu.memref_slice %arg8[%dma_wait3A_232] : memref<1024xi32, #tpu.memory_space<vmem>> -> memref<128xi32, #tpu.memory_space<vmem>>
    %dma_wait3A_234 = arith.constant 0 : i32
    %dma_wait3A_235 = arith.constant 0 : i32
    %dma_wait3A_236 = tpu.memref_slice %arg2[%dma_wait3A_234, %dma_wait3A_235] : memref<10240x128xf32, #tpu.memory_space<hbm>> -> memref<10240x128xf32, #tpu.memory_space<hbm>>
    tpu.wait_indirect_dma semaphore(%arg13 : memref<!tpu.dma_semaphore, #tpu.memory_space<semaphore_mem>>) src(%dma_wait3A_236 : memref<10240x128xf32, #tpu.memory_space<hbm>>) dst(%arg11 : memref<128x128xf32, #tpu.memory_space<vmem>>)
    %dma_start3A_237 = arith.constant 256 : i32
    %dma_start3A_238 = tpu.memref_slice %arg10[%dma_start3A_237] : memref<1024xi32, #tpu.memory_space<vmem>> -> memref<128xi32, #tpu.memory_space<vmem>>
    %dma_start3A_239 = arith.constant 0 : i32
    %dma_start3A_240 = arith.constant 0 : i32
    %dma_start3A_241 = tpu.memref_slice %arg17[%dma_start3A_239, %dma_start3A_240] : memref<10240x128xf32, #tpu.memory_space<vmem_shared>> -> memref<10240x128xf32, #tpu.memory_space<vmem_shared>>
    tpu.enqueue_indirect_dma source(%arg11 : memref<128x128xf32, #tpu.memory_space<vmem>>) target(%dma_start3A_241 : memref<10240x128xf32, #tpu.memory_space<vmem_shared>>) offsets(%dma_start3A_238 : memref<128xi32, #tpu.memory_space<vmem>>) semaphore(%arg15 : memref<!tpu.dma_semaphore, #tpu.memory_space<semaphore_mem>>) {add = true}
    %dma_wait3A_242 = arith.constant 256 : i32
    %dma_wait3A_243 = tpu.memref_slice %arg10[%dma_wait3A_242] : memref<1024xi32, #tpu.memory_space<vmem>> -> memref<128xi32, #tpu.memory_space<vmem>>
    %dma_wait3A_244 = arith.constant 0 : i32
    %dma_wait3A_245 = arith.constant 0 : i32
    %dma_wait3A_246 = tpu.memref_slice %arg17[%dma_wait3A_244, %dma_wait3A_245] : memref<10240x128xf32, #tpu.memory_space<vmem_shared>> -> memref<10240x128xf32, #tpu.memory_space<vmem_shared>>
    tpu.wait_indirect_dma semaphore(%arg15 : memref<!tpu.dma_semaphore, #tpu.memory_space<semaphore_mem>>) src(%arg11 : memref<128x128xf32, #tpu.memory_space<vmem>>) dst(%dma_wait3A_246 : memref<10240x128xf32, #tpu.memory_space<vmem_shared>>)
    %dma_start3A_247 = arith.constant 512 : i32
    %dma_start3A_248 = tpu.memref_slice %arg8[%dma_start3A_247] : memref<1024xi32, #tpu.memory_space<vmem>> -> memref<128xi32, #tpu.memory_space<vmem>>
    %dma_start3A_249 = arith.constant 0 : i32
    %dma_start3A_250 = arith.constant 0 : i32
    %dma_start3A_251 = tpu.memref_slice %arg2[%dma_start3A_249, %dma_start3A_250] : memref<10240x128xf32, #tpu.memory_space<hbm>> -> memref<10240x128xf32, #tpu.memory_space<hbm>>
    tpu.enqueue_indirect_dma source(%dma_start3A_251 : memref<10240x128xf32, #tpu.memory_space<hbm>>) target(%arg11 : memref<128x128xf32, #tpu.memory_space<vmem>>) offsets(%dma_start3A_248 : memref<128xi32, #tpu.memory_space<vmem>>) semaphore(%arg13 : memref<!tpu.dma_semaphore, #tpu.memory_space<semaphore_mem>>)
    %dma_wait3A_252 = arith.constant 384 : i32
    %dma_wait3A_253 = tpu.memref_slice %arg8[%dma_wait3A_252] : memref<1024xi32, #tpu.memory_space<vmem>> -> memref<128xi32, #tpu.memory_space<vmem>>
    %dma_wait3A_254 = arith.constant 0 : i32
    %dma_wait3A_255 = arith.constant 0 : i32
    %dma_wait3A_256 = tpu.memref_slice %arg2[%dma_wait3A_254, %dma_wait3A_255] : memref<10240x128xf32, #tpu.memory_space<hbm>> -> memref<10240x128xf32, #tpu.memory_space<hbm>>
    tpu.wait_indirect_dma semaphore(%arg14 : memref<!tpu.dma_semaphore, #tpu.memory_space<semaphore_mem>>) src(%dma_wait3A_256 : memref<10240x128xf32, #tpu.memory_space<hbm>>) dst(%arg12 : memref<128x128xf32, #tpu.memory_space<vmem>>)
    %dma_start3A_257 = arith.constant 384 : i32
    %dma_start3A_258 = tpu.memref_slice %arg10[%dma_start3A_257] : memref<1024xi32, #tpu.memory_space<vmem>> -> memref<128xi32, #tpu.memory_space<vmem>>
    %dma_start3A_259 = arith.constant 0 : i32
    %dma_start3A_260 = arith.constant 0 : i32
    %dma_start3A_261 = tpu.memref_slice %arg17[%dma_start3A_259, %dma_start3A_260] : memref<10240x128xf32, #tpu.memory_space<vmem_shared>> -> memref<10240x128xf32, #tpu.memory_space<vmem_shared>>
    tpu.enqueue_indirect_dma source(%arg12 : memref<128x128xf32, #tpu.memory_space<vmem>>) target(%dma_start3A_261 : memref<10240x128xf32, #tpu.memory_space<vmem_shared>>) offsets(%dma_start3A_258 : memref<128xi32, #tpu.memory_space<vmem>>) semaphore(%arg16 : memref<!tpu.dma_semaphore, #tpu.memory_space<semaphore_mem>>) {add = true}
    %dma_wait3A_262 = arith.constant 384 : i32
    %dma_wait3A_263 = tpu.memref_slice %arg10[%dma_wait3A_262] : memref<1024xi32, #tpu.memory_space<vmem>> -> memref<128xi32, #tpu.memory_space<vmem>>
    %dma_wait3A_264 = arith.constant 0 : i32
    %dma_wait3A_265 = arith.constant 0 : i32
    %dma_wait3A_266 = tpu.memref_slice %arg17[%dma_wait3A_264, %dma_wait3A_265] : memref<10240x128xf32, #tpu.memory_space<vmem_shared>> -> memref<10240x128xf32, #tpu.memory_space<vmem_shared>>
    tpu.wait_indirect_dma semaphore(%arg16 : memref<!tpu.dma_semaphore, #tpu.memory_space<semaphore_mem>>) src(%arg12 : memref<128x128xf32, #tpu.memory_space<vmem>>) dst(%dma_wait3A_266 : memref<10240x128xf32, #tpu.memory_space<vmem_shared>>)
    %dma_start3A_267 = arith.constant 640 : i32
    %dma_start3A_268 = tpu.memref_slice %arg8[%dma_start3A_267] : memref<1024xi32, #tpu.memory_space<vmem>> -> memref<128xi32, #tpu.memory_space<vmem>>
    %dma_start3A_269 = arith.constant 0 : i32
    %dma_start3A_270 = arith.constant 0 : i32
    %dma_start3A_271 = tpu.memref_slice %arg2[%dma_start3A_269, %dma_start3A_270] : memref<10240x128xf32, #tpu.memory_space<hbm>> -> memref<10240x128xf32, #tpu.memory_space<hbm>>
    tpu.enqueue_indirect_dma source(%dma_start3A_271 : memref<10240x128xf32, #tpu.memory_space<hbm>>) target(%arg12 : memref<128x128xf32, #tpu.memory_space<vmem>>) offsets(%dma_start3A_268 : memref<128xi32, #tpu.memory_space<vmem>>) semaphore(%arg14 : memref<!tpu.dma_semaphore, #tpu.memory_space<semaphore_mem>>)
    %dma_wait3A_272 = arith.constant 512 : i32
    %dma_wait3A_273 = tpu.memref_slice %arg8[%dma_wait3A_272] : memref<1024xi32, #tpu.memory_space<vmem>> -> memref<128xi32, #tpu.memory_space<vmem>>
    %dma_wait3A_274 = arith.constant 0 : i32
    %dma_wait3A_275 = arith.constant 0 : i32
    %dma_wait3A_276 = tpu.memref_slice %arg2[%dma_wait3A_274, %dma_wait3A_275] : memref<10240x128xf32, #tpu.memory_space<hbm>> -> memref<10240x128xf32, #tpu.memory_space<hbm>>
    tpu.wait_indirect_dma semaphore(%arg13 : memref<!tpu.dma_semaphore, #tpu.memory_space<semaphore_mem>>) src(%dma_wait3A_276 : memref<10240x128xf32, #tpu.memory_space<hbm>>) dst(%arg11 : memref<128x128xf32, #tpu.memory_space<vmem>>)
    %dma_start3A_277 = arith.constant 512 : i32
    %dma_start3A_278 = tpu.memref_slice %arg10[%dma_start3A_277] : memref<1024xi32, #tpu.memory_space<vmem>> -> memref<128xi32, #tpu.memory_space<vmem>>
    %dma_start3A_279 = arith.constant 0 : i32
    %dma_start3A_280 = arith.constant 0 : i32
    %dma_start3A_281 = tpu.memref_slice %arg17[%dma_start3A_279, %dma_start3A_280] : memref<10240x128xf32, #tpu.memory_space<vmem_shared>> -> memref<10240x128xf32, #tpu.memory_space<vmem_shared>>
    tpu.enqueue_indirect_dma source(%arg11 : memref<128x128xf32, #tpu.memory_space<vmem>>) target(%dma_start3A_281 : memref<10240x128xf32, #tpu.memory_space<vmem_shared>>) offsets(%dma_start3A_278 : memref<128xi32, #tpu.memory_space<vmem>>) semaphore(%arg15 : memref<!tpu.dma_semaphore, #tpu.memory_space<semaphore_mem>>) {add = true}
    %dma_wait3A_282 = arith.constant 512 : i32
    %dma_wait3A_283 = tpu.memref_slice %arg10[%dma_wait3A_282] : memref<1024xi32, #tpu.memory_space<vmem>> -> memref<128xi32, #tpu.memory_space<vmem>>
    %dma_wait3A_284 = arith.constant 0 : i32
    %dma_wait3A_285 = arith.constant 0 : i32
    %dma_wait3A_286 = tpu.memref_slice %arg17[%dma_wait3A_284, %dma_wait3A_285] : memref<10240x128xf32, #tpu.memory_space<vmem_shared>> -> memref<10240x128xf32, #tpu.memory_space<vmem_shared>>
    tpu.wait_indirect_dma semaphore(%arg15 : memref<!tpu.dma_semaphore, #tpu.memory_space<semaphore_mem>>) src(%arg11 : memref<128x128xf32, #tpu.memory_space<vmem>>) dst(%dma_wait3A_286 : memref<10240x128xf32, #tpu.memory_space<vmem_shared>>)
    %dma_start3A_287 = arith.constant 768 : i32
    %dma_start3A_288 = tpu.memref_slice %arg8[%dma_start3A_287] : memref<1024xi32, #tpu.memory_space<vmem>> -> memref<128xi32, #tpu.memory_space<vmem>>
    %dma_start3A_289 = arith.constant 0 : i32
    %dma_start3A_290 = arith.constant 0 : i32
    %dma_start3A_291 = tpu.memref_slice %arg2[%dma_start3A_289, %dma_start3A_290] : memref<10240x128xf32, #tpu.memory_space<hbm>> -> memref<10240x128xf32, #tpu.memory_space<hbm>>
    tpu.enqueue_indirect_dma source(%dma_start3A_291 : memref<10240x128xf32, #tpu.memory_space<hbm>>) target(%arg11 : memref<128x128xf32, #tpu.memory_space<vmem>>) offsets(%dma_start3A_288 : memref<128xi32, #tpu.memory_space<vmem>>) semaphore(%arg13 : memref<!tpu.dma_semaphore, #tpu.memory_space<semaphore_mem>>)
    %dma_wait3A_292 = arith.constant 640 : i32
    %dma_wait3A_293 = tpu.memref_slice %arg8[%dma_wait3A_292] : memref<1024xi32, #tpu.memory_space<vmem>> -> memref<128xi32, #tpu.memory_space<vmem>>
    %dma_wait3A_294 = arith.constant 0 : i32
    %dma_wait3A_295 = arith.constant 0 : i32
    %dma_wait3A_296 = tpu.memref_slice %arg2[%dma_wait3A_294, %dma_wait3A_295] : memref<10240x128xf32, #tpu.memory_space<hbm>> -> memref<10240x128xf32, #tpu.memory_space<hbm>>
    tpu.wait_indirect_dma semaphore(%arg14 : memref<!tpu.dma_semaphore, #tpu.memory_space<semaphore_mem>>) src(%dma_wait3A_296 : memref<10240x128xf32, #tpu.memory_space<hbm>>) dst(%arg12 : memref<128x128xf32, #tpu.memory_space<vmem>>)
    %dma_start3A_297 = arith.constant 640 : i32
    %dma_start3A_298 = tpu.memref_slice %arg10[%dma_start3A_297] : memref<1024xi32, #tpu.memory_space<vmem>> -> memref<128xi32, #tpu.memory_space<vmem>>
    %dma_start3A_299 = arith.constant 0 : i32
    %dma_start3A_300 = arith.constant 0 : i32
    %dma_start3A_301 = tpu.memref_slice %arg17[%dma_start3A_299, %dma_start3A_300] : memref<10240x128xf32, #tpu.memory_space<vmem_shared>> -> memref<10240x128xf32, #tpu.memory_space<vmem_shared>>
    tpu.enqueue_indirect_dma source(%arg12 : memref<128x128xf32, #tpu.memory_space<vmem>>) target(%dma_start3A_301 : memref<10240x128xf32, #tpu.memory_space<vmem_shared>>) offsets(%dma_start3A_298 : memref<128xi32, #tpu.memory_space<vmem>>) semaphore(%arg16 : memref<!tpu.dma_semaphore, #tpu.memory_space<semaphore_mem>>) {add = true}
    %dma_wait3A_302 = arith.constant 640 : i32
    %dma_wait3A_303 = tpu.memref_slice %arg10[%dma_wait3A_302] : memref<1024xi32, #tpu.memory_space<vmem>> -> memref<128xi32, #tpu.memory_space<vmem>>
    %dma_wait3A_304 = arith.constant 0 : i32
    %dma_wait3A_305 = arith.constant 0 : i32
    %dma_wait3A_306 = tpu.memref_slice %arg17[%dma_wait3A_304, %dma_wait3A_305] : memref<10240x128xf32, #tpu.memory_space<vmem_shared>> -> memref<10240x128xf32, #tpu.memory_space<vmem_shared>>
    tpu.wait_indirect_dma semaphore(%arg16 : memref<!tpu.dma_semaphore, #tpu.memory_space<semaphore_mem>>) src(%arg12 : memref<128x128xf32, #tpu.memory_space<vmem>>) dst(%dma_wait3A_306 : memref<10240x128xf32, #tpu.memory_space<vmem_shared>>)
    %dma_start3A_307 = arith.constant 896 : i32
    %dma_start3A_308 = tpu.memref_slice %arg8[%dma_start3A_307] : memref<1024xi32, #tpu.memory_space<vmem>> -> memref<128xi32, #tpu.memory_space<vmem>>
    %dma_start3A_309 = arith.constant 0 : i32
    %dma_start3A_310 = arith.constant 0 : i32
    %dma_start3A_311 = tpu.memref_slice %arg2[%dma_start3A_309, %dma_start3A_310] : memref<10240x128xf32, #tpu.memory_space<hbm>> -> memref<10240x128xf32, #tpu.memory_space<hbm>>
    tpu.enqueue_indirect_dma source(%dma_start3A_311 : memref<10240x128xf32, #tpu.memory_space<hbm>>) target(%arg12 : memref<128x128xf32, #tpu.memory_space<vmem>>) offsets(%dma_start3A_308 : memref<128xi32, #tpu.memory_space<vmem>>) semaphore(%arg14 : memref<!tpu.dma_semaphore, #tpu.memory_space<semaphore_mem>>)
    %dma_wait3A_312 = arith.constant 768 : i32
    %dma_wait3A_313 = tpu.memref_slice %arg8[%dma_wait3A_312] : memref<1024xi32, #tpu.memory_space<vmem>> -> memref<128xi32, #tpu.memory_space<vmem>>
    %dma_wait3A_314 = arith.constant 0 : i32
    %dma_wait3A_315 = arith.constant 0 : i32
    %dma_wait3A_316 = tpu.memref_slice %arg2[%dma_wait3A_314, %dma_wait3A_315] : memref<10240x128xf32, #tpu.memory_space<hbm>> -> memref<10240x128xf32, #tpu.memory_space<hbm>>
    tpu.wait_indirect_dma semaphore(%arg13 : memref<!tpu.dma_semaphore, #tpu.memory_space<semaphore_mem>>) src(%dma_wait3A_316 : memref<10240x128xf32, #tpu.memory_space<hbm>>) dst(%arg11 : memref<128x128xf32, #tpu.memory_space<vmem>>)
    %dma_start3A_317 = arith.constant 768 : i32
    %dma_start3A_318 = tpu.memref_slice %arg10[%dma_start3A_317] : memref<1024xi32, #tpu.memory_space<vmem>> -> memref<128xi32, #tpu.memory_space<vmem>>
    %dma_start3A_319 = arith.constant 0 : i32
    %dma_start3A_320 = arith.constant 0 : i32
    %dma_start3A_321 = tpu.memref_slice %arg17[%dma_start3A_319, %dma_start3A_320] : memref<10240x128xf32, #tpu.memory_space<vmem_shared>> -> memref<10240x128xf32, #tpu.memory_space<vmem_shared>>
    tpu.enqueue_indirect_dma source(%arg11 : memref<128x128xf32, #tpu.memory_space<vmem>>) target(%dma_start3A_321 : memref<10240x128xf32, #tpu.memory_space<vmem_shared>>) offsets(%dma_start3A_318 : memref<128xi32, #tpu.memory_space<vmem>>) semaphore(%arg15 : memref<!tpu.dma_semaphore, #tpu.memory_space<semaphore_mem>>) {add = true}
    %dma_wait3A_322 = arith.constant 768 : i32
    %dma_wait3A_323 = tpu.memref_slice %arg10[%dma_wait3A_322] : memref<1024xi32, #tpu.memory_space<vmem>> -> memref<128xi32, #tpu.memory_space<vmem>>
    %dma_wait3A_324 = arith.constant 0 : i32
    %dma_wait3A_325 = arith.constant 0 : i32
    %dma_wait3A_326 = tpu.memref_slice %arg17[%dma_wait3A_324, %dma_wait3A_325] : memref<10240x128xf32, #tpu.memory_space<vmem_shared>> -> memref<10240x128xf32, #tpu.memory_space<vmem_shared>>
    tpu.wait_indirect_dma semaphore(%arg15 : memref<!tpu.dma_semaphore, #tpu.memory_space<semaphore_mem>>) src(%arg11 : memref<128x128xf32, #tpu.memory_space<vmem>>) dst(%dma_wait3A_326 : memref<10240x128xf32, #tpu.memory_space<vmem_shared>>)
    %dma_start3A_327 = arith.constant 0 : i32
    %dma_start3A_328 = tpu.memref_slice %arg7[%dma_start3A_327] : memref<1024xi32, #tpu.memory_space<vmem>> -> memref<128xi32, #tpu.memory_space<vmem>>
    %dma_start3A_329 = arith.constant 0 : i32
    %dma_start3A_330 = arith.constant 0 : i32
    %dma_start3A_331 = tpu.memref_slice %arg2[%dma_start3A_329, %dma_start3A_330] : memref<10240x128xf32, #tpu.memory_space<hbm>> -> memref<10240x128xf32, #tpu.memory_space<hbm>>
    tpu.enqueue_indirect_dma source(%dma_start3A_331 : memref<10240x128xf32, #tpu.memory_space<hbm>>) target(%arg11 : memref<128x128xf32, #tpu.memory_space<vmem>>) offsets(%dma_start3A_328 : memref<128xi32, #tpu.memory_space<vmem>>) semaphore(%arg13 : memref<!tpu.dma_semaphore, #tpu.memory_space<semaphore_mem>>)
    %dma_wait3A_332 = arith.constant 896 : i32
    %dma_wait3A_333 = tpu.memref_slice %arg8[%dma_wait3A_332] : memref<1024xi32, #tpu.memory_space<vmem>> -> memref<128xi32, #tpu.memory_space<vmem>>
    %dma_wait3A_334 = arith.constant 0 : i32
    %dma_wait3A_335 = arith.constant 0 : i32
    %dma_wait3A_336 = tpu.memref_slice %arg2[%dma_wait3A_334, %dma_wait3A_335] : memref<10240x128xf32, #tpu.memory_space<hbm>> -> memref<10240x128xf32, #tpu.memory_space<hbm>>
    tpu.wait_indirect_dma semaphore(%arg14 : memref<!tpu.dma_semaphore, #tpu.memory_space<semaphore_mem>>) src(%dma_wait3A_336 : memref<10240x128xf32, #tpu.memory_space<hbm>>) dst(%arg12 : memref<128x128xf32, #tpu.memory_space<vmem>>)
    %dma_start3A_337 = arith.constant 896 : i32
    %dma_start3A_338 = tpu.memref_slice %arg10[%dma_start3A_337] : memref<1024xi32, #tpu.memory_space<vmem>> -> memref<128xi32, #tpu.memory_space<vmem>>
    %dma_start3A_339 = arith.constant 0 : i32
    %dma_start3A_340 = arith.constant 0 : i32
    %dma_start3A_341 = tpu.memref_slice %arg17[%dma_start3A_339, %dma_start3A_340] : memref<10240x128xf32, #tpu.memory_space<vmem_shared>> -> memref<10240x128xf32, #tpu.memory_space<vmem_shared>>
    tpu.enqueue_indirect_dma source(%arg12 : memref<128x128xf32, #tpu.memory_space<vmem>>) target(%dma_start3A_341 : memref<10240x128xf32, #tpu.memory_space<vmem_shared>>) offsets(%dma_start3A_338 : memref<128xi32, #tpu.memory_space<vmem>>) semaphore(%arg16 : memref<!tpu.dma_semaphore, #tpu.memory_space<semaphore_mem>>) {add = true}
    %scan3A = arith.constant 0 : i32
    %scan3A_342 = arith.constant 0 : i32
    %scan3A_343 = arith.constant 4 : i32
    %scan3A_344 = arith.addi %scan3A_342, %scan3A_343 : i32
    %scan3A_345 = arith.constant 1 : i32
    scf.for %scan3A_358 = %scan3A_342 to %scan3A_344 step %scan3A_345  : i32 {
      %mul3A_359 = arith.constant 16 : i32
      %mul3A_360 = arith.muli %scan3A_358, %mul3A_359 : i32
      %add3A_361 = arith.constant 16 : i32
      %add3A_362 = arith.addi %add3A_361, %mul3A_360 : i32
      %add3A_363 = arith.constant 0 : i32
      %add3A_364 = arith.addi %add3A_362, %add3A_363 : i32
      %dma_wait3A_365 = arith.constant 896 : i32
      %dma_wait3A_366 = tpu.memref_slice %arg10[%dma_wait3A_365] : memref<1024xi32, #tpu.memory_space<vmem>> -> memref<128xi32, #tpu.memory_space<vmem>>
      %dma_wait3A_367 = arith.constant 0 : i32
      %dma_wait3A_368 = arith.constant 0 : i32
      %dma_wait3A_369 = tpu.memref_slice %arg17[%dma_wait3A_367, %dma_wait3A_368] : memref<10240x128xf32, #tpu.memory_space<vmem_shared>> -> memref<10240x128xf32, #tpu.memory_space<vmem_shared>>
      tpu.wait_indirect_dma semaphore(%arg16 : memref<!tpu.dma_semaphore, #tpu.memory_space<semaphore_mem>>) src(%arg12 : memref<128x128xf32, #tpu.memory_space<vmem>>) dst(%dma_wait3A_369 : memref<10240x128xf32, #tpu.memory_space<vmem_shared>>)
      %jit3A = arith.constant 8 : i32
      %div3A = arith.divsi %add3A_364, %jit3A : i32
      %sign3A = arith.constant 0 : i32
      %sign3A_370 = arith.cmpi sgt, %add3A_364, %sign3A : i32
      %sign3A_371 = arith.extui %sign3A_370 : i1 to i32
      %sign3A_372 = arith.constant 0 : i32
      %sign3A_373 = arith.cmpi slt, %add3A_364, %sign3A_372 : i32
      %sign3A_374 = arith.extui %sign3A_373 : i1 to i32
      %sign3A_375 = arith.subi %sign3A_371, %sign3A_374 : i32
      %sign3A_376 = arith.constant 0 : i32
      %sign3A_377 = arith.cmpi sgt, %jit3A, %sign3A_376 : i32
      %sign3A_378 = arith.extui %sign3A_377 : i1 to i32
      %sign3A_379 = arith.constant 0 : i32
      %sign3A_380 = arith.cmpi slt, %jit3A, %sign3A_379 : i32
      %sign3A_381 = arith.extui %sign3A_380 : i1 to i32
      %sign3A_382 = arith.subi %sign3A_378, %sign3A_381 : i32
      %ne3A = arith.cmpi ne, %sign3A_375, %sign3A_382 : i32
      %rem3A = arith.remsi %add3A_364, %jit3A : i32
      %ne3A_383 = arith.constant 0 : i32
      %ne3A_384 = arith.cmpi ne, %rem3A, %ne3A_383 : i32
      %and3A = arith.andi %ne3A, %ne3A_384 : i1
      %sub3A = arith.constant 1 : i32
      %sub3A_385 = arith.subi %div3A, %sub3A : i32
      %select_n3A = arith.select %and3A, %sub3A_385, %div3A : i32
      %add3A_386 = arith.constant 1 : i32
      %add3A_387 = arith.addi %select_n3A, %add3A_386 : i32
      %mul3A_388 = arith.constant 1024 : i32
      %mul3A_389 = arith.muli %add3A_387, %mul3A_388 : i32
      %add3A_390 = arith.addi %mul3A_11, %mul3A_389 : i32
      "tpu.region"() ({
        %run_scoped3A = tpu.sem_alloc : memref<!tpu.dma_semaphore, #tpu.memory_space<semaphore_mem>>
        %dma_start3A_771 = tpu.memref_slice %arg3[%add3A_390] : memref<328704xi32, #tpu.memory_space<hbm>> -> memref<1024xi32, #tpu.memory_space<hbm>>
        %dma_start3A_772 = tpu.memref_slice %arg3[%add3A_390] : memref<328704xi32, #tpu.memory_space<hbm>> -> memref<1024xi32, #tpu.memory_space<hbm>>
        tpu.enqueue_dma source(%dma_start3A_772 : memref<1024xi32, #tpu.memory_space<hbm>>) target(%arg8 : memref<1024xi32, #tpu.memory_space<vmem>>) target_semaphore(%run_scoped3A : memref<!tpu.dma_semaphore, #tpu.memory_space<semaphore_mem>>)
        %dma_wait3A_773 = tpu.memref_slice %arg3[%add3A_390] : memref<328704xi32, #tpu.memory_space<hbm>> -> memref<1024xi32, #tpu.memory_space<hbm>>
        %dma_wait3A_774 = tpu.memref_slice %arg3[%add3A_390] : memref<328704xi32, #tpu.memory_space<hbm>> -> memref<1024xi32, #tpu.memory_space<hbm>>
        tpu.wait_dma2 semaphore(%run_scoped3A : memref<!tpu.dma_semaphore, #tpu.memory_space<semaphore_mem>>) src(%dma_wait3A_774 : memref<1024xi32, #tpu.memory_space<hbm>>) dst(%arg8 : memref<1024xi32, #tpu.memory_space<vmem>>)
        tpu.yield
      }) : () -> ()
      %mul3A_391 = arith.constant 1024 : i32
      %mul3A_392 = arith.muli %add3A_387, %mul3A_391 : i32
      %add3A_393 = arith.addi %mul3A_11, %mul3A_392 : i32
      "tpu.region"() ({
        %run_scoped3A = tpu.sem_alloc : memref<!tpu.dma_semaphore, #tpu.memory_space<semaphore_mem>>
        %dma_start3A_771 = tpu.memref_slice %arg4[%add3A_393] : memref<328704xi32, #tpu.memory_space<hbm>> -> memref<1024xi32, #tpu.memory_space<hbm>>
        %dma_start3A_772 = tpu.memref_slice %arg4[%add3A_393] : memref<328704xi32, #tpu.memory_space<hbm>> -> memref<1024xi32, #tpu.memory_space<hbm>>
        tpu.enqueue_dma source(%dma_start3A_772 : memref<1024xi32, #tpu.memory_space<hbm>>) target(%arg10 : memref<1024xi32, #tpu.memory_space<vmem>>) target_semaphore(%run_scoped3A : memref<!tpu.dma_semaphore, #tpu.memory_space<semaphore_mem>>)
        %dma_wait3A_773 = tpu.memref_slice %arg4[%add3A_393] : memref<328704xi32, #tpu.memory_space<hbm>> -> memref<1024xi32, #tpu.memory_space<hbm>>
        %dma_wait3A_774 = tpu.memref_slice %arg4[%add3A_393] : memref<328704xi32, #tpu.memory_space<hbm>> -> memref<1024xi32, #tpu.memory_space<hbm>>
        tpu.wait_dma2 semaphore(%run_scoped3A : memref<!tpu.dma_semaphore, #tpu.memory_space<semaphore_mem>>) src(%dma_wait3A_774 : memref<1024xi32, #tpu.memory_space<hbm>>) dst(%arg10 : memref<1024xi32, #tpu.memory_space<vmem>>)
        tpu.yield
      }) : () -> ()
      %dma_start3A_394 = arith.constant 128 : i32
      %dma_start3A_395 = tpu.memref_slice %arg7[%dma_start3A_394] : memref<1024xi32, #tpu.memory_space<vmem>> -> memref<128xi32, #tpu.memory_space<vmem>>
      %dma_start3A_396 = arith.constant 0 : i32
      %dma_start3A_397 = arith.constant 0 : i32
      %dma_start3A_398 = tpu.memref_slice %arg2[%dma_start3A_396, %dma_start3A_397] : memref<10240x128xf32, #tpu.memory_space<hbm>> -> memref<10240x128xf32, #tpu.memory_space<hbm>>
      tpu.enqueue_indirect_dma source(%dma_start3A_398 : memref<10240x128xf32, #tpu.memory_space<hbm>>) target(%arg12 : memref<128x128xf32, #tpu.memory_space<vmem>>) offsets(%dma_start3A_395 : memref<128xi32, #tpu.memory_space<vmem>>) semaphore(%arg14 : memref<!tpu.dma_semaphore, #tpu.memory_space<semaphore_mem>>)
      %dma_wait3A_399 = arith.constant 0 : i32
      %dma_wait3A_400 = tpu.memref_slice %arg7[%dma_wait3A_399] : memref<1024xi32, #tpu.memory_space<vmem>> -> memref<128xi32, #tpu.memory_space<vmem>>
      %dma_wait3A_401 = arith.constant 0 : i32
      %dma_wait3A_402 = arith.constant 0 : i32
      %dma_wait3A_403 = tpu.memref_slice %arg2[%dma_wait3A_401, %dma_wait3A_402] : memref<10240x128xf32, #tpu.memory_space<hbm>> -> memref<10240x128xf32, #tpu.memory_space<hbm>>
      tpu.wait_indirect_dma semaphore(%arg13 : memref<!tpu.dma_semaphore, #tpu.memory_space<semaphore_mem>>) src(%dma_wait3A_403 : memref<10240x128xf32, #tpu.memory_space<hbm>>) dst(%arg11 : memref<128x128xf32, #tpu.memory_space<vmem>>)
      %dma_start3A_404 = arith.constant 0 : i32
      %dma_start3A_405 = tpu.memref_slice %arg9[%dma_start3A_404] : memref<1024xi32, #tpu.memory_space<vmem>> -> memref<128xi32, #tpu.memory_space<vmem>>
      %dma_start3A_406 = arith.constant 0 : i32
      %dma_start3A_407 = arith.constant 0 : i32
      %dma_start3A_408 = tpu.memref_slice %arg17[%dma_start3A_406, %dma_start3A_407] : memref<10240x128xf32, #tpu.memory_space<vmem_shared>> -> memref<10240x128xf32, #tpu.memory_space<vmem_shared>>
      tpu.enqueue_indirect_dma source(%arg11 : memref<128x128xf32, #tpu.memory_space<vmem>>) target(%dma_start3A_408 : memref<10240x128xf32, #tpu.memory_space<vmem_shared>>) offsets(%dma_start3A_405 : memref<128xi32, #tpu.memory_space<vmem>>) semaphore(%arg15 : memref<!tpu.dma_semaphore, #tpu.memory_space<semaphore_mem>>) {add = true}
      %add3A_409 = arith.constant 1 : i32
      %add3A_410 = arith.addi %add3A_362, %add3A_409 : i32
      %dma_wait3A_411 = arith.constant 0 : i32
      %dma_wait3A_412 = tpu.memref_slice %arg9[%dma_wait3A_411] : memref<1024xi32, #tpu.memory_space<vmem>> -> memref<128xi32, #tpu.memory_space<vmem>>
      %dma_wait3A_413 = arith.constant 0 : i32
      %dma_wait3A_414 = arith.constant 0 : i32
      %dma_wait3A_415 = tpu.memref_slice %arg17[%dma_wait3A_413, %dma_wait3A_414] : memref<10240x128xf32, #tpu.memory_space<vmem_shared>> -> memref<10240x128xf32, #tpu.memory_space<vmem_shared>>
      tpu.wait_indirect_dma semaphore(%arg15 : memref<!tpu.dma_semaphore, #tpu.memory_space<semaphore_mem>>) src(%arg11 : memref<128x128xf32, #tpu.memory_space<vmem>>) dst(%dma_wait3A_415 : memref<10240x128xf32, #tpu.memory_space<vmem_shared>>)
      %dma_start3A_416 = arith.constant 256 : i32
      %dma_start3A_417 = tpu.memref_slice %arg7[%dma_start3A_416] : memref<1024xi32, #tpu.memory_space<vmem>> -> memref<128xi32, #tpu.memory_space<vmem>>
      %dma_start3A_418 = arith.constant 0 : i32
      %dma_start3A_419 = arith.constant 0 : i32
      %dma_start3A_420 = tpu.memref_slice %arg2[%dma_start3A_418, %dma_start3A_419] : memref<10240x128xf32, #tpu.memory_space<hbm>> -> memref<10240x128xf32, #tpu.memory_space<hbm>>
      tpu.enqueue_indirect_dma source(%dma_start3A_420 : memref<10240x128xf32, #tpu.memory_space<hbm>>) target(%arg11 : memref<128x128xf32, #tpu.memory_space<vmem>>) offsets(%dma_start3A_417 : memref<128xi32, #tpu.memory_space<vmem>>) semaphore(%arg13 : memref<!tpu.dma_semaphore, #tpu.memory_space<semaphore_mem>>)
      %dma_wait3A_421 = arith.constant 128 : i32
      %dma_wait3A_422 = tpu.memref_slice %arg7[%dma_wait3A_421] : memref<1024xi32, #tpu.memory_space<vmem>> -> memref<128xi32, #tpu.memory_space<vmem>>
      %dma_wait3A_423 = arith.constant 0 : i32
      %dma_wait3A_424 = arith.constant 0 : i32
      %dma_wait3A_425 = tpu.memref_slice %arg2[%dma_wait3A_423, %dma_wait3A_424] : memref<10240x128xf32, #tpu.memory_space<hbm>> -> memref<10240x128xf32, #tpu.memory_space<hbm>>
      tpu.wait_indirect_dma semaphore(%arg14 : memref<!tpu.dma_semaphore, #tpu.memory_space<semaphore_mem>>) src(%dma_wait3A_425 : memref<10240x128xf32, #tpu.memory_space<hbm>>) dst(%arg12 : memref<128x128xf32, #tpu.memory_space<vmem>>)
      %dma_start3A_426 = arith.constant 128 : i32
      %dma_start3A_427 = tpu.memref_slice %arg9[%dma_start3A_426] : memref<1024xi32, #tpu.memory_space<vmem>> -> memref<128xi32, #tpu.memory_space<vmem>>
      %dma_start3A_428 = arith.constant 0 : i32
      %dma_start3A_429 = arith.constant 0 : i32
      %dma_start3A_430 = tpu.memref_slice %arg17[%dma_start3A_428, %dma_start3A_429] : memref<10240x128xf32, #tpu.memory_space<vmem_shared>> -> memref<10240x128xf32, #tpu.memory_space<vmem_shared>>
      tpu.enqueue_indirect_dma source(%arg12 : memref<128x128xf32, #tpu.memory_space<vmem>>) target(%dma_start3A_430 : memref<10240x128xf32, #tpu.memory_space<vmem_shared>>) offsets(%dma_start3A_427 : memref<128xi32, #tpu.memory_space<vmem>>) semaphore(%arg16 : memref<!tpu.dma_semaphore, #tpu.memory_space<semaphore_mem>>) {add = true}
      %add3A_431 = arith.constant 2 : i32
      %add3A_432 = arith.addi %add3A_362, %add3A_431 : i32
      %dma_wait3A_433 = arith.constant 128 : i32
      %dma_wait3A_434 = tpu.memref_slice %arg9[%dma_wait3A_433] : memref<1024xi32, #tpu.memory_space<vmem>> -> memref<128xi32, #tpu.memory_space<vmem>>
      %dma_wait3A_435 = arith.constant 0 : i32
      %dma_wait3A_436 = arith.constant 0 : i32
      %dma_wait3A_437 = tpu.memref_slice %arg17[%dma_wait3A_435, %dma_wait3A_436] : memref<10240x128xf32, #tpu.memory_space<vmem_shared>> -> memref<10240x128xf32, #tpu.memory_space<vmem_shared>>
      tpu.wait_indirect_dma semaphore(%arg16 : memref<!tpu.dma_semaphore, #tpu.memory_space<semaphore_mem>>) src(%arg12 : memref<128x128xf32, #tpu.memory_space<vmem>>) dst(%dma_wait3A_437 : memref<10240x128xf32, #tpu.memory_space<vmem_shared>>)
      %dma_start3A_438 = arith.constant 384 : i32
      %dma_start3A_439 = tpu.memref_slice %arg7[%dma_start3A_438] : memref<1024xi32, #tpu.memory_space<vmem>> -> memref<128xi32, #tpu.memory_space<vmem>>
      %dma_start3A_440 = arith.constant 0 : i32
      %dma_start3A_441 = arith.constant 0 : i32
      %dma_start3A_442 = tpu.memref_slice %arg2[%dma_start3A_440, %dma_start3A_441] : memref<10240x128xf32, #tpu.memory_space<hbm>> -> memref<10240x128xf32, #tpu.memory_space<hbm>>
      tpu.enqueue_indirect_dma source(%dma_start3A_442 : memref<10240x128xf32, #tpu.memory_space<hbm>>) target(%arg12 : memref<128x128xf32, #tpu.memory_space<vmem>>) offsets(%dma_start3A_439 : memref<128xi32, #tpu.memory_space<vmem>>) semaphore(%arg14 : memref<!tpu.dma_semaphore, #tpu.memory_space<semaphore_mem>>)
      %dma_wait3A_443 = arith.constant 256 : i32
      %dma_wait3A_444 = tpu.memref_slice %arg7[%dma_wait3A_443] : memref<1024xi32, #tpu.memory_space<vmem>> -> memref<128xi32, #tpu.memory_space<vmem>>
      %dma_wait3A_445 = arith.constant 0 : i32
      %dma_wait3A_446 = arith.constant 0 : i32
      %dma_wait3A_447 = tpu.memref_slice %arg2[%dma_wait3A_445, %dma_wait3A_446] : memref<10240x128xf32, #tpu.memory_space<hbm>> -> memref<10240x128xf32, #tpu.memory_space<hbm>>
      tpu.wait_indirect_dma semaphore(%arg13 : memref<!tpu.dma_semaphore, #tpu.memory_space<semaphore_mem>>) src(%dma_wait3A_447 : memref<10240x128xf32, #tpu.memory_space<hbm>>) dst(%arg11 : memref<128x128xf32, #tpu.memory_space<vmem>>)
      %dma_start3A_448 = arith.constant 256 : i32
      %dma_start3A_449 = tpu.memref_slice %arg9[%dma_start3A_448] : memref<1024xi32, #tpu.memory_space<vmem>> -> memref<128xi32, #tpu.memory_space<vmem>>
      %dma_start3A_450 = arith.constant 0 : i32
      %dma_start3A_451 = arith.constant 0 : i32
      %dma_start3A_452 = tpu.memref_slice %arg17[%dma_start3A_450, %dma_start3A_451] : memref<10240x128xf32, #tpu.memory_space<vmem_shared>> -> memref<10240x128xf32, #tpu.memory_space<vmem_shared>>
      tpu.enqueue_indirect_dma source(%arg11 : memref<128x128xf32, #tpu.memory_space<vmem>>) target(%dma_start3A_452 : memref<10240x128xf32, #tpu.memory_space<vmem_shared>>) offsets(%dma_start3A_449 : memref<128xi32, #tpu.memory_space<vmem>>) semaphore(%arg15 : memref<!tpu.dma_semaphore, #tpu.memory_space<semaphore_mem>>) {add = true}
      %add3A_453 = arith.constant 3 : i32
      %add3A_454 = arith.addi %add3A_362, %add3A_453 : i32
      %dma_wait3A_455 = arith.constant 256 : i32
      %dma_wait3A_456 = tpu.memref_slice %arg9[%dma_wait3A_455] : memref<1024xi32, #tpu.memory_space<vmem>> -> memref<128xi32, #tpu.memory_space<vmem>>
      %dma_wait3A_457 = arith.constant 0 : i32
      %dma_wait3A_458 = arith.constant 0 : i32
      %dma_wait3A_459 = tpu.memref_slice %arg17[%dma_wait3A_457, %dma_wait3A_458] : memref<10240x128xf32, #tpu.memory_space<vmem_shared>> -> memref<10240x128xf32, #tpu.memory_space<vmem_shared>>
      tpu.wait_indirect_dma semaphore(%arg15 : memref<!tpu.dma_semaphore, #tpu.memory_space<semaphore_mem>>) src(%arg11 : memref<128x128xf32, #tpu.memory_space<vmem>>) dst(%dma_wait3A_459 : memref<10240x128xf32, #tpu.memory_space<vmem_shared>>)
      %dma_start3A_460 = arith.constant 512 : i32
      %dma_start3A_461 = tpu.memref_slice %arg7[%dma_start3A_460] : memref<1024xi32, #tpu.memory_space<vmem>> -> memref<128xi32, #tpu.memory_space<vmem>>
      %dma_start3A_462 = arith.constant 0 : i32
      %dma_start3A_463 = arith.constant 0 : i32
      %dma_start3A_464 = tpu.memref_slice %arg2[%dma_start3A_462, %dma_start3A_463] : memref<10240x128xf32, #tpu.memory_space<hbm>> -> memref<10240x128xf32, #tpu.memory_space<hbm>>
      tpu.enqueue_indirect_dma source(%dma_start3A_464 : memref<10240x128xf32, #tpu.memory_space<hbm>>) target(%arg11 : memref<128x128xf32, #tpu.memory_space<vmem>>) offsets(%dma_start3A_461 : memref<128xi32, #tpu.memory_space<vmem>>) semaphore(%arg13 : memref<!tpu.dma_semaphore, #tpu.memory_space<semaphore_mem>>)
      %dma_wait3A_465 = arith.constant 384 : i32
      %dma_wait3A_466 = tpu.memref_slice %arg7[%dma_wait3A_465] : memref<1024xi32, #tpu.memory_space<vmem>> -> memref<128xi32, #tpu.memory_space<vmem>>
      %dma_wait3A_467 = arith.constant 0 : i32
      %dma_wait3A_468 = arith.constant 0 : i32
      %dma_wait3A_469 = tpu.memref_slice %arg2[%dma_wait3A_467, %dma_wait3A_468] : memref<10240x128xf32, #tpu.memory_space<hbm>> -> memref<10240x128xf32, #tpu.memory_space<hbm>>
      tpu.wait_indirect_dma semaphore(%arg14 : memref<!tpu.dma_semaphore, #tpu.memory_space<semaphore_mem>>) src(%dma_wait3A_469 : memref<10240x128xf32, #tpu.memory_space<hbm>>) dst(%arg12 : memref<128x128xf32, #tpu.memory_space<vmem>>)
      %dma_start3A_470 = arith.constant 384 : i32
      %dma_start3A_471 = tpu.memref_slice %arg9[%dma_start3A_470] : memref<1024xi32, #tpu.memory_space<vmem>> -> memref<128xi32, #tpu.memory_space<vmem>>
      %dma_start3A_472 = arith.constant 0 : i32
      %dma_start3A_473 = arith.constant 0 : i32
      %dma_start3A_474 = tpu.memref_slice %arg17[%dma_start3A_472, %dma_start3A_473] : memref<10240x128xf32, #tpu.memory_space<vmem_shared>> -> memref<10240x128xf32, #tpu.memory_space<vmem_shared>>
      tpu.enqueue_indirect_dma source(%arg12 : memref<128x128xf32, #tpu.memory_space<vmem>>) target(%dma_start3A_474 : memref<10240x128xf32, #tpu.memory_space<vmem_shared>>) offsets(%dma_start3A_471 : memref<128xi32, #tpu.memory_space<vmem>>) semaphore(%arg16 : memref<!tpu.dma_semaphore, #tpu.memory_space<semaphore_mem>>) {add = true}
      %add3A_475 = arith.constant 4 : i32
      %add3A_476 = arith.addi %add3A_362, %add3A_475 : i32
      %dma_wait3A_477 = arith.constant 384 : i32
      %dma_wait3A_478 = tpu.memref_slice %arg9[%dma_wait3A_477] : memref<1024xi32, #tpu.memory_space<vmem>> -> memref<128xi32, #tpu.memory_space<vmem>>
      %dma_wait3A_479 = arith.constant 0 : i32
      %dma_wait3A_480 = arith.constant 0 : i32
      %dma_wait3A_481 = tpu.memref_slice %arg17[%dma_wait3A_479, %dma_wait3A_480] : memref<10240x128xf32, #tpu.memory_space<vmem_shared>> -> memref<10240x128xf32, #tpu.memory_space<vmem_shared>>
      tpu.wait_indirect_dma semaphore(%arg16 : memref<!tpu.dma_semaphore, #tpu.memory_space<semaphore_mem>>) src(%arg12 : memref<128x128xf32, #tpu.memory_space<vmem>>) dst(%dma_wait3A_481 : memref<10240x128xf32, #tpu.memory_space<vmem_shared>>)
      %dma_start3A_482 = arith.constant 640 : i32
      %dma_start3A_483 = tpu.memref_slice %arg7[%dma_start3A_482] : memref<1024xi32, #tpu.memory_space<vmem>> -> memref<128xi32, #tpu.memory_space<vmem>>
      %dma_start3A_484 = arith.constant 0 : i32
      %dma_start3A_485 = arith.constant 0 : i32
      %dma_start3A_486 = tpu.memref_slice %arg2[%dma_start3A_484, %dma_start3A_485] : memref<10240x128xf32, #tpu.memory_space<hbm>> -> memref<10240x128xf32, #tpu.memory_space<hbm>>
      tpu.enqueue_indirect_dma source(%dma_start3A_486 : memref<10240x128xf32, #tpu.memory_space<hbm>>) target(%arg12 : memref<128x128xf32, #tpu.memory_space<vmem>>) offsets(%dma_start3A_483 : memref<128xi32, #tpu.memory_space<vmem>>) semaphore(%arg14 : memref<!tpu.dma_semaphore, #tpu.memory_space<semaphore_mem>>)
      %dma_wait3A_487 = arith.constant 512 : i32
      %dma_wait3A_488 = tpu.memref_slice %arg7[%dma_wait3A_487] : memref<1024xi32, #tpu.memory_space<vmem>> -> memref<128xi32, #tpu.memory_space<vmem>>
      %dma_wait3A_489 = arith.constant 0 : i32
      %dma_wait3A_490 = arith.constant 0 : i32
      %dma_wait3A_491 = tpu.memref_slice %arg2[%dma_wait3A_489, %dma_wait3A_490] : memref<10240x128xf32, #tpu.memory_space<hbm>> -> memref<10240x128xf32, #tpu.memory_space<hbm>>
      tpu.wait_indirect_dma semaphore(%arg13 : memref<!tpu.dma_semaphore, #tpu.memory_space<semaphore_mem>>) src(%dma_wait3A_491 : memref<10240x128xf32, #tpu.memory_space<hbm>>) dst(%arg11 : memref<128x128xf32, #tpu.memory_space<vmem>>)
      %dma_start3A_492 = arith.constant 512 : i32
      %dma_start3A_493 = tpu.memref_slice %arg9[%dma_start3A_492] : memref<1024xi32, #tpu.memory_space<vmem>> -> memref<128xi32, #tpu.memory_space<vmem>>
      %dma_start3A_494 = arith.constant 0 : i32
      %dma_start3A_495 = arith.constant 0 : i32
      %dma_start3A_496 = tpu.memref_slice %arg17[%dma_start3A_494, %dma_start3A_495] : memref<10240x128xf32, #tpu.memory_space<vmem_shared>> -> memref<10240x128xf32, #tpu.memory_space<vmem_shared>>
      tpu.enqueue_indirect_dma source(%arg11 : memref<128x128xf32, #tpu.memory_space<vmem>>) target(%dma_start3A_496 : memref<10240x128xf32, #tpu.memory_space<vmem_shared>>) offsets(%dma_start3A_493 : memref<128xi32, #tpu.memory_space<vmem>>) semaphore(%arg15 : memref<!tpu.dma_semaphore, #tpu.memory_space<semaphore_mem>>) {add = true}
      %add3A_497 = arith.constant 5 : i32
      %add3A_498 = arith.addi %add3A_362, %add3A_497 : i32
      %dma_wait3A_499 = arith.constant 512 : i32
      %dma_wait3A_500 = tpu.memref_slice %arg9[%dma_wait3A_499] : memref<1024xi32, #tpu.memory_space<vmem>> -> memref<128xi32, #tpu.memory_space<vmem>>
      %dma_wait3A_501 = arith.constant 0 : i32
      %dma_wait3A_502 = arith.constant 0 : i32
      %dma_wait3A_503 = tpu.memref_slice %arg17[%dma_wait3A_501, %dma_wait3A_502] : memref<10240x128xf32, #tpu.memory_space<vmem_shared>> -> memref<10240x128xf32, #tpu.memory_space<vmem_shared>>
      tpu.wait_indirect_dma semaphore(%arg15 : memref<!tpu.dma_semaphore, #tpu.memory_space<semaphore_mem>>) src(%arg11 : memref<128x128xf32, #tpu.memory_space<vmem>>) dst(%dma_wait3A_503 : memref<10240x128xf32, #tpu.memory_space<vmem_shared>>)
      %dma_start3A_504 = arith.constant 768 : i32
      %dma_start3A_505 = tpu.memref_slice %arg7[%dma_start3A_504] : memref<1024xi32, #tpu.memory_space<vmem>> -> memref<128xi32, #tpu.memory_space<vmem>>
      %dma_start3A_506 = arith.constant 0 : i32
      %dma_start3A_507 = arith.constant 0 : i32
      %dma_start3A_508 = tpu.memref_slice %arg2[%dma_start3A_506, %dma_start3A_507] : memref<10240x128xf32, #tpu.memory_space<hbm>> -> memref<10240x128xf32, #tpu.memory_space<hbm>>
      tpu.enqueue_indirect_dma source(%dma_start3A_508 : memref<10240x128xf32, #tpu.memory_space<hbm>>) target(%arg11 : memref<128x128xf32, #tpu.memory_space<vmem>>) offsets(%dma_start3A_505 : memref<128xi32, #tpu.memory_space<vmem>>) semaphore(%arg13 : memref<!tpu.dma_semaphore, #tpu.memory_space<semaphore_mem>>)
      %dma_wait3A_509 = arith.constant 640 : i32
      %dma_wait3A_510 = tpu.memref_slice %arg7[%dma_wait3A_509] : memref<1024xi32, #tpu.memory_space<vmem>> -> memref<128xi32, #tpu.memory_space<vmem>>
      %dma_wait3A_511 = arith.constant 0 : i32
      %dma_wait3A_512 = arith.constant 0 : i32
      %dma_wait3A_513 = tpu.memref_slice %arg2[%dma_wait3A_511, %dma_wait3A_512] : memref<10240x128xf32, #tpu.memory_space<hbm>> -> memref<10240x128xf32, #tpu.memory_space<hbm>>
      tpu.wait_indirect_dma semaphore(%arg14 : memref<!tpu.dma_semaphore, #tpu.memory_space<semaphore_mem>>) src(%dma_wait3A_513 : memref<10240x128xf32, #tpu.memory_space<hbm>>) dst(%arg12 : memref<128x128xf32, #tpu.memory_space<vmem>>)
      %dma_start3A_514 = arith.constant 640 : i32
      %dma_start3A_515 = tpu.memref_slice %arg9[%dma_start3A_514] : memref<1024xi32, #tpu.memory_space<vmem>> -> memref<128xi32, #tpu.memory_space<vmem>>
      %dma_start3A_516 = arith.constant 0 : i32
      %dma_start3A_517 = arith.constant 0 : i32
      %dma_start3A_518 = tpu.memref_slice %arg17[%dma_start3A_516, %dma_start3A_517] : memref<10240x128xf32, #tpu.memory_space<vmem_shared>> -> memref<10240x128xf32, #tpu.memory_space<vmem_shared>>
      tpu.enqueue_indirect_dma source(%arg12 : memref<128x128xf32, #tpu.memory_space<vmem>>) target(%dma_start3A_518 : memref<10240x128xf32, #tpu.memory_space<vmem_shared>>) offsets(%dma_start3A_515 : memref<128xi32, #tpu.memory_space<vmem>>) semaphore(%arg16 : memref<!tpu.dma_semaphore, #tpu.memory_space<semaphore_mem>>) {add = true}
      %add3A_519 = arith.constant 6 : i32
      %add3A_520 = arith.addi %add3A_362, %add3A_519 : i32
      %dma_wait3A_521 = arith.constant 640 : i32
      %dma_wait3A_522 = tpu.memref_slice %arg9[%dma_wait3A_521] : memref<1024xi32, #tpu.memory_space<vmem>> -> memref<128xi32, #tpu.memory_space<vmem>>
      %dma_wait3A_523 = arith.constant 0 : i32
      %dma_wait3A_524 = arith.constant 0 : i32
      %dma_wait3A_525 = tpu.memref_slice %arg17[%dma_wait3A_523, %dma_wait3A_524] : memref<10240x128xf32, #tpu.memory_space<vmem_shared>> -> memref<10240x128xf32, #tpu.memory_space<vmem_shared>>
      tpu.wait_indirect_dma semaphore(%arg16 : memref<!tpu.dma_semaphore, #tpu.memory_space<semaphore_mem>>) src(%arg12 : memref<128x128xf32, #tpu.memory_space<vmem>>) dst(%dma_wait3A_525 : memref<10240x128xf32, #tpu.memory_space<vmem_shared>>)
      %dma_start3A_526 = arith.constant 896 : i32
      %dma_start3A_527 = tpu.memref_slice %arg7[%dma_start3A_526] : memref<1024xi32, #tpu.memory_space<vmem>> -> memref<128xi32, #tpu.memory_space<vmem>>
      %dma_start3A_528 = arith.constant 0 : i32
      %dma_start3A_529 = arith.constant 0 : i32
      %dma_start3A_530 = tpu.memref_slice %arg2[%dma_start3A_528, %dma_start3A_529] : memref<10240x128xf32, #tpu.memory_space<hbm>> -> memref<10240x128xf32, #tpu.memory_space<hbm>>
      tpu.enqueue_indirect_dma source(%dma_start3A_530 : memref<10240x128xf32, #tpu.memory_space<hbm>>) target(%arg12 : memref<128x128xf32, #tpu.memory_space<vmem>>) offsets(%dma_start3A_527 : memref<128xi32, #tpu.memory_space<vmem>>) semaphore(%arg14 : memref<!tpu.dma_semaphore, #tpu.memory_space<semaphore_mem>>)
      %dma_wait3A_531 = arith.constant 768 : i32
      %dma_wait3A_532 = tpu.memref_slice %arg7[%dma_wait3A_531] : memref<1024xi32, #tpu.memory_space<vmem>> -> memref<128xi32, #tpu.memory_space<vmem>>
      %dma_wait3A_533 = arith.constant 0 : i32
      %dma_wait3A_534 = arith.constant 0 : i32
      %dma_wait3A_535 = tpu.memref_slice %arg2[%dma_wait3A_533, %dma_wait3A_534] : memref<10240x128xf32, #tpu.memory_space<hbm>> -> memref<10240x128xf32, #tpu.memory_space<hbm>>
      tpu.wait_indirect_dma semaphore(%arg13 : memref<!tpu.dma_semaphore, #tpu.memory_space<semaphore_mem>>) src(%dma_wait3A_535 : memref<10240x128xf32, #tpu.memory_space<hbm>>) dst(%arg11 : memref<128x128xf32, #tpu.memory_space<vmem>>)
      %dma_start3A_536 = arith.constant 768 : i32
      %dma_start3A_537 = tpu.memref_slice %arg9[%dma_start3A_536] : memref<1024xi32, #tpu.memory_space<vmem>> -> memref<128xi32, #tpu.memory_space<vmem>>
      %dma_start3A_538 = arith.constant 0 : i32
      %dma_start3A_539 = arith.constant 0 : i32
      %dma_start3A_540 = tpu.memref_slice %arg17[%dma_start3A_538, %dma_start3A_539] : memref<10240x128xf32, #tpu.memory_space<vmem_shared>> -> memref<10240x128xf32, #tpu.memory_space<vmem_shared>>
      tpu.enqueue_indirect_dma source(%arg11 : memref<128x128xf32, #tpu.memory_space<vmem>>) target(%dma_start3A_540 : memref<10240x128xf32, #tpu.memory_space<vmem_shared>>) offsets(%dma_start3A_537 : memref<128xi32, #tpu.memory_space<vmem>>) semaphore(%arg15 : memref<!tpu.dma_semaphore, #tpu.memory_space<semaphore_mem>>) {add = true}
      %add3A_541 = arith.constant 7 : i32
      %add3A_542 = arith.addi %add3A_362, %add3A_541 : i32
      %dma_wait3A_543 = arith.constant 768 : i32
      %dma_wait3A_544 = tpu.memref_slice %arg9[%dma_wait3A_543] : memref<1024xi32, #tpu.memory_space<vmem>> -> memref<128xi32, #tpu.memory_space<vmem>>
      %dma_wait3A_545 = arith.constant 0 : i32
      %dma_wait3A_546 = arith.constant 0 : i32
      %dma_wait3A_547 = tpu.memref_slice %arg17[%dma_wait3A_545, %dma_wait3A_546] : memref<10240x128xf32, #tpu.memory_space<vmem_shared>> -> memref<10240x128xf32, #tpu.memory_space<vmem_shared>>
      tpu.wait_indirect_dma semaphore(%arg15 : memref<!tpu.dma_semaphore, #tpu.memory_space<semaphore_mem>>) src(%arg11 : memref<128x128xf32, #tpu.memory_space<vmem>>) dst(%dma_wait3A_547 : memref<10240x128xf32, #tpu.memory_space<vmem_shared>>)
      %dma_start3A_548 = arith.constant 0 : i32
      %dma_start3A_549 = tpu.memref_slice %arg8[%dma_start3A_548] : memref<1024xi32, #tpu.memory_space<vmem>> -> memref<128xi32, #tpu.memory_space<vmem>>
      %dma_start3A_550 = arith.constant 0 : i32
      %dma_start3A_551 = arith.constant 0 : i32
      %dma_start3A_552 = tpu.memref_slice %arg2[%dma_start3A_550, %dma_start3A_551] : memref<10240x128xf32, #tpu.memory_space<hbm>> -> memref<10240x128xf32, #tpu.memory_space<hbm>>
      tpu.enqueue_indirect_dma source(%dma_start3A_552 : memref<10240x128xf32, #tpu.memory_space<hbm>>) target(%arg11 : memref<128x128xf32, #tpu.memory_space<vmem>>) offsets(%dma_start3A_549 : memref<128xi32, #tpu.memory_space<vmem>>) semaphore(%arg13 : memref<!tpu.dma_semaphore, #tpu.memory_space<semaphore_mem>>)
      %dma_wait3A_553 = arith.constant 896 : i32
      %dma_wait3A_554 = tpu.memref_slice %arg7[%dma_wait3A_553] : memref<1024xi32, #tpu.memory_space<vmem>> -> memref<128xi32, #tpu.memory_space<vmem>>
      %dma_wait3A_555 = arith.constant 0 : i32
      %dma_wait3A_556 = arith.constant 0 : i32
      %dma_wait3A_557 = tpu.memref_slice %arg2[%dma_wait3A_555, %dma_wait3A_556] : memref<10240x128xf32, #tpu.memory_space<hbm>> -> memref<10240x128xf32, #tpu.memory_space<hbm>>
      tpu.wait_indirect_dma semaphore(%arg14 : memref<!tpu.dma_semaphore, #tpu.memory_space<semaphore_mem>>) src(%dma_wait3A_557 : memref<10240x128xf32, #tpu.memory_space<hbm>>) dst(%arg12 : memref<128x128xf32, #tpu.memory_space<vmem>>)
      %dma_start3A_558 = arith.constant 896 : i32
      %dma_start3A_559 = tpu.memref_slice %arg9[%dma_start3A_558] : memref<1024xi32, #tpu.memory_space<vmem>> -> memref<128xi32, #tpu.memory_space<vmem>>
      %dma_start3A_560 = arith.constant 0 : i32
      %dma_start3A_561 = arith.constant 0 : i32
      %dma_start3A_562 = tpu.memref_slice %arg17[%dma_start3A_560, %dma_start3A_561] : memref<10240x128xf32, #tpu.memory_space<vmem_shared>> -> memref<10240x128xf32, #tpu.memory_space<vmem_shared>>
      tpu.enqueue_indirect_dma source(%arg12 : memref<128x128xf32, #tpu.memory_space<vmem>>) target(%dma_start3A_562 : memref<10240x128xf32, #tpu.memory_space<vmem_shared>>) offsets(%dma_start3A_559 : memref<128xi32, #tpu.memory_space<vmem>>) semaphore(%arg16 : memref<!tpu.dma_semaphore, #tpu.memory_space<semaphore_mem>>) {add = true}
      %add3A_563 = arith.constant 8 : i32
      %add3A_564 = arith.addi %add3A_362, %add3A_563 : i32
      %dma_wait3A_565 = arith.constant 896 : i32
      %dma_wait3A_566 = tpu.memref_slice %arg9[%dma_wait3A_565] : memref<1024xi32, #tpu.memory_space<vmem>> -> memref<128xi32, #tpu.memory_space<vmem>>
      %dma_wait3A_567 = arith.constant 0 : i32
      %dma_wait3A_568 = arith.constant 0 : i32
      %dma_wait3A_569 = tpu.memref_slice %arg17[%dma_wait3A_567, %dma_wait3A_568] : memref<10240x128xf32, #tpu.memory_space<vmem_shared>> -> memref<10240x128xf32, #tpu.memory_space<vmem_shared>>
      tpu.wait_indirect_dma semaphore(%arg16 : memref<!tpu.dma_semaphore, #tpu.memory_space<semaphore_mem>>) src(%arg12 : memref<128x128xf32, #tpu.memory_space<vmem>>) dst(%dma_wait3A_569 : memref<10240x128xf32, #tpu.memory_space<vmem_shared>>)
      %jit3A_570 = arith.constant 8 : i32
      %div3A_571 = arith.divsi %add3A_564, %jit3A_570 : i32
      %sign3A_572 = arith.constant 0 : i32
      %sign3A_573 = arith.cmpi sgt, %add3A_564, %sign3A_572 : i32
      %sign3A_574 = arith.extui %sign3A_573 : i1 to i32
      %sign3A_575 = arith.constant 0 : i32
      %sign3A_576 = arith.cmpi slt, %add3A_564, %sign3A_575 : i32
      %sign3A_577 = arith.extui %sign3A_576 : i1 to i32
      %sign3A_578 = arith.subi %sign3A_574, %sign3A_577 : i32
      %sign3A_579 = arith.constant 0 : i32
      %sign3A_580 = arith.cmpi sgt, %jit3A_570, %sign3A_579 : i32
      %sign3A_581 = arith.extui %sign3A_580 : i1 to i32
      %sign3A_582 = arith.constant 0 : i32
      %sign3A_583 = arith.cmpi slt, %jit3A_570, %sign3A_582 : i32
      %sign3A_584 = arith.extui %sign3A_583 : i1 to i32
      %sign3A_585 = arith.subi %sign3A_581, %sign3A_584 : i32
      %ne3A_586 = arith.cmpi ne, %sign3A_578, %sign3A_585 : i32
      %rem3A_587 = arith.remsi %add3A_564, %jit3A_570 : i32
      %ne3A_588 = arith.constant 0 : i32
      %ne3A_589 = arith.cmpi ne, %rem3A_587, %ne3A_588 : i32
      %and3A_590 = arith.andi %ne3A_586, %ne3A_589 : i1
      %sub3A_591 = arith.constant 1 : i32
      %sub3A_592 = arith.subi %div3A_571, %sub3A_591 : i32
      %select_n3A_593 = arith.select %and3A_590, %sub3A_592, %div3A_571 : i32
      %add3A_594 = arith.constant 1 : i32
      %add3A_595 = arith.addi %select_n3A_593, %add3A_594 : i32
      %mul3A_596 = arith.constant 1024 : i32
      %mul3A_597 = arith.muli %add3A_595, %mul3A_596 : i32
      %add3A_598 = arith.addi %mul3A_11, %mul3A_597 : i32
      "tpu.region"() ({
        %run_scoped3A = tpu.sem_alloc : memref<!tpu.dma_semaphore, #tpu.memory_space<semaphore_mem>>
        %dma_start3A_771 = tpu.memref_slice %arg3[%add3A_598] : memref<328704xi32, #tpu.memory_space<hbm>> -> memref<1024xi32, #tpu.memory_space<hbm>>
        %dma_start3A_772 = tpu.memref_slice %arg3[%add3A_598] : memref<328704xi32, #tpu.memory_space<hbm>> -> memref<1024xi32, #tpu.memory_space<hbm>>
        tpu.enqueue_dma source(%dma_start3A_772 : memref<1024xi32, #tpu.memory_space<hbm>>) target(%arg7 : memref<1024xi32, #tpu.memory_space<vmem>>) target_semaphore(%run_scoped3A : memref<!tpu.dma_semaphore, #tpu.memory_space<semaphore_mem>>)
        %dma_wait3A_773 = tpu.memref_slice %arg3[%add3A_598] : memref<328704xi32, #tpu.memory_space<hbm>> -> memref<1024xi32, #tpu.memory_space<hbm>>
        %dma_wait3A_774 = tpu.memref_slice %arg3[%add3A_598] : memref<328704xi32, #tpu.memory_space<hbm>> -> memref<1024xi32, #tpu.memory_space<hbm>>
        tpu.wait_dma2 semaphore(%run_scoped3A : memref<!tpu.dma_semaphore, #tpu.memory_space<semaphore_mem>>) src(%dma_wait3A_774 : memref<1024xi32, #tpu.memory_space<hbm>>) dst(%arg7 : memref<1024xi32, #tpu.memory_space<vmem>>)
        tpu.yield
      }) : () -> ()
      %mul3A_599 = arith.constant 1024 : i32
      %mul3A_600 = arith.muli %add3A_595, %mul3A_599 : i32
      %add3A_601 = arith.addi %mul3A_11, %mul3A_600 : i32
      "tpu.region"() ({
        %run_scoped3A = tpu.sem_alloc : memref<!tpu.dma_semaphore, #tpu.memory_space<semaphore_mem>>
        %dma_start3A_771 = tpu.memref_slice %arg4[%add3A_601] : memref<328704xi32, #tpu.memory_space<hbm>> -> memref<1024xi32, #tpu.memory_space<hbm>>
        %dma_start3A_772 = tpu.memref_slice %arg4[%add3A_601] : memref<328704xi32, #tpu.memory_space<hbm>> -> memref<1024xi32, #tpu.memory_space<hbm>>
        tpu.enqueue_dma source(%dma_start3A_772 : memref<1024xi32, #tpu.memory_space<hbm>>) target(%arg9 : memref<1024xi32, #tpu.memory_space<vmem>>) target_semaphore(%run_scoped3A : memref<!tpu.dma_semaphore, #tpu.memory_space<semaphore_mem>>)
        %dma_wait3A_773 = tpu.memref_slice %arg4[%add3A_601] : memref<328704xi32, #tpu.memory_space<hbm>> -> memref<1024xi32, #tpu.memory_space<hbm>>
        %dma_wait3A_774 = tpu.memref_slice %arg4[%add3A_601] : memref<328704xi32, #tpu.memory_space<hbm>> -> memref<1024xi32, #tpu.memory_space<hbm>>
        tpu.wait_dma2 semaphore(%run_scoped3A : memref<!tpu.dma_semaphore, #tpu.memory_space<semaphore_mem>>) src(%dma_wait3A_774 : memref<1024xi32, #tpu.memory_space<hbm>>) dst(%arg9 : memref<1024xi32, #tpu.memory_space<vmem>>)
        tpu.yield
      }) : () -> ()
      %dma_start3A_602 = arith.constant 128 : i32
      %dma_start3A_603 = tpu.memref_slice %arg8[%dma_start3A_602] : memref<1024xi32, #tpu.memory_space<vmem>> -> memref<128xi32, #tpu.memory_space<vmem>>
      %dma_start3A_604 = arith.constant 0 : i32
      %dma_start3A_605 = arith.constant 0 : i32
      %dma_start3A_606 = tpu.memref_slice %arg2[%dma_start3A_604, %dma_start3A_605] : memref<10240x128xf32, #tpu.memory_space<hbm>> -> memref<10240x128xf32, #tpu.memory_space<hbm>>
      tpu.enqueue_indirect_dma source(%dma_start3A_606 : memref<10240x128xf32, #tpu.memory_space<hbm>>) target(%arg12 : memref<128x128xf32, #tpu.memory_space<vmem>>) offsets(%dma_start3A_603 : memref<128xi32, #tpu.memory_space<vmem>>) semaphore(%arg14 : memref<!tpu.dma_semaphore, #tpu.memory_space<semaphore_mem>>)
      %dma_wait3A_607 = arith.constant 0 : i32
      %dma_wait3A_608 = tpu.memref_slice %arg8[%dma_wait3A_607] : memref<1024xi32, #tpu.memory_space<vmem>> -> memref<128xi32, #tpu.memory_space<vmem>>
      %dma_wait3A_609 = arith.constant 0 : i32
      %dma_wait3A_610 = arith.constant 0 : i32
      %dma_wait3A_611 = tpu.memref_slice %arg2[%dma_wait3A_609, %dma_wait3A_610] : memref<10240x128xf32, #tpu.memory_space<hbm>> -> memref<10240x128xf32, #tpu.memory_space<hbm>>
      tpu.wait_indirect_dma semaphore(%arg13 : memref<!tpu.dma_semaphore, #tpu.memory_space<semaphore_mem>>) src(%dma_wait3A_611 : memref<10240x128xf32, #tpu.memory_space<hbm>>) dst(%arg11 : memref<128x128xf32, #tpu.memory_space<vmem>>)
      %dma_start3A_612 = arith.constant 0 : i32
      %dma_start3A_613 = tpu.memref_slice %arg10[%dma_start3A_612] : memref<1024xi32, #tpu.memory_space<vmem>> -> memref<128xi32, #tpu.memory_space<vmem>>
      %dma_start3A_614 = arith.constant 0 : i32
      %dma_start3A_615 = arith.constant 0 : i32
      %dma_start3A_616 = tpu.memref_slice %arg17[%dma_start3A_614, %dma_start3A_615] : memref<10240x128xf32, #tpu.memory_space<vmem_shared>> -> memref<10240x128xf32, #tpu.memory_space<vmem_shared>>
      tpu.enqueue_indirect_dma source(%arg11 : memref<128x128xf32, #tpu.memory_space<vmem>>) target(%dma_start3A_616 : memref<10240x128xf32, #tpu.memory_space<vmem_shared>>) offsets(%dma_start3A_613 : memref<128xi32, #tpu.memory_space<vmem>>) semaphore(%arg15 : memref<!tpu.dma_semaphore, #tpu.memory_space<semaphore_mem>>) {add = true}
      %add3A_617 = arith.constant 9 : i32
      %add3A_618 = arith.addi %add3A_362, %add3A_617 : i32
      %dma_wait3A_619 = arith.constant 0 : i32
      %dma_wait3A_620 = tpu.memref_slice %arg10[%dma_wait3A_619] : memref<1024xi32, #tpu.memory_space<vmem>> -> memref<128xi32, #tpu.memory_space<vmem>>
      %dma_wait3A_621 = arith.constant 0 : i32
      %dma_wait3A_622 = arith.constant 0 : i32
      %dma_wait3A_623 = tpu.memref_slice %arg17[%dma_wait3A_621, %dma_wait3A_622] : memref<10240x128xf32, #tpu.memory_space<vmem_shared>> -> memref<10240x128xf32, #tpu.memory_space<vmem_shared>>
      tpu.wait_indirect_dma semaphore(%arg15 : memref<!tpu.dma_semaphore, #tpu.memory_space<semaphore_mem>>) src(%arg11 : memref<128x128xf32, #tpu.memory_space<vmem>>) dst(%dma_wait3A_623 : memref<10240x128xf32, #tpu.memory_space<vmem_shared>>)
      %dma_start3A_624 = arith.constant 256 : i32
      %dma_start3A_625 = tpu.memref_slice %arg8[%dma_start3A_624] : memref<1024xi32, #tpu.memory_space<vmem>> -> memref<128xi32, #tpu.memory_space<vmem>>
      %dma_start3A_626 = arith.constant 0 : i32
      %dma_start3A_627 = arith.constant 0 : i32
      %dma_start3A_628 = tpu.memref_slice %arg2[%dma_start3A_626, %dma_start3A_627] : memref<10240x128xf32, #tpu.memory_space<hbm>> -> memref<10240x128xf32, #tpu.memory_space<hbm>>
      tpu.enqueue_indirect_dma source(%dma_start3A_628 : memref<10240x128xf32, #tpu.memory_space<hbm>>) target(%arg11 : memref<128x128xf32, #tpu.memory_space<vmem>>) offsets(%dma_start3A_625 : memref<128xi32, #tpu.memory_space<vmem>>) semaphore(%arg13 : memref<!tpu.dma_semaphore, #tpu.memory_space<semaphore_mem>>)
      %dma_wait3A_629 = arith.constant 128 : i32
      %dma_wait3A_630 = tpu.memref_slice %arg8[%dma_wait3A_629] : memref<1024xi32, #tpu.memory_space<vmem>> -> memref<128xi32, #tpu.memory_space<vmem>>
      %dma_wait3A_631 = arith.constant 0 : i32
      %dma_wait3A_632 = arith.constant 0 : i32
      %dma_wait3A_633 = tpu.memref_slice %arg2[%dma_wait3A_631, %dma_wait3A_632] : memref<10240x128xf32, #tpu.memory_space<hbm>> -> memref<10240x128xf32, #tpu.memory_space<hbm>>
      tpu.wait_indirect_dma semaphore(%arg14 : memref<!tpu.dma_semaphore, #tpu.memory_space<semaphore_mem>>) src(%dma_wait3A_633 : memref<10240x128xf32, #tpu.memory_space<hbm>>) dst(%arg12 : memref<128x128xf32, #tpu.memory_space<vmem>>)
      %dma_start3A_634 = arith.constant 128 : i32
      %dma_start3A_635 = tpu.memref_slice %arg10[%dma_start3A_634] : memref<1024xi32, #tpu.memory_space<vmem>> -> memref<128xi32, #tpu.memory_space<vmem>>
      %dma_start3A_636 = arith.constant 0 : i32
      %dma_start3A_637 = arith.constant 0 : i32
      %dma_start3A_638 = tpu.memref_slice %arg17[%dma_start3A_636, %dma_start3A_637] : memref<10240x128xf32, #tpu.memory_space<vmem_shared>> -> memref<10240x128xf32, #tpu.memory_space<vmem_shared>>
      tpu.enqueue_indirect_dma source(%arg12 : memref<128x128xf32, #tpu.memory_space<vmem>>) target(%dma_start3A_638 : memref<10240x128xf32, #tpu.memory_space<vmem_shared>>) offsets(%dma_start3A_635 : memref<128xi32, #tpu.memory_space<vmem>>) semaphore(%arg16 : memref<!tpu.dma_semaphore, #tpu.memory_space<semaphore_mem>>) {add = true}
      %add3A_639 = arith.constant 10 : i32
      %add3A_640 = arith.addi %add3A_362, %add3A_639 : i32
      %dma_wait3A_641 = arith.constant 128 : i32
      %dma_wait3A_642 = tpu.memref_slice %arg10[%dma_wait3A_641] : memref<1024xi32, #tpu.memory_space<vmem>> -> memref<128xi32, #tpu.memory_space<vmem>>
      %dma_wait3A_643 = arith.constant 0 : i32
      %dma_wait3A_644 = arith.constant 0 : i32
      %dma_wait3A_645 = tpu.memref_slice %arg17[%dma_wait3A_643, %dma_wait3A_644] : memref<10240x128xf32, #tpu.memory_space<vmem_shared>> -> memref<10240x128xf32, #tpu.memory_space<vmem_shared>>
      tpu.wait_indirect_dma semaphore(%arg16 : memref<!tpu.dma_semaphore, #tpu.memory_space<semaphore_mem>>) src(%arg12 : memref<128x128xf32, #tpu.memory_space<vmem>>) dst(%dma_wait3A_645 : memref<10240x128xf32, #tpu.memory_space<vmem_shared>>)
      %dma_start3A_646 = arith.constant 384 : i32
      %dma_start3A_647 = tpu.memref_slice %arg8[%dma_start3A_646] : memref<1024xi32, #tpu.memory_space<vmem>> -> memref<128xi32, #tpu.memory_space<vmem>>
      %dma_start3A_648 = arith.constant 0 : i32
      %dma_start3A_649 = arith.constant 0 : i32
      %dma_start3A_650 = tpu.memref_slice %arg2[%dma_start3A_648, %dma_start3A_649] : memref<10240x128xf32, #tpu.memory_space<hbm>> -> memref<10240x128xf32, #tpu.memory_space<hbm>>
      tpu.enqueue_indirect_dma source(%dma_start3A_650 : memref<10240x128xf32, #tpu.memory_space<hbm>>) target(%arg12 : memref<128x128xf32, #tpu.memory_space<vmem>>) offsets(%dma_start3A_647 : memref<128xi32, #tpu.memory_space<vmem>>) semaphore(%arg14 : memref<!tpu.dma_semaphore, #tpu.memory_space<semaphore_mem>>)
      %dma_wait3A_651 = arith.constant 256 : i32
      %dma_wait3A_652 = tpu.memref_slice %arg8[%dma_wait3A_651] : memref<1024xi32, #tpu.memory_space<vmem>> -> memref<128xi32, #tpu.memory_space<vmem>>
      %dma_wait3A_653 = arith.constant 0 : i32
      %dma_wait3A_654 = arith.constant 0 : i32
      %dma_wait3A_655 = tpu.memref_slice %arg2[%dma_wait3A_653, %dma_wait3A_654] : memref<10240x128xf32, #tpu.memory_space<hbm>> -> memref<10240x128xf32, #tpu.memory_space<hbm>>
      tpu.wait_indirect_dma semaphore(%arg13 : memref<!tpu.dma_semaphore, #tpu.memory_space<semaphore_mem>>) src(%dma_wait3A_655 : memref<10240x128xf32, #tpu.memory_space<hbm>>) dst(%arg11 : memref<128x128xf32, #tpu.memory_space<vmem>>)
      %dma_start3A_656 = arith.constant 256 : i32
      %dma_start3A_657 = tpu.memref_slice %arg10[%dma_start3A_656] : memref<1024xi32, #tpu.memory_space<vmem>> -> memref<128xi32, #tpu.memory_space<vmem>>
      %dma_start3A_658 = arith.constant 0 : i32
      %dma_start3A_659 = arith.constant 0 : i32
      %dma_start3A_660 = tpu.memref_slice %arg17[%dma_start3A_658, %dma_start3A_659] : memref<10240x128xf32, #tpu.memory_space<vmem_shared>> -> memref<10240x128xf32, #tpu.memory_space<vmem_shared>>
      tpu.enqueue_indirect_dma source(%arg11 : memref<128x128xf32, #tpu.memory_space<vmem>>) target(%dma_start3A_660 : memref<10240x128xf32, #tpu.memory_space<vmem_shared>>) offsets(%dma_start3A_657 : memref<128xi32, #tpu.memory_space<vmem>>) semaphore(%arg15 : memref<!tpu.dma_semaphore, #tpu.memory_space<semaphore_mem>>) {add = true}
      %add3A_661 = arith.constant 11 : i32
      %add3A_662 = arith.addi %add3A_362, %add3A_661 : i32
      %dma_wait3A_663 = arith.constant 256 : i32
      %dma_wait3A_664 = tpu.memref_slice %arg10[%dma_wait3A_663] : memref<1024xi32, #tpu.memory_space<vmem>> -> memref<128xi32, #tpu.memory_space<vmem>>
      %dma_wait3A_665 = arith.constant 0 : i32
      %dma_wait3A_666 = arith.constant 0 : i32
      %dma_wait3A_667 = tpu.memref_slice %arg17[%dma_wait3A_665, %dma_wait3A_666] : memref<10240x128xf32, #tpu.memory_space<vmem_shared>> -> memref<10240x128xf32, #tpu.memory_space<vmem_shared>>
      tpu.wait_indirect_dma semaphore(%arg15 : memref<!tpu.dma_semaphore, #tpu.memory_space<semaphore_mem>>) src(%arg11 : memref<128x128xf32, #tpu.memory_space<vmem>>) dst(%dma_wait3A_667 : memref<10240x128xf32, #tpu.memory_space<vmem_shared>>)
      %dma_start3A_668 = arith.constant 512 : i32
      %dma_start3A_669 = tpu.memref_slice %arg8[%dma_start3A_668] : memref<1024xi32, #tpu.memory_space<vmem>> -> memref<128xi32, #tpu.memory_space<vmem>>
      %dma_start3A_670 = arith.constant 0 : i32
      %dma_start3A_671 = arith.constant 0 : i32
      %dma_start3A_672 = tpu.memref_slice %arg2[%dma_start3A_670, %dma_start3A_671] : memref<10240x128xf32, #tpu.memory_space<hbm>> -> memref<10240x128xf32, #tpu.memory_space<hbm>>
      tpu.enqueue_indirect_dma source(%dma_start3A_672 : memref<10240x128xf32, #tpu.memory_space<hbm>>) target(%arg11 : memref<128x128xf32, #tpu.memory_space<vmem>>) offsets(%dma_start3A_669 : memref<128xi32, #tpu.memory_space<vmem>>) semaphore(%arg13 : memref<!tpu.dma_semaphore, #tpu.memory_space<semaphore_mem>>)
      %dma_wait3A_673 = arith.constant 384 : i32
      %dma_wait3A_674 = tpu.memref_slice %arg8[%dma_wait3A_673] : memref<1024xi32, #tpu.memory_space<vmem>> -> memref<128xi32, #tpu.memory_space<vmem>>
      %dma_wait3A_675 = arith.constant 0 : i32
      %dma_wait3A_676 = arith.constant 0 : i32
      %dma_wait3A_677 = tpu.memref_slice %arg2[%dma_wait3A_675, %dma_wait3A_676] : memref<10240x128xf32, #tpu.memory_space<hbm>> -> memref<10240x128xf32, #tpu.memory_space<hbm>>
      tpu.wait_indirect_dma semaphore(%arg14 : memref<!tpu.dma_semaphore, #tpu.memory_space<semaphore_mem>>) src(%dma_wait3A_677 : memref<10240x128xf32, #tpu.memory_space<hbm>>) dst(%arg12 : memref<128x128xf32, #tpu.memory_space<vmem>>)
      %dma_start3A_678 = arith.constant 384 : i32
      %dma_start3A_679 = tpu.memref_slice %arg10[%dma_start3A_678] : memref<1024xi32, #tpu.memory_space<vmem>> -> memref<128xi32, #tpu.memory_space<vmem>>
      %dma_start3A_680 = arith.constant 0 : i32
      %dma_start3A_681 = arith.constant 0 : i32
      %dma_start3A_682 = tpu.memref_slice %arg17[%dma_start3A_680, %dma_start3A_681] : memref<10240x128xf32, #tpu.memory_space<vmem_shared>> -> memref<10240x128xf32, #tpu.memory_space<vmem_shared>>
      tpu.enqueue_indirect_dma source(%arg12 : memref<128x128xf32, #tpu.memory_space<vmem>>) target(%dma_start3A_682 : memref<10240x128xf32, #tpu.memory_space<vmem_shared>>) offsets(%dma_start3A_679 : memref<128xi32, #tpu.memory_space<vmem>>) semaphore(%arg16 : memref<!tpu.dma_semaphore, #tpu.memory_space<semaphore_mem>>) {add = true}
      %add3A_683 = arith.constant 12 : i32
      %add3A_684 = arith.addi %add3A_362, %add3A_683 : i32
      %dma_wait3A_685 = arith.constant 384 : i32
      %dma_wait3A_686 = tpu.memref_slice %arg10[%dma_wait3A_685] : memref<1024xi32, #tpu.memory_space<vmem>> -> memref<128xi32, #tpu.memory_space<vmem>>
      %dma_wait3A_687 = arith.constant 0 : i32
      %dma_wait3A_688 = arith.constant 0 : i32
      %dma_wait3A_689 = tpu.memref_slice %arg17[%dma_wait3A_687, %dma_wait3A_688] : memref<10240x128xf32, #tpu.memory_space<vmem_shared>> -> memref<10240x128xf32, #tpu.memory_space<vmem_shared>>
      tpu.wait_indirect_dma semaphore(%arg16 : memref<!tpu.dma_semaphore, #tpu.memory_space<semaphore_mem>>) src(%arg12 : memref<128x128xf32, #tpu.memory_space<vmem>>) dst(%dma_wait3A_689 : memref<10240x128xf32, #tpu.memory_space<vmem_shared>>)
      %dma_start3A_690 = arith.constant 640 : i32
      %dma_start3A_691 = tpu.memref_slice %arg8[%dma_start3A_690] : memref<1024xi32, #tpu.memory_space<vmem>> -> memref<128xi32, #tpu.memory_space<vmem>>
      %dma_start3A_692 = arith.constant 0 : i32
      %dma_start3A_693 = arith.constant 0 : i32
      %dma_start3A_694 = tpu.memref_slice %arg2[%dma_start3A_692, %dma_start3A_693] : memref<10240x128xf32, #tpu.memory_space<hbm>> -> memref<10240x128xf32, #tpu.memory_space<hbm>>
      tpu.enqueue_indirect_dma source(%dma_start3A_694 : memref<10240x128xf32, #tpu.memory_space<hbm>>) target(%arg12 : memref<128x128xf32, #tpu.memory_space<vmem>>) offsets(%dma_start3A_691 : memref<128xi32, #tpu.memory_space<vmem>>) semaphore(%arg14 : memref<!tpu.dma_semaphore, #tpu.memory_space<semaphore_mem>>)
      %dma_wait3A_695 = arith.constant 512 : i32
      %dma_wait3A_696 = tpu.memref_slice %arg8[%dma_wait3A_695] : memref<1024xi32, #tpu.memory_space<vmem>> -> memref<128xi32, #tpu.memory_space<vmem>>
      %dma_wait3A_697 = arith.constant 0 : i32
      %dma_wait3A_698 = arith.constant 0 : i32
      %dma_wait3A_699 = tpu.memref_slice %arg2[%dma_wait3A_697, %dma_wait3A_698] : memref<10240x128xf32, #tpu.memory_space<hbm>> -> memref<10240x128xf32, #tpu.memory_space<hbm>>
      tpu.wait_indirect_dma semaphore(%arg13 : memref<!tpu.dma_semaphore, #tpu.memory_space<semaphore_mem>>) src(%dma_wait3A_699 : memref<10240x128xf32, #tpu.memory_space<hbm>>) dst(%arg11 : memref<128x128xf32, #tpu.memory_space<vmem>>)
      %dma_start3A_700 = arith.constant 512 : i32
      %dma_start3A_701 = tpu.memref_slice %arg10[%dma_start3A_700] : memref<1024xi32, #tpu.memory_space<vmem>> -> memref<128xi32, #tpu.memory_space<vmem>>
      %dma_start3A_702 = arith.constant 0 : i32
      %dma_start3A_703 = arith.constant 0 : i32
      %dma_start3A_704 = tpu.memref_slice %arg17[%dma_start3A_702, %dma_start3A_703] : memref<10240x128xf32, #tpu.memory_space<vmem_shared>> -> memref<10240x128xf32, #tpu.memory_space<vmem_shared>>
      tpu.enqueue_indirect_dma source(%arg11 : memref<128x128xf32, #tpu.memory_space<vmem>>) target(%dma_start3A_704 : memref<10240x128xf32, #tpu.memory_space<vmem_shared>>) offsets(%dma_start3A_701 : memref<128xi32, #tpu.memory_space<vmem>>) semaphore(%arg15 : memref<!tpu.dma_semaphore, #tpu.memory_space<semaphore_mem>>) {add = true}
      %add3A_705 = arith.constant 13 : i32
      %add3A_706 = arith.addi %add3A_362, %add3A_705 : i32
      %dma_wait3A_707 = arith.constant 512 : i32
      %dma_wait3A_708 = tpu.memref_slice %arg10[%dma_wait3A_707] : memref<1024xi32, #tpu.memory_space<vmem>> -> memref<128xi32, #tpu.memory_space<vmem>>
      %dma_wait3A_709 = arith.constant 0 : i32
      %dma_wait3A_710 = arith.constant 0 : i32
      %dma_wait3A_711 = tpu.memref_slice %arg17[%dma_wait3A_709, %dma_wait3A_710] : memref<10240x128xf32, #tpu.memory_space<vmem_shared>> -> memref<10240x128xf32, #tpu.memory_space<vmem_shared>>
      tpu.wait_indirect_dma semaphore(%arg15 : memref<!tpu.dma_semaphore, #tpu.memory_space<semaphore_mem>>) src(%arg11 : memref<128x128xf32, #tpu.memory_space<vmem>>) dst(%dma_wait3A_711 : memref<10240x128xf32, #tpu.memory_space<vmem_shared>>)
      %dma_start3A_712 = arith.constant 768 : i32
      %dma_start3A_713 = tpu.memref_slice %arg8[%dma_start3A_712] : memref<1024xi32, #tpu.memory_space<vmem>> -> memref<128xi32, #tpu.memory_space<vmem>>
      %dma_start3A_714 = arith.constant 0 : i32
      %dma_start3A_715 = arith.constant 0 : i32
      %dma_start3A_716 = tpu.memref_slice %arg2[%dma_start3A_714, %dma_start3A_715] : memref<10240x128xf32, #tpu.memory_space<hbm>> -> memref<10240x128xf32, #tpu.memory_space<hbm>>
      tpu.enqueue_indirect_dma source(%dma_start3A_716 : memref<10240x128xf32, #tpu.memory_space<hbm>>) target(%arg11 : memref<128x128xf32, #tpu.memory_space<vmem>>) offsets(%dma_start3A_713 : memref<128xi32, #tpu.memory_space<vmem>>) semaphore(%arg13 : memref<!tpu.dma_semaphore, #tpu.memory_space<semaphore_mem>>)
      %dma_wait3A_717 = arith.constant 640 : i32
      %dma_wait3A_718 = tpu.memref_slice %arg8[%dma_wait3A_717] : memref<1024xi32, #tpu.memory_space<vmem>> -> memref<128xi32, #tpu.memory_space<vmem>>
      %dma_wait3A_719 = arith.constant 0 : i32
      %dma_wait3A_720 = arith.constant 0 : i32
      %dma_wait3A_721 = tpu.memref_slice %arg2[%dma_wait3A_719, %dma_wait3A_720] : memref<10240x128xf32, #tpu.memory_space<hbm>> -> memref<10240x128xf32, #tpu.memory_space<hbm>>
      tpu.wait_indirect_dma semaphore(%arg14 : memref<!tpu.dma_semaphore, #tpu.memory_space<semaphore_mem>>) src(%dma_wait3A_721 : memref<10240x128xf32, #tpu.memory_space<hbm>>) dst(%arg12 : memref<128x128xf32, #tpu.memory_space<vmem>>)
      %dma_start3A_722 = arith.constant 640 : i32
      %dma_start3A_723 = tpu.memref_slice %arg10[%dma_start3A_722] : memref<1024xi32, #tpu.memory_space<vmem>> -> memref<128xi32, #tpu.memory_space<vmem>>
      %dma_start3A_724 = arith.constant 0 : i32
      %dma_start3A_725 = arith.constant 0 : i32
      %dma_start3A_726 = tpu.memref_slice %arg17[%dma_start3A_724, %dma_start3A_725] : memref<10240x128xf32, #tpu.memory_space<vmem_shared>> -> memref<10240x128xf32, #tpu.memory_space<vmem_shared>>
      tpu.enqueue_indirect_dma source(%arg12 : memref<128x128xf32, #tpu.memory_space<vmem>>) target(%dma_start3A_726 : memref<10240x128xf32, #tpu.memory_space<vmem_shared>>) offsets(%dma_start3A_723 : memref<128xi32, #tpu.memory_space<vmem>>) semaphore(%arg16 : memref<!tpu.dma_semaphore, #tpu.memory_space<semaphore_mem>>) {add = true}
      %add3A_727 = arith.constant 14 : i32
      %add3A_728 = arith.addi %add3A_362, %add3A_727 : i32
      %dma_wait3A_729 = arith.constant 640 : i32
      %dma_wait3A_730 = tpu.memref_slice %arg10[%dma_wait3A_729] : memref<1024xi32, #tpu.memory_space<vmem>> -> memref<128xi32, #tpu.memory_space<vmem>>
      %dma_wait3A_731 = arith.constant 0 : i32
      %dma_wait3A_732 = arith.constant 0 : i32
      %dma_wait3A_733 = tpu.memref_slice %arg17[%dma_wait3A_731, %dma_wait3A_732] : memref<10240x128xf32, #tpu.memory_space<vmem_shared>> -> memref<10240x128xf32, #tpu.memory_space<vmem_shared>>
      tpu.wait_indirect_dma semaphore(%arg16 : memref<!tpu.dma_semaphore, #tpu.memory_space<semaphore_mem>>) src(%arg12 : memref<128x128xf32, #tpu.memory_space<vmem>>) dst(%dma_wait3A_733 : memref<10240x128xf32, #tpu.memory_space<vmem_shared>>)
      %dma_start3A_734 = arith.constant 896 : i32
      %dma_start3A_735 = tpu.memref_slice %arg8[%dma_start3A_734] : memref<1024xi32, #tpu.memory_space<vmem>> -> memref<128xi32, #tpu.memory_space<vmem>>
      %dma_start3A_736 = arith.constant 0 : i32
      %dma_start3A_737 = arith.constant 0 : i32
      %dma_start3A_738 = tpu.memref_slice %arg2[%dma_start3A_736, %dma_start3A_737] : memref<10240x128xf32, #tpu.memory_space<hbm>> -> memref<10240x128xf32, #tpu.memory_space<hbm>>
      tpu.enqueue_indirect_dma source(%dma_start3A_738 : memref<10240x128xf32, #tpu.memory_space<hbm>>) target(%arg12 : memref<128x128xf32, #tpu.memory_space<vmem>>) offsets(%dma_start3A_735 : memref<128xi32, #tpu.memory_space<vmem>>) semaphore(%arg14 : memref<!tpu.dma_semaphore, #tpu.memory_space<semaphore_mem>>)
      %dma_wait3A_739 = arith.constant 768 : i32
      %dma_wait3A_740 = tpu.memref_slice %arg8[%dma_wait3A_739] : memref<1024xi32, #tpu.memory_space<vmem>> -> memref<128xi32, #tpu.memory_space<vmem>>
      %dma_wait3A_741 = arith.constant 0 : i32
      %dma_wait3A_742 = arith.constant 0 : i32
      %dma_wait3A_743 = tpu.memref_slice %arg2[%dma_wait3A_741, %dma_wait3A_742] : memref<10240x128xf32, #tpu.memory_space<hbm>> -> memref<10240x128xf32, #tpu.memory_space<hbm>>
      tpu.wait_indirect_dma semaphore(%arg13 : memref<!tpu.dma_semaphore, #tpu.memory_space<semaphore_mem>>) src(%dma_wait3A_743 : memref<10240x128xf32, #tpu.memory_space<hbm>>) dst(%arg11 : memref<128x128xf32, #tpu.memory_space<vmem>>)
      %dma_start3A_744 = arith.constant 768 : i32
      %dma_start3A_745 = tpu.memref_slice %arg10[%dma_start3A_744] : memref<1024xi32, #tpu.memory_space<vmem>> -> memref<128xi32, #tpu.memory_space<vmem>>
      %dma_start3A_746 = arith.constant 0 : i32
      %dma_start3A_747 = arith.constant 0 : i32
      %dma_start3A_748 = tpu.memref_slice %arg17[%dma_start3A_746, %dma_start3A_747] : memref<10240x128xf32, #tpu.memory_space<vmem_shared>> -> memref<10240x128xf32, #tpu.memory_space<vmem_shared>>
      tpu.enqueue_indirect_dma source(%arg11 : memref<128x128xf32, #tpu.memory_space<vmem>>) target(%dma_start3A_748 : memref<10240x128xf32, #tpu.memory_space<vmem_shared>>) offsets(%dma_start3A_745 : memref<128xi32, #tpu.memory_space<vmem>>) semaphore(%arg15 : memref<!tpu.dma_semaphore, #tpu.memory_space<semaphore_mem>>) {add = true}
      %add3A_749 = arith.constant 15 : i32
      %add3A_750 = arith.addi %add3A_362, %add3A_749 : i32
      %dma_wait3A_751 = arith.constant 768 : i32
      %dma_wait3A_752 = tpu.memref_slice %arg10[%dma_wait3A_751] : memref<1024xi32, #tpu.memory_space<vmem>> -> memref<128xi32, #tpu.memory_space<vmem>>
      %dma_wait3A_753 = arith.constant 0 : i32
      %dma_wait3A_754 = arith.constant 0 : i32
      %dma_wait3A_755 = tpu.memref_slice %arg17[%dma_wait3A_753, %dma_wait3A_754] : memref<10240x128xf32, #tpu.memory_space<vmem_shared>> -> memref<10240x128xf32, #tpu.memory_space<vmem_shared>>
      tpu.wait_indirect_dma semaphore(%arg15 : memref<!tpu.dma_semaphore, #tpu.memory_space<semaphore_mem>>) src(%arg11 : memref<128x128xf32, #tpu.memory_space<vmem>>) dst(%dma_wait3A_755 : memref<10240x128xf32, #tpu.memory_space<vmem_shared>>)
      %dma_start3A_756 = arith.constant 0 : i32
      %dma_start3A_757 = tpu.memref_slice %arg7[%dma_start3A_756] : memref<1024xi32, #tpu.memory_space<vmem>> -> memref<128xi32, #tpu.memory_space<vmem>>
      %dma_start3A_758 = arith.constant 0 : i32
      %dma_start3A_759 = arith.constant 0 : i32
      %dma_start3A_760 = tpu.memref_slice %arg2[%dma_start3A_758, %dma_start3A_759] : memref<10240x128xf32, #tpu.memory_space<hbm>> -> memref<10240x128xf32, #tpu.memory_space<hbm>>
      tpu.enqueue_indirect_dma source(%dma_start3A_760 : memref<10240x128xf32, #tpu.memory_space<hbm>>) target(%arg11 : memref<128x128xf32, #tpu.memory_space<vmem>>) offsets(%dma_start3A_757 : memref<128xi32, #tpu.memory_space<vmem>>) semaphore(%arg13 : memref<!tpu.dma_semaphore, #tpu.memory_space<semaphore_mem>>)
      %dma_wait3A_761 = arith.constant 896 : i32
      %dma_wait3A_762 = tpu.memref_slice %arg8[%dma_wait3A_761] : memref<1024xi32, #tpu.memory_space<vmem>> -> memref<128xi32, #tpu.memory_space<vmem>>
      %dma_wait3A_763 = arith.constant 0 : i32
      %dma_wait3A_764 = arith.constant 0 : i32
      %dma_wait3A_765 = tpu.memref_slice %arg2[%dma_wait3A_763, %dma_wait3A_764] : memref<10240x128xf32, #tpu.memory_space<hbm>> -> memref<10240x128xf32, #tpu.memory_space<hbm>>
      tpu.wait_indirect_dma semaphore(%arg14 : memref<!tpu.dma_semaphore, #tpu.memory_space<semaphore_mem>>) src(%dma_wait3A_765 : memref<10240x128xf32, #tpu.memory_space<hbm>>) dst(%arg12 : memref<128x128xf32, #tpu.memory_space<vmem>>)
      %dma_start3A_766 = arith.constant 896 : i32
      %dma_start3A_767 = tpu.memref_slice %arg10[%dma_start3A_766] : memref<1024xi32, #tpu.memory_space<vmem>> -> memref<128xi32, #tpu.memory_space<vmem>>
      %dma_start3A_768 = arith.constant 0 : i32
      %dma_start3A_769 = arith.constant 0 : i32
      %dma_start3A_770 = tpu.memref_slice %arg17[%dma_start3A_768, %dma_start3A_769] : memref<10240x128xf32, #tpu.memory_space<vmem_shared>> -> memref<10240x128xf32, #tpu.memory_space<vmem_shared>>
      tpu.enqueue_indirect_dma source(%arg12 : memref<128x128xf32, #tpu.memory_space<vmem>>) target(%dma_start3A_770 : memref<10240x128xf32, #tpu.memory_space<vmem_shared>>) offsets(%dma_start3A_767 : memref<128xi32, #tpu.memory_space<vmem>>) semaphore(%arg16 : memref<!tpu.dma_semaphore, #tpu.memory_space<semaphore_mem>>) {add = true}
    }
    %scan3A_346 = arith.constant 4 : i32
    %dma_wait3A_347 = arith.constant 896 : i32
    %dma_wait3A_348 = tpu.memref_slice %arg10[%dma_wait3A_347] : memref<1024xi32, #tpu.memory_space<vmem>> -> memref<128xi32, #tpu.memory_space<vmem>>
    %dma_wait3A_349 = arith.constant 0 : i32
    %dma_wait3A_350 = arith.constant 0 : i32
    %dma_wait3A_351 = tpu.memref_slice %arg17[%dma_wait3A_349, %dma_wait3A_350] : memref<10240x128xf32, #tpu.memory_space<vmem_shared>> -> memref<10240x128xf32, #tpu.memory_space<vmem_shared>>
    tpu.wait_indirect_dma semaphore(%arg16 : memref<!tpu.dma_semaphore, #tpu.memory_space<semaphore_mem>>) src(%arg12 : memref<128x128xf32, #tpu.memory_space<vmem>>) dst(%dma_wait3A_351 : memref<10240x128xf32, #tpu.memory_space<vmem_shared>>)
    %dma_wait3A_352 = arith.constant 0 : i32
    %dma_wait3A_353 = tpu.memref_slice %arg7[%dma_wait3A_352] : memref<1024xi32, #tpu.memory_space<vmem>> -> memref<128xi32, #tpu.memory_space<vmem>>
    %dma_wait3A_354 = arith.constant 0 : i32
    %dma_wait3A_355 = arith.constant 0 : i32
    %dma_wait3A_356 = tpu.memref_slice %arg2[%dma_wait3A_354, %dma_wait3A_355] : memref<10240x128xf32, #tpu.memory_space<hbm>> -> memref<10240x128xf32, #tpu.memory_space<hbm>>
    tpu.wait_indirect_dma semaphore(%arg13 : memref<!tpu.dma_semaphore, #tpu.memory_space<semaphore_mem>>) src(%dma_wait3A_356 : memref<10240x128xf32, #tpu.memory_space<hbm>>) dst(%arg11 : memref<128x128xf32, #tpu.memory_space<vmem>>)
    %barrier3A_357 = arith.constant 0 : index
    tpu.barrier barrier_id(%barrier3A_357)
    "tpu.region"() ({
      %run_scoped3A = tpu.sem_alloc : memref<!tpu.dma_semaphore, #tpu.memory_space<semaphore_mem>>
      %dma_start3A_358 = arith.constant 0 : i32
      %dma_start3A_359 = tpu.memref_slice %arg6[%arg0, %mul3A_0, %dma_start3A_358] : memref<2x10240x128xf32, #tpu.memory_space<hbm>> -> memref<1x640x128xf32, #tpu.memory_space<hbm>>
      %dma_start3A_360 = tpu.memref_squeeze %dma_start3A_359 : memref<1x640x128xf32, #tpu.memory_space<hbm>> -> memref<640x128xf32, #tpu.memory_space<hbm>>
      %dma_start3A_361 = arith.constant 0 : i32
      %dma_start3A_362 = tpu.memref_slice %arg17[%mul3A_0, %dma_start3A_361] : memref<10240x128xf32, #tpu.memory_space<vmem_shared>> -> memref<640x128xf32, #tpu.memory_space<vmem_shared>>
      tpu.enqueue_dma source(%dma_start3A_362 : memref<640x128xf32, #tpu.memory_space<vmem_shared>>) target(%dma_start3A_360 : memref<640x128xf32, #tpu.memory_space<hbm>>) target_semaphore(%run_scoped3A : memref<!tpu.dma_semaphore, #tpu.memory_space<semaphore_mem>>)
      %dma_wait3A_363 = arith.constant 0 : i32
      %dma_wait3A_364 = tpu.memref_slice %arg6[%arg0, %mul3A_0, %dma_wait3A_363] : memref<2x10240x128xf32, #tpu.memory_space<hbm>> -> memref<1x640x128xf32, #tpu.memory_space<hbm>>
      %dma_wait3A_365 = tpu.memref_squeeze %dma_wait3A_364 : memref<1x640x128xf32, #tpu.memory_space<hbm>> -> memref<640x128xf32, #tpu.memory_space<hbm>>
      %dma_wait3A_366 = arith.constant 0 : i32
      %dma_wait3A_367 = tpu.memref_slice %arg17[%mul3A_0, %dma_wait3A_366] : memref<10240x128xf32, #tpu.memory_space<vmem_shared>> -> memref<640x128xf32, #tpu.memory_space<vmem_shared>>
      tpu.wait_dma2 semaphore(%run_scoped3A : memref<!tpu.dma_semaphore, #tpu.memory_space<semaphore_mem>>) src(%dma_wait3A_367 : memref<640x128xf32, #tpu.memory_space<vmem_shared>>) dst(%dma_wait3A_365 : memref<640x128xf32, #tpu.memory_space<hbm>>)
      tpu.yield
    }) : () -> ()
    return
  }
}

#map = affine_map<(d0, d1) -> (0, 0)>
#map1 = affine_map<(d0, d1) -> (0)>
#map2 = affine_map<(d0, d1) -> (0, 0, 0)>
module attributes {stable_mosaic.version = 14 : i64} {
  func.func @_sc_agg2(%arg0: i32, %arg1: i32, %arg2: memref<20480x128xf32, #tpu.memory_space<hbm>>, %arg3: memref<656384xi32, #tpu.memory_space<hbm>>, %arg4: memref<328704xi32, #tpu.memory_space<hbm>>, %arg5: memref<2x10240x128xf32, #tpu.memory_space<hbm>>, %arg6: memref<1024xi32, #tpu.memory_space<vmem>>, %arg7: memref<1024xi32, #tpu.memory_space<vmem>>, %arg8: memref<1024xi32, #tpu.memory_space<vmem>>, %arg9: memref<1024xi32, #tpu.memory_space<vmem>>, %arg10: memref<128x128xf32, #tpu.memory_space<vmem>>, %arg11: memref<128x128xf32, #tpu.memory_space<vmem>>, %arg12: memref<!tpu.dma_semaphore, #tpu.memory_space<semaphore_mem>>, %arg13: memref<!tpu.dma_semaphore, #tpu.memory_space<semaphore_mem>>, %arg14: memref<!tpu.dma_semaphore, #tpu.memory_space<semaphore_mem>>, %arg15: memref<!tpu.dma_semaphore, #tpu.memory_space<semaphore_mem>>, %arg16: memref<10240x128xf32, #tpu.memory_space<vmem_shared>>) attributes {dimension_semantics = [#tpu.dimension_semantics<core_parallel>, #tpu.dimension_semantics<subcore_parallel>], iteration_bounds = array<i64: 2, 16>, scalar_prefetch = 0 : i64, scratch_operands = 11 : i64, tpu.core_type = #tpu.core_type<sc_vector_subcore>, window_params = [{transform_indices = #map}, {transform_indices = #map1}, {transform_indices = #map1}, {transform_indices = #map2}]} {
    %mul3A = arith.constant 640 : i32
    %mul3A_0 = arith.muli %arg1, %mul3A : i32
    %mul3A_1 = arith.constant 10240 : i32
    %mul3A_2 = arith.muli %arg0, %mul3A_1 : i32
    %add3A = arith.addi %mul3A_2, %mul3A_0 : i32
    "tpu.region"() ({
      %run_scoped3A = tpu.sem_alloc : memref<!tpu.dma_semaphore, #tpu.memory_space<semaphore_mem>>
      %dma_start3A_356 = arith.constant 0 : i32
      %dma_start3A_357 = tpu.memref_slice %arg16[%mul3A_0, %dma_start3A_356] : memref<10240x128xf32, #tpu.memory_space<vmem_shared>> -> memref<640x128xf32, #tpu.memory_space<vmem_shared>>
      %dma_start3A_358 = arith.constant 0 : i32
      %dma_start3A_359 = tpu.memref_slice %arg2[%add3A, %dma_start3A_358] : memref<20480x128xf32, #tpu.memory_space<hbm>> -> memref<640x128xf32, #tpu.memory_space<hbm>>
      tpu.enqueue_dma source(%dma_start3A_359 : memref<640x128xf32, #tpu.memory_space<hbm>>) target(%dma_start3A_357 : memref<640x128xf32, #tpu.memory_space<vmem_shared>>) target_semaphore(%run_scoped3A : memref<!tpu.dma_semaphore, #tpu.memory_space<semaphore_mem>>)
      %dma_wait3A_360 = arith.constant 0 : i32
      %dma_wait3A_361 = tpu.memref_slice %arg16[%mul3A_0, %dma_wait3A_360] : memref<10240x128xf32, #tpu.memory_space<vmem_shared>> -> memref<640x128xf32, #tpu.memory_space<vmem_shared>>
      %dma_wait3A_362 = arith.constant 0 : i32
      %dma_wait3A_363 = tpu.memref_slice %arg2[%add3A, %dma_wait3A_362] : memref<20480x128xf32, #tpu.memory_space<hbm>> -> memref<640x128xf32, #tpu.memory_space<hbm>>
      tpu.wait_dma2 semaphore(%run_scoped3A : memref<!tpu.dma_semaphore, #tpu.memory_space<semaphore_mem>>) src(%dma_wait3A_363 : memref<640x128xf32, #tpu.memory_space<hbm>>) dst(%dma_wait3A_361 : memref<640x128xf32, #tpu.memory_space<vmem_shared>>)
      tpu.yield
    }) : () -> ()
    %barrier3A = arith.constant 0 : index
    tpu.barrier barrier_id(%barrier3A)
    %mul3A_3 = arith.constant 327680 : i32
    %mul3A_4 = arith.muli %arg0, %mul3A_3 : i32
    %mul3A_5 = arith.constant 20480 : i32
    %mul3A_6 = arith.muli %arg1, %mul3A_5 : i32
    %add3A_7 = arith.addi %mul3A_4, %mul3A_6 : i32
    %mul3A_8 = arith.constant 20480 : i32
    %mul3A_9 = arith.muli %arg1, %mul3A_8 : i32
    %add3A_10 = arith.constant 0 : i32
    %add3A_11 = arith.addi %add3A_7, %add3A_10 : i32
    "tpu.region"() ({
      %run_scoped3A = tpu.sem_alloc : memref<!tpu.dma_semaphore, #tpu.memory_space<semaphore_mem>>
      %dma_start3A_356 = tpu.memref_slice %arg3[%add3A_11] : memref<656384xi32, #tpu.memory_space<hbm>> -> memref<1024xi32, #tpu.memory_space<hbm>>
      %dma_start3A_357 = tpu.memref_slice %arg3[%add3A_11] : memref<656384xi32, #tpu.memory_space<hbm>> -> memref<1024xi32, #tpu.memory_space<hbm>>
      tpu.enqueue_dma source(%dma_start3A_357 : memref<1024xi32, #tpu.memory_space<hbm>>) target(%arg6 : memref<1024xi32, #tpu.memory_space<vmem>>) target_semaphore(%run_scoped3A : memref<!tpu.dma_semaphore, #tpu.memory_space<semaphore_mem>>)
      %dma_wait3A_358 = tpu.memref_slice %arg3[%add3A_11] : memref<656384xi32, #tpu.memory_space<hbm>> -> memref<1024xi32, #tpu.memory_space<hbm>>
      %dma_wait3A_359 = tpu.memref_slice %arg3[%add3A_11] : memref<656384xi32, #tpu.memory_space<hbm>> -> memref<1024xi32, #tpu.memory_space<hbm>>
      tpu.wait_dma2 semaphore(%run_scoped3A : memref<!tpu.dma_semaphore, #tpu.memory_space<semaphore_mem>>) src(%dma_wait3A_359 : memref<1024xi32, #tpu.memory_space<hbm>>) dst(%arg6 : memref<1024xi32, #tpu.memory_space<vmem>>)
      tpu.yield
    }) : () -> ()
    %add3A_12 = arith.constant 0 : i32
    %add3A_13 = arith.addi %mul3A_9, %add3A_12 : i32
    "tpu.region"() ({
      %run_scoped3A = tpu.sem_alloc : memref<!tpu.dma_semaphore, #tpu.memory_space<semaphore_mem>>
      %dma_start3A_356 = tpu.memref_slice %arg4[%add3A_13] : memref<328704xi32, #tpu.memory_space<hbm>> -> memref<1024xi32, #tpu.memory_space<hbm>>
      %dma_start3A_357 = tpu.memref_slice %arg4[%add3A_13] : memref<328704xi32, #tpu.memory_space<hbm>> -> memref<1024xi32, #tpu.memory_space<hbm>>
      tpu.enqueue_dma source(%dma_start3A_357 : memref<1024xi32, #tpu.memory_space<hbm>>) target(%arg8 : memref<1024xi32, #tpu.memory_space<vmem>>) target_semaphore(%run_scoped3A : memref<!tpu.dma_semaphore, #tpu.memory_space<semaphore_mem>>)
      %dma_wait3A_358 = tpu.memref_slice %arg4[%add3A_13] : memref<328704xi32, #tpu.memory_space<hbm>> -> memref<1024xi32, #tpu.memory_space<hbm>>
      %dma_wait3A_359 = tpu.memref_slice %arg4[%add3A_13] : memref<328704xi32, #tpu.memory_space<hbm>> -> memref<1024xi32, #tpu.memory_space<hbm>>
      tpu.wait_dma2 semaphore(%run_scoped3A : memref<!tpu.dma_semaphore, #tpu.memory_space<semaphore_mem>>) src(%dma_wait3A_359 : memref<1024xi32, #tpu.memory_space<hbm>>) dst(%arg8 : memref<1024xi32, #tpu.memory_space<vmem>>)
      tpu.yield
    }) : () -> ()
    %dma_start3A = arith.constant 0 : i32
    %dma_start3A_14 = tpu.memref_slice %arg6[%dma_start3A] : memref<1024xi32, #tpu.memory_space<vmem>> -> memref<128xi32, #tpu.memory_space<vmem>>
    %dma_start3A_15 = arith.constant 0 : i32
    %dma_start3A_16 = arith.constant 0 : i32
    %dma_start3A_17 = tpu.memref_slice %arg2[%dma_start3A_15, %dma_start3A_16] : memref<20480x128xf32, #tpu.memory_space<hbm>> -> memref<20480x128xf32, #tpu.memory_space<hbm>>
    tpu.enqueue_indirect_dma source(%dma_start3A_17 : memref<20480x128xf32, #tpu.memory_space<hbm>>) target(%arg10 : memref<128x128xf32, #tpu.memory_space<vmem>>) offsets(%dma_start3A_14 : memref<128xi32, #tpu.memory_space<vmem>>) semaphore(%arg12 : memref<!tpu.dma_semaphore, #tpu.memory_space<semaphore_mem>>)
    %add3A_18 = arith.constant 1024 : i32
    %add3A_19 = arith.addi %add3A_7, %add3A_18 : i32
    "tpu.region"() ({
      %run_scoped3A = tpu.sem_alloc : memref<!tpu.dma_semaphore, #tpu.memory_space<semaphore_mem>>
      %dma_start3A_356 = tpu.memref_slice %arg3[%add3A_19] : memref<656384xi32, #tpu.memory_space<hbm>> -> memref<1024xi32, #tpu.memory_space<hbm>>
      %dma_start3A_357 = tpu.memref_slice %arg3[%add3A_19] : memref<656384xi32, #tpu.memory_space<hbm>> -> memref<1024xi32, #tpu.memory_space<hbm>>
      tpu.enqueue_dma source(%dma_start3A_357 : memref<1024xi32, #tpu.memory_space<hbm>>) target(%arg7 : memref<1024xi32, #tpu.memory_space<vmem>>) target_semaphore(%run_scoped3A : memref<!tpu.dma_semaphore, #tpu.memory_space<semaphore_mem>>)
      %dma_wait3A_358 = tpu.memref_slice %arg3[%add3A_19] : memref<656384xi32, #tpu.memory_space<hbm>> -> memref<1024xi32, #tpu.memory_space<hbm>>
      %dma_wait3A_359 = tpu.memref_slice %arg3[%add3A_19] : memref<656384xi32, #tpu.memory_space<hbm>> -> memref<1024xi32, #tpu.memory_space<hbm>>
      tpu.wait_dma2 semaphore(%run_scoped3A : memref<!tpu.dma_semaphore, #tpu.memory_space<semaphore_mem>>) src(%dma_wait3A_359 : memref<1024xi32, #tpu.memory_space<hbm>>) dst(%arg7 : memref<1024xi32, #tpu.memory_space<vmem>>)
      tpu.yield
    }) : () -> ()
    %add3A_20 = arith.constant 1024 : i32
    %add3A_21 = arith.addi %mul3A_9, %add3A_20 : i32
    "tpu.region"() ({
      %run_scoped3A = tpu.sem_alloc : memref<!tpu.dma_semaphore, #tpu.memory_space<semaphore_mem>>
      %dma_start3A_356 = tpu.memref_slice %arg4[%add3A_21] : memref<328704xi32, #tpu.memory_space<hbm>> -> memref<1024xi32, #tpu.memory_space<hbm>>
      %dma_start3A_357 = tpu.memref_slice %arg4[%add3A_21] : memref<328704xi32, #tpu.memory_space<hbm>> -> memref<1024xi32, #tpu.memory_space<hbm>>
      tpu.enqueue_dma source(%dma_start3A_357 : memref<1024xi32, #tpu.memory_space<hbm>>) target(%arg9 : memref<1024xi32, #tpu.memory_space<vmem>>) target_semaphore(%run_scoped3A : memref<!tpu.dma_semaphore, #tpu.memory_space<semaphore_mem>>)
      %dma_wait3A_358 = tpu.memref_slice %arg4[%add3A_21] : memref<328704xi32, #tpu.memory_space<hbm>> -> memref<1024xi32, #tpu.memory_space<hbm>>
      %dma_wait3A_359 = tpu.memref_slice %arg4[%add3A_21] : memref<328704xi32, #tpu.memory_space<hbm>> -> memref<1024xi32, #tpu.memory_space<hbm>>
      tpu.wait_dma2 semaphore(%run_scoped3A : memref<!tpu.dma_semaphore, #tpu.memory_space<semaphore_mem>>) src(%dma_wait3A_359 : memref<1024xi32, #tpu.memory_space<hbm>>) dst(%arg9 : memref<1024xi32, #tpu.memory_space<vmem>>)
      tpu.yield
    }) : () -> ()
    %dma_start3A_22 = arith.constant 128 : i32
    %dma_start3A_23 = tpu.memref_slice %arg6[%dma_start3A_22] : memref<1024xi32, #tpu.memory_space<vmem>> -> memref<128xi32, #tpu.memory_space<vmem>>
    %dma_start3A_24 = arith.constant 0 : i32
    %dma_start3A_25 = arith.constant 0 : i32
    %dma_start3A_26 = tpu.memref_slice %arg2[%dma_start3A_24, %dma_start3A_25] : memref<20480x128xf32, #tpu.memory_space<hbm>> -> memref<20480x128xf32, #tpu.memory_space<hbm>>
    tpu.enqueue_indirect_dma source(%dma_start3A_26 : memref<20480x128xf32, #tpu.memory_space<hbm>>) target(%arg11 : memref<128x128xf32, #tpu.memory_space<vmem>>) offsets(%dma_start3A_23 : memref<128xi32, #tpu.memory_space<vmem>>) semaphore(%arg13 : memref<!tpu.dma_semaphore, #tpu.memory_space<semaphore_mem>>)
    %dma_wait3A = arith.constant 0 : i32
    %dma_wait3A_27 = tpu.memref_slice %arg6[%dma_wait3A] : memref<1024xi32, #tpu.memory_space<vmem>> -> memref<128xi32, #tpu.memory_space<vmem>>
    %dma_wait3A_28 = arith.constant 0 : i32
    %dma_wait3A_29 = arith.constant 0 : i32
    %dma_wait3A_30 = tpu.memref_slice %arg2[%dma_wait3A_28, %dma_wait3A_29] : memref<20480x128xf32, #tpu.memory_space<hbm>> -> memref<20480x128xf32, #tpu.memory_space<hbm>>
    tpu.wait_indirect_dma semaphore(%arg12 : memref<!tpu.dma_semaphore, #tpu.memory_space<semaphore_mem>>) src(%dma_wait3A_30 : memref<20480x128xf32, #tpu.memory_space<hbm>>) dst(%arg10 : memref<128x128xf32, #tpu.memory_space<vmem>>)
    %dma_start3A_31 = arith.constant 0 : i32
    %dma_start3A_32 = tpu.memref_slice %arg8[%dma_start3A_31] : memref<1024xi32, #tpu.memory_space<vmem>> -> memref<128xi32, #tpu.memory_space<vmem>>
    %dma_start3A_33 = arith.constant 0 : i32
    %dma_start3A_34 = arith.constant 0 : i32
    %dma_start3A_35 = tpu.memref_slice %arg16[%dma_start3A_33, %dma_start3A_34] : memref<10240x128xf32, #tpu.memory_space<vmem_shared>> -> memref<10240x128xf32, #tpu.memory_space<vmem_shared>>
    tpu.enqueue_indirect_dma source(%arg10 : memref<128x128xf32, #tpu.memory_space<vmem>>) target(%dma_start3A_35 : memref<10240x128xf32, #tpu.memory_space<vmem_shared>>) offsets(%dma_start3A_32 : memref<128xi32, #tpu.memory_space<vmem>>) semaphore(%arg14 : memref<!tpu.dma_semaphore, #tpu.memory_space<semaphore_mem>>) {add = true}
    %dma_wait3A_36 = arith.constant 0 : i32
    %dma_wait3A_37 = tpu.memref_slice %arg8[%dma_wait3A_36] : memref<1024xi32, #tpu.memory_space<vmem>> -> memref<128xi32, #tpu.memory_space<vmem>>
    %dma_wait3A_38 = arith.constant 0 : i32
    %dma_wait3A_39 = arith.constant 0 : i32
    %dma_wait3A_40 = tpu.memref_slice %arg16[%dma_wait3A_38, %dma_wait3A_39] : memref<10240x128xf32, #tpu.memory_space<vmem_shared>> -> memref<10240x128xf32, #tpu.memory_space<vmem_shared>>
    tpu.wait_indirect_dma semaphore(%arg14 : memref<!tpu.dma_semaphore, #tpu.memory_space<semaphore_mem>>) src(%arg10 : memref<128x128xf32, #tpu.memory_space<vmem>>) dst(%dma_wait3A_40 : memref<10240x128xf32, #tpu.memory_space<vmem_shared>>)
    %dma_start3A_41 = arith.constant 256 : i32
    %dma_start3A_42 = tpu.memref_slice %arg6[%dma_start3A_41] : memref<1024xi32, #tpu.memory_space<vmem>> -> memref<128xi32, #tpu.memory_space<vmem>>
    %dma_start3A_43 = arith.constant 0 : i32
    %dma_start3A_44 = arith.constant 0 : i32
    %dma_start3A_45 = tpu.memref_slice %arg2[%dma_start3A_43, %dma_start3A_44] : memref<20480x128xf32, #tpu.memory_space<hbm>> -> memref<20480x128xf32, #tpu.memory_space<hbm>>
    tpu.enqueue_indirect_dma source(%dma_start3A_45 : memref<20480x128xf32, #tpu.memory_space<hbm>>) target(%arg10 : memref<128x128xf32, #tpu.memory_space<vmem>>) offsets(%dma_start3A_42 : memref<128xi32, #tpu.memory_space<vmem>>) semaphore(%arg12 : memref<!tpu.dma_semaphore, #tpu.memory_space<semaphore_mem>>)
    %dma_wait3A_46 = arith.constant 128 : i32
    %dma_wait3A_47 = tpu.memref_slice %arg6[%dma_wait3A_46] : memref<1024xi32, #tpu.memory_space<vmem>> -> memref<128xi32, #tpu.memory_space<vmem>>
    %dma_wait3A_48 = arith.constant 0 : i32
    %dma_wait3A_49 = arith.constant 0 : i32
    %dma_wait3A_50 = tpu.memref_slice %arg2[%dma_wait3A_48, %dma_wait3A_49] : memref<20480x128xf32, #tpu.memory_space<hbm>> -> memref<20480x128xf32, #tpu.memory_space<hbm>>
    tpu.wait_indirect_dma semaphore(%arg13 : memref<!tpu.dma_semaphore, #tpu.memory_space<semaphore_mem>>) src(%dma_wait3A_50 : memref<20480x128xf32, #tpu.memory_space<hbm>>) dst(%arg11 : memref<128x128xf32, #tpu.memory_space<vmem>>)
    %dma_start3A_51 = arith.constant 128 : i32
    %dma_start3A_52 = tpu.memref_slice %arg8[%dma_start3A_51] : memref<1024xi32, #tpu.memory_space<vmem>> -> memref<128xi32, #tpu.memory_space<vmem>>
    %dma_start3A_53 = arith.constant 0 : i32
    %dma_start3A_54 = arith.constant 0 : i32
    %dma_start3A_55 = tpu.memref_slice %arg16[%dma_start3A_53, %dma_start3A_54] : memref<10240x128xf32, #tpu.memory_space<vmem_shared>> -> memref<10240x128xf32, #tpu.memory_space<vmem_shared>>
    tpu.enqueue_indirect_dma source(%arg11 : memref<128x128xf32, #tpu.memory_space<vmem>>) target(%dma_start3A_55 : memref<10240x128xf32, #tpu.memory_space<vmem_shared>>) offsets(%dma_start3A_52 : memref<128xi32, #tpu.memory_space<vmem>>) semaphore(%arg15 : memref<!tpu.dma_semaphore, #tpu.memory_space<semaphore_mem>>) {add = true}
    %dma_wait3A_56 = arith.constant 128 : i32
    %dma_wait3A_57 = tpu.memref_slice %arg8[%dma_wait3A_56] : memref<1024xi32, #tpu.memory_space<vmem>> -> memref<128xi32, #tpu.memory_space<vmem>>
    %dma_wait3A_58 = arith.constant 0 : i32
    %dma_wait3A_59 = arith.constant 0 : i32
    %dma_wait3A_60 = tpu.memref_slice %arg16[%dma_wait3A_58, %dma_wait3A_59] : memref<10240x128xf32, #tpu.memory_space<vmem_shared>> -> memref<10240x128xf32, #tpu.memory_space<vmem_shared>>
    tpu.wait_indirect_dma semaphore(%arg15 : memref<!tpu.dma_semaphore, #tpu.memory_space<semaphore_mem>>) src(%arg11 : memref<128x128xf32, #tpu.memory_space<vmem>>) dst(%dma_wait3A_60 : memref<10240x128xf32, #tpu.memory_space<vmem_shared>>)
    %dma_start3A_61 = arith.constant 384 : i32
    %dma_start3A_62 = tpu.memref_slice %arg6[%dma_start3A_61] : memref<1024xi32, #tpu.memory_space<vmem>> -> memref<128xi32, #tpu.memory_space<vmem>>
    %dma_start3A_63 = arith.constant 0 : i32
    %dma_start3A_64 = arith.constant 0 : i32
    %dma_start3A_65 = tpu.memref_slice %arg2[%dma_start3A_63, %dma_start3A_64] : memref<20480x128xf32, #tpu.memory_space<hbm>> -> memref<20480x128xf32, #tpu.memory_space<hbm>>
    tpu.enqueue_indirect_dma source(%dma_start3A_65 : memref<20480x128xf32, #tpu.memory_space<hbm>>) target(%arg11 : memref<128x128xf32, #tpu.memory_space<vmem>>) offsets(%dma_start3A_62 : memref<128xi32, #tpu.memory_space<vmem>>) semaphore(%arg13 : memref<!tpu.dma_semaphore, #tpu.memory_space<semaphore_mem>>)
    %dma_wait3A_66 = arith.constant 256 : i32
    %dma_wait3A_67 = tpu.memref_slice %arg6[%dma_wait3A_66] : memref<1024xi32, #tpu.memory_space<vmem>> -> memref<128xi32, #tpu.memory_space<vmem>>
    %dma_wait3A_68 = arith.constant 0 : i32
    %dma_wait3A_69 = arith.constant 0 : i32
    %dma_wait3A_70 = tpu.memref_slice %arg2[%dma_wait3A_68, %dma_wait3A_69] : memref<20480x128xf32, #tpu.memory_space<hbm>> -> memref<20480x128xf32, #tpu.memory_space<hbm>>
    tpu.wait_indirect_dma semaphore(%arg12 : memref<!tpu.dma_semaphore, #tpu.memory_space<semaphore_mem>>) src(%dma_wait3A_70 : memref<20480x128xf32, #tpu.memory_space<hbm>>) dst(%arg10 : memref<128x128xf32, #tpu.memory_space<vmem>>)
    %dma_start3A_71 = arith.constant 256 : i32
    %dma_start3A_72 = tpu.memref_slice %arg8[%dma_start3A_71] : memref<1024xi32, #tpu.memory_space<vmem>> -> memref<128xi32, #tpu.memory_space<vmem>>
    %dma_start3A_73 = arith.constant 0 : i32
    %dma_start3A_74 = arith.constant 0 : i32
    %dma_start3A_75 = tpu.memref_slice %arg16[%dma_start3A_73, %dma_start3A_74] : memref<10240x128xf32, #tpu.memory_space<vmem_shared>> -> memref<10240x128xf32, #tpu.memory_space<vmem_shared>>
    tpu.enqueue_indirect_dma source(%arg10 : memref<128x128xf32, #tpu.memory_space<vmem>>) target(%dma_start3A_75 : memref<10240x128xf32, #tpu.memory_space<vmem_shared>>) offsets(%dma_start3A_72 : memref<128xi32, #tpu.memory_space<vmem>>) semaphore(%arg14 : memref<!tpu.dma_semaphore, #tpu.memory_space<semaphore_mem>>) {add = true}
    %dma_wait3A_76 = arith.constant 256 : i32
    %dma_wait3A_77 = tpu.memref_slice %arg8[%dma_wait3A_76] : memref<1024xi32, #tpu.memory_space<vmem>> -> memref<128xi32, #tpu.memory_space<vmem>>
    %dma_wait3A_78 = arith.constant 0 : i32
    %dma_wait3A_79 = arith.constant 0 : i32
    %dma_wait3A_80 = tpu.memref_slice %arg16[%dma_wait3A_78, %dma_wait3A_79] : memref<10240x128xf32, #tpu.memory_space<vmem_shared>> -> memref<10240x128xf32, #tpu.memory_space<vmem_shared>>
    tpu.wait_indirect_dma semaphore(%arg14 : memref<!tpu.dma_semaphore, #tpu.memory_space<semaphore_mem>>) src(%arg10 : memref<128x128xf32, #tpu.memory_space<vmem>>) dst(%dma_wait3A_80 : memref<10240x128xf32, #tpu.memory_space<vmem_shared>>)
    %dma_start3A_81 = arith.constant 512 : i32
    %dma_start3A_82 = tpu.memref_slice %arg6[%dma_start3A_81] : memref<1024xi32, #tpu.memory_space<vmem>> -> memref<128xi32, #tpu.memory_space<vmem>>
    %dma_start3A_83 = arith.constant 0 : i32
    %dma_start3A_84 = arith.constant 0 : i32
    %dma_start3A_85 = tpu.memref_slice %arg2[%dma_start3A_83, %dma_start3A_84] : memref<20480x128xf32, #tpu.memory_space<hbm>> -> memref<20480x128xf32, #tpu.memory_space<hbm>>
    tpu.enqueue_indirect_dma source(%dma_start3A_85 : memref<20480x128xf32, #tpu.memory_space<hbm>>) target(%arg10 : memref<128x128xf32, #tpu.memory_space<vmem>>) offsets(%dma_start3A_82 : memref<128xi32, #tpu.memory_space<vmem>>) semaphore(%arg12 : memref<!tpu.dma_semaphore, #tpu.memory_space<semaphore_mem>>)
    %dma_wait3A_86 = arith.constant 384 : i32
    %dma_wait3A_87 = tpu.memref_slice %arg6[%dma_wait3A_86] : memref<1024xi32, #tpu.memory_space<vmem>> -> memref<128xi32, #tpu.memory_space<vmem>>
    %dma_wait3A_88 = arith.constant 0 : i32
    %dma_wait3A_89 = arith.constant 0 : i32
    %dma_wait3A_90 = tpu.memref_slice %arg2[%dma_wait3A_88, %dma_wait3A_89] : memref<20480x128xf32, #tpu.memory_space<hbm>> -> memref<20480x128xf32, #tpu.memory_space<hbm>>
    tpu.wait_indirect_dma semaphore(%arg13 : memref<!tpu.dma_semaphore, #tpu.memory_space<semaphore_mem>>) src(%dma_wait3A_90 : memref<20480x128xf32, #tpu.memory_space<hbm>>) dst(%arg11 : memref<128x128xf32, #tpu.memory_space<vmem>>)
    %dma_start3A_91 = arith.constant 384 : i32
    %dma_start3A_92 = tpu.memref_slice %arg8[%dma_start3A_91] : memref<1024xi32, #tpu.memory_space<vmem>> -> memref<128xi32, #tpu.memory_space<vmem>>
    %dma_start3A_93 = arith.constant 0 : i32
    %dma_start3A_94 = arith.constant 0 : i32
    %dma_start3A_95 = tpu.memref_slice %arg16[%dma_start3A_93, %dma_start3A_94] : memref<10240x128xf32, #tpu.memory_space<vmem_shared>> -> memref<10240x128xf32, #tpu.memory_space<vmem_shared>>
    tpu.enqueue_indirect_dma source(%arg11 : memref<128x128xf32, #tpu.memory_space<vmem>>) target(%dma_start3A_95 : memref<10240x128xf32, #tpu.memory_space<vmem_shared>>) offsets(%dma_start3A_92 : memref<128xi32, #tpu.memory_space<vmem>>) semaphore(%arg15 : memref<!tpu.dma_semaphore, #tpu.memory_space<semaphore_mem>>) {add = true}
    %dma_wait3A_96 = arith.constant 384 : i32
    %dma_wait3A_97 = tpu.memref_slice %arg8[%dma_wait3A_96] : memref<1024xi32, #tpu.memory_space<vmem>> -> memref<128xi32, #tpu.memory_space<vmem>>
    %dma_wait3A_98 = arith.constant 0 : i32
    %dma_wait3A_99 = arith.constant 0 : i32
    %dma_wait3A_100 = tpu.memref_slice %arg16[%dma_wait3A_98, %dma_wait3A_99] : memref<10240x128xf32, #tpu.memory_space<vmem_shared>> -> memref<10240x128xf32, #tpu.memory_space<vmem_shared>>
    tpu.wait_indirect_dma semaphore(%arg15 : memref<!tpu.dma_semaphore, #tpu.memory_space<semaphore_mem>>) src(%arg11 : memref<128x128xf32, #tpu.memory_space<vmem>>) dst(%dma_wait3A_100 : memref<10240x128xf32, #tpu.memory_space<vmem_shared>>)
    %dma_start3A_101 = arith.constant 640 : i32
    %dma_start3A_102 = tpu.memref_slice %arg6[%dma_start3A_101] : memref<1024xi32, #tpu.memory_space<vmem>> -> memref<128xi32, #tpu.memory_space<vmem>>
    %dma_start3A_103 = arith.constant 0 : i32
    %dma_start3A_104 = arith.constant 0 : i32
    %dma_start3A_105 = tpu.memref_slice %arg2[%dma_start3A_103, %dma_start3A_104] : memref<20480x128xf32, #tpu.memory_space<hbm>> -> memref<20480x128xf32, #tpu.memory_space<hbm>>
    tpu.enqueue_indirect_dma source(%dma_start3A_105 : memref<20480x128xf32, #tpu.memory_space<hbm>>) target(%arg11 : memref<128x128xf32, #tpu.memory_space<vmem>>) offsets(%dma_start3A_102 : memref<128xi32, #tpu.memory_space<vmem>>) semaphore(%arg13 : memref<!tpu.dma_semaphore, #tpu.memory_space<semaphore_mem>>)
    %dma_wait3A_106 = arith.constant 512 : i32
    %dma_wait3A_107 = tpu.memref_slice %arg6[%dma_wait3A_106] : memref<1024xi32, #tpu.memory_space<vmem>> -> memref<128xi32, #tpu.memory_space<vmem>>
    %dma_wait3A_108 = arith.constant 0 : i32
    %dma_wait3A_109 = arith.constant 0 : i32
    %dma_wait3A_110 = tpu.memref_slice %arg2[%dma_wait3A_108, %dma_wait3A_109] : memref<20480x128xf32, #tpu.memory_space<hbm>> -> memref<20480x128xf32, #tpu.memory_space<hbm>>
    tpu.wait_indirect_dma semaphore(%arg12 : memref<!tpu.dma_semaphore, #tpu.memory_space<semaphore_mem>>) src(%dma_wait3A_110 : memref<20480x128xf32, #tpu.memory_space<hbm>>) dst(%arg10 : memref<128x128xf32, #tpu.memory_space<vmem>>)
    %dma_start3A_111 = arith.constant 512 : i32
    %dma_start3A_112 = tpu.memref_slice %arg8[%dma_start3A_111] : memref<1024xi32, #tpu.memory_space<vmem>> -> memref<128xi32, #tpu.memory_space<vmem>>
    %dma_start3A_113 = arith.constant 0 : i32
    %dma_start3A_114 = arith.constant 0 : i32
    %dma_start3A_115 = tpu.memref_slice %arg16[%dma_start3A_113, %dma_start3A_114] : memref<10240x128xf32, #tpu.memory_space<vmem_shared>> -> memref<10240x128xf32, #tpu.memory_space<vmem_shared>>
    tpu.enqueue_indirect_dma source(%arg10 : memref<128x128xf32, #tpu.memory_space<vmem>>) target(%dma_start3A_115 : memref<10240x128xf32, #tpu.memory_space<vmem_shared>>) offsets(%dma_start3A_112 : memref<128xi32, #tpu.memory_space<vmem>>) semaphore(%arg14 : memref<!tpu.dma_semaphore, #tpu.memory_space<semaphore_mem>>) {add = true}
    %dma_wait3A_116 = arith.constant 512 : i32
    %dma_wait3A_117 = tpu.memref_slice %arg8[%dma_wait3A_116] : memref<1024xi32, #tpu.memory_space<vmem>> -> memref<128xi32, #tpu.memory_space<vmem>>
    %dma_wait3A_118 = arith.constant 0 : i32
    %dma_wait3A_119 = arith.constant 0 : i32
    %dma_wait3A_120 = tpu.memref_slice %arg16[%dma_wait3A_118, %dma_wait3A_119] : memref<10240x128xf32, #tpu.memory_space<vmem_shared>> -> memref<10240x128xf32, #tpu.memory_space<vmem_shared>>
    tpu.wait_indirect_dma semaphore(%arg14 : memref<!tpu.dma_semaphore, #tpu.memory_space<semaphore_mem>>) src(%arg10 : memref<128x128xf32, #tpu.memory_space<vmem>>) dst(%dma_wait3A_120 : memref<10240x128xf32, #tpu.memory_space<vmem_shared>>)
    %dma_start3A_121 = arith.constant 768 : i32
    %dma_start3A_122 = tpu.memref_slice %arg6[%dma_start3A_121] : memref<1024xi32, #tpu.memory_space<vmem>> -> memref<128xi32, #tpu.memory_space<vmem>>
    %dma_start3A_123 = arith.constant 0 : i32
    %dma_start3A_124 = arith.constant 0 : i32
    %dma_start3A_125 = tpu.memref_slice %arg2[%dma_start3A_123, %dma_start3A_124] : memref<20480x128xf32, #tpu.memory_space<hbm>> -> memref<20480x128xf32, #tpu.memory_space<hbm>>
    tpu.enqueue_indirect_dma source(%dma_start3A_125 : memref<20480x128xf32, #tpu.memory_space<hbm>>) target(%arg10 : memref<128x128xf32, #tpu.memory_space<vmem>>) offsets(%dma_start3A_122 : memref<128xi32, #tpu.memory_space<vmem>>) semaphore(%arg12 : memref<!tpu.dma_semaphore, #tpu.memory_space<semaphore_mem>>)
    %dma_wait3A_126 = arith.constant 640 : i32
    %dma_wait3A_127 = tpu.memref_slice %arg6[%dma_wait3A_126] : memref<1024xi32, #tpu.memory_space<vmem>> -> memref<128xi32, #tpu.memory_space<vmem>>
    %dma_wait3A_128 = arith.constant 0 : i32
    %dma_wait3A_129 = arith.constant 0 : i32
    %dma_wait3A_130 = tpu.memref_slice %arg2[%dma_wait3A_128, %dma_wait3A_129] : memref<20480x128xf32, #tpu.memory_space<hbm>> -> memref<20480x128xf32, #tpu.memory_space<hbm>>
    tpu.wait_indirect_dma semaphore(%arg13 : memref<!tpu.dma_semaphore, #tpu.memory_space<semaphore_mem>>) src(%dma_wait3A_130 : memref<20480x128xf32, #tpu.memory_space<hbm>>) dst(%arg11 : memref<128x128xf32, #tpu.memory_space<vmem>>)
    %dma_start3A_131 = arith.constant 640 : i32
    %dma_start3A_132 = tpu.memref_slice %arg8[%dma_start3A_131] : memref<1024xi32, #tpu.memory_space<vmem>> -> memref<128xi32, #tpu.memory_space<vmem>>
    %dma_start3A_133 = arith.constant 0 : i32
    %dma_start3A_134 = arith.constant 0 : i32
    %dma_start3A_135 = tpu.memref_slice %arg16[%dma_start3A_133, %dma_start3A_134] : memref<10240x128xf32, #tpu.memory_space<vmem_shared>> -> memref<10240x128xf32, #tpu.memory_space<vmem_shared>>
    tpu.enqueue_indirect_dma source(%arg11 : memref<128x128xf32, #tpu.memory_space<vmem>>) target(%dma_start3A_135 : memref<10240x128xf32, #tpu.memory_space<vmem_shared>>) offsets(%dma_start3A_132 : memref<128xi32, #tpu.memory_space<vmem>>) semaphore(%arg15 : memref<!tpu.dma_semaphore, #tpu.memory_space<semaphore_mem>>) {add = true}
    %dma_wait3A_136 = arith.constant 640 : i32
    %dma_wait3A_137 = tpu.memref_slice %arg8[%dma_wait3A_136] : memref<1024xi32, #tpu.memory_space<vmem>> -> memref<128xi32, #tpu.memory_space<vmem>>
    %dma_wait3A_138 = arith.constant 0 : i32
    %dma_wait3A_139 = arith.constant 0 : i32
    %dma_wait3A_140 = tpu.memref_slice %arg16[%dma_wait3A_138, %dma_wait3A_139] : memref<10240x128xf32, #tpu.memory_space<vmem_shared>> -> memref<10240x128xf32, #tpu.memory_space<vmem_shared>>
    tpu.wait_indirect_dma semaphore(%arg15 : memref<!tpu.dma_semaphore, #tpu.memory_space<semaphore_mem>>) src(%arg11 : memref<128x128xf32, #tpu.memory_space<vmem>>) dst(%dma_wait3A_140 : memref<10240x128xf32, #tpu.memory_space<vmem_shared>>)
    %dma_start3A_141 = arith.constant 896 : i32
    %dma_start3A_142 = tpu.memref_slice %arg6[%dma_start3A_141] : memref<1024xi32, #tpu.memory_space<vmem>> -> memref<128xi32, #tpu.memory_space<vmem>>
    %dma_start3A_143 = arith.constant 0 : i32
    %dma_start3A_144 = arith.constant 0 : i32
    %dma_start3A_145 = tpu.memref_slice %arg2[%dma_start3A_143, %dma_start3A_144] : memref<20480x128xf32, #tpu.memory_space<hbm>> -> memref<20480x128xf32, #tpu.memory_space<hbm>>
    tpu.enqueue_indirect_dma source(%dma_start3A_145 : memref<20480x128xf32, #tpu.memory_space<hbm>>) target(%arg11 : memref<128x128xf32, #tpu.memory_space<vmem>>) offsets(%dma_start3A_142 : memref<128xi32, #tpu.memory_space<vmem>>) semaphore(%arg13 : memref<!tpu.dma_semaphore, #tpu.memory_space<semaphore_mem>>)
    %dma_wait3A_146 = arith.constant 768 : i32
    %dma_wait3A_147 = tpu.memref_slice %arg6[%dma_wait3A_146] : memref<1024xi32, #tpu.memory_space<vmem>> -> memref<128xi32, #tpu.memory_space<vmem>>
    %dma_wait3A_148 = arith.constant 0 : i32
    %dma_wait3A_149 = arith.constant 0 : i32
    %dma_wait3A_150 = tpu.memref_slice %arg2[%dma_wait3A_148, %dma_wait3A_149] : memref<20480x128xf32, #tpu.memory_space<hbm>> -> memref<20480x128xf32, #tpu.memory_space<hbm>>
    tpu.wait_indirect_dma semaphore(%arg12 : memref<!tpu.dma_semaphore, #tpu.memory_space<semaphore_mem>>) src(%dma_wait3A_150 : memref<20480x128xf32, #tpu.memory_space<hbm>>) dst(%arg10 : memref<128x128xf32, #tpu.memory_space<vmem>>)
    %dma_start3A_151 = arith.constant 768 : i32
    %dma_start3A_152 = tpu.memref_slice %arg8[%dma_start3A_151] : memref<1024xi32, #tpu.memory_space<vmem>> -> memref<128xi32, #tpu.memory_space<vmem>>
    %dma_start3A_153 = arith.constant 0 : i32
    %dma_start3A_154 = arith.constant 0 : i32
    %dma_start3A_155 = tpu.memref_slice %arg16[%dma_start3A_153, %dma_start3A_154] : memref<10240x128xf32, #tpu.memory_space<vmem_shared>> -> memref<10240x128xf32, #tpu.memory_space<vmem_shared>>
    tpu.enqueue_indirect_dma source(%arg10 : memref<128x128xf32, #tpu.memory_space<vmem>>) target(%dma_start3A_155 : memref<10240x128xf32, #tpu.memory_space<vmem_shared>>) offsets(%dma_start3A_152 : memref<128xi32, #tpu.memory_space<vmem>>) semaphore(%arg14 : memref<!tpu.dma_semaphore, #tpu.memory_space<semaphore_mem>>) {add = true}
    %dma_wait3A_156 = arith.constant 768 : i32
    %dma_wait3A_157 = tpu.memref_slice %arg8[%dma_wait3A_156] : memref<1024xi32, #tpu.memory_space<vmem>> -> memref<128xi32, #tpu.memory_space<vmem>>
    %dma_wait3A_158 = arith.constant 0 : i32
    %dma_wait3A_159 = arith.constant 0 : i32
    %dma_wait3A_160 = tpu.memref_slice %arg16[%dma_wait3A_158, %dma_wait3A_159] : memref<10240x128xf32, #tpu.memory_space<vmem_shared>> -> memref<10240x128xf32, #tpu.memory_space<vmem_shared>>
    tpu.wait_indirect_dma semaphore(%arg14 : memref<!tpu.dma_semaphore, #tpu.memory_space<semaphore_mem>>) src(%arg10 : memref<128x128xf32, #tpu.memory_space<vmem>>) dst(%dma_wait3A_160 : memref<10240x128xf32, #tpu.memory_space<vmem_shared>>)
    %dma_start3A_161 = arith.constant 0 : i32
    %dma_start3A_162 = tpu.memref_slice %arg7[%dma_start3A_161] : memref<1024xi32, #tpu.memory_space<vmem>> -> memref<128xi32, #tpu.memory_space<vmem>>
    %dma_start3A_163 = arith.constant 0 : i32
    %dma_start3A_164 = arith.constant 0 : i32
    %dma_start3A_165 = tpu.memref_slice %arg2[%dma_start3A_163, %dma_start3A_164] : memref<20480x128xf32, #tpu.memory_space<hbm>> -> memref<20480x128xf32, #tpu.memory_space<hbm>>
    tpu.enqueue_indirect_dma source(%dma_start3A_165 : memref<20480x128xf32, #tpu.memory_space<hbm>>) target(%arg10 : memref<128x128xf32, #tpu.memory_space<vmem>>) offsets(%dma_start3A_162 : memref<128xi32, #tpu.memory_space<vmem>>) semaphore(%arg12 : memref<!tpu.dma_semaphore, #tpu.memory_space<semaphore_mem>>)
    %dma_wait3A_166 = arith.constant 896 : i32
    %dma_wait3A_167 = tpu.memref_slice %arg6[%dma_wait3A_166] : memref<1024xi32, #tpu.memory_space<vmem>> -> memref<128xi32, #tpu.memory_space<vmem>>
    %dma_wait3A_168 = arith.constant 0 : i32
    %dma_wait3A_169 = arith.constant 0 : i32
    %dma_wait3A_170 = tpu.memref_slice %arg2[%dma_wait3A_168, %dma_wait3A_169] : memref<20480x128xf32, #tpu.memory_space<hbm>> -> memref<20480x128xf32, #tpu.memory_space<hbm>>
    tpu.wait_indirect_dma semaphore(%arg13 : memref<!tpu.dma_semaphore, #tpu.memory_space<semaphore_mem>>) src(%dma_wait3A_170 : memref<20480x128xf32, #tpu.memory_space<hbm>>) dst(%arg11 : memref<128x128xf32, #tpu.memory_space<vmem>>)
    %dma_start3A_171 = arith.constant 896 : i32
    %dma_start3A_172 = tpu.memref_slice %arg8[%dma_start3A_171] : memref<1024xi32, #tpu.memory_space<vmem>> -> memref<128xi32, #tpu.memory_space<vmem>>
    %dma_start3A_173 = arith.constant 0 : i32
    %dma_start3A_174 = arith.constant 0 : i32
    %dma_start3A_175 = tpu.memref_slice %arg16[%dma_start3A_173, %dma_start3A_174] : memref<10240x128xf32, #tpu.memory_space<vmem_shared>> -> memref<10240x128xf32, #tpu.memory_space<vmem_shared>>
    tpu.enqueue_indirect_dma source(%arg11 : memref<128x128xf32, #tpu.memory_space<vmem>>) target(%dma_start3A_175 : memref<10240x128xf32, #tpu.memory_space<vmem_shared>>) offsets(%dma_start3A_172 : memref<128xi32, #tpu.memory_space<vmem>>) semaphore(%arg15 : memref<!tpu.dma_semaphore, #tpu.memory_space<semaphore_mem>>) {add = true}
    %dma_wait3A_176 = arith.constant 896 : i32
    %dma_wait3A_177 = tpu.memref_slice %arg8[%dma_wait3A_176] : memref<1024xi32, #tpu.memory_space<vmem>> -> memref<128xi32, #tpu.memory_space<vmem>>
    %dma_wait3A_178 = arith.constant 0 : i32
    %dma_wait3A_179 = arith.constant 0 : i32
    %dma_wait3A_180 = tpu.memref_slice %arg16[%dma_wait3A_178, %dma_wait3A_179] : memref<10240x128xf32, #tpu.memory_space<vmem_shared>> -> memref<10240x128xf32, #tpu.memory_space<vmem_shared>>
    tpu.wait_indirect_dma semaphore(%arg15 : memref<!tpu.dma_semaphore, #tpu.memory_space<semaphore_mem>>) src(%arg11 : memref<128x128xf32, #tpu.memory_space<vmem>>) dst(%dma_wait3A_180 : memref<10240x128xf32, #tpu.memory_space<vmem_shared>>)
    %add3A_181 = arith.constant 2048 : i32
    %add3A_182 = arith.addi %add3A_7, %add3A_181 : i32
    "tpu.region"() ({
      %run_scoped3A = tpu.sem_alloc : memref<!tpu.dma_semaphore, #tpu.memory_space<semaphore_mem>>
      %dma_start3A_356 = tpu.memref_slice %arg3[%add3A_182] : memref<656384xi32, #tpu.memory_space<hbm>> -> memref<1024xi32, #tpu.memory_space<hbm>>
      %dma_start3A_357 = tpu.memref_slice %arg3[%add3A_182] : memref<656384xi32, #tpu.memory_space<hbm>> -> memref<1024xi32, #tpu.memory_space<hbm>>
      tpu.enqueue_dma source(%dma_start3A_357 : memref<1024xi32, #tpu.memory_space<hbm>>) target(%arg6 : memref<1024xi32, #tpu.memory_space<vmem>>) target_semaphore(%run_scoped3A : memref<!tpu.dma_semaphore, #tpu.memory_space<semaphore_mem>>)
      %dma_wait3A_358 = tpu.memref_slice %arg3[%add3A_182] : memref<656384xi32, #tpu.memory_space<hbm>> -> memref<1024xi32, #tpu.memory_space<hbm>>
      %dma_wait3A_359 = tpu.memref_slice %arg3[%add3A_182] : memref<656384xi32, #tpu.memory_space<hbm>> -> memref<1024xi32, #tpu.memory_space<hbm>>
      tpu.wait_dma2 semaphore(%run_scoped3A : memref<!tpu.dma_semaphore, #tpu.memory_space<semaphore_mem>>) src(%dma_wait3A_359 : memref<1024xi32, #tpu.memory_space<hbm>>) dst(%arg6 : memref<1024xi32, #tpu.memory_space<vmem>>)
      tpu.yield
    }) : () -> ()
    %add3A_183 = arith.constant 2048 : i32
    %add3A_184 = arith.addi %mul3A_9, %add3A_183 : i32
    "tpu.region"() ({
      %run_scoped3A = tpu.sem_alloc : memref<!tpu.dma_semaphore, #tpu.memory_space<semaphore_mem>>
      %dma_start3A_356 = tpu.memref_slice %arg4[%add3A_184] : memref<328704xi32, #tpu.memory_space<hbm>> -> memref<1024xi32, #tpu.memory_space<hbm>>
      %dma_start3A_357 = tpu.memref_slice %arg4[%add3A_184] : memref<328704xi32, #tpu.memory_space<hbm>> -> memref<1024xi32, #tpu.memory_space<hbm>>
      tpu.enqueue_dma source(%dma_start3A_357 : memref<1024xi32, #tpu.memory_space<hbm>>) target(%arg8 : memref<1024xi32, #tpu.memory_space<vmem>>) target_semaphore(%run_scoped3A : memref<!tpu.dma_semaphore, #tpu.memory_space<semaphore_mem>>)
      %dma_wait3A_358 = tpu.memref_slice %arg4[%add3A_184] : memref<328704xi32, #tpu.memory_space<hbm>> -> memref<1024xi32, #tpu.memory_space<hbm>>
      %dma_wait3A_359 = tpu.memref_slice %arg4[%add3A_184] : memref<328704xi32, #tpu.memory_space<hbm>> -> memref<1024xi32, #tpu.memory_space<hbm>>
      tpu.wait_dma2 semaphore(%run_scoped3A : memref<!tpu.dma_semaphore, #tpu.memory_space<semaphore_mem>>) src(%dma_wait3A_359 : memref<1024xi32, #tpu.memory_space<hbm>>) dst(%arg8 : memref<1024xi32, #tpu.memory_space<vmem>>)
      tpu.yield
    }) : () -> ()
    %dma_start3A_185 = arith.constant 128 : i32
    %dma_start3A_186 = tpu.memref_slice %arg7[%dma_start3A_185] : memref<1024xi32, #tpu.memory_space<vmem>> -> memref<128xi32, #tpu.memory_space<vmem>>
    %dma_start3A_187 = arith.constant 0 : i32
    %dma_start3A_188 = arith.constant 0 : i32
    %dma_start3A_189 = tpu.memref_slice %arg2[%dma_start3A_187, %dma_start3A_188] : memref<20480x128xf32, #tpu.memory_space<hbm>> -> memref<20480x128xf32, #tpu.memory_space<hbm>>
    tpu.enqueue_indirect_dma source(%dma_start3A_189 : memref<20480x128xf32, #tpu.memory_space<hbm>>) target(%arg11 : memref<128x128xf32, #tpu.memory_space<vmem>>) offsets(%dma_start3A_186 : memref<128xi32, #tpu.memory_space<vmem>>) semaphore(%arg13 : memref<!tpu.dma_semaphore, #tpu.memory_space<semaphore_mem>>)
    %dma_wait3A_190 = arith.constant 0 : i32
    %dma_wait3A_191 = tpu.memref_slice %arg7[%dma_wait3A_190] : memref<1024xi32, #tpu.memory_space<vmem>> -> memref<128xi32, #tpu.memory_space<vmem>>
    %dma_wait3A_192 = arith.constant 0 : i32
    %dma_wait3A_193 = arith.constant 0 : i32
    %dma_wait3A_194 = tpu.memref_slice %arg2[%dma_wait3A_192, %dma_wait3A_193] : memref<20480x128xf32, #tpu.memory_space<hbm>> -> memref<20480x128xf32, #tpu.memory_space<hbm>>
    tpu.wait_indirect_dma semaphore(%arg12 : memref<!tpu.dma_semaphore, #tpu.memory_space<semaphore_mem>>) src(%dma_wait3A_194 : memref<20480x128xf32, #tpu.memory_space<hbm>>) dst(%arg10 : memref<128x128xf32, #tpu.memory_space<vmem>>)
    %dma_start3A_195 = arith.constant 0 : i32
    %dma_start3A_196 = tpu.memref_slice %arg9[%dma_start3A_195] : memref<1024xi32, #tpu.memory_space<vmem>> -> memref<128xi32, #tpu.memory_space<vmem>>
    %dma_start3A_197 = arith.constant 0 : i32
    %dma_start3A_198 = arith.constant 0 : i32
    %dma_start3A_199 = tpu.memref_slice %arg16[%dma_start3A_197, %dma_start3A_198] : memref<10240x128xf32, #tpu.memory_space<vmem_shared>> -> memref<10240x128xf32, #tpu.memory_space<vmem_shared>>
    tpu.enqueue_indirect_dma source(%arg10 : memref<128x128xf32, #tpu.memory_space<vmem>>) target(%dma_start3A_199 : memref<10240x128xf32, #tpu.memory_space<vmem_shared>>) offsets(%dma_start3A_196 : memref<128xi32, #tpu.memory_space<vmem>>) semaphore(%arg14 : memref<!tpu.dma_semaphore, #tpu.memory_space<semaphore_mem>>) {add = true}
    %dma_wait3A_200 = arith.constant 0 : i32
    %dma_wait3A_201 = tpu.memref_slice %arg9[%dma_wait3A_200] : memref<1024xi32, #tpu.memory_space<vmem>> -> memref<128xi32, #tpu.memory_space<vmem>>
    %dma_wait3A_202 = arith.constant 0 : i32
    %dma_wait3A_203 = arith.constant 0 : i32
    %dma_wait3A_204 = tpu.memref_slice %arg16[%dma_wait3A_202, %dma_wait3A_203] : memref<10240x128xf32, #tpu.memory_space<vmem_shared>> -> memref<10240x128xf32, #tpu.memory_space<vmem_shared>>
    tpu.wait_indirect_dma semaphore(%arg14 : memref<!tpu.dma_semaphore, #tpu.memory_space<semaphore_mem>>) src(%arg10 : memref<128x128xf32, #tpu.memory_space<vmem>>) dst(%dma_wait3A_204 : memref<10240x128xf32, #tpu.memory_space<vmem_shared>>)
    %dma_start3A_205 = arith.constant 256 : i32
    %dma_start3A_206 = tpu.memref_slice %arg7[%dma_start3A_205] : memref<1024xi32, #tpu.memory_space<vmem>> -> memref<128xi32, #tpu.memory_space<vmem>>
    %dma_start3A_207 = arith.constant 0 : i32
    %dma_start3A_208 = arith.constant 0 : i32
    %dma_start3A_209 = tpu.memref_slice %arg2[%dma_start3A_207, %dma_start3A_208] : memref<20480x128xf32, #tpu.memory_space<hbm>> -> memref<20480x128xf32, #tpu.memory_space<hbm>>
    tpu.enqueue_indirect_dma source(%dma_start3A_209 : memref<20480x128xf32, #tpu.memory_space<hbm>>) target(%arg10 : memref<128x128xf32, #tpu.memory_space<vmem>>) offsets(%dma_start3A_206 : memref<128xi32, #tpu.memory_space<vmem>>) semaphore(%arg12 : memref<!tpu.dma_semaphore, #tpu.memory_space<semaphore_mem>>)
    %dma_wait3A_210 = arith.constant 128 : i32
    %dma_wait3A_211 = tpu.memref_slice %arg7[%dma_wait3A_210] : memref<1024xi32, #tpu.memory_space<vmem>> -> memref<128xi32, #tpu.memory_space<vmem>>
    %dma_wait3A_212 = arith.constant 0 : i32
    %dma_wait3A_213 = arith.constant 0 : i32
    %dma_wait3A_214 = tpu.memref_slice %arg2[%dma_wait3A_212, %dma_wait3A_213] : memref<20480x128xf32, #tpu.memory_space<hbm>> -> memref<20480x128xf32, #tpu.memory_space<hbm>>
    tpu.wait_indirect_dma semaphore(%arg13 : memref<!tpu.dma_semaphore, #tpu.memory_space<semaphore_mem>>) src(%dma_wait3A_214 : memref<20480x128xf32, #tpu.memory_space<hbm>>) dst(%arg11 : memref<128x128xf32, #tpu.memory_space<vmem>>)
    %dma_start3A_215 = arith.constant 128 : i32
    %dma_start3A_216 = tpu.memref_slice %arg9[%dma_start3A_215] : memref<1024xi32, #tpu.memory_space<vmem>> -> memref<128xi32, #tpu.memory_space<vmem>>
    %dma_start3A_217 = arith.constant 0 : i32
    %dma_start3A_218 = arith.constant 0 : i32
    %dma_start3A_219 = tpu.memref_slice %arg16[%dma_start3A_217, %dma_start3A_218] : memref<10240x128xf32, #tpu.memory_space<vmem_shared>> -> memref<10240x128xf32, #tpu.memory_space<vmem_shared>>
    tpu.enqueue_indirect_dma source(%arg11 : memref<128x128xf32, #tpu.memory_space<vmem>>) target(%dma_start3A_219 : memref<10240x128xf32, #tpu.memory_space<vmem_shared>>) offsets(%dma_start3A_216 : memref<128xi32, #tpu.memory_space<vmem>>) semaphore(%arg15 : memref<!tpu.dma_semaphore, #tpu.memory_space<semaphore_mem>>) {add = true}
    %dma_wait3A_220 = arith.constant 128 : i32
    %dma_wait3A_221 = tpu.memref_slice %arg9[%dma_wait3A_220] : memref<1024xi32, #tpu.memory_space<vmem>> -> memref<128xi32, #tpu.memory_space<vmem>>
    %dma_wait3A_222 = arith.constant 0 : i32
    %dma_wait3A_223 = arith.constant 0 : i32
    %dma_wait3A_224 = tpu.memref_slice %arg16[%dma_wait3A_222, %dma_wait3A_223] : memref<10240x128xf32, #tpu.memory_space<vmem_shared>> -> memref<10240x128xf32, #tpu.memory_space<vmem_shared>>
    tpu.wait_indirect_dma semaphore(%arg15 : memref<!tpu.dma_semaphore, #tpu.memory_space<semaphore_mem>>) src(%arg11 : memref<128x128xf32, #tpu.memory_space<vmem>>) dst(%dma_wait3A_224 : memref<10240x128xf32, #tpu.memory_space<vmem_shared>>)
    %dma_start3A_225 = arith.constant 384 : i32
    %dma_start3A_226 = tpu.memref_slice %arg7[%dma_start3A_225] : memref<1024xi32, #tpu.memory_space<vmem>> -> memref<128xi32, #tpu.memory_space<vmem>>
    %dma_start3A_227 = arith.constant 0 : i32
    %dma_start3A_228 = arith.constant 0 : i32
    %dma_start3A_229 = tpu.memref_slice %arg2[%dma_start3A_227, %dma_start3A_228] : memref<20480x128xf32, #tpu.memory_space<hbm>> -> memref<20480x128xf32, #tpu.memory_space<hbm>>
    tpu.enqueue_indirect_dma source(%dma_start3A_229 : memref<20480x128xf32, #tpu.memory_space<hbm>>) target(%arg11 : memref<128x128xf32, #tpu.memory_space<vmem>>) offsets(%dma_start3A_226 : memref<128xi32, #tpu.memory_space<vmem>>) semaphore(%arg13 : memref<!tpu.dma_semaphore, #tpu.memory_space<semaphore_mem>>)
    %dma_wait3A_230 = arith.constant 256 : i32
    %dma_wait3A_231 = tpu.memref_slice %arg7[%dma_wait3A_230] : memref<1024xi32, #tpu.memory_space<vmem>> -> memref<128xi32, #tpu.memory_space<vmem>>
    %dma_wait3A_232 = arith.constant 0 : i32
    %dma_wait3A_233 = arith.constant 0 : i32
    %dma_wait3A_234 = tpu.memref_slice %arg2[%dma_wait3A_232, %dma_wait3A_233] : memref<20480x128xf32, #tpu.memory_space<hbm>> -> memref<20480x128xf32, #tpu.memory_space<hbm>>
    tpu.wait_indirect_dma semaphore(%arg12 : memref<!tpu.dma_semaphore, #tpu.memory_space<semaphore_mem>>) src(%dma_wait3A_234 : memref<20480x128xf32, #tpu.memory_space<hbm>>) dst(%arg10 : memref<128x128xf32, #tpu.memory_space<vmem>>)
    %dma_start3A_235 = arith.constant 256 : i32
    %dma_start3A_236 = tpu.memref_slice %arg9[%dma_start3A_235] : memref<1024xi32, #tpu.memory_space<vmem>> -> memref<128xi32, #tpu.memory_space<vmem>>
    %dma_start3A_237 = arith.constant 0 : i32
    %dma_start3A_238 = arith.constant 0 : i32
    %dma_start3A_239 = tpu.memref_slice %arg16[%dma_start3A_237, %dma_start3A_238] : memref<10240x128xf32, #tpu.memory_space<vmem_shared>> -> memref<10240x128xf32, #tpu.memory_space<vmem_shared>>
    tpu.enqueue_indirect_dma source(%arg10 : memref<128x128xf32, #tpu.memory_space<vmem>>) target(%dma_start3A_239 : memref<10240x128xf32, #tpu.memory_space<vmem_shared>>) offsets(%dma_start3A_236 : memref<128xi32, #tpu.memory_space<vmem>>) semaphore(%arg14 : memref<!tpu.dma_semaphore, #tpu.memory_space<semaphore_mem>>) {add = true}
    %dma_wait3A_240 = arith.constant 256 : i32
    %dma_wait3A_241 = tpu.memref_slice %arg9[%dma_wait3A_240] : memref<1024xi32, #tpu.memory_space<vmem>> -> memref<128xi32, #tpu.memory_space<vmem>>
    %dma_wait3A_242 = arith.constant 0 : i32
    %dma_wait3A_243 = arith.constant 0 : i32
    %dma_wait3A_244 = tpu.memref_slice %arg16[%dma_wait3A_242, %dma_wait3A_243] : memref<10240x128xf32, #tpu.memory_space<vmem_shared>> -> memref<10240x128xf32, #tpu.memory_space<vmem_shared>>
    tpu.wait_indirect_dma semaphore(%arg14 : memref<!tpu.dma_semaphore, #tpu.memory_space<semaphore_mem>>) src(%arg10 : memref<128x128xf32, #tpu.memory_space<vmem>>) dst(%dma_wait3A_244 : memref<10240x128xf32, #tpu.memory_space<vmem_shared>>)
    %dma_start3A_245 = arith.constant 512 : i32
    %dma_start3A_246 = tpu.memref_slice %arg7[%dma_start3A_245] : memref<1024xi32, #tpu.memory_space<vmem>> -> memref<128xi32, #tpu.memory_space<vmem>>
    %dma_start3A_247 = arith.constant 0 : i32
    %dma_start3A_248 = arith.constant 0 : i32
    %dma_start3A_249 = tpu.memref_slice %arg2[%dma_start3A_247, %dma_start3A_248] : memref<20480x128xf32, #tpu.memory_space<hbm>> -> memref<20480x128xf32, #tpu.memory_space<hbm>>
    tpu.enqueue_indirect_dma source(%dma_start3A_249 : memref<20480x128xf32, #tpu.memory_space<hbm>>) target(%arg10 : memref<128x128xf32, #tpu.memory_space<vmem>>) offsets(%dma_start3A_246 : memref<128xi32, #tpu.memory_space<vmem>>) semaphore(%arg12 : memref<!tpu.dma_semaphore, #tpu.memory_space<semaphore_mem>>)
    %dma_wait3A_250 = arith.constant 384 : i32
    %dma_wait3A_251 = tpu.memref_slice %arg7[%dma_wait3A_250] : memref<1024xi32, #tpu.memory_space<vmem>> -> memref<128xi32, #tpu.memory_space<vmem>>
    %dma_wait3A_252 = arith.constant 0 : i32
    %dma_wait3A_253 = arith.constant 0 : i32
    %dma_wait3A_254 = tpu.memref_slice %arg2[%dma_wait3A_252, %dma_wait3A_253] : memref<20480x128xf32, #tpu.memory_space<hbm>> -> memref<20480x128xf32, #tpu.memory_space<hbm>>
    tpu.wait_indirect_dma semaphore(%arg13 : memref<!tpu.dma_semaphore, #tpu.memory_space<semaphore_mem>>) src(%dma_wait3A_254 : memref<20480x128xf32, #tpu.memory_space<hbm>>) dst(%arg11 : memref<128x128xf32, #tpu.memory_space<vmem>>)
    %dma_start3A_255 = arith.constant 384 : i32
    %dma_start3A_256 = tpu.memref_slice %arg9[%dma_start3A_255] : memref<1024xi32, #tpu.memory_space<vmem>> -> memref<128xi32, #tpu.memory_space<vmem>>
    %dma_start3A_257 = arith.constant 0 : i32
    %dma_start3A_258 = arith.constant 0 : i32
    %dma_start3A_259 = tpu.memref_slice %arg16[%dma_start3A_257, %dma_start3A_258] : memref<10240x128xf32, #tpu.memory_space<vmem_shared>> -> memref<10240x128xf32, #tpu.memory_space<vmem_shared>>
    tpu.enqueue_indirect_dma source(%arg11 : memref<128x128xf32, #tpu.memory_space<vmem>>) target(%dma_start3A_259 : memref<10240x128xf32, #tpu.memory_space<vmem_shared>>) offsets(%dma_start3A_256 : memref<128xi32, #tpu.memory_space<vmem>>) semaphore(%arg15 : memref<!tpu.dma_semaphore, #tpu.memory_space<semaphore_mem>>) {add = true}
    %dma_wait3A_260 = arith.constant 384 : i32
    %dma_wait3A_261 = tpu.memref_slice %arg9[%dma_wait3A_260] : memref<1024xi32, #tpu.memory_space<vmem>> -> memref<128xi32, #tpu.memory_space<vmem>>
    %dma_wait3A_262 = arith.constant 0 : i32
    %dma_wait3A_263 = arith.constant 0 : i32
    %dma_wait3A_264 = tpu.memref_slice %arg16[%dma_wait3A_262, %dma_wait3A_263] : memref<10240x128xf32, #tpu.memory_space<vmem_shared>> -> memref<10240x128xf32, #tpu.memory_space<vmem_shared>>
    tpu.wait_indirect_dma semaphore(%arg15 : memref<!tpu.dma_semaphore, #tpu.memory_space<semaphore_mem>>) src(%arg11 : memref<128x128xf32, #tpu.memory_space<vmem>>) dst(%dma_wait3A_264 : memref<10240x128xf32, #tpu.memory_space<vmem_shared>>)
    %dma_start3A_265 = arith.constant 640 : i32
    %dma_start3A_266 = tpu.memref_slice %arg7[%dma_start3A_265] : memref<1024xi32, #tpu.memory_space<vmem>> -> memref<128xi32, #tpu.memory_space<vmem>>
    %dma_start3A_267 = arith.constant 0 : i32
    %dma_start3A_268 = arith.constant 0 : i32
    %dma_start3A_269 = tpu.memref_slice %arg2[%dma_start3A_267, %dma_start3A_268] : memref<20480x128xf32, #tpu.memory_space<hbm>> -> memref<20480x128xf32, #tpu.memory_space<hbm>>
    tpu.enqueue_indirect_dma source(%dma_start3A_269 : memref<20480x128xf32, #tpu.memory_space<hbm>>) target(%arg11 : memref<128x128xf32, #tpu.memory_space<vmem>>) offsets(%dma_start3A_266 : memref<128xi32, #tpu.memory_space<vmem>>) semaphore(%arg13 : memref<!tpu.dma_semaphore, #tpu.memory_space<semaphore_mem>>)
    %dma_wait3A_270 = arith.constant 512 : i32
    %dma_wait3A_271 = tpu.memref_slice %arg7[%dma_wait3A_270] : memref<1024xi32, #tpu.memory_space<vmem>> -> memref<128xi32, #tpu.memory_space<vmem>>
    %dma_wait3A_272 = arith.constant 0 : i32
    %dma_wait3A_273 = arith.constant 0 : i32
    %dma_wait3A_274 = tpu.memref_slice %arg2[%dma_wait3A_272, %dma_wait3A_273] : memref<20480x128xf32, #tpu.memory_space<hbm>> -> memref<20480x128xf32, #tpu.memory_space<hbm>>
    tpu.wait_indirect_dma semaphore(%arg12 : memref<!tpu.dma_semaphore, #tpu.memory_space<semaphore_mem>>) src(%dma_wait3A_274 : memref<20480x128xf32, #tpu.memory_space<hbm>>) dst(%arg10 : memref<128x128xf32, #tpu.memory_space<vmem>>)
    %dma_start3A_275 = arith.constant 512 : i32
    %dma_start3A_276 = tpu.memref_slice %arg9[%dma_start3A_275] : memref<1024xi32, #tpu.memory_space<vmem>> -> memref<128xi32, #tpu.memory_space<vmem>>
    %dma_start3A_277 = arith.constant 0 : i32
    %dma_start3A_278 = arith.constant 0 : i32
    %dma_start3A_279 = tpu.memref_slice %arg16[%dma_start3A_277, %dma_start3A_278] : memref<10240x128xf32, #tpu.memory_space<vmem_shared>> -> memref<10240x128xf32, #tpu.memory_space<vmem_shared>>
    tpu.enqueue_indirect_dma source(%arg10 : memref<128x128xf32, #tpu.memory_space<vmem>>) target(%dma_start3A_279 : memref<10240x128xf32, #tpu.memory_space<vmem_shared>>) offsets(%dma_start3A_276 : memref<128xi32, #tpu.memory_space<vmem>>) semaphore(%arg14 : memref<!tpu.dma_semaphore, #tpu.memory_space<semaphore_mem>>) {add = true}
    %dma_wait3A_280 = arith.constant 512 : i32
    %dma_wait3A_281 = tpu.memref_slice %arg9[%dma_wait3A_280] : memref<1024xi32, #tpu.memory_space<vmem>> -> memref<128xi32, #tpu.memory_space<vmem>>
    %dma_wait3A_282 = arith.constant 0 : i32
    %dma_wait3A_283 = arith.constant 0 : i32
    %dma_wait3A_284 = tpu.memref_slice %arg16[%dma_wait3A_282, %dma_wait3A_283] : memref<10240x128xf32, #tpu.memory_space<vmem_shared>> -> memref<10240x128xf32, #tpu.memory_space<vmem_shared>>
    tpu.wait_indirect_dma semaphore(%arg14 : memref<!tpu.dma_semaphore, #tpu.memory_space<semaphore_mem>>) src(%arg10 : memref<128x128xf32, #tpu.memory_space<vmem>>) dst(%dma_wait3A_284 : memref<10240x128xf32, #tpu.memory_space<vmem_shared>>)
    %dma_start3A_285 = arith.constant 768 : i32
    %dma_start3A_286 = tpu.memref_slice %arg7[%dma_start3A_285] : memref<1024xi32, #tpu.memory_space<vmem>> -> memref<128xi32, #tpu.memory_space<vmem>>
    %dma_start3A_287 = arith.constant 0 : i32
    %dma_start3A_288 = arith.constant 0 : i32
    %dma_start3A_289 = tpu.memref_slice %arg2[%dma_start3A_287, %dma_start3A_288] : memref<20480x128xf32, #tpu.memory_space<hbm>> -> memref<20480x128xf32, #tpu.memory_space<hbm>>
    tpu.enqueue_indirect_dma source(%dma_start3A_289 : memref<20480x128xf32, #tpu.memory_space<hbm>>) target(%arg10 : memref<128x128xf32, #tpu.memory_space<vmem>>) offsets(%dma_start3A_286 : memref<128xi32, #tpu.memory_space<vmem>>) semaphore(%arg12 : memref<!tpu.dma_semaphore, #tpu.memory_space<semaphore_mem>>)
    %dma_wait3A_290 = arith.constant 640 : i32
    %dma_wait3A_291 = tpu.memref_slice %arg7[%dma_wait3A_290] : memref<1024xi32, #tpu.memory_space<vmem>> -> memref<128xi32, #tpu.memory_space<vmem>>
    %dma_wait3A_292 = arith.constant 0 : i32
    %dma_wait3A_293 = arith.constant 0 : i32
    %dma_wait3A_294 = tpu.memref_slice %arg2[%dma_wait3A_292, %dma_wait3A_293] : memref<20480x128xf32, #tpu.memory_space<hbm>> -> memref<20480x128xf32, #tpu.memory_space<hbm>>
    tpu.wait_indirect_dma semaphore(%arg13 : memref<!tpu.dma_semaphore, #tpu.memory_space<semaphore_mem>>) src(%dma_wait3A_294 : memref<20480x128xf32, #tpu.memory_space<hbm>>) dst(%arg11 : memref<128x128xf32, #tpu.memory_space<vmem>>)
    %dma_start3A_295 = arith.constant 640 : i32
    %dma_start3A_296 = tpu.memref_slice %arg9[%dma_start3A_295] : memref<1024xi32, #tpu.memory_space<vmem>> -> memref<128xi32, #tpu.memory_space<vmem>>
    %dma_start3A_297 = arith.constant 0 : i32
    %dma_start3A_298 = arith.constant 0 : i32
    %dma_start3A_299 = tpu.memref_slice %arg16[%dma_start3A_297, %dma_start3A_298] : memref<10240x128xf32, #tpu.memory_space<vmem_shared>> -> memref<10240x128xf32, #tpu.memory_space<vmem_shared>>
    tpu.enqueue_indirect_dma source(%arg11 : memref<128x128xf32, #tpu.memory_space<vmem>>) target(%dma_start3A_299 : memref<10240x128xf32, #tpu.memory_space<vmem_shared>>) offsets(%dma_start3A_296 : memref<128xi32, #tpu.memory_space<vmem>>) semaphore(%arg15 : memref<!tpu.dma_semaphore, #tpu.memory_space<semaphore_mem>>) {add = true}
    %dma_wait3A_300 = arith.constant 640 : i32
    %dma_wait3A_301 = tpu.memref_slice %arg9[%dma_wait3A_300] : memref<1024xi32, #tpu.memory_space<vmem>> -> memref<128xi32, #tpu.memory_space<vmem>>
    %dma_wait3A_302 = arith.constant 0 : i32
    %dma_wait3A_303 = arith.constant 0 : i32
    %dma_wait3A_304 = tpu.memref_slice %arg16[%dma_wait3A_302, %dma_wait3A_303] : memref<10240x128xf32, #tpu.memory_space<vmem_shared>> -> memref<10240x128xf32, #tpu.memory_space<vmem_shared>>
    tpu.wait_indirect_dma semaphore(%arg15 : memref<!tpu.dma_semaphore, #tpu.memory_space<semaphore_mem>>) src(%arg11 : memref<128x128xf32, #tpu.memory_space<vmem>>) dst(%dma_wait3A_304 : memref<10240x128xf32, #tpu.memory_space<vmem_shared>>)
    %dma_start3A_305 = arith.constant 896 : i32
    %dma_start3A_306 = tpu.memref_slice %arg7[%dma_start3A_305] : memref<1024xi32, #tpu.memory_space<vmem>> -> memref<128xi32, #tpu.memory_space<vmem>>
    %dma_start3A_307 = arith.constant 0 : i32
    %dma_start3A_308 = arith.constant 0 : i32
    %dma_start3A_309 = tpu.memref_slice %arg2[%dma_start3A_307, %dma_start3A_308] : memref<20480x128xf32, #tpu.memory_space<hbm>> -> memref<20480x128xf32, #tpu.memory_space<hbm>>
    tpu.enqueue_indirect_dma source(%dma_start3A_309 : memref<20480x128xf32, #tpu.memory_space<hbm>>) target(%arg11 : memref<128x128xf32, #tpu.memory_space<vmem>>) offsets(%dma_start3A_306 : memref<128xi32, #tpu.memory_space<vmem>>) semaphore(%arg13 : memref<!tpu.dma_semaphore, #tpu.memory_space<semaphore_mem>>)
    %dma_wait3A_310 = arith.constant 768 : i32
    %dma_wait3A_311 = tpu.memref_slice %arg7[%dma_wait3A_310] : memref<1024xi32, #tpu.memory_space<vmem>> -> memref<128xi32, #tpu.memory_space<vmem>>
    %dma_wait3A_312 = arith.constant 0 : i32
    %dma_wait3A_313 = arith.constant 0 : i32
    %dma_wait3A_314 = tpu.memref_slice %arg2[%dma_wait3A_312, %dma_wait3A_313] : memref<20480x128xf32, #tpu.memory_space<hbm>> -> memref<20480x128xf32, #tpu.memory_space<hbm>>
    tpu.wait_indirect_dma semaphore(%arg12 : memref<!tpu.dma_semaphore, #tpu.memory_space<semaphore_mem>>) src(%dma_wait3A_314 : memref<20480x128xf32, #tpu.memory_space<hbm>>) dst(%arg10 : memref<128x128xf32, #tpu.memory_space<vmem>>)
    %dma_start3A_315 = arith.constant 768 : i32
    %dma_start3A_316 = tpu.memref_slice %arg9[%dma_start3A_315] : memref<1024xi32, #tpu.memory_space<vmem>> -> memref<128xi32, #tpu.memory_space<vmem>>
    %dma_start3A_317 = arith.constant 0 : i32
    %dma_start3A_318 = arith.constant 0 : i32
    %dma_start3A_319 = tpu.memref_slice %arg16[%dma_start3A_317, %dma_start3A_318] : memref<10240x128xf32, #tpu.memory_space<vmem_shared>> -> memref<10240x128xf32, #tpu.memory_space<vmem_shared>>
    tpu.enqueue_indirect_dma source(%arg10 : memref<128x128xf32, #tpu.memory_space<vmem>>) target(%dma_start3A_319 : memref<10240x128xf32, #tpu.memory_space<vmem_shared>>) offsets(%dma_start3A_316 : memref<128xi32, #tpu.memory_space<vmem>>) semaphore(%arg14 : memref<!tpu.dma_semaphore, #tpu.memory_space<semaphore_mem>>) {add = true}
    %dma_wait3A_320 = arith.constant 768 : i32
    %dma_wait3A_321 = tpu.memref_slice %arg9[%dma_wait3A_320] : memref<1024xi32, #tpu.memory_space<vmem>> -> memref<128xi32, #tpu.memory_space<vmem>>
    %dma_wait3A_322 = arith.constant 0 : i32
    %dma_wait3A_323 = arith.constant 0 : i32
    %dma_wait3A_324 = tpu.memref_slice %arg16[%dma_wait3A_322, %dma_wait3A_323] : memref<10240x128xf32, #tpu.memory_space<vmem_shared>> -> memref<10240x128xf32, #tpu.memory_space<vmem_shared>>
    tpu.wait_indirect_dma semaphore(%arg14 : memref<!tpu.dma_semaphore, #tpu.memory_space<semaphore_mem>>) src(%arg10 : memref<128x128xf32, #tpu.memory_space<vmem>>) dst(%dma_wait3A_324 : memref<10240x128xf32, #tpu.memory_space<vmem_shared>>)
    %dma_start3A_325 = arith.constant 0 : i32
    %dma_start3A_326 = tpu.memref_slice %arg6[%dma_start3A_325] : memref<1024xi32, #tpu.memory_space<vmem>> -> memref<128xi32, #tpu.memory_space<vmem>>
    %dma_start3A_327 = arith.constant 0 : i32
    %dma_start3A_328 = arith.constant 0 : i32
    %dma_start3A_329 = tpu.memref_slice %arg2[%dma_start3A_327, %dma_start3A_328] : memref<20480x128xf32, #tpu.memory_space<hbm>> -> memref<20480x128xf32, #tpu.memory_space<hbm>>
    tpu.enqueue_indirect_dma source(%dma_start3A_329 : memref<20480x128xf32, #tpu.memory_space<hbm>>) target(%arg10 : memref<128x128xf32, #tpu.memory_space<vmem>>) offsets(%dma_start3A_326 : memref<128xi32, #tpu.memory_space<vmem>>) semaphore(%arg12 : memref<!tpu.dma_semaphore, #tpu.memory_space<semaphore_mem>>)
    %dma_wait3A_330 = arith.constant 896 : i32
    %dma_wait3A_331 = tpu.memref_slice %arg7[%dma_wait3A_330] : memref<1024xi32, #tpu.memory_space<vmem>> -> memref<128xi32, #tpu.memory_space<vmem>>
    %dma_wait3A_332 = arith.constant 0 : i32
    %dma_wait3A_333 = arith.constant 0 : i32
    %dma_wait3A_334 = tpu.memref_slice %arg2[%dma_wait3A_332, %dma_wait3A_333] : memref<20480x128xf32, #tpu.memory_space<hbm>> -> memref<20480x128xf32, #tpu.memory_space<hbm>>
    tpu.wait_indirect_dma semaphore(%arg13 : memref<!tpu.dma_semaphore, #tpu.memory_space<semaphore_mem>>) src(%dma_wait3A_334 : memref<20480x128xf32, #tpu.memory_space<hbm>>) dst(%arg11 : memref<128x128xf32, #tpu.memory_space<vmem>>)
    %dma_start3A_335 = arith.constant 896 : i32
    %dma_start3A_336 = tpu.memref_slice %arg9[%dma_start3A_335] : memref<1024xi32, #tpu.memory_space<vmem>> -> memref<128xi32, #tpu.memory_space<vmem>>
    %dma_start3A_337 = arith.constant 0 : i32
    %dma_start3A_338 = arith.constant 0 : i32
    %dma_start3A_339 = tpu.memref_slice %arg16[%dma_start3A_337, %dma_start3A_338] : memref<10240x128xf32, #tpu.memory_space<vmem_shared>> -> memref<10240x128xf32, #tpu.memory_space<vmem_shared>>
    tpu.enqueue_indirect_dma source(%arg11 : memref<128x128xf32, #tpu.memory_space<vmem>>) target(%dma_start3A_339 : memref<10240x128xf32, #tpu.memory_space<vmem_shared>>) offsets(%dma_start3A_336 : memref<128xi32, #tpu.memory_space<vmem>>) semaphore(%arg15 : memref<!tpu.dma_semaphore, #tpu.memory_space<semaphore_mem>>) {add = true}
    %scan3A = arith.constant 0 : i32
    %scan3A_340 = arith.constant 0 : i32
    %scan3A_341 = arith.constant 9 : i32
    %scan3A_342 = arith.addi %scan3A_340, %scan3A_341 : i32
    %scan3A_343 = arith.constant 1 : i32
    scf.for %scan3A_356 = %scan3A_340 to %scan3A_342 step %scan3A_343  : i32 {
      %mul3A_357 = arith.constant 16 : i32
      %mul3A_358 = arith.muli %scan3A_356, %mul3A_357 : i32
      %add3A_359 = arith.constant 16 : i32
      %add3A_360 = arith.addi %add3A_359, %mul3A_358 : i32
      %add3A_361 = arith.constant 0 : i32
      %add3A_362 = arith.addi %add3A_360, %add3A_361 : i32
      %dma_wait3A_363 = arith.constant 896 : i32
      %dma_wait3A_364 = tpu.memref_slice %arg9[%dma_wait3A_363] : memref<1024xi32, #tpu.memory_space<vmem>> -> memref<128xi32, #tpu.memory_space<vmem>>
      %dma_wait3A_365 = arith.constant 0 : i32
      %dma_wait3A_366 = arith.constant 0 : i32
      %dma_wait3A_367 = tpu.memref_slice %arg16[%dma_wait3A_365, %dma_wait3A_366] : memref<10240x128xf32, #tpu.memory_space<vmem_shared>> -> memref<10240x128xf32, #tpu.memory_space<vmem_shared>>
      tpu.wait_indirect_dma semaphore(%arg15 : memref<!tpu.dma_semaphore, #tpu.memory_space<semaphore_mem>>) src(%arg11 : memref<128x128xf32, #tpu.memory_space<vmem>>) dst(%dma_wait3A_367 : memref<10240x128xf32, #tpu.memory_space<vmem_shared>>)
      %jit3A = arith.constant 8 : i32
      %div3A = arith.divsi %add3A_362, %jit3A : i32
      %sign3A = arith.constant 0 : i32
      %sign3A_368 = arith.cmpi sgt, %add3A_362, %sign3A : i32
      %sign3A_369 = arith.extui %sign3A_368 : i1 to i32
      %sign3A_370 = arith.constant 0 : i32
      %sign3A_371 = arith.cmpi slt, %add3A_362, %sign3A_370 : i32
      %sign3A_372 = arith.extui %sign3A_371 : i1 to i32
      %sign3A_373 = arith.subi %sign3A_369, %sign3A_372 : i32
      %sign3A_374 = arith.constant 0 : i32
      %sign3A_375 = arith.cmpi sgt, %jit3A, %sign3A_374 : i32
      %sign3A_376 = arith.extui %sign3A_375 : i1 to i32
      %sign3A_377 = arith.constant 0 : i32
      %sign3A_378 = arith.cmpi slt, %jit3A, %sign3A_377 : i32
      %sign3A_379 = arith.extui %sign3A_378 : i1 to i32
      %sign3A_380 = arith.subi %sign3A_376, %sign3A_379 : i32
      %ne3A = arith.cmpi ne, %sign3A_373, %sign3A_380 : i32
      %rem3A = arith.remsi %add3A_362, %jit3A : i32
      %ne3A_381 = arith.constant 0 : i32
      %ne3A_382 = arith.cmpi ne, %rem3A, %ne3A_381 : i32
      %and3A = arith.andi %ne3A, %ne3A_382 : i1
      %sub3A = arith.constant 1 : i32
      %sub3A_383 = arith.subi %div3A, %sub3A : i32
      %select_n3A = arith.select %and3A, %sub3A_383, %div3A : i32
      %add3A_384 = arith.constant 1 : i32
      %add3A_385 = arith.addi %select_n3A, %add3A_384 : i32
      %mul3A_386 = arith.constant 1024 : i32
      %mul3A_387 = arith.muli %add3A_385, %mul3A_386 : i32
      %add3A_388 = arith.addi %add3A_7, %mul3A_387 : i32
      "tpu.region"() ({
        %run_scoped3A = tpu.sem_alloc : memref<!tpu.dma_semaphore, #tpu.memory_space<semaphore_mem>>
        %dma_start3A_769 = tpu.memref_slice %arg3[%add3A_388] : memref<656384xi32, #tpu.memory_space<hbm>> -> memref<1024xi32, #tpu.memory_space<hbm>>
        %dma_start3A_770 = tpu.memref_slice %arg3[%add3A_388] : memref<656384xi32, #tpu.memory_space<hbm>> -> memref<1024xi32, #tpu.memory_space<hbm>>
        tpu.enqueue_dma source(%dma_start3A_770 : memref<1024xi32, #tpu.memory_space<hbm>>) target(%arg7 : memref<1024xi32, #tpu.memory_space<vmem>>) target_semaphore(%run_scoped3A : memref<!tpu.dma_semaphore, #tpu.memory_space<semaphore_mem>>)
        %dma_wait3A_771 = tpu.memref_slice %arg3[%add3A_388] : memref<656384xi32, #tpu.memory_space<hbm>> -> memref<1024xi32, #tpu.memory_space<hbm>>
        %dma_wait3A_772 = tpu.memref_slice %arg3[%add3A_388] : memref<656384xi32, #tpu.memory_space<hbm>> -> memref<1024xi32, #tpu.memory_space<hbm>>
        tpu.wait_dma2 semaphore(%run_scoped3A : memref<!tpu.dma_semaphore, #tpu.memory_space<semaphore_mem>>) src(%dma_wait3A_772 : memref<1024xi32, #tpu.memory_space<hbm>>) dst(%arg7 : memref<1024xi32, #tpu.memory_space<vmem>>)
        tpu.yield
      }) : () -> ()
      %mul3A_389 = arith.constant 1024 : i32
      %mul3A_390 = arith.muli %add3A_385, %mul3A_389 : i32
      %add3A_391 = arith.addi %mul3A_9, %mul3A_390 : i32
      "tpu.region"() ({
        %run_scoped3A = tpu.sem_alloc : memref<!tpu.dma_semaphore, #tpu.memory_space<semaphore_mem>>
        %dma_start3A_769 = tpu.memref_slice %arg4[%add3A_391] : memref<328704xi32, #tpu.memory_space<hbm>> -> memref<1024xi32, #tpu.memory_space<hbm>>
        %dma_start3A_770 = tpu.memref_slice %arg4[%add3A_391] : memref<328704xi32, #tpu.memory_space<hbm>> -> memref<1024xi32, #tpu.memory_space<hbm>>
        tpu.enqueue_dma source(%dma_start3A_770 : memref<1024xi32, #tpu.memory_space<hbm>>) target(%arg9 : memref<1024xi32, #tpu.memory_space<vmem>>) target_semaphore(%run_scoped3A : memref<!tpu.dma_semaphore, #tpu.memory_space<semaphore_mem>>)
        %dma_wait3A_771 = tpu.memref_slice %arg4[%add3A_391] : memref<328704xi32, #tpu.memory_space<hbm>> -> memref<1024xi32, #tpu.memory_space<hbm>>
        %dma_wait3A_772 = tpu.memref_slice %arg4[%add3A_391] : memref<328704xi32, #tpu.memory_space<hbm>> -> memref<1024xi32, #tpu.memory_space<hbm>>
        tpu.wait_dma2 semaphore(%run_scoped3A : memref<!tpu.dma_semaphore, #tpu.memory_space<semaphore_mem>>) src(%dma_wait3A_772 : memref<1024xi32, #tpu.memory_space<hbm>>) dst(%arg9 : memref<1024xi32, #tpu.memory_space<vmem>>)
        tpu.yield
      }) : () -> ()
      %dma_start3A_392 = arith.constant 128 : i32
      %dma_start3A_393 = tpu.memref_slice %arg6[%dma_start3A_392] : memref<1024xi32, #tpu.memory_space<vmem>> -> memref<128xi32, #tpu.memory_space<vmem>>
      %dma_start3A_394 = arith.constant 0 : i32
      %dma_start3A_395 = arith.constant 0 : i32
      %dma_start3A_396 = tpu.memref_slice %arg2[%dma_start3A_394, %dma_start3A_395] : memref<20480x128xf32, #tpu.memory_space<hbm>> -> memref<20480x128xf32, #tpu.memory_space<hbm>>
      tpu.enqueue_indirect_dma source(%dma_start3A_396 : memref<20480x128xf32, #tpu.memory_space<hbm>>) target(%arg11 : memref<128x128xf32, #tpu.memory_space<vmem>>) offsets(%dma_start3A_393 : memref<128xi32, #tpu.memory_space<vmem>>) semaphore(%arg13 : memref<!tpu.dma_semaphore, #tpu.memory_space<semaphore_mem>>)
      %dma_wait3A_397 = arith.constant 0 : i32
      %dma_wait3A_398 = tpu.memref_slice %arg6[%dma_wait3A_397] : memref<1024xi32, #tpu.memory_space<vmem>> -> memref<128xi32, #tpu.memory_space<vmem>>
      %dma_wait3A_399 = arith.constant 0 : i32
      %dma_wait3A_400 = arith.constant 0 : i32
      %dma_wait3A_401 = tpu.memref_slice %arg2[%dma_wait3A_399, %dma_wait3A_400] : memref<20480x128xf32, #tpu.memory_space<hbm>> -> memref<20480x128xf32, #tpu.memory_space<hbm>>
      tpu.wait_indirect_dma semaphore(%arg12 : memref<!tpu.dma_semaphore, #tpu.memory_space<semaphore_mem>>) src(%dma_wait3A_401 : memref<20480x128xf32, #tpu.memory_space<hbm>>) dst(%arg10 : memref<128x128xf32, #tpu.memory_space<vmem>>)
      %dma_start3A_402 = arith.constant 0 : i32
      %dma_start3A_403 = tpu.memref_slice %arg8[%dma_start3A_402] : memref<1024xi32, #tpu.memory_space<vmem>> -> memref<128xi32, #tpu.memory_space<vmem>>
      %dma_start3A_404 = arith.constant 0 : i32
      %dma_start3A_405 = arith.constant 0 : i32
      %dma_start3A_406 = tpu.memref_slice %arg16[%dma_start3A_404, %dma_start3A_405] : memref<10240x128xf32, #tpu.memory_space<vmem_shared>> -> memref<10240x128xf32, #tpu.memory_space<vmem_shared>>
      tpu.enqueue_indirect_dma source(%arg10 : memref<128x128xf32, #tpu.memory_space<vmem>>) target(%dma_start3A_406 : memref<10240x128xf32, #tpu.memory_space<vmem_shared>>) offsets(%dma_start3A_403 : memref<128xi32, #tpu.memory_space<vmem>>) semaphore(%arg14 : memref<!tpu.dma_semaphore, #tpu.memory_space<semaphore_mem>>) {add = true}
      %add3A_407 = arith.constant 1 : i32
      %add3A_408 = arith.addi %add3A_360, %add3A_407 : i32
      %dma_wait3A_409 = arith.constant 0 : i32
      %dma_wait3A_410 = tpu.memref_slice %arg8[%dma_wait3A_409] : memref<1024xi32, #tpu.memory_space<vmem>> -> memref<128xi32, #tpu.memory_space<vmem>>
      %dma_wait3A_411 = arith.constant 0 : i32
      %dma_wait3A_412 = arith.constant 0 : i32
      %dma_wait3A_413 = tpu.memref_slice %arg16[%dma_wait3A_411, %dma_wait3A_412] : memref<10240x128xf32, #tpu.memory_space<vmem_shared>> -> memref<10240x128xf32, #tpu.memory_space<vmem_shared>>
      tpu.wait_indirect_dma semaphore(%arg14 : memref<!tpu.dma_semaphore, #tpu.memory_space<semaphore_mem>>) src(%arg10 : memref<128x128xf32, #tpu.memory_space<vmem>>) dst(%dma_wait3A_413 : memref<10240x128xf32, #tpu.memory_space<vmem_shared>>)
      %dma_start3A_414 = arith.constant 256 : i32
      %dma_start3A_415 = tpu.memref_slice %arg6[%dma_start3A_414] : memref<1024xi32, #tpu.memory_space<vmem>> -> memref<128xi32, #tpu.memory_space<vmem>>
      %dma_start3A_416 = arith.constant 0 : i32
      %dma_start3A_417 = arith.constant 0 : i32
      %dma_start3A_418 = tpu.memref_slice %arg2[%dma_start3A_416, %dma_start3A_417] : memref<20480x128xf32, #tpu.memory_space<hbm>> -> memref<20480x128xf32, #tpu.memory_space<hbm>>
      tpu.enqueue_indirect_dma source(%dma_start3A_418 : memref<20480x128xf32, #tpu.memory_space<hbm>>) target(%arg10 : memref<128x128xf32, #tpu.memory_space<vmem>>) offsets(%dma_start3A_415 : memref<128xi32, #tpu.memory_space<vmem>>) semaphore(%arg12 : memref<!tpu.dma_semaphore, #tpu.memory_space<semaphore_mem>>)
      %dma_wait3A_419 = arith.constant 128 : i32
      %dma_wait3A_420 = tpu.memref_slice %arg6[%dma_wait3A_419] : memref<1024xi32, #tpu.memory_space<vmem>> -> memref<128xi32, #tpu.memory_space<vmem>>
      %dma_wait3A_421 = arith.constant 0 : i32
      %dma_wait3A_422 = arith.constant 0 : i32
      %dma_wait3A_423 = tpu.memref_slice %arg2[%dma_wait3A_421, %dma_wait3A_422] : memref<20480x128xf32, #tpu.memory_space<hbm>> -> memref<20480x128xf32, #tpu.memory_space<hbm>>
      tpu.wait_indirect_dma semaphore(%arg13 : memref<!tpu.dma_semaphore, #tpu.memory_space<semaphore_mem>>) src(%dma_wait3A_423 : memref<20480x128xf32, #tpu.memory_space<hbm>>) dst(%arg11 : memref<128x128xf32, #tpu.memory_space<vmem>>)
      %dma_start3A_424 = arith.constant 128 : i32
      %dma_start3A_425 = tpu.memref_slice %arg8[%dma_start3A_424] : memref<1024xi32, #tpu.memory_space<vmem>> -> memref<128xi32, #tpu.memory_space<vmem>>
      %dma_start3A_426 = arith.constant 0 : i32
      %dma_start3A_427 = arith.constant 0 : i32
      %dma_start3A_428 = tpu.memref_slice %arg16[%dma_start3A_426, %dma_start3A_427] : memref<10240x128xf32, #tpu.memory_space<vmem_shared>> -> memref<10240x128xf32, #tpu.memory_space<vmem_shared>>
      tpu.enqueue_indirect_dma source(%arg11 : memref<128x128xf32, #tpu.memory_space<vmem>>) target(%dma_start3A_428 : memref<10240x128xf32, #tpu.memory_space<vmem_shared>>) offsets(%dma_start3A_425 : memref<128xi32, #tpu.memory_space<vmem>>) semaphore(%arg15 : memref<!tpu.dma_semaphore, #tpu.memory_space<semaphore_mem>>) {add = true}
      %add3A_429 = arith.constant 2 : i32
      %add3A_430 = arith.addi %add3A_360, %add3A_429 : i32
      %dma_wait3A_431 = arith.constant 128 : i32
      %dma_wait3A_432 = tpu.memref_slice %arg8[%dma_wait3A_431] : memref<1024xi32, #tpu.memory_space<vmem>> -> memref<128xi32, #tpu.memory_space<vmem>>
      %dma_wait3A_433 = arith.constant 0 : i32
      %dma_wait3A_434 = arith.constant 0 : i32
      %dma_wait3A_435 = tpu.memref_slice %arg16[%dma_wait3A_433, %dma_wait3A_434] : memref<10240x128xf32, #tpu.memory_space<vmem_shared>> -> memref<10240x128xf32, #tpu.memory_space<vmem_shared>>
      tpu.wait_indirect_dma semaphore(%arg15 : memref<!tpu.dma_semaphore, #tpu.memory_space<semaphore_mem>>) src(%arg11 : memref<128x128xf32, #tpu.memory_space<vmem>>) dst(%dma_wait3A_435 : memref<10240x128xf32, #tpu.memory_space<vmem_shared>>)
      %dma_start3A_436 = arith.constant 384 : i32
      %dma_start3A_437 = tpu.memref_slice %arg6[%dma_start3A_436] : memref<1024xi32, #tpu.memory_space<vmem>> -> memref<128xi32, #tpu.memory_space<vmem>>
      %dma_start3A_438 = arith.constant 0 : i32
      %dma_start3A_439 = arith.constant 0 : i32
      %dma_start3A_440 = tpu.memref_slice %arg2[%dma_start3A_438, %dma_start3A_439] : memref<20480x128xf32, #tpu.memory_space<hbm>> -> memref<20480x128xf32, #tpu.memory_space<hbm>>
      tpu.enqueue_indirect_dma source(%dma_start3A_440 : memref<20480x128xf32, #tpu.memory_space<hbm>>) target(%arg11 : memref<128x128xf32, #tpu.memory_space<vmem>>) offsets(%dma_start3A_437 : memref<128xi32, #tpu.memory_space<vmem>>) semaphore(%arg13 : memref<!tpu.dma_semaphore, #tpu.memory_space<semaphore_mem>>)
      %dma_wait3A_441 = arith.constant 256 : i32
      %dma_wait3A_442 = tpu.memref_slice %arg6[%dma_wait3A_441] : memref<1024xi32, #tpu.memory_space<vmem>> -> memref<128xi32, #tpu.memory_space<vmem>>
      %dma_wait3A_443 = arith.constant 0 : i32
      %dma_wait3A_444 = arith.constant 0 : i32
      %dma_wait3A_445 = tpu.memref_slice %arg2[%dma_wait3A_443, %dma_wait3A_444] : memref<20480x128xf32, #tpu.memory_space<hbm>> -> memref<20480x128xf32, #tpu.memory_space<hbm>>
      tpu.wait_indirect_dma semaphore(%arg12 : memref<!tpu.dma_semaphore, #tpu.memory_space<semaphore_mem>>) src(%dma_wait3A_445 : memref<20480x128xf32, #tpu.memory_space<hbm>>) dst(%arg10 : memref<128x128xf32, #tpu.memory_space<vmem>>)
      %dma_start3A_446 = arith.constant 256 : i32
      %dma_start3A_447 = tpu.memref_slice %arg8[%dma_start3A_446] : memref<1024xi32, #tpu.memory_space<vmem>> -> memref<128xi32, #tpu.memory_space<vmem>>
      %dma_start3A_448 = arith.constant 0 : i32
      %dma_start3A_449 = arith.constant 0 : i32
      %dma_start3A_450 = tpu.memref_slice %arg16[%dma_start3A_448, %dma_start3A_449] : memref<10240x128xf32, #tpu.memory_space<vmem_shared>> -> memref<10240x128xf32, #tpu.memory_space<vmem_shared>>
      tpu.enqueue_indirect_dma source(%arg10 : memref<128x128xf32, #tpu.memory_space<vmem>>) target(%dma_start3A_450 : memref<10240x128xf32, #tpu.memory_space<vmem_shared>>) offsets(%dma_start3A_447 : memref<128xi32, #tpu.memory_space<vmem>>) semaphore(%arg14 : memref<!tpu.dma_semaphore, #tpu.memory_space<semaphore_mem>>) {add = true}
      %add3A_451 = arith.constant 3 : i32
      %add3A_452 = arith.addi %add3A_360, %add3A_451 : i32
      %dma_wait3A_453 = arith.constant 256 : i32
      %dma_wait3A_454 = tpu.memref_slice %arg8[%dma_wait3A_453] : memref<1024xi32, #tpu.memory_space<vmem>> -> memref<128xi32, #tpu.memory_space<vmem>>
      %dma_wait3A_455 = arith.constant 0 : i32
      %dma_wait3A_456 = arith.constant 0 : i32
      %dma_wait3A_457 = tpu.memref_slice %arg16[%dma_wait3A_455, %dma_wait3A_456] : memref<10240x128xf32, #tpu.memory_space<vmem_shared>> -> memref<10240x128xf32, #tpu.memory_space<vmem_shared>>
      tpu.wait_indirect_dma semaphore(%arg14 : memref<!tpu.dma_semaphore, #tpu.memory_space<semaphore_mem>>) src(%arg10 : memref<128x128xf32, #tpu.memory_space<vmem>>) dst(%dma_wait3A_457 : memref<10240x128xf32, #tpu.memory_space<vmem_shared>>)
      %dma_start3A_458 = arith.constant 512 : i32
      %dma_start3A_459 = tpu.memref_slice %arg6[%dma_start3A_458] : memref<1024xi32, #tpu.memory_space<vmem>> -> memref<128xi32, #tpu.memory_space<vmem>>
      %dma_start3A_460 = arith.constant 0 : i32
      %dma_start3A_461 = arith.constant 0 : i32
      %dma_start3A_462 = tpu.memref_slice %arg2[%dma_start3A_460, %dma_start3A_461] : memref<20480x128xf32, #tpu.memory_space<hbm>> -> memref<20480x128xf32, #tpu.memory_space<hbm>>
      tpu.enqueue_indirect_dma source(%dma_start3A_462 : memref<20480x128xf32, #tpu.memory_space<hbm>>) target(%arg10 : memref<128x128xf32, #tpu.memory_space<vmem>>) offsets(%dma_start3A_459 : memref<128xi32, #tpu.memory_space<vmem>>) semaphore(%arg12 : memref<!tpu.dma_semaphore, #tpu.memory_space<semaphore_mem>>)
      %dma_wait3A_463 = arith.constant 384 : i32
      %dma_wait3A_464 = tpu.memref_slice %arg6[%dma_wait3A_463] : memref<1024xi32, #tpu.memory_space<vmem>> -> memref<128xi32, #tpu.memory_space<vmem>>
      %dma_wait3A_465 = arith.constant 0 : i32
      %dma_wait3A_466 = arith.constant 0 : i32
      %dma_wait3A_467 = tpu.memref_slice %arg2[%dma_wait3A_465, %dma_wait3A_466] : memref<20480x128xf32, #tpu.memory_space<hbm>> -> memref<20480x128xf32, #tpu.memory_space<hbm>>
      tpu.wait_indirect_dma semaphore(%arg13 : memref<!tpu.dma_semaphore, #tpu.memory_space<semaphore_mem>>) src(%dma_wait3A_467 : memref<20480x128xf32, #tpu.memory_space<hbm>>) dst(%arg11 : memref<128x128xf32, #tpu.memory_space<vmem>>)
      %dma_start3A_468 = arith.constant 384 : i32
      %dma_start3A_469 = tpu.memref_slice %arg8[%dma_start3A_468] : memref<1024xi32, #tpu.memory_space<vmem>> -> memref<128xi32, #tpu.memory_space<vmem>>
      %dma_start3A_470 = arith.constant 0 : i32
      %dma_start3A_471 = arith.constant 0 : i32
      %dma_start3A_472 = tpu.memref_slice %arg16[%dma_start3A_470, %dma_start3A_471] : memref<10240x128xf32, #tpu.memory_space<vmem_shared>> -> memref<10240x128xf32, #tpu.memory_space<vmem_shared>>
      tpu.enqueue_indirect_dma source(%arg11 : memref<128x128xf32, #tpu.memory_space<vmem>>) target(%dma_start3A_472 : memref<10240x128xf32, #tpu.memory_space<vmem_shared>>) offsets(%dma_start3A_469 : memref<128xi32, #tpu.memory_space<vmem>>) semaphore(%arg15 : memref<!tpu.dma_semaphore, #tpu.memory_space<semaphore_mem>>) {add = true}
      %add3A_473 = arith.constant 4 : i32
      %add3A_474 = arith.addi %add3A_360, %add3A_473 : i32
      %dma_wait3A_475 = arith.constant 384 : i32
      %dma_wait3A_476 = tpu.memref_slice %arg8[%dma_wait3A_475] : memref<1024xi32, #tpu.memory_space<vmem>> -> memref<128xi32, #tpu.memory_space<vmem>>
      %dma_wait3A_477 = arith.constant 0 : i32
      %dma_wait3A_478 = arith.constant 0 : i32
      %dma_wait3A_479 = tpu.memref_slice %arg16[%dma_wait3A_477, %dma_wait3A_478] : memref<10240x128xf32, #tpu.memory_space<vmem_shared>> -> memref<10240x128xf32, #tpu.memory_space<vmem_shared>>
      tpu.wait_indirect_dma semaphore(%arg15 : memref<!tpu.dma_semaphore, #tpu.memory_space<semaphore_mem>>) src(%arg11 : memref<128x128xf32, #tpu.memory_space<vmem>>) dst(%dma_wait3A_479 : memref<10240x128xf32, #tpu.memory_space<vmem_shared>>)
      %dma_start3A_480 = arith.constant 640 : i32
      %dma_start3A_481 = tpu.memref_slice %arg6[%dma_start3A_480] : memref<1024xi32, #tpu.memory_space<vmem>> -> memref<128xi32, #tpu.memory_space<vmem>>
      %dma_start3A_482 = arith.constant 0 : i32
      %dma_start3A_483 = arith.constant 0 : i32
      %dma_start3A_484 = tpu.memref_slice %arg2[%dma_start3A_482, %dma_start3A_483] : memref<20480x128xf32, #tpu.memory_space<hbm>> -> memref<20480x128xf32, #tpu.memory_space<hbm>>
      tpu.enqueue_indirect_dma source(%dma_start3A_484 : memref<20480x128xf32, #tpu.memory_space<hbm>>) target(%arg11 : memref<128x128xf32, #tpu.memory_space<vmem>>) offsets(%dma_start3A_481 : memref<128xi32, #tpu.memory_space<vmem>>) semaphore(%arg13 : memref<!tpu.dma_semaphore, #tpu.memory_space<semaphore_mem>>)
      %dma_wait3A_485 = arith.constant 512 : i32
      %dma_wait3A_486 = tpu.memref_slice %arg6[%dma_wait3A_485] : memref<1024xi32, #tpu.memory_space<vmem>> -> memref<128xi32, #tpu.memory_space<vmem>>
      %dma_wait3A_487 = arith.constant 0 : i32
      %dma_wait3A_488 = arith.constant 0 : i32
      %dma_wait3A_489 = tpu.memref_slice %arg2[%dma_wait3A_487, %dma_wait3A_488] : memref<20480x128xf32, #tpu.memory_space<hbm>> -> memref<20480x128xf32, #tpu.memory_space<hbm>>
      tpu.wait_indirect_dma semaphore(%arg12 : memref<!tpu.dma_semaphore, #tpu.memory_space<semaphore_mem>>) src(%dma_wait3A_489 : memref<20480x128xf32, #tpu.memory_space<hbm>>) dst(%arg10 : memref<128x128xf32, #tpu.memory_space<vmem>>)
      %dma_start3A_490 = arith.constant 512 : i32
      %dma_start3A_491 = tpu.memref_slice %arg8[%dma_start3A_490] : memref<1024xi32, #tpu.memory_space<vmem>> -> memref<128xi32, #tpu.memory_space<vmem>>
      %dma_start3A_492 = arith.constant 0 : i32
      %dma_start3A_493 = arith.constant 0 : i32
      %dma_start3A_494 = tpu.memref_slice %arg16[%dma_start3A_492, %dma_start3A_493] : memref<10240x128xf32, #tpu.memory_space<vmem_shared>> -> memref<10240x128xf32, #tpu.memory_space<vmem_shared>>
      tpu.enqueue_indirect_dma source(%arg10 : memref<128x128xf32, #tpu.memory_space<vmem>>) target(%dma_start3A_494 : memref<10240x128xf32, #tpu.memory_space<vmem_shared>>) offsets(%dma_start3A_491 : memref<128xi32, #tpu.memory_space<vmem>>) semaphore(%arg14 : memref<!tpu.dma_semaphore, #tpu.memory_space<semaphore_mem>>) {add = true}
      %add3A_495 = arith.constant 5 : i32
      %add3A_496 = arith.addi %add3A_360, %add3A_495 : i32
      %dma_wait3A_497 = arith.constant 512 : i32
      %dma_wait3A_498 = tpu.memref_slice %arg8[%dma_wait3A_497] : memref<1024xi32, #tpu.memory_space<vmem>> -> memref<128xi32, #tpu.memory_space<vmem>>
      %dma_wait3A_499 = arith.constant 0 : i32
      %dma_wait3A_500 = arith.constant 0 : i32
      %dma_wait3A_501 = tpu.memref_slice %arg16[%dma_wait3A_499, %dma_wait3A_500] : memref<10240x128xf32, #tpu.memory_space<vmem_shared>> -> memref<10240x128xf32, #tpu.memory_space<vmem_shared>>
      tpu.wait_indirect_dma semaphore(%arg14 : memref<!tpu.dma_semaphore, #tpu.memory_space<semaphore_mem>>) src(%arg10 : memref<128x128xf32, #tpu.memory_space<vmem>>) dst(%dma_wait3A_501 : memref<10240x128xf32, #tpu.memory_space<vmem_shared>>)
      %dma_start3A_502 = arith.constant 768 : i32
      %dma_start3A_503 = tpu.memref_slice %arg6[%dma_start3A_502] : memref<1024xi32, #tpu.memory_space<vmem>> -> memref<128xi32, #tpu.memory_space<vmem>>
      %dma_start3A_504 = arith.constant 0 : i32
      %dma_start3A_505 = arith.constant 0 : i32
      %dma_start3A_506 = tpu.memref_slice %arg2[%dma_start3A_504, %dma_start3A_505] : memref<20480x128xf32, #tpu.memory_space<hbm>> -> memref<20480x128xf32, #tpu.memory_space<hbm>>
      tpu.enqueue_indirect_dma source(%dma_start3A_506 : memref<20480x128xf32, #tpu.memory_space<hbm>>) target(%arg10 : memref<128x128xf32, #tpu.memory_space<vmem>>) offsets(%dma_start3A_503 : memref<128xi32, #tpu.memory_space<vmem>>) semaphore(%arg12 : memref<!tpu.dma_semaphore, #tpu.memory_space<semaphore_mem>>)
      %dma_wait3A_507 = arith.constant 640 : i32
      %dma_wait3A_508 = tpu.memref_slice %arg6[%dma_wait3A_507] : memref<1024xi32, #tpu.memory_space<vmem>> -> memref<128xi32, #tpu.memory_space<vmem>>
      %dma_wait3A_509 = arith.constant 0 : i32
      %dma_wait3A_510 = arith.constant 0 : i32
      %dma_wait3A_511 = tpu.memref_slice %arg2[%dma_wait3A_509, %dma_wait3A_510] : memref<20480x128xf32, #tpu.memory_space<hbm>> -> memref<20480x128xf32, #tpu.memory_space<hbm>>
      tpu.wait_indirect_dma semaphore(%arg13 : memref<!tpu.dma_semaphore, #tpu.memory_space<semaphore_mem>>) src(%dma_wait3A_511 : memref<20480x128xf32, #tpu.memory_space<hbm>>) dst(%arg11 : memref<128x128xf32, #tpu.memory_space<vmem>>)
      %dma_start3A_512 = arith.constant 640 : i32
      %dma_start3A_513 = tpu.memref_slice %arg8[%dma_start3A_512] : memref<1024xi32, #tpu.memory_space<vmem>> -> memref<128xi32, #tpu.memory_space<vmem>>
      %dma_start3A_514 = arith.constant 0 : i32
      %dma_start3A_515 = arith.constant 0 : i32
      %dma_start3A_516 = tpu.memref_slice %arg16[%dma_start3A_514, %dma_start3A_515] : memref<10240x128xf32, #tpu.memory_space<vmem_shared>> -> memref<10240x128xf32, #tpu.memory_space<vmem_shared>>
      tpu.enqueue_indirect_dma source(%arg11 : memref<128x128xf32, #tpu.memory_space<vmem>>) target(%dma_start3A_516 : memref<10240x128xf32, #tpu.memory_space<vmem_shared>>) offsets(%dma_start3A_513 : memref<128xi32, #tpu.memory_space<vmem>>) semaphore(%arg15 : memref<!tpu.dma_semaphore, #tpu.memory_space<semaphore_mem>>) {add = true}
      %add3A_517 = arith.constant 6 : i32
      %add3A_518 = arith.addi %add3A_360, %add3A_517 : i32
      %dma_wait3A_519 = arith.constant 640 : i32
      %dma_wait3A_520 = tpu.memref_slice %arg8[%dma_wait3A_519] : memref<1024xi32, #tpu.memory_space<vmem>> -> memref<128xi32, #tpu.memory_space<vmem>>
      %dma_wait3A_521 = arith.constant 0 : i32
      %dma_wait3A_522 = arith.constant 0 : i32
      %dma_wait3A_523 = tpu.memref_slice %arg16[%dma_wait3A_521, %dma_wait3A_522] : memref<10240x128xf32, #tpu.memory_space<vmem_shared>> -> memref<10240x128xf32, #tpu.memory_space<vmem_shared>>
      tpu.wait_indirect_dma semaphore(%arg15 : memref<!tpu.dma_semaphore, #tpu.memory_space<semaphore_mem>>) src(%arg11 : memref<128x128xf32, #tpu.memory_space<vmem>>) dst(%dma_wait3A_523 : memref<10240x128xf32, #tpu.memory_space<vmem_shared>>)
      %dma_start3A_524 = arith.constant 896 : i32
      %dma_start3A_525 = tpu.memref_slice %arg6[%dma_start3A_524] : memref<1024xi32, #tpu.memory_space<vmem>> -> memref<128xi32, #tpu.memory_space<vmem>>
      %dma_start3A_526 = arith.constant 0 : i32
      %dma_start3A_527 = arith.constant 0 : i32
      %dma_start3A_528 = tpu.memref_slice %arg2[%dma_start3A_526, %dma_start3A_527] : memref<20480x128xf32, #tpu.memory_space<hbm>> -> memref<20480x128xf32, #tpu.memory_space<hbm>>
      tpu.enqueue_indirect_dma source(%dma_start3A_528 : memref<20480x128xf32, #tpu.memory_space<hbm>>) target(%arg11 : memref<128x128xf32, #tpu.memory_space<vmem>>) offsets(%dma_start3A_525 : memref<128xi32, #tpu.memory_space<vmem>>) semaphore(%arg13 : memref<!tpu.dma_semaphore, #tpu.memory_space<semaphore_mem>>)
      %dma_wait3A_529 = arith.constant 768 : i32
      %dma_wait3A_530 = tpu.memref_slice %arg6[%dma_wait3A_529] : memref<1024xi32, #tpu.memory_space<vmem>> -> memref<128xi32, #tpu.memory_space<vmem>>
      %dma_wait3A_531 = arith.constant 0 : i32
      %dma_wait3A_532 = arith.constant 0 : i32
      %dma_wait3A_533 = tpu.memref_slice %arg2[%dma_wait3A_531, %dma_wait3A_532] : memref<20480x128xf32, #tpu.memory_space<hbm>> -> memref<20480x128xf32, #tpu.memory_space<hbm>>
      tpu.wait_indirect_dma semaphore(%arg12 : memref<!tpu.dma_semaphore, #tpu.memory_space<semaphore_mem>>) src(%dma_wait3A_533 : memref<20480x128xf32, #tpu.memory_space<hbm>>) dst(%arg10 : memref<128x128xf32, #tpu.memory_space<vmem>>)
      %dma_start3A_534 = arith.constant 768 : i32
      %dma_start3A_535 = tpu.memref_slice %arg8[%dma_start3A_534] : memref<1024xi32, #tpu.memory_space<vmem>> -> memref<128xi32, #tpu.memory_space<vmem>>
      %dma_start3A_536 = arith.constant 0 : i32
      %dma_start3A_537 = arith.constant 0 : i32
      %dma_start3A_538 = tpu.memref_slice %arg16[%dma_start3A_536, %dma_start3A_537] : memref<10240x128xf32, #tpu.memory_space<vmem_shared>> -> memref<10240x128xf32, #tpu.memory_space<vmem_shared>>
      tpu.enqueue_indirect_dma source(%arg10 : memref<128x128xf32, #tpu.memory_space<vmem>>) target(%dma_start3A_538 : memref<10240x128xf32, #tpu.memory_space<vmem_shared>>) offsets(%dma_start3A_535 : memref<128xi32, #tpu.memory_space<vmem>>) semaphore(%arg14 : memref<!tpu.dma_semaphore, #tpu.memory_space<semaphore_mem>>) {add = true}
      %add3A_539 = arith.constant 7 : i32
      %add3A_540 = arith.addi %add3A_360, %add3A_539 : i32
      %dma_wait3A_541 = arith.constant 768 : i32
      %dma_wait3A_542 = tpu.memref_slice %arg8[%dma_wait3A_541] : memref<1024xi32, #tpu.memory_space<vmem>> -> memref<128xi32, #tpu.memory_space<vmem>>
      %dma_wait3A_543 = arith.constant 0 : i32
      %dma_wait3A_544 = arith.constant 0 : i32
      %dma_wait3A_545 = tpu.memref_slice %arg16[%dma_wait3A_543, %dma_wait3A_544] : memref<10240x128xf32, #tpu.memory_space<vmem_shared>> -> memref<10240x128xf32, #tpu.memory_space<vmem_shared>>
      tpu.wait_indirect_dma semaphore(%arg14 : memref<!tpu.dma_semaphore, #tpu.memory_space<semaphore_mem>>) src(%arg10 : memref<128x128xf32, #tpu.memory_space<vmem>>) dst(%dma_wait3A_545 : memref<10240x128xf32, #tpu.memory_space<vmem_shared>>)
      %dma_start3A_546 = arith.constant 0 : i32
      %dma_start3A_547 = tpu.memref_slice %arg7[%dma_start3A_546] : memref<1024xi32, #tpu.memory_space<vmem>> -> memref<128xi32, #tpu.memory_space<vmem>>
      %dma_start3A_548 = arith.constant 0 : i32
      %dma_start3A_549 = arith.constant 0 : i32
      %dma_start3A_550 = tpu.memref_slice %arg2[%dma_start3A_548, %dma_start3A_549] : memref<20480x128xf32, #tpu.memory_space<hbm>> -> memref<20480x128xf32, #tpu.memory_space<hbm>>
      tpu.enqueue_indirect_dma source(%dma_start3A_550 : memref<20480x128xf32, #tpu.memory_space<hbm>>) target(%arg10 : memref<128x128xf32, #tpu.memory_space<vmem>>) offsets(%dma_start3A_547 : memref<128xi32, #tpu.memory_space<vmem>>) semaphore(%arg12 : memref<!tpu.dma_semaphore, #tpu.memory_space<semaphore_mem>>)
      %dma_wait3A_551 = arith.constant 896 : i32
      %dma_wait3A_552 = tpu.memref_slice %arg6[%dma_wait3A_551] : memref<1024xi32, #tpu.memory_space<vmem>> -> memref<128xi32, #tpu.memory_space<vmem>>
      %dma_wait3A_553 = arith.constant 0 : i32
      %dma_wait3A_554 = arith.constant 0 : i32
      %dma_wait3A_555 = tpu.memref_slice %arg2[%dma_wait3A_553, %dma_wait3A_554] : memref<20480x128xf32, #tpu.memory_space<hbm>> -> memref<20480x128xf32, #tpu.memory_space<hbm>>
      tpu.wait_indirect_dma semaphore(%arg13 : memref<!tpu.dma_semaphore, #tpu.memory_space<semaphore_mem>>) src(%dma_wait3A_555 : memref<20480x128xf32, #tpu.memory_space<hbm>>) dst(%arg11 : memref<128x128xf32, #tpu.memory_space<vmem>>)
      %dma_start3A_556 = arith.constant 896 : i32
      %dma_start3A_557 = tpu.memref_slice %arg8[%dma_start3A_556] : memref<1024xi32, #tpu.memory_space<vmem>> -> memref<128xi32, #tpu.memory_space<vmem>>
      %dma_start3A_558 = arith.constant 0 : i32
      %dma_start3A_559 = arith.constant 0 : i32
      %dma_start3A_560 = tpu.memref_slice %arg16[%dma_start3A_558, %dma_start3A_559] : memref<10240x128xf32, #tpu.memory_space<vmem_shared>> -> memref<10240x128xf32, #tpu.memory_space<vmem_shared>>
      tpu.enqueue_indirect_dma source(%arg11 : memref<128x128xf32, #tpu.memory_space<vmem>>) target(%dma_start3A_560 : memref<10240x128xf32, #tpu.memory_space<vmem_shared>>) offsets(%dma_start3A_557 : memref<128xi32, #tpu.memory_space<vmem>>) semaphore(%arg15 : memref<!tpu.dma_semaphore, #tpu.memory_space<semaphore_mem>>) {add = true}
      %add3A_561 = arith.constant 8 : i32
      %add3A_562 = arith.addi %add3A_360, %add3A_561 : i32
      %dma_wait3A_563 = arith.constant 896 : i32
      %dma_wait3A_564 = tpu.memref_slice %arg8[%dma_wait3A_563] : memref<1024xi32, #tpu.memory_space<vmem>> -> memref<128xi32, #tpu.memory_space<vmem>>
      %dma_wait3A_565 = arith.constant 0 : i32
      %dma_wait3A_566 = arith.constant 0 : i32
      %dma_wait3A_567 = tpu.memref_slice %arg16[%dma_wait3A_565, %dma_wait3A_566] : memref<10240x128xf32, #tpu.memory_space<vmem_shared>> -> memref<10240x128xf32, #tpu.memory_space<vmem_shared>>
      tpu.wait_indirect_dma semaphore(%arg15 : memref<!tpu.dma_semaphore, #tpu.memory_space<semaphore_mem>>) src(%arg11 : memref<128x128xf32, #tpu.memory_space<vmem>>) dst(%dma_wait3A_567 : memref<10240x128xf32, #tpu.memory_space<vmem_shared>>)
      %jit3A_568 = arith.constant 8 : i32
      %div3A_569 = arith.divsi %add3A_562, %jit3A_568 : i32
      %sign3A_570 = arith.constant 0 : i32
      %sign3A_571 = arith.cmpi sgt, %add3A_562, %sign3A_570 : i32
      %sign3A_572 = arith.extui %sign3A_571 : i1 to i32
      %sign3A_573 = arith.constant 0 : i32
      %sign3A_574 = arith.cmpi slt, %add3A_562, %sign3A_573 : i32
      %sign3A_575 = arith.extui %sign3A_574 : i1 to i32
      %sign3A_576 = arith.subi %sign3A_572, %sign3A_575 : i32
      %sign3A_577 = arith.constant 0 : i32
      %sign3A_578 = arith.cmpi sgt, %jit3A_568, %sign3A_577 : i32
      %sign3A_579 = arith.extui %sign3A_578 : i1 to i32
      %sign3A_580 = arith.constant 0 : i32
      %sign3A_581 = arith.cmpi slt, %jit3A_568, %sign3A_580 : i32
      %sign3A_582 = arith.extui %sign3A_581 : i1 to i32
      %sign3A_583 = arith.subi %sign3A_579, %sign3A_582 : i32
      %ne3A_584 = arith.cmpi ne, %sign3A_576, %sign3A_583 : i32
      %rem3A_585 = arith.remsi %add3A_562, %jit3A_568 : i32
      %ne3A_586 = arith.constant 0 : i32
      %ne3A_587 = arith.cmpi ne, %rem3A_585, %ne3A_586 : i32
      %and3A_588 = arith.andi %ne3A_584, %ne3A_587 : i1
      %sub3A_589 = arith.constant 1 : i32
      %sub3A_590 = arith.subi %div3A_569, %sub3A_589 : i32
      %select_n3A_591 = arith.select %and3A_588, %sub3A_590, %div3A_569 : i32
      %add3A_592 = arith.constant 1 : i32
      %add3A_593 = arith.addi %select_n3A_591, %add3A_592 : i32
      %mul3A_594 = arith.constant 1024 : i32
      %mul3A_595 = arith.muli %add3A_593, %mul3A_594 : i32
      %add3A_596 = arith.addi %add3A_7, %mul3A_595 : i32
      "tpu.region"() ({
        %run_scoped3A = tpu.sem_alloc : memref<!tpu.dma_semaphore, #tpu.memory_space<semaphore_mem>>
        %dma_start3A_769 = tpu.memref_slice %arg3[%add3A_596] : memref<656384xi32, #tpu.memory_space<hbm>> -> memref<1024xi32, #tpu.memory_space<hbm>>
        %dma_start3A_770 = tpu.memref_slice %arg3[%add3A_596] : memref<656384xi32, #tpu.memory_space<hbm>> -> memref<1024xi32, #tpu.memory_space<hbm>>
        tpu.enqueue_dma source(%dma_start3A_770 : memref<1024xi32, #tpu.memory_space<hbm>>) target(%arg6 : memref<1024xi32, #tpu.memory_space<vmem>>) target_semaphore(%run_scoped3A : memref<!tpu.dma_semaphore, #tpu.memory_space<semaphore_mem>>)
        %dma_wait3A_771 = tpu.memref_slice %arg3[%add3A_596] : memref<656384xi32, #tpu.memory_space<hbm>> -> memref<1024xi32, #tpu.memory_space<hbm>>
        %dma_wait3A_772 = tpu.memref_slice %arg3[%add3A_596] : memref<656384xi32, #tpu.memory_space<hbm>> -> memref<1024xi32, #tpu.memory_space<hbm>>
        tpu.wait_dma2 semaphore(%run_scoped3A : memref<!tpu.dma_semaphore, #tpu.memory_space<semaphore_mem>>) src(%dma_wait3A_772 : memref<1024xi32, #tpu.memory_space<hbm>>) dst(%arg6 : memref<1024xi32, #tpu.memory_space<vmem>>)
        tpu.yield
      }) : () -> ()
      %mul3A_597 = arith.constant 1024 : i32
      %mul3A_598 = arith.muli %add3A_593, %mul3A_597 : i32
      %add3A_599 = arith.addi %mul3A_9, %mul3A_598 : i32
      "tpu.region"() ({
        %run_scoped3A = tpu.sem_alloc : memref<!tpu.dma_semaphore, #tpu.memory_space<semaphore_mem>>
        %dma_start3A_769 = tpu.memref_slice %arg4[%add3A_599] : memref<328704xi32, #tpu.memory_space<hbm>> -> memref<1024xi32, #tpu.memory_space<hbm>>
        %dma_start3A_770 = tpu.memref_slice %arg4[%add3A_599] : memref<328704xi32, #tpu.memory_space<hbm>> -> memref<1024xi32, #tpu.memory_space<hbm>>
        tpu.enqueue_dma source(%dma_start3A_770 : memref<1024xi32, #tpu.memory_space<hbm>>) target(%arg8 : memref<1024xi32, #tpu.memory_space<vmem>>) target_semaphore(%run_scoped3A : memref<!tpu.dma_semaphore, #tpu.memory_space<semaphore_mem>>)
        %dma_wait3A_771 = tpu.memref_slice %arg4[%add3A_599] : memref<328704xi32, #tpu.memory_space<hbm>> -> memref<1024xi32, #tpu.memory_space<hbm>>
        %dma_wait3A_772 = tpu.memref_slice %arg4[%add3A_599] : memref<328704xi32, #tpu.memory_space<hbm>> -> memref<1024xi32, #tpu.memory_space<hbm>>
        tpu.wait_dma2 semaphore(%run_scoped3A : memref<!tpu.dma_semaphore, #tpu.memory_space<semaphore_mem>>) src(%dma_wait3A_772 : memref<1024xi32, #tpu.memory_space<hbm>>) dst(%arg8 : memref<1024xi32, #tpu.memory_space<vmem>>)
        tpu.yield
      }) : () -> ()
      %dma_start3A_600 = arith.constant 128 : i32
      %dma_start3A_601 = tpu.memref_slice %arg7[%dma_start3A_600] : memref<1024xi32, #tpu.memory_space<vmem>> -> memref<128xi32, #tpu.memory_space<vmem>>
      %dma_start3A_602 = arith.constant 0 : i32
      %dma_start3A_603 = arith.constant 0 : i32
      %dma_start3A_604 = tpu.memref_slice %arg2[%dma_start3A_602, %dma_start3A_603] : memref<20480x128xf32, #tpu.memory_space<hbm>> -> memref<20480x128xf32, #tpu.memory_space<hbm>>
      tpu.enqueue_indirect_dma source(%dma_start3A_604 : memref<20480x128xf32, #tpu.memory_space<hbm>>) target(%arg11 : memref<128x128xf32, #tpu.memory_space<vmem>>) offsets(%dma_start3A_601 : memref<128xi32, #tpu.memory_space<vmem>>) semaphore(%arg13 : memref<!tpu.dma_semaphore, #tpu.memory_space<semaphore_mem>>)
      %dma_wait3A_605 = arith.constant 0 : i32
      %dma_wait3A_606 = tpu.memref_slice %arg7[%dma_wait3A_605] : memref<1024xi32, #tpu.memory_space<vmem>> -> memref<128xi32, #tpu.memory_space<vmem>>
      %dma_wait3A_607 = arith.constant 0 : i32
      %dma_wait3A_608 = arith.constant 0 : i32
      %dma_wait3A_609 = tpu.memref_slice %arg2[%dma_wait3A_607, %dma_wait3A_608] : memref<20480x128xf32, #tpu.memory_space<hbm>> -> memref<20480x128xf32, #tpu.memory_space<hbm>>
      tpu.wait_indirect_dma semaphore(%arg12 : memref<!tpu.dma_semaphore, #tpu.memory_space<semaphore_mem>>) src(%dma_wait3A_609 : memref<20480x128xf32, #tpu.memory_space<hbm>>) dst(%arg10 : memref<128x128xf32, #tpu.memory_space<vmem>>)
      %dma_start3A_610 = arith.constant 0 : i32
      %dma_start3A_611 = tpu.memref_slice %arg9[%dma_start3A_610] : memref<1024xi32, #tpu.memory_space<vmem>> -> memref<128xi32, #tpu.memory_space<vmem>>
      %dma_start3A_612 = arith.constant 0 : i32
      %dma_start3A_613 = arith.constant 0 : i32
      %dma_start3A_614 = tpu.memref_slice %arg16[%dma_start3A_612, %dma_start3A_613] : memref<10240x128xf32, #tpu.memory_space<vmem_shared>> -> memref<10240x128xf32, #tpu.memory_space<vmem_shared>>
      tpu.enqueue_indirect_dma source(%arg10 : memref<128x128xf32, #tpu.memory_space<vmem>>) target(%dma_start3A_614 : memref<10240x128xf32, #tpu.memory_space<vmem_shared>>) offsets(%dma_start3A_611 : memref<128xi32, #tpu.memory_space<vmem>>) semaphore(%arg14 : memref<!tpu.dma_semaphore, #tpu.memory_space<semaphore_mem>>) {add = true}
      %add3A_615 = arith.constant 9 : i32
      %add3A_616 = arith.addi %add3A_360, %add3A_615 : i32
      %dma_wait3A_617 = arith.constant 0 : i32
      %dma_wait3A_618 = tpu.memref_slice %arg9[%dma_wait3A_617] : memref<1024xi32, #tpu.memory_space<vmem>> -> memref<128xi32, #tpu.memory_space<vmem>>
      %dma_wait3A_619 = arith.constant 0 : i32
      %dma_wait3A_620 = arith.constant 0 : i32
      %dma_wait3A_621 = tpu.memref_slice %arg16[%dma_wait3A_619, %dma_wait3A_620] : memref<10240x128xf32, #tpu.memory_space<vmem_shared>> -> memref<10240x128xf32, #tpu.memory_space<vmem_shared>>
      tpu.wait_indirect_dma semaphore(%arg14 : memref<!tpu.dma_semaphore, #tpu.memory_space<semaphore_mem>>) src(%arg10 : memref<128x128xf32, #tpu.memory_space<vmem>>) dst(%dma_wait3A_621 : memref<10240x128xf32, #tpu.memory_space<vmem_shared>>)
      %dma_start3A_622 = arith.constant 256 : i32
      %dma_start3A_623 = tpu.memref_slice %arg7[%dma_start3A_622] : memref<1024xi32, #tpu.memory_space<vmem>> -> memref<128xi32, #tpu.memory_space<vmem>>
      %dma_start3A_624 = arith.constant 0 : i32
      %dma_start3A_625 = arith.constant 0 : i32
      %dma_start3A_626 = tpu.memref_slice %arg2[%dma_start3A_624, %dma_start3A_625] : memref<20480x128xf32, #tpu.memory_space<hbm>> -> memref<20480x128xf32, #tpu.memory_space<hbm>>
      tpu.enqueue_indirect_dma source(%dma_start3A_626 : memref<20480x128xf32, #tpu.memory_space<hbm>>) target(%arg10 : memref<128x128xf32, #tpu.memory_space<vmem>>) offsets(%dma_start3A_623 : memref<128xi32, #tpu.memory_space<vmem>>) semaphore(%arg12 : memref<!tpu.dma_semaphore, #tpu.memory_space<semaphore_mem>>)
      %dma_wait3A_627 = arith.constant 128 : i32
      %dma_wait3A_628 = tpu.memref_slice %arg7[%dma_wait3A_627] : memref<1024xi32, #tpu.memory_space<vmem>> -> memref<128xi32, #tpu.memory_space<vmem>>
      %dma_wait3A_629 = arith.constant 0 : i32
      %dma_wait3A_630 = arith.constant 0 : i32
      %dma_wait3A_631 = tpu.memref_slice %arg2[%dma_wait3A_629, %dma_wait3A_630] : memref<20480x128xf32, #tpu.memory_space<hbm>> -> memref<20480x128xf32, #tpu.memory_space<hbm>>
      tpu.wait_indirect_dma semaphore(%arg13 : memref<!tpu.dma_semaphore, #tpu.memory_space<semaphore_mem>>) src(%dma_wait3A_631 : memref<20480x128xf32, #tpu.memory_space<hbm>>) dst(%arg11 : memref<128x128xf32, #tpu.memory_space<vmem>>)
      %dma_start3A_632 = arith.constant 128 : i32
      %dma_start3A_633 = tpu.memref_slice %arg9[%dma_start3A_632] : memref<1024xi32, #tpu.memory_space<vmem>> -> memref<128xi32, #tpu.memory_space<vmem>>
      %dma_start3A_634 = arith.constant 0 : i32
      %dma_start3A_635 = arith.constant 0 : i32
      %dma_start3A_636 = tpu.memref_slice %arg16[%dma_start3A_634, %dma_start3A_635] : memref<10240x128xf32, #tpu.memory_space<vmem_shared>> -> memref<10240x128xf32, #tpu.memory_space<vmem_shared>>
      tpu.enqueue_indirect_dma source(%arg11 : memref<128x128xf32, #tpu.memory_space<vmem>>) target(%dma_start3A_636 : memref<10240x128xf32, #tpu.memory_space<vmem_shared>>) offsets(%dma_start3A_633 : memref<128xi32, #tpu.memory_space<vmem>>) semaphore(%arg15 : memref<!tpu.dma_semaphore, #tpu.memory_space<semaphore_mem>>) {add = true}
      %add3A_637 = arith.constant 10 : i32
      %add3A_638 = arith.addi %add3A_360, %add3A_637 : i32
      %dma_wait3A_639 = arith.constant 128 : i32
      %dma_wait3A_640 = tpu.memref_slice %arg9[%dma_wait3A_639] : memref<1024xi32, #tpu.memory_space<vmem>> -> memref<128xi32, #tpu.memory_space<vmem>>
      %dma_wait3A_641 = arith.constant 0 : i32
      %dma_wait3A_642 = arith.constant 0 : i32
      %dma_wait3A_643 = tpu.memref_slice %arg16[%dma_wait3A_641, %dma_wait3A_642] : memref<10240x128xf32, #tpu.memory_space<vmem_shared>> -> memref<10240x128xf32, #tpu.memory_space<vmem_shared>>
      tpu.wait_indirect_dma semaphore(%arg15 : memref<!tpu.dma_semaphore, #tpu.memory_space<semaphore_mem>>) src(%arg11 : memref<128x128xf32, #tpu.memory_space<vmem>>) dst(%dma_wait3A_643 : memref<10240x128xf32, #tpu.memory_space<vmem_shared>>)
      %dma_start3A_644 = arith.constant 384 : i32
      %dma_start3A_645 = tpu.memref_slice %arg7[%dma_start3A_644] : memref<1024xi32, #tpu.memory_space<vmem>> -> memref<128xi32, #tpu.memory_space<vmem>>
      %dma_start3A_646 = arith.constant 0 : i32
      %dma_start3A_647 = arith.constant 0 : i32
      %dma_start3A_648 = tpu.memref_slice %arg2[%dma_start3A_646, %dma_start3A_647] : memref<20480x128xf32, #tpu.memory_space<hbm>> -> memref<20480x128xf32, #tpu.memory_space<hbm>>
      tpu.enqueue_indirect_dma source(%dma_start3A_648 : memref<20480x128xf32, #tpu.memory_space<hbm>>) target(%arg11 : memref<128x128xf32, #tpu.memory_space<vmem>>) offsets(%dma_start3A_645 : memref<128xi32, #tpu.memory_space<vmem>>) semaphore(%arg13 : memref<!tpu.dma_semaphore, #tpu.memory_space<semaphore_mem>>)
      %dma_wait3A_649 = arith.constant 256 : i32
      %dma_wait3A_650 = tpu.memref_slice %arg7[%dma_wait3A_649] : memref<1024xi32, #tpu.memory_space<vmem>> -> memref<128xi32, #tpu.memory_space<vmem>>
      %dma_wait3A_651 = arith.constant 0 : i32
      %dma_wait3A_652 = arith.constant 0 : i32
      %dma_wait3A_653 = tpu.memref_slice %arg2[%dma_wait3A_651, %dma_wait3A_652] : memref<20480x128xf32, #tpu.memory_space<hbm>> -> memref<20480x128xf32, #tpu.memory_space<hbm>>
      tpu.wait_indirect_dma semaphore(%arg12 : memref<!tpu.dma_semaphore, #tpu.memory_space<semaphore_mem>>) src(%dma_wait3A_653 : memref<20480x128xf32, #tpu.memory_space<hbm>>) dst(%arg10 : memref<128x128xf32, #tpu.memory_space<vmem>>)
      %dma_start3A_654 = arith.constant 256 : i32
      %dma_start3A_655 = tpu.memref_slice %arg9[%dma_start3A_654] : memref<1024xi32, #tpu.memory_space<vmem>> -> memref<128xi32, #tpu.memory_space<vmem>>
      %dma_start3A_656 = arith.constant 0 : i32
      %dma_start3A_657 = arith.constant 0 : i32
      %dma_start3A_658 = tpu.memref_slice %arg16[%dma_start3A_656, %dma_start3A_657] : memref<10240x128xf32, #tpu.memory_space<vmem_shared>> -> memref<10240x128xf32, #tpu.memory_space<vmem_shared>>
      tpu.enqueue_indirect_dma source(%arg10 : memref<128x128xf32, #tpu.memory_space<vmem>>) target(%dma_start3A_658 : memref<10240x128xf32, #tpu.memory_space<vmem_shared>>) offsets(%dma_start3A_655 : memref<128xi32, #tpu.memory_space<vmem>>) semaphore(%arg14 : memref<!tpu.dma_semaphore, #tpu.memory_space<semaphore_mem>>) {add = true}
      %add3A_659 = arith.constant 11 : i32
      %add3A_660 = arith.addi %add3A_360, %add3A_659 : i32
      %dma_wait3A_661 = arith.constant 256 : i32
      %dma_wait3A_662 = tpu.memref_slice %arg9[%dma_wait3A_661] : memref<1024xi32, #tpu.memory_space<vmem>> -> memref<128xi32, #tpu.memory_space<vmem>>
      %dma_wait3A_663 = arith.constant 0 : i32
      %dma_wait3A_664 = arith.constant 0 : i32
      %dma_wait3A_665 = tpu.memref_slice %arg16[%dma_wait3A_663, %dma_wait3A_664] : memref<10240x128xf32, #tpu.memory_space<vmem_shared>> -> memref<10240x128xf32, #tpu.memory_space<vmem_shared>>
      tpu.wait_indirect_dma semaphore(%arg14 : memref<!tpu.dma_semaphore, #tpu.memory_space<semaphore_mem>>) src(%arg10 : memref<128x128xf32, #tpu.memory_space<vmem>>) dst(%dma_wait3A_665 : memref<10240x128xf32, #tpu.memory_space<vmem_shared>>)
      %dma_start3A_666 = arith.constant 512 : i32
      %dma_start3A_667 = tpu.memref_slice %arg7[%dma_start3A_666] : memref<1024xi32, #tpu.memory_space<vmem>> -> memref<128xi32, #tpu.memory_space<vmem>>
      %dma_start3A_668 = arith.constant 0 : i32
      %dma_start3A_669 = arith.constant 0 : i32
      %dma_start3A_670 = tpu.memref_slice %arg2[%dma_start3A_668, %dma_start3A_669] : memref<20480x128xf32, #tpu.memory_space<hbm>> -> memref<20480x128xf32, #tpu.memory_space<hbm>>
      tpu.enqueue_indirect_dma source(%dma_start3A_670 : memref<20480x128xf32, #tpu.memory_space<hbm>>) target(%arg10 : memref<128x128xf32, #tpu.memory_space<vmem>>) offsets(%dma_start3A_667 : memref<128xi32, #tpu.memory_space<vmem>>) semaphore(%arg12 : memref<!tpu.dma_semaphore, #tpu.memory_space<semaphore_mem>>)
      %dma_wait3A_671 = arith.constant 384 : i32
      %dma_wait3A_672 = tpu.memref_slice %arg7[%dma_wait3A_671] : memref<1024xi32, #tpu.memory_space<vmem>> -> memref<128xi32, #tpu.memory_space<vmem>>
      %dma_wait3A_673 = arith.constant 0 : i32
      %dma_wait3A_674 = arith.constant 0 : i32
      %dma_wait3A_675 = tpu.memref_slice %arg2[%dma_wait3A_673, %dma_wait3A_674] : memref<20480x128xf32, #tpu.memory_space<hbm>> -> memref<20480x128xf32, #tpu.memory_space<hbm>>
      tpu.wait_indirect_dma semaphore(%arg13 : memref<!tpu.dma_semaphore, #tpu.memory_space<semaphore_mem>>) src(%dma_wait3A_675 : memref<20480x128xf32, #tpu.memory_space<hbm>>) dst(%arg11 : memref<128x128xf32, #tpu.memory_space<vmem>>)
      %dma_start3A_676 = arith.constant 384 : i32
      %dma_start3A_677 = tpu.memref_slice %arg9[%dma_start3A_676] : memref<1024xi32, #tpu.memory_space<vmem>> -> memref<128xi32, #tpu.memory_space<vmem>>
      %dma_start3A_678 = arith.constant 0 : i32
      %dma_start3A_679 = arith.constant 0 : i32
      %dma_start3A_680 = tpu.memref_slice %arg16[%dma_start3A_678, %dma_start3A_679] : memref<10240x128xf32, #tpu.memory_space<vmem_shared>> -> memref<10240x128xf32, #tpu.memory_space<vmem_shared>>
      tpu.enqueue_indirect_dma source(%arg11 : memref<128x128xf32, #tpu.memory_space<vmem>>) target(%dma_start3A_680 : memref<10240x128xf32, #tpu.memory_space<vmem_shared>>) offsets(%dma_start3A_677 : memref<128xi32, #tpu.memory_space<vmem>>) semaphore(%arg15 : memref<!tpu.dma_semaphore, #tpu.memory_space<semaphore_mem>>) {add = true}
      %add3A_681 = arith.constant 12 : i32
      %add3A_682 = arith.addi %add3A_360, %add3A_681 : i32
      %dma_wait3A_683 = arith.constant 384 : i32
      %dma_wait3A_684 = tpu.memref_slice %arg9[%dma_wait3A_683] : memref<1024xi32, #tpu.memory_space<vmem>> -> memref<128xi32, #tpu.memory_space<vmem>>
      %dma_wait3A_685 = arith.constant 0 : i32
      %dma_wait3A_686 = arith.constant 0 : i32
      %dma_wait3A_687 = tpu.memref_slice %arg16[%dma_wait3A_685, %dma_wait3A_686] : memref<10240x128xf32, #tpu.memory_space<vmem_shared>> -> memref<10240x128xf32, #tpu.memory_space<vmem_shared>>
      tpu.wait_indirect_dma semaphore(%arg15 : memref<!tpu.dma_semaphore, #tpu.memory_space<semaphore_mem>>) src(%arg11 : memref<128x128xf32, #tpu.memory_space<vmem>>) dst(%dma_wait3A_687 : memref<10240x128xf32, #tpu.memory_space<vmem_shared>>)
      %dma_start3A_688 = arith.constant 640 : i32
      %dma_start3A_689 = tpu.memref_slice %arg7[%dma_start3A_688] : memref<1024xi32, #tpu.memory_space<vmem>> -> memref<128xi32, #tpu.memory_space<vmem>>
      %dma_start3A_690 = arith.constant 0 : i32
      %dma_start3A_691 = arith.constant 0 : i32
      %dma_start3A_692 = tpu.memref_slice %arg2[%dma_start3A_690, %dma_start3A_691] : memref<20480x128xf32, #tpu.memory_space<hbm>> -> memref<20480x128xf32, #tpu.memory_space<hbm>>
      tpu.enqueue_indirect_dma source(%dma_start3A_692 : memref<20480x128xf32, #tpu.memory_space<hbm>>) target(%arg11 : memref<128x128xf32, #tpu.memory_space<vmem>>) offsets(%dma_start3A_689 : memref<128xi32, #tpu.memory_space<vmem>>) semaphore(%arg13 : memref<!tpu.dma_semaphore, #tpu.memory_space<semaphore_mem>>)
      %dma_wait3A_693 = arith.constant 512 : i32
      %dma_wait3A_694 = tpu.memref_slice %arg7[%dma_wait3A_693] : memref<1024xi32, #tpu.memory_space<vmem>> -> memref<128xi32, #tpu.memory_space<vmem>>
      %dma_wait3A_695 = arith.constant 0 : i32
      %dma_wait3A_696 = arith.constant 0 : i32
      %dma_wait3A_697 = tpu.memref_slice %arg2[%dma_wait3A_695, %dma_wait3A_696] : memref<20480x128xf32, #tpu.memory_space<hbm>> -> memref<20480x128xf32, #tpu.memory_space<hbm>>
      tpu.wait_indirect_dma semaphore(%arg12 : memref<!tpu.dma_semaphore, #tpu.memory_space<semaphore_mem>>) src(%dma_wait3A_697 : memref<20480x128xf32, #tpu.memory_space<hbm>>) dst(%arg10 : memref<128x128xf32, #tpu.memory_space<vmem>>)
      %dma_start3A_698 = arith.constant 512 : i32
      %dma_start3A_699 = tpu.memref_slice %arg9[%dma_start3A_698] : memref<1024xi32, #tpu.memory_space<vmem>> -> memref<128xi32, #tpu.memory_space<vmem>>
      %dma_start3A_700 = arith.constant 0 : i32
      %dma_start3A_701 = arith.constant 0 : i32
      %dma_start3A_702 = tpu.memref_slice %arg16[%dma_start3A_700, %dma_start3A_701] : memref<10240x128xf32, #tpu.memory_space<vmem_shared>> -> memref<10240x128xf32, #tpu.memory_space<vmem_shared>>
      tpu.enqueue_indirect_dma source(%arg10 : memref<128x128xf32, #tpu.memory_space<vmem>>) target(%dma_start3A_702 : memref<10240x128xf32, #tpu.memory_space<vmem_shared>>) offsets(%dma_start3A_699 : memref<128xi32, #tpu.memory_space<vmem>>) semaphore(%arg14 : memref<!tpu.dma_semaphore, #tpu.memory_space<semaphore_mem>>) {add = true}
      %add3A_703 = arith.constant 13 : i32
      %add3A_704 = arith.addi %add3A_360, %add3A_703 : i32
      %dma_wait3A_705 = arith.constant 512 : i32
      %dma_wait3A_706 = tpu.memref_slice %arg9[%dma_wait3A_705] : memref<1024xi32, #tpu.memory_space<vmem>> -> memref<128xi32, #tpu.memory_space<vmem>>
      %dma_wait3A_707 = arith.constant 0 : i32
      %dma_wait3A_708 = arith.constant 0 : i32
      %dma_wait3A_709 = tpu.memref_slice %arg16[%dma_wait3A_707, %dma_wait3A_708] : memref<10240x128xf32, #tpu.memory_space<vmem_shared>> -> memref<10240x128xf32, #tpu.memory_space<vmem_shared>>
      tpu.wait_indirect_dma semaphore(%arg14 : memref<!tpu.dma_semaphore, #tpu.memory_space<semaphore_mem>>) src(%arg10 : memref<128x128xf32, #tpu.memory_space<vmem>>) dst(%dma_wait3A_709 : memref<10240x128xf32, #tpu.memory_space<vmem_shared>>)
      %dma_start3A_710 = arith.constant 768 : i32
      %dma_start3A_711 = tpu.memref_slice %arg7[%dma_start3A_710] : memref<1024xi32, #tpu.memory_space<vmem>> -> memref<128xi32, #tpu.memory_space<vmem>>
      %dma_start3A_712 = arith.constant 0 : i32
      %dma_start3A_713 = arith.constant 0 : i32
      %dma_start3A_714 = tpu.memref_slice %arg2[%dma_start3A_712, %dma_start3A_713] : memref<20480x128xf32, #tpu.memory_space<hbm>> -> memref<20480x128xf32, #tpu.memory_space<hbm>>
      tpu.enqueue_indirect_dma source(%dma_start3A_714 : memref<20480x128xf32, #tpu.memory_space<hbm>>) target(%arg10 : memref<128x128xf32, #tpu.memory_space<vmem>>) offsets(%dma_start3A_711 : memref<128xi32, #tpu.memory_space<vmem>>) semaphore(%arg12 : memref<!tpu.dma_semaphore, #tpu.memory_space<semaphore_mem>>)
      %dma_wait3A_715 = arith.constant 640 : i32
      %dma_wait3A_716 = tpu.memref_slice %arg7[%dma_wait3A_715] : memref<1024xi32, #tpu.memory_space<vmem>> -> memref<128xi32, #tpu.memory_space<vmem>>
      %dma_wait3A_717 = arith.constant 0 : i32
      %dma_wait3A_718 = arith.constant 0 : i32
      %dma_wait3A_719 = tpu.memref_slice %arg2[%dma_wait3A_717, %dma_wait3A_718] : memref<20480x128xf32, #tpu.memory_space<hbm>> -> memref<20480x128xf32, #tpu.memory_space<hbm>>
      tpu.wait_indirect_dma semaphore(%arg13 : memref<!tpu.dma_semaphore, #tpu.memory_space<semaphore_mem>>) src(%dma_wait3A_719 : memref<20480x128xf32, #tpu.memory_space<hbm>>) dst(%arg11 : memref<128x128xf32, #tpu.memory_space<vmem>>)
      %dma_start3A_720 = arith.constant 640 : i32
      %dma_start3A_721 = tpu.memref_slice %arg9[%dma_start3A_720] : memref<1024xi32, #tpu.memory_space<vmem>> -> memref<128xi32, #tpu.memory_space<vmem>>
      %dma_start3A_722 = arith.constant 0 : i32
      %dma_start3A_723 = arith.constant 0 : i32
      %dma_start3A_724 = tpu.memref_slice %arg16[%dma_start3A_722, %dma_start3A_723] : memref<10240x128xf32, #tpu.memory_space<vmem_shared>> -> memref<10240x128xf32, #tpu.memory_space<vmem_shared>>
      tpu.enqueue_indirect_dma source(%arg11 : memref<128x128xf32, #tpu.memory_space<vmem>>) target(%dma_start3A_724 : memref<10240x128xf32, #tpu.memory_space<vmem_shared>>) offsets(%dma_start3A_721 : memref<128xi32, #tpu.memory_space<vmem>>) semaphore(%arg15 : memref<!tpu.dma_semaphore, #tpu.memory_space<semaphore_mem>>) {add = true}
      %add3A_725 = arith.constant 14 : i32
      %add3A_726 = arith.addi %add3A_360, %add3A_725 : i32
      %dma_wait3A_727 = arith.constant 640 : i32
      %dma_wait3A_728 = tpu.memref_slice %arg9[%dma_wait3A_727] : memref<1024xi32, #tpu.memory_space<vmem>> -> memref<128xi32, #tpu.memory_space<vmem>>
      %dma_wait3A_729 = arith.constant 0 : i32
      %dma_wait3A_730 = arith.constant 0 : i32
      %dma_wait3A_731 = tpu.memref_slice %arg16[%dma_wait3A_729, %dma_wait3A_730] : memref<10240x128xf32, #tpu.memory_space<vmem_shared>> -> memref<10240x128xf32, #tpu.memory_space<vmem_shared>>
      tpu.wait_indirect_dma semaphore(%arg15 : memref<!tpu.dma_semaphore, #tpu.memory_space<semaphore_mem>>) src(%arg11 : memref<128x128xf32, #tpu.memory_space<vmem>>) dst(%dma_wait3A_731 : memref<10240x128xf32, #tpu.memory_space<vmem_shared>>)
      %dma_start3A_732 = arith.constant 896 : i32
      %dma_start3A_733 = tpu.memref_slice %arg7[%dma_start3A_732] : memref<1024xi32, #tpu.memory_space<vmem>> -> memref<128xi32, #tpu.memory_space<vmem>>
      %dma_start3A_734 = arith.constant 0 : i32
      %dma_start3A_735 = arith.constant 0 : i32
      %dma_start3A_736 = tpu.memref_slice %arg2[%dma_start3A_734, %dma_start3A_735] : memref<20480x128xf32, #tpu.memory_space<hbm>> -> memref<20480x128xf32, #tpu.memory_space<hbm>>
      tpu.enqueue_indirect_dma source(%dma_start3A_736 : memref<20480x128xf32, #tpu.memory_space<hbm>>) target(%arg11 : memref<128x128xf32, #tpu.memory_space<vmem>>) offsets(%dma_start3A_733 : memref<128xi32, #tpu.memory_space<vmem>>) semaphore(%arg13 : memref<!tpu.dma_semaphore, #tpu.memory_space<semaphore_mem>>)
      %dma_wait3A_737 = arith.constant 768 : i32
      %dma_wait3A_738 = tpu.memref_slice %arg7[%dma_wait3A_737] : memref<1024xi32, #tpu.memory_space<vmem>> -> memref<128xi32, #tpu.memory_space<vmem>>
      %dma_wait3A_739 = arith.constant 0 : i32
      %dma_wait3A_740 = arith.constant 0 : i32
      %dma_wait3A_741 = tpu.memref_slice %arg2[%dma_wait3A_739, %dma_wait3A_740] : memref<20480x128xf32, #tpu.memory_space<hbm>> -> memref<20480x128xf32, #tpu.memory_space<hbm>>
      tpu.wait_indirect_dma semaphore(%arg12 : memref<!tpu.dma_semaphore, #tpu.memory_space<semaphore_mem>>) src(%dma_wait3A_741 : memref<20480x128xf32, #tpu.memory_space<hbm>>) dst(%arg10 : memref<128x128xf32, #tpu.memory_space<vmem>>)
      %dma_start3A_742 = arith.constant 768 : i32
      %dma_start3A_743 = tpu.memref_slice %arg9[%dma_start3A_742] : memref<1024xi32, #tpu.memory_space<vmem>> -> memref<128xi32, #tpu.memory_space<vmem>>
      %dma_start3A_744 = arith.constant 0 : i32
      %dma_start3A_745 = arith.constant 0 : i32
      %dma_start3A_746 = tpu.memref_slice %arg16[%dma_start3A_744, %dma_start3A_745] : memref<10240x128xf32, #tpu.memory_space<vmem_shared>> -> memref<10240x128xf32, #tpu.memory_space<vmem_shared>>
      tpu.enqueue_indirect_dma source(%arg10 : memref<128x128xf32, #tpu.memory_space<vmem>>) target(%dma_start3A_746 : memref<10240x128xf32, #tpu.memory_space<vmem_shared>>) offsets(%dma_start3A_743 : memref<128xi32, #tpu.memory_space<vmem>>) semaphore(%arg14 : memref<!tpu.dma_semaphore, #tpu.memory_space<semaphore_mem>>) {add = true}
      %add3A_747 = arith.constant 15 : i32
      %add3A_748 = arith.addi %add3A_360, %add3A_747 : i32
      %dma_wait3A_749 = arith.constant 768 : i32
      %dma_wait3A_750 = tpu.memref_slice %arg9[%dma_wait3A_749] : memref<1024xi32, #tpu.memory_space<vmem>> -> memref<128xi32, #tpu.memory_space<vmem>>
      %dma_wait3A_751 = arith.constant 0 : i32
      %dma_wait3A_752 = arith.constant 0 : i32
      %dma_wait3A_753 = tpu.memref_slice %arg16[%dma_wait3A_751, %dma_wait3A_752] : memref<10240x128xf32, #tpu.memory_space<vmem_shared>> -> memref<10240x128xf32, #tpu.memory_space<vmem_shared>>
      tpu.wait_indirect_dma semaphore(%arg14 : memref<!tpu.dma_semaphore, #tpu.memory_space<semaphore_mem>>) src(%arg10 : memref<128x128xf32, #tpu.memory_space<vmem>>) dst(%dma_wait3A_753 : memref<10240x128xf32, #tpu.memory_space<vmem_shared>>)
      %dma_start3A_754 = arith.constant 0 : i32
      %dma_start3A_755 = tpu.memref_slice %arg6[%dma_start3A_754] : memref<1024xi32, #tpu.memory_space<vmem>> -> memref<128xi32, #tpu.memory_space<vmem>>
      %dma_start3A_756 = arith.constant 0 : i32
      %dma_start3A_757 = arith.constant 0 : i32
      %dma_start3A_758 = tpu.memref_slice %arg2[%dma_start3A_756, %dma_start3A_757] : memref<20480x128xf32, #tpu.memory_space<hbm>> -> memref<20480x128xf32, #tpu.memory_space<hbm>>
      tpu.enqueue_indirect_dma source(%dma_start3A_758 : memref<20480x128xf32, #tpu.memory_space<hbm>>) target(%arg10 : memref<128x128xf32, #tpu.memory_space<vmem>>) offsets(%dma_start3A_755 : memref<128xi32, #tpu.memory_space<vmem>>) semaphore(%arg12 : memref<!tpu.dma_semaphore, #tpu.memory_space<semaphore_mem>>)
      %dma_wait3A_759 = arith.constant 896 : i32
      %dma_wait3A_760 = tpu.memref_slice %arg7[%dma_wait3A_759] : memref<1024xi32, #tpu.memory_space<vmem>> -> memref<128xi32, #tpu.memory_space<vmem>>
      %dma_wait3A_761 = arith.constant 0 : i32
      %dma_wait3A_762 = arith.constant 0 : i32
      %dma_wait3A_763 = tpu.memref_slice %arg2[%dma_wait3A_761, %dma_wait3A_762] : memref<20480x128xf32, #tpu.memory_space<hbm>> -> memref<20480x128xf32, #tpu.memory_space<hbm>>
      tpu.wait_indirect_dma semaphore(%arg13 : memref<!tpu.dma_semaphore, #tpu.memory_space<semaphore_mem>>) src(%dma_wait3A_763 : memref<20480x128xf32, #tpu.memory_space<hbm>>) dst(%arg11 : memref<128x128xf32, #tpu.memory_space<vmem>>)
      %dma_start3A_764 = arith.constant 896 : i32
      %dma_start3A_765 = tpu.memref_slice %arg9[%dma_start3A_764] : memref<1024xi32, #tpu.memory_space<vmem>> -> memref<128xi32, #tpu.memory_space<vmem>>
      %dma_start3A_766 = arith.constant 0 : i32
      %dma_start3A_767 = arith.constant 0 : i32
      %dma_start3A_768 = tpu.memref_slice %arg16[%dma_start3A_766, %dma_start3A_767] : memref<10240x128xf32, #tpu.memory_space<vmem_shared>> -> memref<10240x128xf32, #tpu.memory_space<vmem_shared>>
      tpu.enqueue_indirect_dma source(%arg11 : memref<128x128xf32, #tpu.memory_space<vmem>>) target(%dma_start3A_768 : memref<10240x128xf32, #tpu.memory_space<vmem_shared>>) offsets(%dma_start3A_765 : memref<128xi32, #tpu.memory_space<vmem>>) semaphore(%arg15 : memref<!tpu.dma_semaphore, #tpu.memory_space<semaphore_mem>>) {add = true}
    }
    %scan3A_344 = arith.constant 9 : i32
    %dma_wait3A_345 = arith.constant 896 : i32
    %dma_wait3A_346 = tpu.memref_slice %arg9[%dma_wait3A_345] : memref<1024xi32, #tpu.memory_space<vmem>> -> memref<128xi32, #tpu.memory_space<vmem>>
    %dma_wait3A_347 = arith.constant 0 : i32
    %dma_wait3A_348 = arith.constant 0 : i32
    %dma_wait3A_349 = tpu.memref_slice %arg16[%dma_wait3A_347, %dma_wait3A_348] : memref<10240x128xf32, #tpu.memory_space<vmem_shared>> -> memref<10240x128xf32, #tpu.memory_space<vmem_shared>>
    tpu.wait_indirect_dma semaphore(%arg15 : memref<!tpu.dma_semaphore, #tpu.memory_space<semaphore_mem>>) src(%arg11 : memref<128x128xf32, #tpu.memory_space<vmem>>) dst(%dma_wait3A_349 : memref<10240x128xf32, #tpu.memory_space<vmem_shared>>)
    %dma_wait3A_350 = arith.constant 0 : i32
    %dma_wait3A_351 = tpu.memref_slice %arg6[%dma_wait3A_350] : memref<1024xi32, #tpu.memory_space<vmem>> -> memref<128xi32, #tpu.memory_space<vmem>>
    %dma_wait3A_352 = arith.constant 0 : i32
    %dma_wait3A_353 = arith.constant 0 : i32
    %dma_wait3A_354 = tpu.memref_slice %arg2[%dma_wait3A_352, %dma_wait3A_353] : memref<20480x128xf32, #tpu.memory_space<hbm>> -> memref<20480x128xf32, #tpu.memory_space<hbm>>
    tpu.wait_indirect_dma semaphore(%arg12 : memref<!tpu.dma_semaphore, #tpu.memory_space<semaphore_mem>>) src(%dma_wait3A_354 : memref<20480x128xf32, #tpu.memory_space<hbm>>) dst(%arg10 : memref<128x128xf32, #tpu.memory_space<vmem>>)
    %barrier3A_355 = arith.constant 0 : index
    tpu.barrier barrier_id(%barrier3A_355)
    "tpu.region"() ({
      %run_scoped3A = tpu.sem_alloc : memref<!tpu.dma_semaphore, #tpu.memory_space<semaphore_mem>>
      %dma_start3A_356 = arith.constant 0 : i32
      %dma_start3A_357 = tpu.memref_slice %arg5[%arg0, %mul3A_0, %dma_start3A_356] : memref<2x10240x128xf32, #tpu.memory_space<hbm>> -> memref<1x640x128xf32, #tpu.memory_space<hbm>>
      %dma_start3A_358 = tpu.memref_squeeze %dma_start3A_357 : memref<1x640x128xf32, #tpu.memory_space<hbm>> -> memref<640x128xf32, #tpu.memory_space<hbm>>
      %dma_start3A_359 = arith.constant 0 : i32
      %dma_start3A_360 = tpu.memref_slice %arg16[%mul3A_0, %dma_start3A_359] : memref<10240x128xf32, #tpu.memory_space<vmem_shared>> -> memref<640x128xf32, #tpu.memory_space<vmem_shared>>
      tpu.enqueue_dma source(%dma_start3A_360 : memref<640x128xf32, #tpu.memory_space<vmem_shared>>) target(%dma_start3A_358 : memref<640x128xf32, #tpu.memory_space<hbm>>) target_semaphore(%run_scoped3A : memref<!tpu.dma_semaphore, #tpu.memory_space<semaphore_mem>>)
      %dma_wait3A_361 = arith.constant 0 : i32
      %dma_wait3A_362 = tpu.memref_slice %arg5[%arg0, %mul3A_0, %dma_wait3A_361] : memref<2x10240x128xf32, #tpu.memory_space<hbm>> -> memref<1x640x128xf32, #tpu.memory_space<hbm>>
      %dma_wait3A_363 = tpu.memref_squeeze %dma_wait3A_362 : memref<1x640x128xf32, #tpu.memory_space<hbm>> -> memref<640x128xf32, #tpu.memory_space<hbm>>
      %dma_wait3A_364 = arith.constant 0 : i32
      %dma_wait3A_365 = tpu.memref_slice %arg16[%mul3A_0, %dma_wait3A_364] : memref<10240x128xf32, #tpu.memory_space<vmem_shared>> -> memref<640x128xf32, #tpu.memory_space<vmem_shared>>
      tpu.wait_dma2 semaphore(%run_scoped3A : memref<!tpu.dma_semaphore, #tpu.memory_space<semaphore_mem>>) src(%dma_wait3A_365 : memref<640x128xf32, #tpu.memory_space<vmem_shared>>) dst(%dma_wait3A_363 : memref<640x128xf32, #tpu.memory_space<hbm>>)
      tpu.yield
    }) : () -> ()
    return
  }
}

module attributes {stable_mosaic.version = 14 : i64} {
  func.func @_mm1_body(%arg0: i32, %arg1: memref<2x512x128xf32, #tpu.memory_space<vmem>>, %arg2: memref<128x256xf32, #tpu.memory_space<vmem>>, %arg3: memref<1x256xf32, #tpu.memory_space<vmem>>, %arg4: memref<2x512x128xf32, #tpu.memory_space<vmem>>) attributes {dimension_semantics = [#tpu.dimension_semantics<arbitrary>], iteration_bounds = array<i64: 20>, scalar_prefetch = 0 : i64, scratch_operands = 0 : i64, tpu.core_type = #tpu.core_type<tc>, window_params = [{transform_indices = @transform_0, window_bounds = array<i64: 2, 512, 128>}, {pipeline_mode = #tpu.pipeline_mode<synchronous>, transform_indices = @transform_1, window_bounds = array<i64: 128, 256>}, {pipeline_mode = #tpu.pipeline_mode<synchronous>, transform_indices = @transform_2, window_bounds = array<i64: 1, 256>}, {transform_indices = @transform_3, window_bounds = array<i64: 2, 512, 128>}]} {
    %get3A = arith.constant 0 : index
    %get3A_0 = arith.constant 0 : index
    %get3A_1 = arith.constant 0 : index
    %get3A_2 = vector.load %arg1[%get3A, %get3A_0, %get3A_1] : memref<2x512x128xf32, #tpu.memory_space<vmem>>, vector<1x512x128xf32>
    %get3A_3 = vector.shape_cast %get3A_2 : vector<1x512x128xf32> to vector<512x128xf32>
    %get3A_4 = arith.constant 1 : index
    %get3A_5 = arith.constant 0 : index
    %get3A_6 = arith.constant 0 : index
    %get3A_7 = vector.load %arg1[%get3A_4, %get3A_5, %get3A_6] : memref<2x512x128xf32, #tpu.memory_space<vmem>>, vector<1x512x128xf32>
    %get3A_8 = vector.shape_cast %get3A_7 : vector<1x512x128xf32> to vector<512x128xf32>
    %add3A = arith.addf %get3A_3, %get3A_8 : vector<512x128xf32>
    %get3A_9 = arith.constant 0 : index
    %get3A_10 = arith.constant 0 : index
    %get3A_11 = vector.load %arg2[%get3A_9, %get3A_10] : memref<128x256xf32, #tpu.memory_space<vmem>>, vector<128x256xf32>
    %dot_general3A = arith.constant dense<0.000000e+00> : vector<512x256xf32>
    %dot_general3A_12 = tpu.matmul %add3A, %get3A_11, %dot_general3A {dimension_numbers = #tpu.dot_dimension_numbers<[1], [0], [0], [1], [0, 0, 1, 1], [], []>, transpose_lhs_hint = false} : vector<512x128xf32>, vector<128x256xf32>, vector<512x256xf32> -> vector<512x256xf32>
    %get3A_13 = arith.constant 0 : index
    %get3A_14 = arith.constant 0 : index
    %get3A_15 = vector.load %arg3[%get3A_13, %get3A_14] : memref<1x256xf32, #tpu.memory_space<vmem>>, vector<1x256xf32>
    %add3A_16 = vector.broadcast %get3A_15 : vector<1x256xf32> to vector<512x256xf32>
    %add3A_17 = arith.addf %dot_general3A_12, %add3A_16 : vector<512x256xf32>
    %max3A = arith.constant 0.000000e+00 : f32
    %max3A_18 = vector.broadcast %max3A : f32 to vector<512x256xf32>
    %max3A_19 = arith.maximumf %add3A_17, %max3A_18 : vector<512x256xf32>
    %slice3A = vector.extract_strided_slice %max3A_19 {offsets = [0, 0], sizes = [512, 128], strides = [1, 1]} : vector<512x256xf32> to vector<512x128xf32>
    %swap3A = arith.constant 0 : index
    %swap3A_20 = arith.constant 0 : index
    %swap3A_21 = arith.constant 0 : index
    %swap3A_22 = vector.load %arg4[%swap3A, %swap3A_20, %swap3A_21] : memref<2x512x128xf32, #tpu.memory_space<vmem>>, vector<1x512x128xf32>
    %swap3A_23 = vector.shape_cast %swap3A_22 : vector<1x512x128xf32> to vector<512x128xf32>
    %swap3A_24 = vector.shape_cast %slice3A : vector<512x128xf32> to vector<1x512x128xf32>
    tpu.vector_store %arg4[%swap3A, %swap3A_20, %swap3A_21], %swap3A_24 {strides = array<i32>} : memref<2x512x128xf32, #tpu.memory_space<vmem>>, vector<1x512x128xf32>,
    %slice3A_25 = vector.extract_strided_slice %max3A_19 {offsets = [0, 128], sizes = [512, 128], strides = [1, 1]} : vector<512x256xf32> to vector<512x128xf32>
    %swap3A_26 = arith.constant 1 : index
    %swap3A_27 = arith.constant 0 : index
    %swap3A_28 = arith.constant 0 : index
    %swap3A_29 = vector.load %arg4[%swap3A_26, %swap3A_27, %swap3A_28] : memref<2x512x128xf32, #tpu.memory_space<vmem>>, vector<1x512x128xf32>
    %swap3A_30 = vector.shape_cast %swap3A_29 : vector<1x512x128xf32> to vector<512x128xf32>
    %swap3A_31 = vector.shape_cast %slice3A_25 : vector<512x128xf32> to vector<1x512x128xf32>
    tpu.vector_store %arg4[%swap3A_26, %swap3A_27, %swap3A_28], %swap3A_31 {strides = array<i32>} : memref<2x512x128xf32, #tpu.memory_space<vmem>>, vector<1x512x128xf32>,
    return
  }
  func.func @transform_0(%arg0: i32) -> (i32, i32, i32) {
    %c0_i32 = arith.constant 0 : i32
    %c0_i32_0 = arith.constant 0 : i32
    %c0_i32_1 = arith.constant 0 : i32
    return %c0_i32, %arg0, %c0_i32_0 : i32, i32, i32
  }
  func.func @transform_1(%arg0: i32) -> (i32, i32) {
    %c0_i32 = arith.constant 0 : i32
    %c0_i32_0 = arith.constant 0 : i32
    %c0_i32_1 = arith.constant 0 : i32
    return %c0_i32, %c0_i32_0 : i32, i32
  }
  func.func @transform_2(%arg0: i32) -> (i32, i32) {
    %c0_i32 = arith.constant 0 : i32
    %c0_i32_0 = arith.constant 0 : i32
    %c0_i32_1 = arith.constant 0 : i32
    return %c0_i32, %c0_i32_0 : i32, i32
  }
  func.func @transform_3(%arg0: i32) -> (i32, i32, i32) {
    %c0_i32 = arith.constant 0 : i32
    %c0_i32_0 = arith.constant 0 : i32
    %c0_i32_1 = arith.constant 0 : i32
    return %c0_i32, %arg0, %c0_i32_0 : i32, i32, i32
  }
}

module attributes {stable_mosaic.version = 14 : i64} {
  func.func @_mm2_body(%arg0: i32, %arg1: memref<2x512x128xf32, #tpu.memory_space<vmem>>, %arg2: memref<256x256xf32, #tpu.memory_space<vmem>>, %arg3: memref<1x256xf32, #tpu.memory_space<vmem>>, %arg4: memref<512x1xi32, #tpu.memory_space<vmem>>, %arg5: memref<256x128xf32, #tpu.memory_space<vmem>>, %arg6: memref<1x128xf32, #tpu.memory_space<vmem>>, %arg7: memref<64x128xf32, #tpu.memory_space<vmem>>, %arg8: memref<64x256xf32, #tpu.memory_space<vmem>>, %arg9: memref<64x1xf32, #tpu.memory_space<vmem>>) attributes {dimension_semantics = [#tpu.dimension_semantics<arbitrary>], iteration_bounds = array<i64: 20>, scalar_prefetch = 0 : i64, scratch_operands = 2 : i64, tpu.core_type = #tpu.core_type<tc>, window_params = [{transform_indices = @transform_0, window_bounds = array<i64: 2, 512, 128>}, {pipeline_mode = #tpu.pipeline_mode<synchronous>, transform_indices = @transform_1, window_bounds = array<i64: 256, 256>}, {pipeline_mode = #tpu.pipeline_mode<synchronous>, transform_indices = @transform_2, window_bounds = array<i64: 1, 256>}, {transform_indices = @transform_3, window_bounds = array<i64: 512, 1>}, {pipeline_mode = #tpu.pipeline_mode<synchronous>, transform_indices = @transform_4, window_bounds = array<i64: 256, 128>}, {pipeline_mode = #tpu.pipeline_mode<synchronous>, transform_indices = @transform_5, window_bounds = array<i64: 1, 128>}, {pipeline_mode = #tpu.pipeline_mode<synchronous>, transform_indices = @transform_6, window_bounds = array<i64: 64, 128>}]} {
    %eq3A = arith.constant 0 : i32
    %eq3A_0 = arith.cmpi eq, %arg0, %eq3A : i32
    %convert_element_type3A = arith.extui %eq3A_0 : i1 to i32
    %cond3A = arith.constant 0 : i32
    %cond3A_1 = arith.cmpi ne, %convert_element_type3A, %cond3A : i32
    scf.if %cond3A_1 {
      %broadcast_in_dim3A_58 = arith.constant 0.000000e+00 : f32
      %broadcast_in_dim3A_59 = vector.broadcast %broadcast_in_dim3A_58 : f32 to vector<64x256xf32>
      %swap3A_60 = arith.constant 0 : index
      %swap3A_61 = arith.constant 0 : index
      %swap3A_62 = vector.load %arg8[%swap3A_60, %swap3A_61] : memref<64x256xf32, #tpu.memory_space<vmem>>, vector<64x256xf32>
      tpu.vector_store %arg8[%swap3A_60, %swap3A_61], %broadcast_in_dim3A_59 {strides = array<i32>} : memref<64x256xf32, #tpu.memory_space<vmem>>, vector<64x256xf32>,
      %broadcast_in_dim3A_63 = arith.constant 0.000000e+00 : f32
      %broadcast_in_dim3A_64 = vector.broadcast %broadcast_in_dim3A_63 : f32 to vector<64x1xf32>
      %swap3A_65 = arith.constant 0 : index
      %swap3A_66 = arith.constant 0 : index
      %swap3A_67 = vector.load %arg9[%swap3A_65, %swap3A_66] : memref<64x1xf32, #tpu.memory_space<vmem>>, vector<64x1xf32>
      tpu.vector_store %arg9[%swap3A_65, %swap3A_66], %broadcast_in_dim3A_64 {strides = array<i32>} : memref<64x1xf32, #tpu.memory_space<vmem>>, vector<64x1xf32>,
    } else {
    }
    %get3A = arith.constant 0 : index
    %get3A_2 = arith.constant 0 : index
    %get3A_3 = arith.constant 0 : index
    %get3A_4 = vector.load %arg1[%get3A, %get3A_2, %get3A_3] : memref<2x512x128xf32, #tpu.memory_space<vmem>>, vector<1x512x128xf32>
    %get3A_5 = vector.shape_cast %get3A_4 : vector<1x512x128xf32> to vector<512x128xf32>
    %get3A_6 = arith.constant 0 : index
    %get3A_7 = arith.constant 0 : index
    %get3A_8 = vector.load %arg2[%get3A_6, %get3A_7] : memref<256x256xf32, #tpu.memory_space<vmem>>, vector<256x256xf32>
    %slice3A = vector.extract_strided_slice %get3A_8 {offsets = [0, 0], sizes = [128, 256], strides = [1, 1]} : vector<256x256xf32> to vector<128x256xf32>
    %dot_general3A = arith.constant dense<0.000000e+00> : vector<512x256xf32>
    %dot_general3A_9 = tpu.matmul %get3A_5, %slice3A, %dot_general3A {dimension_numbers = #tpu.dot_dimension_numbers<[1], [0], [0], [1], [0, 0, 1, 1], [], []>, transpose_lhs_hint = false} : vector<512x128xf32>, vector<128x256xf32>, vector<512x256xf32> -> vector<512x256xf32>
    %get3A_10 = arith.constant 1 : index
    %get3A_11 = arith.constant 0 : index
    %get3A_12 = arith.constant 0 : index
    %get3A_13 = vector.load %arg1[%get3A_10, %get3A_11, %get3A_12] : memref<2x512x128xf32, #tpu.memory_space<vmem>>, vector<1x512x128xf32>
    %get3A_14 = vector.shape_cast %get3A_13 : vector<1x512x128xf32> to vector<512x128xf32>
    %get3A_15 = arith.constant 0 : index
    %get3A_16 = arith.constant 0 : index
    %get3A_17 = vector.load %arg2[%get3A_15, %get3A_16] : memref<256x256xf32, #tpu.memory_space<vmem>>, vector<256x256xf32>
    %slice3A_18 = vector.extract_strided_slice %get3A_17 {offsets = [128, 0], sizes = [128, 256], strides = [1, 1]} : vector<256x256xf32> to vector<128x256xf32>
    %dot_general3A_19 = arith.constant dense<0.000000e+00> : vector<512x256xf32>
    %dot_general3A_20 = tpu.matmul %get3A_14, %slice3A_18, %dot_general3A_19 {dimension_numbers = #tpu.dot_dimension_numbers<[1], [0], [0], [1], [0, 0, 1, 1], [], []>, transpose_lhs_hint = false} : vector<512x128xf32>, vector<128x256xf32>, vector<512x256xf32> -> vector<512x256xf32>
    %add3A = arith.addf %dot_general3A_9, %dot_general3A_20 : vector<512x256xf32>
    %get3A_21 = arith.constant 0 : index
    %get3A_22 = arith.constant 0 : index
    %get3A_23 = vector.load %arg3[%get3A_21, %get3A_22] : memref<1x256xf32, #tpu.memory_space<vmem>>, vector<1x256xf32>
    %add3A_24 = vector.broadcast %get3A_23 : vector<1x256xf32> to vector<512x256xf32>
    %add3A_25 = arith.addf %add3A, %add3A_24 : vector<512x256xf32>
    %max3A = arith.constant 0.000000e+00 : f32
    %max3A_26 = vector.broadcast %max3A : f32 to vector<512x256xf32>
    %max3A_27 = arith.maximumf %add3A_25, %max3A_26 : vector<512x256xf32>
    %iota3A = tpu.iota {dimensions = array<i32: 1>} : vector<512x64xi32>
    %get3A_28 = arith.constant 0 : index
    %get3A_29 = arith.constant 0 : index
    %get3A_30 = vector.load %arg4[%get3A_28, %get3A_29] : memref<512x1xi32, #tpu.memory_space<vmem>>, vector<512x1xi32>
    %eq3A_31 = vector.broadcast %get3A_30 : vector<512x1xi32> to vector<512x64xi32>
    %eq3A_32 = arith.cmpi eq, %eq3A_31, %iota3A : vector<512x64xi32>
    %convert_element_type3A_33 = arith.extui %eq3A_32 : vector<512x64xi1> to vector<512x64xi32>
    %convert_element_type3A_34 = arith.sitofp %convert_element_type3A_33 : vector<512x64xi32> to vector<512x64xf32>
    %get3A_35 = arith.constant 0 : index
    %get3A_36 = arith.constant 0 : index
    %get3A_37 = vector.load %arg8[%get3A_35, %get3A_36] : memref<64x256xf32, #tpu.memory_space<vmem>>, vector<64x256xf32>
    %dot_general3A_38 = arith.constant dense<0.000000e+00> : vector<64x256xf32>
    %dot_general3A_39 = tpu.matmul %convert_element_type3A_34, %max3A_27, %dot_general3A_38 {dimension_numbers = #tpu.dot_dimension_numbers<[0], [0], [1], [1], [0, 1, 1, 1], [], []>, transpose_lhs_hint = false} : vector<512x64xf32>, vector<512x256xf32>, vector<64x256xf32> -> vector<64x256xf32>
    %add3A_40 = arith.addf %get3A_37, %dot_general3A_39 : vector<64x256xf32>
    %swap3A = arith.constant 0 : index
    %swap3A_41 = arith.constant 0 : index
    %swap3A_42 = vector.load %arg8[%swap3A, %swap3A_41] : memref<64x256xf32, #tpu.memory_space<vmem>>, vector<64x256xf32>
    tpu.vector_store %arg8[%swap3A, %swap3A_41], %add3A_40 {strides = array<i32>} : memref<64x256xf32, #tpu.memory_space<vmem>>, vector<64x256xf32>,
    %get3A_43 = arith.constant 0 : index
    %get3A_44 = arith.constant 0 : index
    %get3A_45 = vector.load %arg9[%get3A_43, %get3A_44] : memref<64x1xf32, #tpu.memory_space<vmem>>, vector<64x1xf32>
    %broadcast_in_dim3A = arith.constant 1.000000e+00 : f32
    %broadcast_in_dim3A_46 = vector.broadcast %broadcast_in_dim3A : f32 to vector<512x1xf32>
    %dot_general3A_47 = arith.constant dense<0.000000e+00> : vector<64x1xf32>
    %dot_general3A_48 = tpu.matmul %convert_element_type3A_34, %broadcast_in_dim3A_46, %dot_general3A_47 {dimension_numbers = #tpu.dot_dimension_numbers<[0], [0], [1], [1], [0, 1, 1, 1], [], []>, transpose_lhs_hint = false} : vector<512x64xf32>, vector<512x1xf32>, vector<64x1xf32> -> vector<64x1xf32>
    %add3A_49 = arith.addf %get3A_45, %dot_general3A_48 : vector<64x1xf32>
    %swap3A_50 = arith.constant 0 : index
    %swap3A_51 = arith.constant 0 : index
    %swap3A_52 = vector.load %arg9[%swap3A_50, %swap3A_51] : memref<64x1xf32, #tpu.memory_space<vmem>>, vector<64x1xf32>
    tpu.vector_store %arg9[%swap3A_50, %swap3A_51], %add3A_49 {strides = array<i32>} : memref<64x1xf32, #tpu.memory_space<vmem>>, vector<64x1xf32>,
    %eq3A_53 = arith.constant 19 : i32
    %eq3A_54 = arith.cmpi eq, %arg0, %eq3A_53 : i32
    %convert_element_type3A_55 = arith.extui %eq3A_54 : i1 to i32
    %cond3A_56 = arith.constant 0 : i32
    %cond3A_57 = arith.cmpi ne, %convert_element_type3A_55, %cond3A_56 : i32
    scf.if %cond3A_57 {
      %get3A_58 = arith.constant 0 : index
      %get3A_59 = arith.constant 0 : index
      %get3A_60 = vector.load %arg8[%get3A_58, %get3A_59] : memref<64x256xf32, #tpu.memory_space<vmem>>, vector<64x256xf32>
      %get3A_61 = arith.constant 0 : index
      %get3A_62 = arith.constant 0 : index
      %get3A_63 = vector.load %arg9[%get3A_61, %get3A_62] : memref<64x1xf32, #tpu.memory_space<vmem>>, vector<64x1xf32>
      %max3A_64 = arith.constant 1.000000e+00 : f32
      %max3A_65 = vector.broadcast %max3A_64 : f32 to vector<64x1xf32>
      %max3A_66 = arith.maximumf %get3A_63, %max3A_65 : vector<64x1xf32>
      %div3A = vector.broadcast %max3A_66 : vector<64x1xf32> to vector<64x256xf32>
      %div3A_67 = arith.divf %get3A_60, %div3A : vector<64x256xf32>
      %get3A_68 = arith.constant 0 : index
      %get3A_69 = arith.constant 0 : index
      %get3A_70 = vector.load %arg5[%get3A_68, %get3A_69] : memref<256x128xf32, #tpu.memory_space<vmem>>, vector<256x128xf32>
      %dot_general3A_71 = arith.constant dense<0.000000e+00> : vector<64x128xf32>
      %dot_general3A_72 = tpu.matmul %div3A_67, %get3A_70, %dot_general3A_71 {dimension_numbers = #tpu.dot_dimension_numbers<[1], [0], [0], [1], [0, 0, 1, 1], [], []>, transpose_lhs_hint = false} : vector<64x256xf32>, vector<256x128xf32>, vector<64x128xf32> -> vector<64x128xf32>
      %get3A_73 = arith.constant 0 : index
      %get3A_74 = arith.constant 0 : index
      %get3A_75 = vector.load %arg6[%get3A_73, %get3A_74] : memref<1x128xf32, #tpu.memory_space<vmem>>, vector<1x128xf32>
      %add3A_76 = vector.broadcast %get3A_75 : vector<1x128xf32> to vector<64x128xf32>
      %add3A_77 = arith.addf %dot_general3A_72, %add3A_76 : vector<64x128xf32>
      %swap3A_78 = arith.constant 0 : index
      %swap3A_79 = arith.constant 0 : index
      %swap3A_80 = vector.load %arg7[%swap3A_78, %swap3A_79] : memref<64x128xf32, #tpu.memory_space<vmem>>, vector<64x128xf32>
      tpu.vector_store %arg7[%swap3A_78, %swap3A_79], %add3A_77 {strides = array<i32>} : memref<64x128xf32, #tpu.memory_space<vmem>>, vector<64x128xf32>,
    } else {
    }
    return
  }
  func.func @transform_0(%arg0: i32) -> (i32, i32, i32) {
    %c0_i32 = arith.constant 0 : i32
    %c0_i32_0 = arith.constant 0 : i32
    %c0_i32_1 = arith.constant 0 : i32
    return %c0_i32, %arg0, %c0_i32_0 : i32, i32, i32
  }
  func.func @transform_1(%arg0: i32) -> (i32, i32) {
    %c0_i32 = arith.constant 0 : i32
    %c0_i32_0 = arith.constant 0 : i32
    %c0_i32_1 = arith.constant 0 : i32
    return %c0_i32, %c0_i32_0 : i32, i32
  }
  func.func @transform_2(%arg0: i32) -> (i32, i32) {
    %c0_i32 = arith.constant 0 : i32
    %c0_i32_0 = arith.constant 0 : i32
    %c0_i32_1 = arith.constant 0 : i32
    return %c0_i32, %c0_i32_0 : i32, i32
  }
  func.func @transform_3(%arg0: i32) -> (i32, i32) {
    %c0_i32 = arith.constant 0 : i32
    %c0_i32_0 = arith.constant 0 : i32
    return %arg0, %c0_i32 : i32, i32
  }
  func.func @transform_4(%arg0: i32) -> (i32, i32) {
    %c0_i32 = arith.constant 0 : i32
    %c0_i32_0 = arith.constant 0 : i32
    %c0_i32_1 = arith.constant 0 : i32
    return %c0_i32, %c0_i32_0 : i32, i32
  }
  func.func @transform_5(%arg0: i32) -> (i32, i32) {
    %c0_i32 = arith.constant 0 : i32
    %c0_i32_0 = arith.constant 0 : i32
    %c0_i32_1 = arith.constant 0 : i32
    return %c0_i32, %c0_i32_0 : i32, i32
  }
  func.func @transform_6(%arg0: i32) -> (i32, i32) {
    %c0_i32 = arith.constant 0 : i32
    %c0_i32_0 = arith.constant 0 : i32
    %c0_i32_1 = arith.constant 0 : i32
    return %c0_i32, %c0_i32_0 : i32, i32
  }
}

</mosaic_0001>

<sc_bundles>
// kernel: kernel.6.cloned.1.call-start
scs
__scs_entry_jumppad:
0x0: {  	(pc) =	sbr.rel $0x88, $3  }
0x1: {  	(tag) =	ssettag $0x0;
	lr =	simm.s32 $0x1  }
0x2: {  	[smem:$0x3F98] =	sst lr;
	_ =	strace $0xD0000000  }
0x3: {  	_ = 	snop  }
0x4: {  	_ = 	snop  }
0x5: {  	_ = 	snop  }
0x6: {  	_ = 	snop  }
0x7: {  	_ = 	snop  }
__scs_overlays_trampoline_lowered:
0x8: {  	[smem:$0x3FA7] =	sst s0  }
0x9: {  	[smem:$0x3FA8] =	sst s1  }
0xa: {  	[smem:$0x3FA9] =	sst s2  }
0xb: {  	[smem:$0x3FAA] =	sst s3  }
0xc: {  	[smem:$0x3FAB] =	sst s4  }
0xd: {  	[smem:$0x3FAC] =	sst s5  }
0xe: {  	[smem:$0x3FAD] =	sst s6  }
0xf: {  	[smem:$0x3FAE] =	sst s7  }
0x10: {  	[smem:$0x3FAF] =	sst s8  }
0x11: {  	[smem:$0x3FB0] =	sst s9;
	s0 =	simm.s32 @!p0 $0x0  }
0x12: {  	s1 =	sld [smem:$0x3F96];
	s0 =	simm.s32 @p0 $0x1  }
0x13: {  	[smem:$0x3FB1] =	sst s0;
	s0 =	simm.s32 @!p1 $0x0  }
0x14: {  	s2 =	sld [smem:$0x3F95];
	s0 =	simm.s32 @p1 $0x1  }
0x15: {  	[smem:$0x3FB2] =	sst s0;
	s0 =	simm.s32 @!p2 $0x0  }
0x16: {  	s3 =	sld [smem:$0x3FDB];
	s0 =	simm.s32 @p2 $0x1  }
0x17: {  	s4 =	simm.s32 $0x1BF5;
	[smem:$0x3FB4] =	sst s0  }
0x18: {  	s0 =	sld [smem:$0x3F97];
	_ =	swait.ge [sflag:s4], $0x0  }
0x19: {  	s7 =	sld [smem:$0x3F98]  }
0x1a: {  	s8 =	sadd.s32 $0xFFFFE003, lr  }
0x1b: {  	s9 =	sadd.s32 $0xFFFFFEF7, lr;
	s5 =	simm.s32 $0xFFFFFFFF;
	p2 =	slt.u32 s8, $0xFFFFF086  }
0x1c: {  	p1 =	slt.u32 s9, $0xF7A;
	s5 =	simm.s32 @!p2 $0x0  }
0x1d: {  	s5 =	simm.s32 @p1 $0x1;
	p0 =	seq.s32 s7, s2  }
0x1e: {  	s7 =	smul.u32 @!p0 $0xF7A, s2;
	p2 =	seq.s32 @!p0 s5, $0x0  }
0x1f: {  	s9 =	smul.u32 $0xF7A, s1;
	s8 =	simm.s32 @!p0 $0x1BF5;
	p2 =	por !p2, p0  }
0x20: {  	[sflag:s8] =	ssyncset.s32 @!p0 $0xFFFFF086;
	s6 =	sadd.s32 @!p0 s3, s7;
	s7 =	simm.s32 @!p0 $0x108  }
0x21: {  	s3 =	sadd.s32 s3, s9;
	s6 =	sadd.s32 @!p0 $0x88, s6;
	s7 =	simm.s32 @p2 $0x1082  }
0x22: {  	[simem:s7], [sflag:s8] =	dma.local @!p0 [hbm:s6], $0xF7A  }
0x23: {  	s9 =	sor.u32 $0xD0000000, s2;
	s6 =	simm.s32 $0x108;
	_ =	swait.ge @!p0 [sflag:s8], $0x0  }
0x24: {  	s3 =	sadd.s32 $0x88, s3;
	s6 =	simm.s32 @!p1 $0x1082;
	[sflag:s4] =	ssyncset.s32 $0xFFFFF086  }
0x25: {  	[simem:s6], [sflag:s4] =	dma.local [hbm:s3], $0xF7A  }
0x26: {  	[smem:$0x3F98] =	sst s1;
	(tag) =	ssettag s2;
	_ =	strace s9  }
0x27: {  	s1 =	sld [smem:$0x3FA8]  }
0x28: {  	s2 =	sld [smem:$0x3FA9]  }
0x29: {  	s4 =	sld [smem:$0x3FAB]  }
0x2a: {  	p0 =	seq.s32 s5, $0x0;
	s5 =	sld [smem:$0x3FAC]  }
0x2b: {  	s6 =	sld [smem:$0x3FAD]  }
0x2c: {  	s7 =	sld [smem:$0x3FAE]  }
0x2d: {  	s3 =	simm.s32 $0x108;
	s8 =	sld [smem:$0x3FAF]  }
0x2e: {  	s3 =	simm.s32 @!p0 $0x1082;
	s9 =	sld [smem:$0x3FB0]  }
0x2f: {  	lr =	sadd.s32 s0, s3;
	s0 =	sld [smem:$0x3FA7]  }
0x30: {  	s3 =	sld [smem:$0x3FAA]  }
0x31: {  	[smem:$0x3FB3] =	sst s10  }
0x32: {  	s10 =	sld [smem:$0x3FB1];
	_ =	sdelay $0x3  }
0x33: {  	p0 =	seq.s32 s10, $0x1;
	s10 =	sld [smem:$0x3FB3];
	_ =	sdelay $0x3  }
0x34: {  	[smem:$0x3FB3] =	sst s10  }
0x35: {  	s10 =	sld [smem:$0x3FB2];
	_ =	sdelay $0x3  }
0x36: {  	p1 =	seq.s32 s10, $0x1;
	s10 =	sld [smem:$0x3FB3];
	_ =	sdelay $0x3  }
0x37: {  	[smem:$0x3FB3] =	sst s10  }
0x38: {  	s10 =	sld [smem:$0x3FB4]  }
0x39: {  	_ = 	snop;
	(pc) =	sbr.ind lr, $3  }
0x3a: {  	_ = 	snop  }
0x3b: {  	_ = 	snop  }
0x3c: {  	p2 =	seq.s32 s10, $0x1;
	s10 =	sld [smem:$0x3FB3]  }
0x3d: {  	_ =	shalt  }
0x3e: {  	_ =	shalt  }
0x3f: {  	_ =	shalt  }
0x40: {  	_ =	shalt  }
0x41: {  	_ =	shalt  }
0x42: {  	_ =	shalt  }
0x43: {  	_ =	shalt  }
0x44: {  	_ =	shalt  }
0x45: {  	_ =	shalt  }
0x46: {  	_ =	shalt  }
0x47: {  	_ =	shalt  }
0x48: {  	_ =	shalt  }
0x49: {  	_ =	shalt  }
0x4a: {  	_ =	shalt  }
0x4b: {  	_ =	shalt  }
0x4c: {  	_ =	shalt  }
0x4d: {  	_ =	shalt  }
0x4e: {  	_ =	shalt  }
0x4f: {  	_ =	shalt  }
0x50: {  	_ =	shalt  }
0x51: {  	_ =	shalt  }
0x52: {  	_ =	shalt  }
0x53: {  	_ =	shalt  }
0x54: {  	_ =	shalt  }
0x55: {  	_ =	shalt  }
0x56: {  	_ =	shalt  }
0x57: {  	_ =	shalt  }
0x58: {  	_ =	shalt  }
0x59: {  	_ =	shalt  }
0x5a: {  	_ =	shalt  }
0x5b: {  	_ =	shalt  }
0x5c: {  	_ =	shalt  }
0x5d: {  	_ =	shalt  }
0x5e: {  	_ =	shalt  }
0x5f: {  	_ =	shalt  }
0x60: {  	_ =	shalt  }
0x61: {  	_ =	shalt  }
0x62: {  	_ =	shalt  }
0x63: {  	_ =	shalt  }
0x64: {  	_ =	shalt  }
0x65: {  	_ =	shalt  }
0x66: {  	_ =	shalt  }
0x67: {  	_ =	shalt  }
0x68: {  	_ =	shalt  }
0x69: {  	_ =	shalt  }
0x6a: {  	_ =	shalt  }
0x6b: {  	_ =	shalt  }
0x6c: {  	_ =	shalt  }
0x6d: {  	_ =	shalt  }
0x6e: {  	_ =	shalt  }
0x6f: {  	_ =	shalt  }
0x70: {  	_ =	shalt  }
0x71: {  	_ =	shalt  }
0x72: {  	_ =	shalt  }
0x73: {  	_ =	shalt  }
0x74: {  	_ =	shalt  }
0x75: {  	_ =	shalt  }
0x76: {  	_ =	shalt  }
0x77: {  	_ =	shalt  }
0x78: {  	_ =	shalt  }
0x79: {  	_ =	shalt  }
0x7a: {  	_ =	shalt  }
0x7b: {  	_ =	shalt  }
0x7c: {  	_ =	shalt  }
0x7d: {  	_ =	shalt  }
0x7e: {  	_ =	shalt  }
0x7f: {  	_ =	shalt  }
0x80: {  	_ =	shalt  }
0x81: {  	_ =	shalt  }
0x82: {  	_ =	shalt  }
0x83: {  	_ =	shalt  }
0x84: {  	_ =	shalt  }
0x85: {  	_ =	shalt  }
0x86: {  	_ =	shalt  }
0x87: {  	_ =	shalt  }
.Lfunc_end0:
.L_simem_size_0:
called_computation_lowered:
.L_overlay_start_0:
0x88: {  	s2 =	sld [smem:$0x3FD9]  }
0x89: {  	s3 =	sld [smem:$0x3FFE];
	_ =	sdelay $0x1  }
0x8a: {  	s1 =	srdreg.scid  }
0x8b: {  	s0 =	sand.u32 $0x1, s1  }
0x8c: {  	s16 =	sshll.u32 s0, $0xA;
	s2 =	sadd.s32 s3, s2  }
0x8d: {  	s2 =	sadd.s32 s2, s16  }
0x8e: {  	[smem:$0x3FBF] =	sst s2  }
0x8f: {  	_ = 	snop  }
0x90: {  	(tm) =	ssettm $0x1  }
0x91: {  	s17 =	sld [smem:$0x3FFB];
	_ =	sdelay $0x3  }
0x92: {  	_ =	strace s17  }
0x93: {  	s2 =	sld [smem:$0x3FFC];
	_ =	sdelay $0x3  }
0x94: {  	_ =	strace s2  }
0x95: {  	s2 =	sld [smem:$0x3FFD];
	_ =	sdelay $0x3  }
0x96: {  	_ =	strace s2  }
0x97: {  	_ =	strace $0x8FFFFFFF  }
0x98: {  	s18 =	sld [smem:$0x3FDB];
	_ =	sdelay $0x1  }
0x99: {  	s19 =	simm.s32 $_scs_section_size  }
0x9a: {  	s4 =	simm.s32 $_size__tile_overlayer_lowered;
	s5 =	simm.s32 $_tile_overlayer_lowered  }
0x9b: {  	s22 =	simm.s32 $0x1BFF;
	s21 =	sshll.u32 s5, $0x1;
	s2 =	sadd.s32 s19, s18  }
0x9c: {  	s6 =	simm.s32 $0x0;
	s20 =	sshll.u32 s4, $0x1;
	s4 =	sadd.s32 s21, s2  }
0x9d: {  	[timem:s6], [sflag:s22] =	dma.local [hbm:s4], s20  }
0x9e: {  	_ =	swait.ge [sflag:s22], s20  }
0x9f: {  	s3 =	ssub.s32 $0x0, s20;
	[sflag:s22] =	ssyncset.done $0x0  }
0xa0: {  	[sflag:s22] =	ssyncadd.s32 s3;
	_ =	sdelay $0x1  }
0xa1: {  	s23 =	simm.s32 $0x1B8B  }
0xa2: {  	_ =	swait.ge [sflag:s23], $0x1  }
0xa3: {  	[sflag:s23] =	ssyncset.done $0x0  }
0xa4: {  	s25 =	simm.s32 $0x1B8E;
	s24 =	sld [smem:$0x3FFE];
	[sflag:s23] =	ssyncadd.s32 $0xFFFFFFFF  }
0xa5: {  	s26 =	simm.s32 $execute0_lowered;
	[smem:$0x3FD2] =	sst s25  }
0xa6: {  	s4 =	sshll.u32 s26, $0x1;
	_ =	strace $0x80000046;
	[dreg:$0x1] =	wrdreg $0xFFFFFFFF  }
0xa7: {  	s28 =	simm.s32 $_size_execute0_lowered;
	s2 =	sadd.s32 s2, s4;
	[dreg:$0x0] =	wrdreg $0x0  }
0xa8: {  	s4 =	sshll.u32 s28, $0x1;
	[dreg:$0x2] =	wrdreg s2  }
0xa9: {  	[dreg:$0x3] =	wrdreg s4  }
0xaa: {  	[dreg:$0x4] =	wrdreg $0xC0  }
0xab: {  	_ =	task [dreg:s6], $0x5FFFF  }
0xac: {  	[dreg:$0x1] =	wrdreg $0xFFFFFFFF  }
0xad: {  	[dreg:$0x0] =	wrdreg $0x60  }
0xae: {  	[dreg:$0x2] =	wrdreg s24  }
0xaf: {  	[dreg:$0x3] =	wrdreg $0x90000  }
0xb0: {  	[dreg:$0x4] =	wrdreg $0x9  }
0xb1: {  	_ =	task.clear_ibuf [dreg:s6], $0x5FFFF;
	_ =	strace $0x90000046  }
0xb2: {  	s29 =	simm.s32 $0x9;
	_ =	strace $0x80000048  }
0xb3: {  	_ =	swait.ge [sflag:s29], $0x1  }
0xb4: {  	[sflag:s29] =	ssyncadd.s32 $0xFFFFFFFF  }
0xb5: {  	_ =	strace $0x90000048  }
0xb6: {  	_ =	sfence  }
0xb7: {  	s30 =	sld [smem:$0x0];
	_ =	sdelay $0x2  }
0xb8: {  	s31 =	sshll.u32 s1, $0xD;
	s1 =	sshrl.u32 s1, $0x2  }
0xb9: {  	s3 =	sand.u32 $0x4000, s31;
	s1 =	sadd.s32 s1, s30  }
0xba: {  	s0 =	sor.u32 s3, s0;
	s1 =	sshll.u32 s1, $0x11  }
0xbb: {  	s0 =	sor.u32 s1, s0  }
0xbc: {  	s0 =	sadd.s32 $0x8F2B, s0  }
0xbd: {  	[sflag:s0] =	ssyncadd.remote.s32 $0x1  }
0xbe: {  	_ =	sfence.sel $0xFFFF  }
0xbf: {  	[dreg:$0x0] =	wrdreg $0xFFFFFFFF;
	(pc) =	sbr.abs _section_cstart, $3  }
0xc0: {  	[dreg:$0x1] =	wrdreg $0xFFFFFFFF  }
0xc1: {  	_ =	task.clear_ibuf [dreg:s6], $0x2FFFF;
	_ =	strace $0x9FFFFFFF  }
0xc2: {  	(tm) =	ssettm $0x7FFFFFFF  }
0xc3: {  	_ =	shalt  }
tec
execute0_lowered:
.L_overlay_start_1:
0x0: {  	(tag) =	ssettag $0x1  }
0x1: {  	s0 =	rddreg [dreg:$0x0]  }
0x2: {  	s1 =	rddreg [dreg:$0x1]  }
0x3: {  	s2 =	srdreg.scid;
	s3 =	simm.s32 $0x0;
	s14 =	stileid.u32  }
0x4: {  	s30 =	simm.s32 $0xC00;
	s28 =	simm.s32 $0x4;
	s29 =	simm.s32 $0x300  }
0x5: {  	s2 =	sand.u32 $0x1, s2;
	[smem:$0x7FF] =	sst s3;
	s6 =	smul.u32 $0x14000, s14  }
0x6: {  	s4 =	sadd.s32 $0x1800, s0;
	s7 =	sadd.s32 $0x29800, s0;
	s10 =	smul.u32 $0x50000, s14  }
0x7: {  	s31 =	sadd.s32 $0x33A00, s0;
	s8 =	sadd.s32 $0x3DC00, s0;
	s13 =	smul.u32 $0x2800, s14  }
0x8: {  	s5 =	smul.u32 $0x140000, s2;
	_ =	strace $0x80000047;
	s9 =	ssub.s32 $0x2, s2  }
0x9: {  	s11 =	sshll.u32 s2, $0x4;
	p0 =	seq.s32 s2, $0x1;
	s2 =	smul.u32 $0x28000, s2  }
0xa: {  	s12 =	sshrl.u32 s9, $0x1;
	s11 =	sor.u32 s14, s11;
	s10 =	sshrl.u32 s10, $0x2  }
0xb: {  	s14 =	simm.s32 $0x980;
	s5 =	sadd.s32 s6, s5;
	s15 =	ssub.s32 s9, s12  }
0xc: {  	s16 =	smul.u32 $0x2800, s11;
	s10 =	sadd.s32 s10, s1;
	s12 =	sadd.s32 s4, s13  }
0xd: {  	s2 =	sadd.s32 s13, s2;
	s11 =	simm.s32 $0x880;
	s13 =	simm.s32 $0x200  }
0xe: {  	s5 =	sshrl.u32 s5, $0x3;
	[dreg:$0x7] =	wrdreg s10;
	s21 =	sadd.s32 $0x1000, s2  }
0xf: {  	s2 =	sadd.s32 $0xC00, s2;
	s26 =	smax.u32 s15, $0x1;
	s12 =	smov.u32 @p0 s8  }
0x10: {  	s15 =	simm.s32 $0x5;
	s8 =	simm.s32 $0x480;
	s0 =	sadd.s32 s5, s0  }
0x11: {  	s9 =	sshrl.u32 s16, $0x3;
	s22 =	sshrl.u32 s21, $0x3;
	[dreg:$0x10] =	wrdreg s26  }
0x12: {  	s2 =	sshrl.u32 s2, $0x3;
	[dreg:$0x8] =	wrdreg s12;
	s21 =	simm.s32 $0x5000  }
0x13: {  	s12 =	simm.s32 $0x180;
	s26 =	simm.s32 $0xA00;
	s5 =	simm.s32 $0xB00  }
0x14: {  	s17 =	sadd.s32 s7, s9;
	s18 =	sor.u32 $0x80, s9;
	s19 =	sadd.s32 s31, s9  }
0x15: {  	s9 =	sadd.s32 $0x100, s9;
	s24 =	sadd.s32 s22, s31;
	[dreg:$0x9] =	wrdreg s17  }
0x16: {  	s6 =	sadd.s32 s2, s31;
	s0 =	sadd.s32 $0x40400, s0;
	[dreg:$0xa] =	wrdreg s19  }
0x17: {  	s25 =	sadd.s32 s2, s7;
	s2 =	simm.s32 $0x380;
	[dreg:$0x3] =	wrdreg s24  }
0x18: {  	s20 =	sadd.s32 s7, s18;
	s10 =	sadd.s32 s31, s18;
	[dreg:$0xf] =	wrdreg s0  }
0x19: {  	s23 =	sadd.s32 s7, s9;
	s9 =	sadd.s32 s31, s9;
	[dreg:$0x5] =	wrdreg s6  }
0x1a: {  	[dreg:$0x6] =	wrdreg s25;
	s19 =	simm.s32 $0x800;
	s17 =	simm.s32 $0x80  }
0x1b: {  	s18 =	simm.s32 $0x1000;
	s25 =	simm.s32 $0x2;
	[dreg:$0xb] =	wrdreg s20  }
0x1c: {  	s6 =	simm.s32 $0x900;
	s24 =	simm.s32 $0x280;
	[dreg:$0xc] =	wrdreg s10  }
0x1d: {  	s0 =	simm.s32 $0xA80;
	s31 =	simm.s32 $0x0;
	[dreg:$0xd] =	wrdreg s23  }
0x1e: {  	s10 =	sadd.s32 s22, s7;
	[dreg:$0xe] =	wrdreg s9;
	s20 =	simm.s32 $0x400  }
0x1f: {  	s22 =	simm.s32 $0x1;
	s23 =	simm.s32 $0x3;
	[dreg:$0x11] =	wrdreg s31  }
0x20: {  	s7 =	simm.s32 $0xB80;
	[dreg:$0x4] =	wrdreg s10;
	s10 =	simm.s32 $0x100  }
.LBB2_1:
0x21: {  	s9 =	stileid.u32  }
0x22: {  	s16 =	rddreg [dreg:$0x7];
	s9 =	sshll.u32 s9, $0x6  }
0x23: {  	s16 =	sshrl.u32 s16, $0x3;
	s31 =	sor.u32 $0x1C05, s9;
	s9 =	rddreg [dreg:$0x8]  }
0x24: {  	[dreg:$0x13] =	wrdreg s16  }
0x25: {  	[dreg:$0x12] =	wrdreg s31  }
0x26: {  	[spmem:s16], [sflag:s31] =	dma.local [hbm:s9], $0x2800  }
0x27: {  	_ =	swait.ge [sflag:s15], $0x2800  }
0x28: {  	[sflag:s15] =	ssyncset.done $0x0  }
0x29: {  	[sflag:s15] =	ssyncadd.s32 $0xFFFFD800  }
0x2a: {  	[bflag:$0x0] =	sbarrier.arrive $0xFFFF  }
0x2b: {  	s16 =	rddreg [dreg:$0x9]  }
0x2c: {  	[tilespmem:s3], [sflag:$0x5] =	stream.linear.gather [hbm4b:s16+s3], $0x400, $0x38;
	[tilespmem:$0x1D000] =	vst v63  }
0x2d: {  	_ =	swait.ge [sflag:s15], $0x400  }
0x2e: {  	[sflag:s15] =	ssyncset.done $0x0  }
0x2f: {  	s16 =	rddreg [dreg:$0xa];
	[sflag:s15] =	ssyncadd.s32 $0xFFFFFC00  }
0x30: {  	[tilespmem:s19], [sflag:$0x5] =	stream.linear.gather [hbm4b:s16+s3], $0x400, $0x38;
	[tilespmem:$0x1D000] =	vst v63  }
0x31: {  	_ =	swait.ge [sflag:s15], $0x400  }
0x32: {  	[sflag:s15] =	ssyncset.done $0x0  }
0x33: {  	[sflag:s15] =	ssyncadd.s32 $0xFFFFFC00  }
0x34: {  	[tilespmem:s18], [sflag:$0x1] =	stream.indirect.gather [hbm4b:s4+s17], $0x80, s3, s17, $0xb8;
	[tilespmem:$0x1D000] =	vst v63  }
0x35: {  	s16 =	rddreg [dreg:$0xb]  }
0x36: {  	[tilespmem:s20], [sflag:$0x5] =	stream.linear.gather [hbm4b:s16+s3], $0x400, $0x38;
	[tilespmem:$0x1D000] =	vst v63  }
0x37: {  	_ =	swait.ge [sflag:s15], $0x400  }
0x38: {  	[sflag:s15] =	ssyncset.done $0x0  }
0x39: {  	s16 =	rddreg [dreg:$0xc];
	[sflag:s15] =	ssyncadd.s32 $0xFFFFFC00  }
0x3a: {  	[tilespmem:s30], [sflag:$0x5] =	stream.linear.gather [hbm4b:s16+s3], $0x400, $0x38;
	[tilespmem:$0x1D000] =	vst v63  }
0x3b: {  	_ =	swait.ge [sflag:s15], $0x400  }
0x3c: {  	[sflag:s15] =	ssyncset.done $0x0  }
0x3d: {  	[sflag:s15] =	ssyncadd.s32 $0xFFFFFC00  }
0x3e: {  	[tilespmem:s21], [sflag:$0x2] =	stream.indirect.gather [hbm4b:s4+s17], $0x80, s17, s17, $0xb8;
	[tilespmem:$0x1D000] =	vst v63  }
0x3f: {  	_ =	swait.ge [sflag:s22], $0x4000  }
0x40: {  	[sflag:s22] =	ssyncset.done $0x0  }
0x41: {  	[sflag:s22] =	ssyncadd.s32 $0xFFFFC000  }
0x42: {  	[spmem:s1] =	stream.indirect.scatter.add.f32 [tilespmem:s18], [sflag:$0x3], $0x80, s19, s17, $0xb8;
	[tilespmem:$0x1D000] =	vst v63  }
0x43: {  	_ =	swait.ge [sflag:s23], $0x4000  }
0x44: {  	[sflag:s23] =	ssyncset.done $0x0  }
0x45: {  	[sflag:s23] =	ssyncadd.s32 $0xFFFFC000  }
0x46: {  	[tilespmem:s18], [sflag:$0x1] =	stream.indirect.gather [hbm4b:s4+s17], $0x80, s10, s17, $0xb8;
	[tilespmem:$0x1D000] =	vst v63  }
0x47: {  	_ =	swait.ge [sflag:s25], $0x4000  }
0x48: {  	[sflag:s25] =	ssyncset.done $0x0  }
0x49: {  	[sflag:s25] =	ssyncadd.s32 $0xFFFFC000  }
0x4a: {  	[spmem:s1] =	stream.indirect.scatter.add.f32 [tilespmem:s21], [sflag:$0x4], $0x80, s11, s17, $0xb8;
	[tilespmem:$0x1D000] =	vst v63  }
0x4b: {  	_ =	swait.ge [sflag:s28], $0x4000  }
0x4c: {  	[sflag:s28] =	ssyncset.done $0x0  }
0x4d: {  	[sflag:s28] =	ssyncadd.s32 $0xFFFFC000  }
0x4e: {  	[tilespmem:s21], [sflag:$0x2] =	stream.indirect.gather [hbm4b:s4+s17], $0x80, s12, s17, $0xb8;
	[tilespmem:$0x1D000] =	vst v63  }
0x4f: {  	_ =	swait.ge [sflag:s22], $0x4000  }
0x50: {  	[sflag:s22] =	ssyncset.done $0x0  }
0x51: {  	[sflag:s22] =	ssyncadd.s32 $0xFFFFC000  }
0x52: {  	[spmem:s1] =	stream.indirect.scatter.add.f32 [tilespmem:s18], [sflag:$0x3], $0x80, s6, s17, $0xb8;
	[tilespmem:$0x1D000] =	vst v63  }
0x53: {  	_ =	swait.ge [sflag:s23], $0x4000  }
0x54: {  	[sflag:s23] =	ssyncset.done $0x0  }
0x55: {  	[sflag:s23] =	ssyncadd.s32 $0xFFFFC000  }
0x56: {  	[tilespmem:s18], [sflag:$0x1] =	stream.indirect.gather [hbm4b:s4+s17], $0x80, s13, s17, $0xb8;
	[tilespmem:$0x1D000] =	vst v63  }
0x57: {  	_ =	swait.ge [sflag:s25], $0x4000  }
0x58: {  	[sflag:s25] =	ssyncset.done $0x0  }
0x59: {  	[sflag:s25] =	ssyncadd.s32 $0xFFFFC000  }
0x5a: {  	[spmem:s1] =	stream.indirect.scatter.add.f32 [tilespmem:s21], [sflag:$0x4], $0x80, s14, s17, $0xb8;
	[tilespmem:$0x1D000] =	vst v63  }
0x5b: {  	_ =	swait.ge [sflag:s28], $0x4000  }
0x5c: {  	[sflag:s28] =	ssyncset.done $0x0  }
0x5d: {  	[sflag:s28] =	ssyncadd.s32 $0xFFFFC000  }
0x5e: {  	[tilespmem:s21], [sflag:$0x2] =	stream.indirect.gather [hbm4b:s4+s17], $0x80, s24, s17, $0xb8;
	[tilespmem:$0x1D000] =	vst v63  }
0x5f: {  	_ =	swait.ge [sflag:s22], $0x4000  }
0x60: {  	[sflag:s22] =	ssyncset.done $0x0  }
0x61: {  	[sflag:s22] =	ssyncadd.s32 $0xFFFFC000  }
0x62: {  	[spmem:s1] =	stream.indirect.scatter.add.f32 [tilespmem:s18], [sflag:$0x3], $0x80, s26, s17, $0xb8;
	[tilespmem:$0x1D000] =	vst v63  }
0x63: {  	_ =	swait.ge [sflag:s23], $0x4000  }
0x64: {  	[sflag:s23] =	ssyncset.done $0x0  }
0x65: {  	[sflag:s23] =	ssyncadd.s32 $0xFFFFC000  }
0x66: {  	[tilespmem:s18], [sflag:$0x1] =	stream.indirect.gather [hbm4b:s4+s17], $0x80, s29, s17, $0xb8;
	[tilespmem:$0x1D000] =	vst v63  }
0x67: {  	_ =	swait.ge [sflag:s25], $0x4000  }
0x68: {  	[sflag:s25] =	ssyncset.done $0x0  }
0x69: {  	[sflag:s25] =	ssyncadd.s32 $0xFFFFC000  }
0x6a: {  	[spmem:s1] =	stream.indirect.scatter.add.f32 [tilespmem:s21], [sflag:$0x4], $0x80, s0, s17, $0xb8;
	[tilespmem:$0x1D000] =	vst v63  }
0x6b: {  	_ =	swait.ge [sflag:s28], $0x4000  }
0x6c: {  	[sflag:s28] =	ssyncset.done $0x0  }
0x6d: {  	[sflag:s28] =	ssyncadd.s32 $0xFFFFC000  }
0x6e: {  	[tilespmem:s21], [sflag:$0x2] =	stream.indirect.gather [hbm4b:s4+s17], $0x80, s2, s17, $0xb8;
	[tilespmem:$0x1D000] =	vst v63  }
0x6f: {  	_ =	swait.ge [sflag:s22], $0x4000  }
0x70: {  	[sflag:s22] =	ssyncset.done $0x0  }
0x71: {  	[sflag:s22] =	ssyncadd.s32 $0xFFFFC000  }
0x72: {  	[spmem:s1] =	stream.indirect.scatter.add.f32 [tilespmem:s18], [sflag:$0x3], $0x80, s5, s17, $0xb8;
	[tilespmem:$0x1D000] =	vst v63  }
0x73: {  	_ =	swait.ge [sflag:s23], $0x4000  }
0x74: {  	[sflag:s23] =	ssyncset.done $0x0  }
0x75: {  	[sflag:s23] =	ssyncadd.s32 $0xFFFFC000  }
0x76: {  	[tilespmem:s18], [sflag:$0x1] =	stream.indirect.gather [hbm4b:s4+s17], $0x80, s20, s17, $0xb8;
	[tilespmem:$0x1D000] =	vst v63  }
0x77: {  	_ =	swait.ge [sflag:s25], $0x4000  }
0x78: {  	[sflag:s25] =	ssyncset.done $0x0  }
0x79: {  	[sflag:s25] =	ssyncadd.s32 $0xFFFFC000  }
0x7a: {  	[spmem:s1] =	stream.indirect.scatter.add.f32 [tilespmem:s21], [sflag:$0x4], $0x80, s7, s17, $0xb8;
	[tilespmem:$0x1D000] =	vst v63  }
0x7b: {  	_ =	swait.ge [sflag:s28], $0x4000  }
0x7c: {  	[sflag:s28] =	ssyncset.done $0x0  }
0x7d: {  	s16 =	rddreg [dreg:$0xd];
	[sflag:s28] =	ssyncadd.s32 $0xFFFFC000  }
0x7e: {  	[tilespmem:s3], [sflag:$0x5] =	stream.linear.gather [hbm4b:s16+s3], $0x400, $0x38;
	[tilespmem:$0x1D000] =	vst v63  }
0x7f: {  	_ =	swait.ge [sflag:s15], $0x400  }
0x80: {  	[sflag:s15] =	ssyncset.done $0x0  }
0x81: {  	s16 =	rddreg [dreg:$0xe];
	[sflag:s15] =	ssyncadd.s32 $0xFFFFFC00  }
0x82: {  	[tilespmem:s19], [sflag:$0x5] =	stream.linear.gather [hbm4b:s16+s3], $0x400, $0x38;
	[tilespmem:$0x1D000] =	vst v63  }
0x83: {  	_ =	swait.ge [sflag:s15], $0x400  }
0x84: {  	[sflag:s15] =	ssyncset.done $0x0  }
0x85: {  	[sflag:s15] =	ssyncadd.s32 $0xFFFFFC00  }
0x86: {  	[tilespmem:s21], [sflag:$0x2] =	stream.indirect.gather [hbm4b:s4+s17], $0x80, s8, s17, $0xb8;
	[tilespmem:$0x1D000] =	vst v63  }
0x87: {  	_ =	swait.ge [sflag:s22], $0x4000  }
0x88: {  	[sflag:s22] =	ssyncset.done $0x0  }
0x89: {  	[sflag:s22] =	ssyncadd.s32 $0xFFFFC000  }
0x8a: {  	[spmem:s1] =	stream.indirect.scatter.add.f32 [tilespmem:s18], [sflag:$0x3], $0x80, s30, s17, $0xb8;
	[tilespmem:$0x1D000] =	vst v63  }
0x8b: {  	_ =	swait.ge [sflag:s23], $0x4000  }
0x8c: {  	[sflag:s23] =	ssyncset.done $0x0  }
0x8d: {  	s16 =	simm.s32 $0x500;
	[sflag:s23] =	ssyncadd.s32 $0xFFFFC000  }
0x8e: {  	[tilespmem:s18], [sflag:$0x1] =	stream.indirect.gather [hbm4b:s4+s17], $0x80, s16, s17, $0xb8;
	[tilespmem:$0x1D000] =	vst v63  }
0x8f: {  	_ =	swait.ge [sflag:s25], $0x4000  }
0x90: {  	[sflag:s25] =	ssyncset.done $0x0  }
0x91: {  	s16 =	simm.s32 $0xC80;
	[sflag:s25] =	ssyncadd.s32 $0xFFFFC000  }
0x92: {  	[spmem:s1] =	stream.indirect.scatter.add.f32 [tilespmem:s21], [sflag:$0x4], $0x80, s16, s17, $0xb8;
	[tilespmem:$0x1D000] =	vst v63  }
0x93: {  	_ =	swait.ge [sflag:s28], $0x4000  }
0x94: {  	[sflag:s28] =	ssyncset.done $0x0  }
0x95: {  	s16 =	simm.s32 $0x580;
	[sflag:s28] =	ssyncadd.s32 $0xFFFFC000  }
0x96: {  	[tilespmem:s21], [sflag:$0x2] =	stream.indirect.gather [hbm4b:s4+s17], $0x80, s16, s17, $0xb8;
	[tilespmem:$0x1D000] =	vst v63  }
0x97: {  	_ =	swait.ge [sflag:s22], $0x4000  }
0x98: {  	[sflag:s22] =	ssyncset.done $0x0  }
0x99: {  	s31 =	simm.s32 $0xD00;
	[sflag:s22] =	ssyncadd.s32 $0xFFFFC000  }
0x9a: {  	[spmem:s1] =	stream.indirect.scatter.add.f32 [tilespmem:s18], [sflag:$0x3], $0x80, s31, s17, $0xb8;
	[tilespmem:$0x1D000] =	vst v63  }
0x9b: {  	_ =	swait.ge [sflag:s23], $0x4000  }
0x9c: {  	[sflag:s23] =	ssyncset.done $0x0  }
0x9d: {  	s9 =	simm.s32 $0x600;
	[sflag:s23] =	ssyncadd.s32 $0xFFFFC000  }
0x9e: {  	[tilespmem:s18], [sflag:$0x1] =	stream.indirect.gather [hbm4b:s4+s17], $0x80, s9, s17, $0xb8;
	[tilespmem:$0x1D000] =	vst v63  }
0x9f: {  	_ =	swait.ge [sflag:s25], $0x4000  }
0xa0: {  	[sflag:s25] =	ssyncset.done $0x0  }
0xa1: {  	s9 =	simm.s32 $0xD80;
	[sflag:s25] =	ssyncadd.s32 $0xFFFFC000  }
0xa2: {  	[spmem:s1] =	stream.indirect.scatter.add.f32 [tilespmem:s21], [sflag:$0x4], $0x80, s9, s17, $0xb8;
	[tilespmem:$0x1D000] =	vst v63  }
0xa3: {  	_ =	swait.ge [sflag:s28], $0x4000  }
0xa4: {  	[sflag:s28] =	ssyncset.done $0x0  }
0xa5: {  	s9 =	simm.s32 $0x680;
	[sflag:s28] =	ssyncadd.s32 $0xFFFFC000  }
0xa6: {  	[tilespmem:s21], [sflag:$0x2] =	stream.indirect.gather [hbm4b:s4+s17], $0x80, s9, s17, $0xb8;
	[tilespmem:$0x1D000] =	vst v63  }
0xa7: {  	_ =	swait.ge [sflag:s22], $0x4000  }
0xa8: {  	[sflag:s22] =	ssyncset.done $0x0  }
0xa9: {  	s9 =	simm.s32 $0xE00;
	[sflag:s22] =	ssyncadd.s32 $0xFFFFC000  }
0xaa: {  	[spmem:s1] =	stream.indirect.scatter.add.f32 [tilespmem:s18], [sflag:$0x3], $0x80, s9, s17, $0xb8;
	[tilespmem:$0x1D000] =	vst v63  }
0xab: {  	_ =	swait.ge [sflag:s23], $0x4000  }
0xac: {  	[sflag:s23] =	ssyncset.done $0x0  }
0xad: {  	s9 =	simm.s32 $0x700;
	[sflag:s23] =	ssyncadd.s32 $0xFFFFC000  }
0xae: {  	[tilespmem:s18], [sflag:$0x1] =	stream.indirect.gather [hbm4b:s4+s17], $0x80, s9, s17, $0xb8;
	[tilespmem:$0x1D000] =	vst v63  }
0xaf: {  	_ =	swait.ge [sflag:s25], $0x4000  }
0xb0: {  	[sflag:s25] =	ssyncset.done $0x0  }
0xb1: {  	s9 =	simm.s32 $0xE80;
	[sflag:s25] =	ssyncadd.s32 $0xFFFFC000  }
0xb2: {  	[spmem:s1] =	stream.indirect.scatter.add.f32 [tilespmem:s21], [sflag:$0x4], $0x80, s9, s17, $0xb8;
	[tilespmem:$0x1D000] =	vst v63  }
0xb3: {  	_ =	swait.ge [sflag:s28], $0x4000  }
0xb4: {  	[sflag:s28] =	ssyncset.done $0x0  }
0xb5: {  	s9 =	simm.s32 $0x780;
	[sflag:s28] =	ssyncadd.s32 $0xFFFFC000  }
0xb6: {  	[tilespmem:s21], [sflag:$0x2] =	stream.indirect.gather [hbm4b:s4+s17], $0x80, s9, s17, $0xb8;
	[tilespmem:$0x1D000] =	vst v63  }
0xb7: {  	_ =	swait.ge [sflag:s22], $0x4000  }
0xb8: {  	[sflag:s22] =	ssyncset.done $0x0  }
0xb9: {  	s9 =	simm.s32 $0xF00;
	[sflag:s22] =	ssyncadd.s32 $0xFFFFC000  }
0xba: {  	[spmem:s1] =	stream.indirect.scatter.add.f32 [tilespmem:s18], [sflag:$0x3], $0x80, s9, s17, $0xb8;
	[tilespmem:$0x1D000] =	vst v63  }
0xbb: {  	_ =	swait.ge [sflag:s23], $0x4000  }
0xbc: {  	[sflag:s23] =	ssyncset.done $0x0  }
0xbd: {  	[sflag:s23] =	ssyncadd.s32 $0xFFFFC000  }
0xbe: {  	[tilespmem:s18], [sflag:$0x1] =	stream.indirect.gather [hbm4b:s4+s17], $0x80, s3, s17, $0xb8;
	[tilespmem:$0x1D000] =	vst v63  }
0xbf: {  	_ =	swait.ge [sflag:s25], $0x4000  }
0xc0: {  	[sflag:s25] =	ssyncset.done $0x0  }
0xc1: {  	s9 =	simm.s32 $0xF80;
	[sflag:s25] =	ssyncadd.s32 $0xFFFFC000  }
0xc2: {  	[spmem:s1] =	stream.indirect.scatter.add.f32 [tilespmem:s21], [sflag:$0x4], $0x80, s9, s17, $0xb8;
	[tilespmem:$0x1D000] =	vst v63  }
0xc3: {  	_ =	swait.ge [sflag:s28], $0x4000  }
0xc4: {  	s9 =	rddreg [dreg:$0x6];
	[sflag:s28] =	ssyncset.done $0x0  }
0xc5: {  	[sflag:s28] =	ssyncadd.s32 $0xFFFFC000;
	s9 =	sadd.s32 $0x0, s9  }
0xc6: {  	[tilespmem:s20], [sflag:$0x5] =	stream.linear.gather [hbm4b:s9+s3], $0x400, $0x38;
	[tilespmem:$0x1D000] =	vst v63  }
0xc7: {  	_ =	swait.ge [sflag:s15], $0x400  }
0xc8: {  	s9 =	rddreg [dreg:$0x5];
	[sflag:s15] =	ssyncset.done $0x0  }
0xc9: {  	[sflag:s15] =	ssyncadd.s32 $0xFFFFFC00;
	s9 =	sadd.s32 $0x0, s9  }
0xca: {  	[tilespmem:s30], [sflag:$0x5] =	stream.linear.gather [hbm4b:s9+s3], $0x400, $0x38;
	[tilespmem:$0x1D000] =	vst v63  }
0xcb: {  	_ =	swait.ge [sflag:s15], $0x400  }
0xcc: {  	[sflag:s15] =	ssyncset.done $0x0  }
0xcd: {  	[sflag:s15] =	ssyncadd.s32 $0xFFFFFC00  }
0xce: {  	[tilespmem:s21], [sflag:$0x2] =	stream.indirect.gather [hbm4b:s4+s17], $0x80, s17, s17, $0xb8;
	[tilespmem:$0x1D000] =	vst v63  }
0xcf: {  	_ =	swait.ge [sflag:s22], $0x4000  }
0xd0: {  	[sflag:s22] =	ssyncset.done $0x0  }
0xd1: {  	[sflag:s22] =	ssyncadd.s32 $0xFFFFC000  }
0xd2: {  	[spmem:s1] =	stream.indirect.scatter.add.f32 [tilespmem:s18], [sflag:$0x3], $0x80, s19, s17, $0xb8;
	[tilespmem:$0x1D000] =	vst v63  }
0xd3: {  	_ =	swait.ge [sflag:s23], $0x4000  }
0xd4: {  	[sflag:s23] =	ssyncset.done $0x0  }
0xd5: {  	[sflag:s23] =	ssyncadd.s32 $0xFFFFC000  }
0xd6: {  	[tilespmem:s18], [sflag:$0x1] =	stream.indirect.gather [hbm4b:s4+s17], $0x80, s10, s17, $0xb8;
	[tilespmem:$0x1D000] =	vst v63  }
0xd7: {  	_ =	swait.ge [sflag:s25], $0x4000  }
0xd8: {  	[sflag:s25] =	ssyncset.done $0x0  }
0xd9: {  	[sflag:s25] =	ssyncadd.s32 $0xFFFFC000  }
0xda: {  	[spmem:s1] =	stream.indirect.scatter.add.f32 [tilespmem:s21], [sflag:$0x4], $0x80, s11, s17, $0xb8;
	[tilespmem:$0x1D000] =	vst v63  }
0xdb: {  	_ =	swait.ge [sflag:s28], $0x4000  }
0xdc: {  	[sflag:s28] =	ssyncset.done $0x0  }
0xdd: {  	[sflag:s28] =	ssyncadd.s32 $0xFFFFC000  }
0xde: {  	[tilespmem:s21], [sflag:$0x2] =	stream.indirect.gather [hbm4b:s4+s17], $0x80, s12, s17, $0xb8;
	[tilespmem:$0x1D000] =	vst v63  }
0xdf: {  	_ =	swait.ge [sflag:s22], $0x4000  }
0xe0: {  	[sflag:s22] =	ssyncset.done $0x0  }
0xe1: {  	[sflag:s22] =	ssyncadd.s32 $0xFFFFC000  }
0xe2: {  	[spmem:s1] =	stream.indirect.scatter.add.f32 [tilespmem:s18], [sflag:$0x3], $0x80, s6, s17, $0xb8;
	[tilespmem:$0x1D000] =	vst v63  }
0xe3: {  	_ =	swait.ge [sflag:s23], $0x4000  }
0xe4: {  	[sflag:s23] =	ssyncset.done $0x0  }
0xe5: {  	[sflag:s23] =	ssyncadd.s32 $0xFFFFC000  }
0xe6: {  	[tilespmem:s18], [sflag:$0x1] =	stream.indirect.gather [hbm4b:s4+s17], $0x80, s13, s17, $0xb8;
	[tilespmem:$0x1D000] =	vst v63  }
0xe7: {  	_ =	swait.ge [sflag:s25], $0x4000  }
0xe8: {  	[sflag:s25] =	ssyncset.done $0x0  }
0xe9: {  	[sflag:s25] =	ssyncadd.s32 $0xFFFFC000  }
0xea: {  	[spmem:s1] =	stream.indirect.scatter.add.f32 [tilespmem:s21], [sflag:$0x4], $0x80, s14, s17, $0xb8;
	[tilespmem:$0x1D000] =	vst v63  }
0xeb: {  	_ =	swait.ge [sflag:s28], $0x4000  }
0xec: {  	[sflag:s28] =	ssyncset.done $0x0  }
0xed: {  	[sflag:s28] =	ssyncadd.s32 $0xFFFFC000  }
0xee: {  	[tilespmem:s21], [sflag:$0x2] =	stream.indirect.gather [hbm4b:s4+s17], $0x80, s24, s17, $0xb8;
	[tilespmem:$0x1D000] =	vst v63  }
0xef: {  	_ =	swait.ge [sflag:s22], $0x4000  }
0xf0: {  	[sflag:s22] =	ssyncset.done $0x0  }
0xf1: {  	[sflag:s22] =	ssyncadd.s32 $0xFFFFC000  }
0xf2: {  	[spmem:s1] =	stream.indirect.scatter.add.f32 [tilespmem:s18], [sflag:$0x3], $0x80, s26, s17, $0xb8;
	[tilespmem:$0x1D000] =	vst v63  }
0xf3: {  	_ =	swait.ge [sflag:s23], $0x4000  }
0xf4: {  	[sflag:s23] =	ssyncset.done $0x0  }
0xf5: {  	[sflag:s23] =	ssyncadd.s32 $0xFFFFC000  }
0xf6: {  	[tilespmem:s18], [sflag:$0x1] =	stream.indirect.gather [hbm4b:s4+s17], $0x80, s29, s17, $0xb8;
	[tilespmem:$0x1D000] =	vst v63  }
0xf7: {  	_ =	swait.ge [sflag:s25], $0x4000  }
0xf8: {  	[sflag:s25] =	ssyncset.done $0x0  }
0xf9: {  	[sflag:s25] =	ssyncadd.s32 $0xFFFFC000  }
0xfa: {  	[spmem:s1] =	stream.indirect.scatter.add.f32 [tilespmem:s21], [sflag:$0x4], $0x80, s0, s17, $0xb8;
	[tilespmem:$0x1D000] =	vst v63  }
0xfb: {  	_ =	swait.ge [sflag:s28], $0x4000  }
0xfc: {  	[sflag:s28] =	ssyncset.done $0x0  }
0xfd: {  	[sflag:s28] =	ssyncadd.s32 $0xFFFFC000  }
0xfe: {  	[tilespmem:s21], [sflag:$0x2] =	stream.indirect.gather [hbm4b:s4+s17], $0x80, s2, s17, $0xb8;
	[tilespmem:$0x1D000] =	vst v63  }
0xff: {  	_ =	swait.ge [sflag:s22], $0x4000  }
0x100: {  	[sflag:s22] =	ssyncset.done $0x0  }
0x101: {  	[sflag:s22] =	ssyncadd.s32 $0xFFFFC000  }
0x102: {  	[spmem:s1] =	stream.indirect.scatter.add.f32 [tilespmem:s18], [sflag:$0x3], $0x80, s5, s17, $0xb8;
	[tilespmem:$0x1D000] =	vst v63  }
0x103: {  	_ =	swait.ge [sflag:s23], $0x4000  }
0x104: {  	[sflag:s23] =	ssyncset.done $0x0  }
0x105: {  	[sflag:s23] =	ssyncadd.s32 $0xFFFFC000  }
0x106: {  	[tilespmem:s18], [sflag:$0x1] =	stream.indirect.gather [hbm4b:s4+s17], $0x80, s20, s17, $0xb8;
	[tilespmem:$0x1D000] =	vst v63  }
0x107: {  	_ =	swait.ge [sflag:s25], $0x4000  }
0x108: {  	[sflag:s25] =	ssyncset.done $0x0  }
0x109: {  	[sflag:s25] =	ssyncadd.s32 $0xFFFFC000  }
0x10a: {  	[spmem:s1] =	stream.indirect.scatter.add.f32 [tilespmem:s21], [sflag:$0x4], $0x80, s7, s17, $0xb8;
	[tilespmem:$0x1D000] =	vst v63  }
0x10b: {  	_ =	swait.ge [sflag:s28], $0x4000  }
0x10c: {  	s6 =	rddreg [dreg:$0x4];
	[sflag:s28] =	ssyncset.done $0x0  }
0x10d: {  	[sflag:s28] =	ssyncadd.s32 $0xFFFFC000;
	s9 =	sadd.s32 $0x0, s6  }
0x10e: {  	[tilespmem:s3], [sflag:$0x5] =	stream.linear.gather [hbm4b:s9+s3], $0x400, $0x38;
	[tilespmem:$0x1D000] =	vst v63  }
0x10f: {  	_ =	swait.ge [sflag:s15], $0x400  }
0x110: {  	s7 =	rddreg [dreg:$0x3];
	[sflag:s15] =	ssyncset.done $0x0  }
0x111: {  	[sflag:s15] =	ssyncadd.s32 $0xFFFFFC00;
	s9 =	sadd.s32 $0x0, s7  }
0x112: {  	[tilespmem:s19], [sflag:$0x5] =	stream.linear.gather [hbm4b:s9+s3], $0x400, $0x38;
	[tilespmem:$0x1D000] =	vst v63  }
0x113: {  	_ =	swait.ge [sflag:s15], $0x400  }
0x114: {  	[sflag:s15] =	ssyncset.done $0x0  }
0x115: {  	[sflag:s15] =	ssyncadd.s32 $0xFFFFFC00  }
0x116: {  	[tilespmem:s21], [sflag:$0x2] =	stream.indirect.gather [hbm4b:s4+s17], $0x80, s8, s17, $0xb8;
	[tilespmem:$0x1D000] =	vst v63  }
0x117: {  	_ =	swait.ge [sflag:s22], $0x4000  }
0x118: {  	[sflag:s22] =	ssyncset.done $0x0  }
0x119: {  	[sflag:s22] =	ssyncadd.s32 $0xFFFFC000  }
0x11a: {  	[spmem:s1] =	stream.indirect.scatter.add.f32 [tilespmem:s18], [sflag:$0x3], $0x80, s30, s17, $0xb8;
	[tilespmem:$0x1D000] =	vst v63  }
0x11b: {  	_ =	swait.ge [sflag:s23], $0x4000  }
0x11c: {  	[sflag:s23] =	ssyncset.done $0x0  }
0x11d: {  	s10 =	simm.s32 $0x500;
	[sflag:s23] =	ssyncadd.s32 $0xFFFFC000  }
0x11e: {  	[tilespmem:s18], [sflag:$0x1] =	stream.indirect.gather [hbm4b:s4+s17], $0x80, s10, s17, $0xb8;
	[tilespmem:$0x1D000] =	vst v63  }
0x11f: {  	_ =	swait.ge [sflag:s25], $0x4000  }
0x120: {  	[sflag:s25] =	ssyncset.done $0x0  }
0x121: {  	s11 =	simm.s32 $0xC80;
	[sflag:s25] =	ssyncadd.s32 $0xFFFFC000  }
0x122: {  	[spmem:s1] =	stream.indirect.scatter.add.f32 [tilespmem:s21], [sflag:$0x4], $0x80, s11, s17, $0xb8;
	[tilespmem:$0x1D000] =	vst v63  }
0x123: {  	_ =	swait.ge [sflag:s28], $0x4000  }
0x124: {  	[sflag:s28] =	ssyncset.done $0x0  }
0x125: {  	[sflag:s28] =	ssyncadd.s32 $0xFFFFC000  }
0x126: {  	[tilespmem:s21], [sflag:$0x2] =	stream.indirect.gather [hbm4b:s4+s17], $0x80, s16, s17, $0xb8;
	[tilespmem:$0x1D000] =	vst v63  }
0x127: {  	_ =	swait.ge [sflag:s22], $0x4000  }
0x128: {  	[sflag:s22] =	ssyncset.done $0x0  }
0x129: {  	[sflag:s22] =	ssyncadd.s32 $0xFFFFC000  }
0x12a: {  	[spmem:s1] =	stream.indirect.scatter.add.f32 [tilespmem:s18], [sflag:$0x3], $0x80, s31, s17, $0xb8;
	[tilespmem:$0x1D000] =	vst v63  }
0x12b: {  	_ =	swait.ge [sflag:s23], $0x4000  }
0x12c: {  	[sflag:s23] =	ssyncset.done $0x0  }
0x12d: {  	s12 =	simm.s32 $0x600;
	[sflag:s23] =	ssyncadd.s32 $0xFFFFC000  }
0x12e: {  	[tilespmem:s18], [sflag:$0x1] =	stream.indirect.gather [hbm4b:s4+s17], $0x80, s12, s17, $0xb8;
	[tilespmem:$0x1D000] =	vst v63  }
0x12f: {  	_ =	swait.ge [sflag:s25], $0x4000  }
0x130: {  	[sflag:s25] =	ssyncset.done $0x0  }
0x131: {  	s13 =	simm.s32 $0xD80;
	[sflag:s25] =	ssyncadd.s32 $0xFFFFC000  }
0x132: {  	[spmem:s1] =	stream.indirect.scatter.add.f32 [tilespmem:s21], [sflag:$0x4], $0x80, s13, s17, $0xb8;
	[tilespmem:$0x1D000] =	vst v63  }
0x133: {  	_ =	swait.ge [sflag:s28], $0x4000  }
0x134: {  	[sflag:s28] =	ssyncset.done $0x0  }
0x135: {  	s14 =	simm.s32 $0x680;
	[sflag:s28] =	ssyncadd.s32 $0xFFFFC000  }
0x136: {  	[tilespmem:s21], [sflag:$0x2] =	stream.indirect.gather [hbm4b:s4+s17], $0x80, s14, s17, $0xb8;
	[tilespmem:$0x1D000] =	vst v63  }
0x137: {  	_ =	swait.ge [sflag:s22], $0x4000  }
0x138: {  	[sflag:s22] =	ssyncset.done $0x0  }
0x139: {  	s16 =	simm.s32 $0xE00;
	[sflag:s22] =	ssyncadd.s32 $0xFFFFC000  }
0x13a: {  	[spmem:s1] =	stream.indirect.scatter.add.f32 [tilespmem:s18], [sflag:$0x3], $0x80, s16, s17, $0xb8;
	[tilespmem:$0x1D000] =	vst v63  }
0x13b: {  	_ =	swait.ge [sflag:s23], $0x4000  }
0x13c: {  	[sflag:s23] =	ssyncset.done $0x0  }
0x13d: {  	s19 =	simm.s32 $0x700;
	[sflag:s23] =	ssyncadd.s32 $0xFFFFC000  }
0x13e: {  	[tilespmem:s18], [sflag:$0x1] =	stream.indirect.gather [hbm4b:s4+s17], $0x80, s19, s17, $0xb8;
	[tilespmem:$0x1D000] =	vst v63  }
0x13f: {  	_ =	swait.ge [sflag:s25], $0x4000  }
0x140: {  	[sflag:s25] =	ssyncset.done $0x0  }
0x141: {  	s20 =	simm.s32 $0xE80;
	[sflag:s25] =	ssyncadd.s32 $0xFFFFC000  }
0x142: {  	[spmem:s1] =	stream.indirect.scatter.add.f32 [tilespmem:s21], [sflag:$0x4], $0x80, s20, s17, $0xb8;
	[tilespmem:$0x1D000] =	vst v63  }
0x143: {  	_ =	swait.ge [sflag:s28], $0x4000  }
0x144: {  	[sflag:s28] =	ssyncset.done $0x0  }
0x145: {  	s24 =	simm.s32 $0x780;
	s26 =	simm.s32 $0xF00;
	[sflag:s28] =	ssyncadd.s32 $0xFFFFC000  }
0x146: {  	[tilespmem:s21], [sflag:$0x2] =	stream.indirect.gather [hbm4b:s4+s17], $0x80, s24, s17, $0xb8;
	[tilespmem:$0x1D000] =	vst v63  }
0x147: {  	s29 =	simm.s32 $0x280;
	s0 =	simm.s32 $0xA80;
	_ =	swait.ge [sflag:s22], $0x4000  }
0x148: {  	s2 =	simm.s32 $0x380;
	s5 =	simm.s32 $0xB00;
	[sflag:s22] =	ssyncset.done $0x0  }
0x149: {  	s6 =	simm.s32 $0x900;
	s7 =	simm.s32 $0xB80;
	[sflag:s22] =	ssyncadd.s32 $0xFFFFC000  }
0x14a: {  	[spmem:s1] =	stream.indirect.scatter.add.f32 [tilespmem:s18], [sflag:$0x3], $0x80, s26, s17, $0xb8;
	[tilespmem:$0x1D000] =	vst v63  }
0x14b: {  	s9 =	simm.s32 $0x100;
	s8 =	simm.s32 $0x480;
	_ =	swait.ge [sflag:s23], $0x4000  }
0x14c: {  	s30 =	simm.s32 $0xC80;
	s31 =	simm.s32 $0x300;
	[sflag:s23] =	ssyncset.done $0x0  }
0x14d: {  	s12 =	simm.s32 $0x100;
	s13 =	simm.s32 $0x880;
	[sflag:s23] =	ssyncadd.s32 $0xFFFFC000  }
0x14e: {  	[tilespmem:s18], [sflag:$0x1] =	stream.indirect.gather [hbm4b:s4+s17], $0x80, s3, s17, $0xb8;
	[tilespmem:$0x1D000] =	vst v63  }
0x14f: {  	s14 =	simm.s32 $0xC00;
	s16 =	simm.s32 $0x500;
	_ =	swait.ge [sflag:s25], $0x4000  }
0x150: {  	s19 =	simm.s32 $0x800;
	s20 =	simm.s32 $0x400;
	[sflag:s25] =	ssyncset.done $0x0  }
0x151: {  	s24 =	simm.s32 $0x200;
	s26 =	simm.s32 $0x980;
	[sflag:s25] =	ssyncadd.s32 $0xFFFFC000  }
.LBB2_2:
0x152: {  	s10 =	simm.s32 $0xF80  }
0x153: {  	[spmem:s1] =	stream.indirect.scatter.add.f32 [tilespmem:s21], [sflag:$0x4], $0x80, s10, s17, $0xb8;
	[tilespmem:$0x1D000] =	vst v63  }
0x154: {  	_ =	swait.ge [sflag:s28], $0x4000  }
0x155: {  	s10 =	smov.u32 s9;
	s11 =	rddreg [dreg:$0x6];
	[sflag:s28] =	ssyncset.done $0x0  }
0x156: {  	[sflag:s28] =	ssyncadd.s32 $0xFFFFC000;
	s11 =	sadd.s32 s10, s11  }
0x157: {  	[tilespmem:s20], [sflag:$0x5] =	stream.linear.gather [hbm4b:s11+s3], $0x400, $0x38;
	[tilespmem:$0x1D000] =	vst v63  }
0x158: {  	_ =	swait.ge [sflag:s15], $0x400  }
0x159: {  	s11 =	rddreg [dreg:$0x5];
	[sflag:s15] =	ssyncset.done $0x0  }
0x15a: {  	[sflag:s15] =	ssyncadd.s32 $0xFFFFFC00;
	s11 =	sadd.s32 s10, s11  }
0x15b: {  	[tilespmem:s14], [sflag:$0x5] =	stream.linear.gather [hbm4b:s11+s3], $0x400, $0x38;
	[tilespmem:$0x1D000] =	vst v63  }
0x15c: {  	_ =	swait.ge [sflag:s15], $0x400  }
0x15d: {  	[sflag:s15] =	ssyncset.done $0x0  }
0x15e: {  	[sflag:s15] =	ssyncadd.s32 $0xFFFFFC00  }
0x15f: {  	[tilespmem:s21], [sflag:$0x2] =	stream.indirect.gather [hbm4b:s4+s17], $0x80, s17, s17, $0xb8;
	[tilespmem:$0x1D000] =	vst v63  }
0x160: {  	_ =	swait.ge [sflag:s22], $0x4000  }
0x161: {  	[sflag:s22] =	ssyncset.done $0x0  }
0x162: {  	[sflag:s22] =	ssyncadd.s32 $0xFFFFC000  }
0x163: {  	[spmem:s1] =	stream.indirect.scatter.add.f32 [tilespmem:s18], [sflag:$0x3], $0x80, s19, s17, $0xb8;
	[tilespmem:$0x1D000] =	vst v63  }
0x164: {  	_ =	swait.ge [sflag:s23], $0x4000  }
0x165: {  	[sflag:s23] =	ssyncset.done $0x0  }
0x166: {  	[sflag:s23] =	ssyncadd.s32 $0xFFFFC000  }
0x167: {  	[tilespmem:s18], [sflag:$0x1] =	stream.indirect.gather [hbm4b:s4+s17], $0x80, s12, s17, $0xb8;
	[tilespmem:$0x1D000] =	vst v63  }
0x168: {  	_ =	swait.ge [sflag:s25], $0x4000  }
0x169: {  	[sflag:s25] =	ssyncset.done $0x0  }
0x16a: {  	[sflag:s25] =	ssyncadd.s32 $0xFFFFC000  }
0x16b: {  	[spmem:s1] =	stream.indirect.scatter.add.f32 [tilespmem:s21], [sflag:$0x4], $0x80, s13, s17, $0xb8;
	[tilespmem:$0x1D000] =	vst v63  }
0x16c: {  	_ =	swait.ge [sflag:s28], $0x4000  }
0x16d: {  	[sflag:s28] =	ssyncset.done $0x0  }
0x16e: {  	s11 =	simm.s32 $0x180;
	[sflag:s28] =	ssyncadd.s32 $0xFFFFC000  }
0x16f: {  	[tilespmem:s21], [sflag:$0x2] =	stream.indirect.gather [hbm4b:s4+s17], $0x80, s11, s17, $0xb8;
	[tilespmem:$0x1D000] =	vst v63  }
0x170: {  	_ =	swait.ge [sflag:s22], $0x4000  }
0x171: {  	[sflag:s22] =	ssyncset.done $0x0  }
0x172: {  	[sflag:s22] =	ssyncadd.s32 $0xFFFFC000  }
0x173: {  	[spmem:s1] =	stream.indirect.scatter.add.f32 [tilespmem:s18], [sflag:$0x3], $0x80, s6, s17, $0xb8;
	[tilespmem:$0x1D000] =	vst v63  }
0x174: {  	_ =	swait.ge [sflag:s23], $0x4000  }
0x175: {  	[sflag:s23] =	ssyncset.done $0x0  }
0x176: {  	[sflag:s23] =	ssyncadd.s32 $0xFFFFC000  }
0x177: {  	[tilespmem:s18], [sflag:$0x1] =	stream.indirect.gather [hbm4b:s4+s17], $0x80, s24, s17, $0xb8;
	[tilespmem:$0x1D000] =	vst v63  }
0x178: {  	_ =	swait.ge [sflag:s25], $0x4000  }
0x179: {  	[sflag:s25] =	ssyncset.done $0x0  }
0x17a: {  	[sflag:s25] =	ssyncadd.s32 $0xFFFFC000  }
0x17b: {  	[spmem:s1] =	stream.indirect.scatter.add.f32 [tilespmem:s21], [sflag:$0x4], $0x80, s26, s17, $0xb8;
	[tilespmem:$0x1D000] =	vst v63  }
0x17c: {  	_ =	swait.ge [sflag:s28], $0x4000  }
0x17d: {  	[sflag:s28] =	ssyncset.done $0x0  }
0x17e: {  	[sflag:s28] =	ssyncadd.s32 $0xFFFFC000  }
0x17f: {  	[tilespmem:s21], [sflag:$0x2] =	stream.indirect.gather [hbm4b:s4+s17], $0x80, s29, s17, $0xb8;
	[tilespmem:$0x1D000] =	vst v63  }
0x180: {  	_ =	swait.ge [sflag:s22], $0x4000  }
0x181: {  	[sflag:s22] =	ssyncset.done $0x0  }
0x182: {  	s11 =	simm.s32 $0xA00;
	[sflag:s22] =	ssyncadd.s32 $0xFFFFC000  }
0x183: {  	[spmem:s1] =	stream.indirect.scatter.add.f32 [tilespmem:s18], [sflag:$0x3], $0x80, s11, s17, $0xb8;
	[tilespmem:$0x1D000] =	vst v63  }
0x184: {  	_ =	swait.ge [sflag:s23], $0x4000  }
0x185: {  	[sflag:s23] =	ssyncset.done $0x0  }
0x186: {  	[sflag:s23] =	ssyncadd.s32 $0xFFFFC000  }
0x187: {  	[tilespmem:s18], [sflag:$0x1] =	stream.indirect.gather [hbm4b:s4+s17], $0x80, s31, s17, $0xb8;
	[tilespmem:$0x1D000] =	vst v63  }
0x188: {  	_ =	swait.ge [sflag:s25], $0x4000  }
0x189: {  	[sflag:s25] =	ssyncset.done $0x0  }
0x18a: {  	[sflag:s25] =	ssyncadd.s32 $0xFFFFC000  }
0x18b: {  	[spmem:s1] =	stream.indirect.scatter.add.f32 [tilespmem:s21], [sflag:$0x4], $0x80, s0, s17, $0xb8;
	[tilespmem:$0x1D000] =	vst v63  }
0x18c: {  	_ =	swait.ge [sflag:s28], $0x4000  }
0x18d: {  	[sflag:s28] =	ssyncset.done $0x0  }
0x18e: {  	[sflag:s28] =	ssyncadd.s32 $0xFFFFC000  }
0x18f: {  	[tilespmem:s21], [sflag:$0x2] =	stream.indirect.gather [hbm4b:s4+s17], $0x80, s2, s17, $0xb8;
	[tilespmem:$0x1D000] =	vst v63  }
0x190: {  	_ =	swait.ge [sflag:s22], $0x4000  }
0x191: {  	[sflag:s22] =	ssyncset.done $0x0  }
0x192: {  	[sflag:s22] =	ssyncadd.s32 $0xFFFFC000  }
0x193: {  	[spmem:s1] =	stream.indirect.scatter.add.f32 [tilespmem:s18], [sflag:$0x3], $0x80, s5, s17, $0xb8;
	[tilespmem:$0x1D000] =	vst v63  }
0x194: {  	_ =	swait.ge [sflag:s23], $0x4000  }
0x195: {  	[sflag:s23] =	ssyncset.done $0x0  }
0x196: {  	[sflag:s23] =	ssyncadd.s32 $0xFFFFC000  }
0x197: {  	[tilespmem:s18], [sflag:$0x1] =	stream.indirect.gather [hbm4b:s4+s17], $0x80, s20, s17, $0xb8;
	[tilespmem:$0x1D000] =	vst v63  }
0x198: {  	_ =	swait.ge [sflag:s25], $0x4000  }
0x199: {  	[sflag:s25] =	ssyncset.done $0x0  }
0x19a: {  	[sflag:s25] =	ssyncadd.s32 $0xFFFFC000  }
0x19b: {  	[spmem:s1] =	stream.indirect.scatter.add.f32 [tilespmem:s21], [sflag:$0x4], $0x80, s7, s17, $0xb8;
	[tilespmem:$0x1D000] =	vst v63  }
0x19c: {  	_ =	swait.ge [sflag:s28], $0x4000  }
0x19d: {  	s11 =	rddreg [dreg:$0x4];
	[sflag:s28] =	ssyncset.done $0x0  }
0x19e: {  	[sflag:s28] =	ssyncadd.s32 $0xFFFFC000;
	s11 =	sadd.s32 s10, s11  }
0x19f: {  	[tilespmem:s3], [sflag:$0x5] =	stream.linear.gather [hbm4b:s11+s3], $0x400, $0x38;
	[tilespmem:$0x1D000] =	vst v63  }
0x1a0: {  	_ =	swait.ge [sflag:s15], $0x400  }
0x1a1: {  	s11 =	rddreg [dreg:$0x3];
	[sflag:s15] =	ssyncset.done $0x0  }
0x1a2: {  	[sflag:s15] =	ssyncadd.s32 $0xFFFFFC00;
	s10 =	sadd.s32 s10, s11  }
0x1a3: {  	[tilespmem:s19], [sflag:$0x5] =	stream.linear.gather [hbm4b:s10+s3], $0x400, $0x38;
	[tilespmem:$0x1D000] =	vst v63  }
0x1a4: {  	_ =	swait.ge [sflag:s15], $0x400  }
0x1a5: {  	[sflag:s15] =	ssyncset.done $0x0  }
0x1a6: {  	[sflag:s15] =	ssyncadd.s32 $0xFFFFFC00  }
0x1a7: {  	[tilespmem:s21], [sflag:$0x2] =	stream.indirect.gather [hbm4b:s4+s17], $0x80, s8, s17, $0xb8;
	[tilespmem:$0x1D000] =	vst v63  }
0x1a8: {  	_ =	swait.ge [sflag:s22], $0x4000  }
0x1a9: {  	[sflag:s22] =	ssyncset.done $0x0  }
0x1aa: {  	[sflag:s22] =	ssyncadd.s32 $0xFFFFC000  }
0x1ab: {  	[spmem:s1] =	stream.indirect.scatter.add.f32 [tilespmem:s18], [sflag:$0x3], $0x80, s14, s17, $0xb8;
	[tilespmem:$0x1D000] =	vst v63  }
0x1ac: {  	_ =	swait.ge [sflag:s23], $0x4000  }
0x1ad: {  	[sflag:s23] =	ssyncset.done $0x0  }
0x1ae: {  	[sflag:s23] =	ssyncadd.s32 $0xFFFFC000  }
0x1af: {  	[tilespmem:s18], [sflag:$0x1] =	stream.indirect.gather [hbm4b:s4+s17], $0x80, s16, s17, $0xb8;
	[tilespmem:$0x1D000] =	vst v63  }
0x1b0: {  	_ =	swait.ge [sflag:s25], $0x4000  }
0x1b1: {  	[sflag:s25] =	ssyncset.done $0x0  }
0x1b2: {  	[sflag:s25] =	ssyncadd.s32 $0xFFFFC000  }
0x1b3: {  	[spmem:s1] =	stream.indirect.scatter.add.f32 [tilespmem:s21], [sflag:$0x4], $0x80, s30, s17, $0xb8;
	[tilespmem:$0x1D000] =	vst v63  }
0x1b4: {  	_ =	swait.ge [sflag:s28], $0x4000  }
0x1b5: {  	[sflag:s28] =	ssyncset.done $0x0  }
0x1b6: {  	s11 =	simm.s32 $0x580;
	[sflag:s28] =	ssyncadd.s32 $0xFFFFC000  }
0x1b7: {  	[tilespmem:s21], [sflag:$0x2] =	stream.indirect.gather [hbm4b:s4+s17], $0x80, s11, s17, $0xb8;
	[tilespmem:$0x1D000] =	vst v63  }
0x1b8: {  	_ =	swait.ge [sflag:s22], $0x4000  }
0x1b9: {  	[sflag:s22] =	ssyncset.done $0x0  }
0x1ba: {  	s11 =	simm.s32 $0xD00;
	[sflag:s22] =	ssyncadd.s32 $0xFFFFC000  }
0x1bb: {  	[spmem:s1] =	stream.indirect.scatter.add.f32 [tilespmem:s18], [sflag:$0x3], $0x80, s11, s17, $0xb8;
	[tilespmem:$0x1D000] =	vst v63  }
0x1bc: {  	_ =	swait.ge [sflag:s23], $0x4000  }
0x1bd: {  	[sflag:s23] =	ssyncset.done $0x0  }
0x1be: {  	s11 =	simm.s32 $0x600;
	[sflag:s23] =	ssyncadd.s32 $0xFFFFC000  }
0x1bf: {  	[tilespmem:s18], [sflag:$0x1] =	stream.indirect.gather [hbm4b:s4+s17], $0x80, s11, s17, $0xb8;
	[tilespmem:$0x1D000] =	vst v63  }
0x1c0: {  	_ =	swait.ge [sflag:s25], $0x4000  }
0x1c1: {  	[sflag:s25] =	ssyncset.done $0x0  }
0x1c2: {  	s11 =	simm.s32 $0xD80;
	[sflag:s25] =	ssyncadd.s32 $0xFFFFC000  }
0x1c3: {  	[spmem:s1] =	stream.indirect.scatter.add.f32 [tilespmem:s21], [sflag:$0x4], $0x80, s11, s17, $0xb8;
	[tilespmem:$0x1D000] =	vst v63  }
0x1c4: {  	_ =	swait.ge [sflag:s28], $0x4000  }
0x1c5: {  	[sflag:s28] =	ssyncset.done $0x0  }
0x1c6: {  	s11 =	simm.s32 $0x680;
	[sflag:s28] =	ssyncadd.s32 $0xFFFFC000  }
0x1c7: {  	[tilespmem:s21], [sflag:$0x2] =	stream.indirect.gather [hbm4b:s4+s17], $0x80, s11, s17, $0xb8;
	[tilespmem:$0x1D000] =	vst v63  }
0x1c8: {  	_ =	swait.ge [sflag:s22], $0x4000  }
0x1c9: {  	[sflag:s22] =	ssyncset.done $0x0  }
0x1ca: {  	s11 =	simm.s32 $0xE00;
	[sflag:s22] =	ssyncadd.s32 $0xFFFFC000  }
0x1cb: {  	[spmem:s1] =	stream.indirect.scatter.add.f32 [tilespmem:s18], [sflag:$0x3], $0x80, s11, s17, $0xb8;
	[tilespmem:$0x1D000] =	vst v63  }
0x1cc: {  	_ =	swait.ge [sflag:s23], $0x4000  }
0x1cd: {  	[sflag:s23] =	ssyncset.done $0x0  }
0x1ce: {  	s11 =	simm.s32 $0x700;
	[sflag:s23] =	ssyncadd.s32 $0xFFFFC000  }
0x1cf: {  	[tilespmem:s18], [sflag:$0x1] =	stream.indirect.gather [hbm4b:s4+s17], $0x80, s11, s17, $0xb8;
	[tilespmem:$0x1D000] =	vst v63  }
0x1d0: {  	_ =	swait.ge [sflag:s25], $0x4000  }
0x1d1: {  	[sflag:s25] =	ssyncset.done $0x0  }
0x1d2: {  	s11 =	simm.s32 $0xE80;
	[sflag:s25] =	ssyncadd.s32 $0xFFFFC000  }
0x1d3: {  	[spmem:s1] =	stream.indirect.scatter.add.f32 [tilespmem:s21], [sflag:$0x4], $0x80, s11, s17, $0xb8;
	[tilespmem:$0x1D000] =	vst v63  }
0x1d4: {  	_ =	swait.ge [sflag:s28], $0x4000  }
0x1d5: {  	[sflag:s28] =	ssyncset.done $0x0  }
0x1d6: {  	s11 =	simm.s32 $0x780;
	[sflag:s28] =	ssyncadd.s32 $0xFFFFC000  }
0x1d7: {  	[tilespmem:s21], [sflag:$0x2] =	stream.indirect.gather [hbm4b:s4+s17], $0x80, s11, s17, $0xb8;
	[tilespmem:$0x1D000] =	vst v63  }
0x1d8: {  	_ =	swait.ge [sflag:s22], $0x4000  }
0x1d9: {  	[sflag:s22] =	ssyncset.done $0x0  }
0x1da: {  	s11 =	simm.s32 $0xF00;
	[sflag:s22] =	ssyncadd.s32 $0xFFFFC000  }
0x1db: {  	[spmem:s1] =	stream.indirect.scatter.add.f32 [tilespmem:s18], [sflag:$0x3], $0x80, s11, s17, $0xb8;
	[tilespmem:$0x1D000] =	vst v63  }
0x1dc: {  	_ =	swait.ge [sflag:s23], $0x4000  }
0x1dd: {  	p0 =	sne.s32 s9, $0x300;
	[sflag:s23] =	ssyncset.done $0x0  }
.Ltmp0:
0x1de: {  	[sflag:s23] =	ssyncadd.s32 $0xFFFFC000;
	(pc) =	sbr.rel @p0 .LBB2_2-.Ltmp0, $4  }
0x1df: {  	[tilespmem:s18], [sflag:$0x1] =	stream.indirect.gather [hbm4b:s4+s17], $0x80, s3, s17, $0xb8;
	[tilespmem:$0x1D000] =	vst v63  }
0x1e0: {  	_ =	swait.ge [sflag:s25], $0x4000  }
0x1e1: {  	[sflag:s25] =	ssyncset.done $0x0  }
0x1e2: {  	s9 =	sadd.s32 $0x100, s9;
	[sflag:s25] =	ssyncadd.s32 $0xFFFFC000  }
0x1e3: {  	s0 =	simm.s32 $0xF80  }
0x1e4: {  	[spmem:s1] =	stream.indirect.scatter.add.f32 [tilespmem:s21], [sflag:$0x4], $0x80, s0, s17, $0xb8;
	[tilespmem:$0x1D000] =	vst v63  }
0x1e5: {  	_ =	swait.ge [sflag:s28], $0x4000  }
0x1e6: {  	[sflag:s28] =	ssyncset.done $0x0  }
0x1e7: {  	[sflag:s28] =	ssyncadd.s32 $0xFFFFC000  }
0x1e8: {  	_ =	swait.ge [sflag:s22], $0x4000  }
0x1e9: {  	[sflag:s22] =	ssyncset.done $0x0  }
0x1ea: {  	[sflag:s22] =	ssyncadd.s32 $0xFFFFC000  }
0x1eb: {  	[bflag:$0x0] =	sbarrier.arrive $0xFFFF  }
0x1ec: {  	s9 =	rddreg [dreg:$0xf]  }
0x1ed: {  	s24 =	rddreg [dreg:$0x12]  }
0x1ee: {  	s2 =	rddreg [dreg:$0x13]  }
0x1ef: {  	[hbm:s9], [sflag:s24] =	dma.local [spmem:s2], $0x2800  }
0x1f0: {  	s10 =	simm.s32 $0x100;
	_ =	swait.ge [sflag:s15], $0x2800  }
0x1f1: {  	s11 =	simm.s32 $0x880;
	s12 =	simm.s32 $0x180;
	s26 =	rddreg [dreg:$0x11]  }
0x1f2: {  	s6 =	simm.s32 $0x900;
	s31 =	rddreg [dreg:$0x10];
	s0 =	sadd.s32 $0x1, s26  }
0x1f3: {  	s13 =	simm.s32 $0x200;
	s14 =	simm.s32 $0x980;
	p0 =	sne.s32 s0, s31  }
.Ltmp1:
0x1f4: {  	s29 =	simm.s32 $0x300;
	s5 =	simm.s32 $0xB00;
	(pc) =	sbr.rel @p0 .LBB2_1-.Ltmp1, $4  }
0x1f5: {  	s7 =	simm.s32 $0xB80;
	s8 =	simm.s32 $0x480;
	s19 =	simm.s32 $0x800  }
0x1f6: {  	s20 =	simm.s32 $0x400;
	s30 =	simm.s32 $0xC00;
	[sflag:s15] =	ssyncset.done $0x0  }
0x1f7: {  	s24 =	simm.s32 $0x280;
	s2 =	simm.s32 $0x380;
	[sflag:s15] =	ssyncadd.s32 $0xFFFFD800  }
0x1f8: {  	s26 =	simm.s32 $0xA00;
	[dreg:$0x11] =	wrdreg s0;
	s0 =	simm.s32 $0xA80  }
0x1f9: {  	_ =	sfence.sel $0x180000  }
0x1fa: {  	[bflag:$0x0] =	sbarrier.arrive $0xFFFF  }
0x1fb: {  	_ =	strace $0x90000047  }
0x1fc: {  	s0 =	stileid.u32;
	[bflag:$0x2] =	sbarrier.arrive $0xFFFF  }
0x1fd: {  	p0 =	sne.s32 s0, $0x0;
	s0 =	rddreg [dreg:$0x2]  }
0x1fe: {  	s0 =	sadd.s32 @!p0 $0x100000, s0  }
0x1ff: {  	[sflag:s0] =	ssyncadd.tile.s32 @!p0 $0x1;
	_ =	shalt  }
.Lfunc_end2:
_tile_overlayer_lowered:
.L_overlay_start_2:
0x200: {  	(tag) =	ssettag $0x2  }
0x201: {  	s0 =	rddreg [dreg:$0x0];
	s2 =	stileid.u32  }
0x202: {  	s1 =	rddreg [dreg:$0x1];
	p0 =	sne.s32 s2, $0x0  }
0x203: {  	s3 =	rddreg [dreg:$0x2];
	[bflag:$0x3] =	sbarrier.arrive $0xFFFF;
	s2 =	simm.s32 @!p0 $0x1C05  }
0x204: {  	[timem:s3], [sflag:s2] =	dma.local @!p0 [hbm:s0], s1  }
0x205: {  	s0 =	simm.s32 @!p0 $0x5  }
0x206: {  	_ =	swait.ge @!p0 [sflag:s0], s1  }
0x207: {  	s1 =	ssub.s32 @!p0 $0x0, s1;
	[sflag:s0] =	ssyncset.done @!p0 $0x0  }
0x208: {  	[sflag:s0] =	ssyncadd.s32 @!p0 s1  }
0x209: {  	[bflag:$0x3] =	sbarrier.arrive $0xFFFF  }
0x20a: {  	_ =	shalt  }

// kernel: kernel.9.cloned.1.call-start
scs
__scs_entry_jumppad:
0x0: {  	(pc) =	sbr.rel $0x88, $3  }
0x1: {  	(tag) =	ssettag $0x0;
	lr =	simm.s32 $0x1  }
0x2: {  	[smem:$0x3F98] =	sst lr;
	_ =	strace $0xD0000000  }
0x3: {  	_ = 	snop  }
0x4: {  	_ = 	snop  }
0x5: {  	_ = 	snop  }
0x6: {  	_ = 	snop  }
0x7: {  	_ = 	snop  }
__scs_overlays_trampoline_lowered:
0x8: {  	[smem:$0x3FA7] =	sst s0  }
0x9: {  	[smem:$0x3FA8] =	sst s1  }
0xa: {  	[smem:$0x3FA9] =	sst s2  }
0xb: {  	[smem:$0x3FAA] =	sst s3  }
0xc: {  	[smem:$0x3FAB] =	sst s4  }
0xd: {  	[smem:$0x3FAC] =	sst s5  }
0xe: {  	[smem:$0x3FAD] =	sst s6  }
0xf: {  	[smem:$0x3FAE] =	sst s7  }
0x10: {  	[smem:$0x3FAF] =	sst s8  }
0x11: {  	[smem:$0x3FB0] =	sst s9;
	s0 =	simm.s32 @!p0 $0x0  }
0x12: {  	s1 =	sld [smem:$0x3F96];
	s0 =	simm.s32 @p0 $0x1  }
0x13: {  	[smem:$0x3FB1] =	sst s0;
	s0 =	simm.s32 @!p1 $0x0  }
0x14: {  	s2 =	sld [smem:$0x3F95];
	s0 =	simm.s32 @p1 $0x1  }
0x15: {  	[smem:$0x3FB2] =	sst s0;
	s0 =	simm.s32 @!p2 $0x0  }
0x16: {  	s3 =	sld [smem:$0x3FDB];
	s0 =	simm.s32 @p2 $0x1  }
0x17: {  	s4 =	simm.s32 $0x1BF5;
	[smem:$0x3FB4] =	sst s0  }
0x18: {  	s0 =	sld [smem:$0x3F97];
	_ =	swait.ge [sflag:s4], $0x0  }
0x19: {  	s7 =	sld [smem:$0x3F98]  }
0x1a: {  	s8 =	sadd.s32 $0xFFFFE003, lr  }
0x1b: {  	s9 =	sadd.s32 $0xFFFFFEF7, lr;
	s5 =	simm.s32 $0xFFFFFFFF;
	p2 =	slt.u32 s8, $0xFFFFF086  }
0x1c: {  	p1 =	slt.u32 s9, $0xF7A;
	s5 =	simm.s32 @!p2 $0x0  }
0x1d: {  	s5 =	simm.s32 @p1 $0x1;
	p0 =	seq.s32 s7, s2  }
0x1e: {  	s7 =	smul.u32 @!p0 $0xF7A, s2;
	p2 =	seq.s32 @!p0 s5, $0x0  }
0x1f: {  	s9 =	smul.u32 $0xF7A, s1;
	s8 =	simm.s32 @!p0 $0x1BF5;
	p2 =	por !p2, p0  }
0x20: {  	[sflag:s8] =	ssyncset.s32 @!p0 $0xFFFFF086;
	s6 =	sadd.s32 @!p0 s3, s7;
	s7 =	simm.s32 @!p0 $0x108  }
0x21: {  	s3 =	sadd.s32 s3, s9;
	s6 =	sadd.s32 @!p0 $0x88, s6;
	s7 =	simm.s32 @p2 $0x1082  }
0x22: {  	[simem:s7], [sflag:s8] =	dma.local @!p0 [hbm:s6], $0xF7A  }
0x23: {  	s9 =	sor.u32 $0xD0000000, s2;
	s6 =	simm.s32 $0x108;
	_ =	swait.ge @!p0 [sflag:s8], $0x0  }
0x24: {  	s3 =	sadd.s32 $0x88, s3;
	s6 =	simm.s32 @!p1 $0x1082;
	[sflag:s4] =	ssyncset.s32 $0xFFFFF086  }
0x25: {  	[simem:s6], [sflag:s4] =	dma.local [hbm:s3], $0xF7A  }
0x26: {  	[smem:$0x3F98] =	sst s1;
	(tag) =	ssettag s2;
	_ =	strace s9  }
0x27: {  	s1 =	sld [smem:$0x3FA8]  }
0x28: {  	s2 =	sld [smem:$0x3FA9]  }
0x29: {  	s4 =	sld [smem:$0x3FAB]  }
0x2a: {  	p0 =	seq.s32 s5, $0x0;
	s5 =	sld [smem:$0x3FAC]  }
0x2b: {  	s6 =	sld [smem:$0x3FAD]  }
0x2c: {  	s7 =	sld [smem:$0x3FAE]  }
0x2d: {  	s3 =	simm.s32 $0x108;
	s8 =	sld [smem:$0x3FAF]  }
0x2e: {  	s3 =	simm.s32 @!p0 $0x1082;
	s9 =	sld [smem:$0x3FB0]  }
0x2f: {  	lr =	sadd.s32 s0, s3;
	s0 =	sld [smem:$0x3FA7]  }
0x30: {  	s3 =	sld [smem:$0x3FAA]  }
0x31: {  	[smem:$0x3FB3] =	sst s10  }
0x32: {  	s10 =	sld [smem:$0x3FB1];
	_ =	sdelay $0x3  }
0x33: {  	p0 =	seq.s32 s10, $0x1;
	s10 =	sld [smem:$0x3FB3];
	_ =	sdelay $0x3  }
0x34: {  	[smem:$0x3FB3] =	sst s10  }
0x35: {  	s10 =	sld [smem:$0x3FB2];
	_ =	sdelay $0x3  }
0x36: {  	p1 =	seq.s32 s10, $0x1;
	s10 =	sld [smem:$0x3FB3];
	_ =	sdelay $0x3  }
0x37: {  	[smem:$0x3FB3] =	sst s10  }
0x38: {  	s10 =	sld [smem:$0x3FB4]  }
0x39: {  	_ = 	snop;
	(pc) =	sbr.ind lr, $3  }
0x3a: {  	_ = 	snop  }
0x3b: {  	_ = 	snop  }
0x3c: {  	p2 =	seq.s32 s10, $0x1;
	s10 =	sld [smem:$0x3FB3]  }
0x3d: {  	_ =	shalt  }
0x3e: {  	_ =	shalt  }
0x3f: {  	_ =	shalt  }
0x40: {  	_ =	shalt  }
0x41: {  	_ =	shalt  }
0x42: {  	_ =	shalt  }
0x43: {  	_ =	shalt  }
0x44: {  	_ =	shalt  }
0x45: {  	_ =	shalt  }
0x46: {  	_ =	shalt  }
0x47: {  	_ =	shalt  }
0x48: {  	_ =	shalt  }
0x49: {  	_ =	shalt  }
0x4a: {  	_ =	shalt  }
0x4b: {  	_ =	shalt  }
0x4c: {  	_ =	shalt  }
0x4d: {  	_ =	shalt  }
0x4e: {  	_ =	shalt  }
0x4f: {  	_ =	shalt  }
0x50: {  	_ =	shalt  }
0x51: {  	_ =	shalt  }
0x52: {  	_ =	shalt  }
0x53: {  	_ =	shalt  }
0x54: {  	_ =	shalt  }
0x55: {  	_ =	shalt  }
0x56: {  	_ =	shalt  }
0x57: {  	_ =	shalt  }
0x58: {  	_ =	shalt  }
0x59: {  	_ =	shalt  }
0x5a: {  	_ =	shalt  }
0x5b: {  	_ =	shalt  }
0x5c: {  	_ =	shalt  }
0x5d: {  	_ =	shalt  }
0x5e: {  	_ =	shalt  }
0x5f: {  	_ =	shalt  }
0x60: {  	_ =	shalt  }
0x61: {  	_ =	shalt  }
0x62: {  	_ =	shalt  }
0x63: {  	_ =	shalt  }
0x64: {  	_ =	shalt  }
0x65: {  	_ =	shalt  }
0x66: {  	_ =	shalt  }
0x67: {  	_ =	shalt  }
0x68: {  	_ =	shalt  }
0x69: {  	_ =	shalt  }
0x6a: {  	_ =	shalt  }
0x6b: {  	_ =	shalt  }
0x6c: {  	_ =	shalt  }
0x6d: {  	_ =	shalt  }
0x6e: {  	_ =	shalt  }
0x6f: {  	_ =	shalt  }
0x70: {  	_ =	shalt  }
0x71: {  	_ =	shalt  }
0x72: {  	_ =	shalt  }
0x73: {  	_ =	shalt  }
0x74: {  	_ =	shalt  }
0x75: {  	_ =	shalt  }
0x76: {  	_ =	shalt  }
0x77: {  	_ =	shalt  }
0x78: {  	_ =	shalt  }
0x79: {  	_ =	shalt  }
0x7a: {  	_ =	shalt  }
0x7b: {  	_ =	shalt  }
0x7c: {  	_ =	shalt  }
0x7d: {  	_ =	shalt  }
0x7e: {  	_ =	shalt  }
0x7f: {  	_ =	shalt  }
0x80: {  	_ =	shalt  }
0x81: {  	_ =	shalt  }
0x82: {  	_ =	shalt  }
0x83: {  	_ =	shalt  }
0x84: {  	_ =	shalt  }
0x85: {  	_ =	shalt  }
0x86: {  	_ =	shalt  }
0x87: {  	_ =	shalt  }
.Lfunc_end0:
.L_simem_size_0:
called_computation.1_lowered:
.L_overlay_start_0:
0x88: {  	s2 =	sld [smem:$0x3FD9]  }
0x89: {  	s3 =	sld [smem:$0x3FFE];
	_ =	sdelay $0x1  }
0x8a: {  	s1 =	srdreg.scid  }
0x8b: {  	s0 =	sand.u32 $0x1, s1  }
0x8c: {  	s16 =	sshll.u32 s0, $0xA;
	s2 =	sadd.s32 s3, s2  }
0x8d: {  	s2 =	sadd.s32 s2, s16  }
0x8e: {  	[smem:$0x3FBF] =	sst s2  }
0x8f: {  	_ = 	snop  }
0x90: {  	(tm) =	ssettm $0x1  }
0x91: {  	s17 =	sld [smem:$0x3FFB];
	_ =	sdelay $0x3  }
0x92: {  	_ =	strace s17  }
0x93: {  	s2 =	sld [smem:$0x3FFC];
	_ =	sdelay $0x3  }
0x94: {  	_ =	strace s2  }
0x95: {  	s2 =	sld [smem:$0x3FFD];
	_ =	sdelay $0x3  }
0x96: {  	_ =	strace s2  }
0x97: {  	_ =	strace $0x8FFFFFFF  }
0x98: {  	s18 =	sld [smem:$0x3FDB];
	_ =	sdelay $0x1  }
0x99: {  	s19 =	simm.s32 $_scs_section_size  }
0x9a: {  	s4 =	simm.s32 $_size__tile_overlayer_lowered;
	s5 =	simm.s32 $_tile_overlayer_lowered  }
0x9b: {  	s22 =	simm.s32 $0x1BFF;
	s21 =	sshll.u32 s5, $0x1;
	s2 =	sadd.s32 s19, s18  }
0x9c: {  	s6 =	simm.s32 $0x0;
	s20 =	sshll.u32 s4, $0x1;
	s4 =	sadd.s32 s21, s2  }
0x9d: {  	[timem:s6], [sflag:s22] =	dma.local [hbm:s4], s20  }
0x9e: {  	_ =	swait.ge [sflag:s22], s20  }
0x9f: {  	s3 =	ssub.s32 $0x0, s20;
	[sflag:s22] =	ssyncset.done $0x0  }
0xa0: {  	[sflag:s22] =	ssyncadd.s32 s3;
	_ =	sdelay $0x1  }
0xa1: {  	s23 =	simm.s32 $0x1B8B  }
0xa2: {  	_ =	swait.ge [sflag:s23], $0x1  }
0xa3: {  	[sflag:s23] =	ssyncset.done $0x0  }
0xa4: {  	s25 =	simm.s32 $0x1B8E;
	s24 =	sld [smem:$0x3FFE];
	[sflag:s23] =	ssyncadd.s32 $0xFFFFFFFF  }
0xa5: {  	s26 =	simm.s32 $execute0_lowered;
	[smem:$0x3FD2] =	sst s25  }
0xa6: {  	s4 =	sshll.u32 s26, $0x1;
	_ =	strace $0x80000049;
	[dreg:$0x1] =	wrdreg $0xFFFFFFFF  }
0xa7: {  	s28 =	simm.s32 $_size_execute0_lowered;
	s2 =	sadd.s32 s2, s4;
	[dreg:$0x0] =	wrdreg $0x0  }
0xa8: {  	s4 =	sshll.u32 s28, $0x1;
	[dreg:$0x2] =	wrdreg s2  }
0xa9: {  	[dreg:$0x3] =	wrdreg s4  }
0xaa: {  	[dreg:$0x4] =	wrdreg $0xC0  }
0xab: {  	_ =	task [dreg:s6], $0x5FFFF  }
0xac: {  	[dreg:$0x1] =	wrdreg $0xFFFFFFFF  }
0xad: {  	[dreg:$0x0] =	wrdreg $0x60  }
0xae: {  	[dreg:$0x2] =	wrdreg s24  }
0xaf: {  	[dreg:$0x3] =	wrdreg $0x90000  }
0xb0: {  	[dreg:$0x4] =	wrdreg $0x9  }
0xb1: {  	_ =	task.clear_ibuf [dreg:s6], $0x5FFFF;
	_ =	strace $0x90000049  }
0xb2: {  	s29 =	simm.s32 $0x9;
	_ =	strace $0x8000004B  }
0xb3: {  	_ =	swait.ge [sflag:s29], $0x1  }
0xb4: {  	[sflag:s29] =	ssyncadd.s32 $0xFFFFFFFF  }
0xb5: {  	_ =	strace $0x9000004B  }
0xb6: {  	_ =	sfence  }
0xb7: {  	s30 =	sld [smem:$0x0];
	_ =	sdelay $0x2  }
0xb8: {  	s31 =	sshll.u32 s1, $0xD;
	s1 =	sshrl.u32 s1, $0x2  }
0xb9: {  	s3 =	sand.u32 $0x4000, s31;
	s1 =	sadd.s32 s1, s30  }
0xba: {  	s0 =	sor.u32 s3, s0;
	s1 =	sshll.u32 s1, $0x11  }
0xbb: {  	s0 =	sor.u32 s1, s0  }
0xbc: {  	s0 =	sadd.s32 $0x8F2B, s0  }
0xbd: {  	[sflag:s0] =	ssyncadd.remote.s32 $0x1  }
0xbe: {  	_ =	sfence.sel $0xFFFF  }
0xbf: {  	[dreg:$0x0] =	wrdreg $0xFFFFFFFF;
	(pc) =	sbr.abs _section_cstart, $3  }
0xc0: {  	[dreg:$0x1] =	wrdreg $0xFFFFFFFF  }
0xc1: {  	_ =	task.clear_ibuf [dreg:s6], $0x2FFFF;
	_ =	strace $0x9FFFFFFF  }
0xc2: {  	(tm) =	ssettm $0x7FFFFFFF  }
0xc3: {  	_ =	shalt  }
tec
execute0_lowered:
.L_overlay_start_1:
0x0: {  	(tag) =	ssettag $0x1  }
0x1: {  	s0 =	rddreg [dreg:$0x0];
	s13 =	stileid.u32  }
0x2: {  	s1 =	rddreg [dreg:$0x1];
	s6 =	smul.u32 $0x14000, s13  }
0x3: {  	s2 =	srdreg.scid;
	s3 =	simm.s32 $0x0;
	s7 =	smul.u32 $0x50000, s13  }
0x4: {  	s31 =	simm.s32 $0xC00;
	s29 =	simm.s32 $0x4;
	s14 =	smul.u32 $0x2800, s13  }
0x5: {  	s28 =	simm.s32 $0x980;
	s30 =	simm.s32 $0x280;
	s12 =	smul.u32 $0x5000, s13  }
0x6: {  	s2 =	sand.u32 $0x1, s2;
	[smem:$0x7FF] =	sst s3;
	s21 =	smul.u32 $0xA00, s13  }
0x7: {  	s4 =	sadd.s32 $0x3DC00, s0;
	s8 =	sadd.s32 $0x90400, s0;
	s5 =	smul.u32 $0x140000, s2  }
0x8: {  	s10 =	sadd.s32 $0x33A00, s0;
	s16 =	sshll.u32 s13, $0x6;
	s9 =	smul.u32 $0x28000, s2  }
0x9: {  	_ =	strace $0x8000004A;
	s11 =	ssub.s32 $0x2, s2;
	s2 =	smul.u32 $0x50000, s2  }
0xa: {  	s15 =	sshrl.u32 s11, $0x1;
	s7 =	sshrl.u32 s7, $0x2;
	s18 =	sshrl.u32 s12, $0x3  }
0xb: {  	s5 =	sadd.s32 s6, s5;
	s6 =	sadd.s32 s14, s9;
	s7 =	sadd.s32 s7, s1  }
0xc: {  	s2 =	sadd.s32 s12, s2;
	s12 =	sor.u32 $0x1C05, s16;
	s16 =	simm.s32 $0x5  }
0xd: {  	s14 =	simm.s32 $0x180;
	s5 =	sshrl.u32 s5, $0x3;
	s6 =	sadd.s32 s4, s6  }
0xe: {  	s17 =	sshrl.u32 s2, $0x3;
	s23 =	sor.u32 $0xC00, s2;
	[dreg:$0x7] =	wrdreg s12  }
0xf: {  	s13 =	sshrl.u32 s7, $0x3;
	s7 =	simm.s32 $0x0;
	[dreg:$0x6] =	wrdreg s6  }
0x10: {  	s2 =	sadd.s32 $0x1000, s2;
	s0 =	sadd.s32 s5, s0;
	[dreg:$0x11] =	wrdreg s7  }
0x11: {  	s5 =	ssub.s32 s11, s15;
	s9 =	sadd.s32 s8, s17;
	[dreg:$0x10] =	wrdreg s13  }
0x12: {  	s11 =	sadd.s32 s10, s18;
	s6 =	sadd.s32 s21, s10;
	[dreg:$0x8] =	wrdreg s9  }
0x13: {  	s2 =	sshrl.u32 s2, $0x3;
	s18 =	simm.s32 $0x80;
	[dreg:$0x9] =	wrdreg s11  }
0x14: {  	s21 =	simm.s32 $0x400;
	s19 =	sadd.s32 $0x80, s9;
	[dreg:$0x3] =	wrdreg s6  }
0x15: {  	s15 =	simm.s32 $0x900;
	s20 =	sadd.s32 $0x80, s11;
	[dreg:$0xa] =	wrdreg s19  }
0x16: {  	s10 =	simm.s32 $0xB00;
	s9 =	sadd.s32 $0x100, s9;
	[dreg:$0xb] =	wrdreg s20  }
0x17: {  	s17 =	simm.s32 $0x480;
	s22 =	sadd.s32 $0x100, s11;
	[dreg:$0xc] =	wrdreg s9  }
0x18: {  	s0 =	sadd.s32 $0xA4600, s0;
	s25 =	sadd.s32 s2, s8;
	[dreg:$0xd] =	wrdreg s22  }
0x19: {  	s26 =	smax.u32 s5, $0x1;
	s6 =	simm.s32 $0x880;
	[dreg:$0xe] =	wrdreg s0  }
0x1a: {  	s2 =	simm.s32 $0x300;
	s5 =	simm.s32 $0xA80;
	[dreg:$0xf] =	wrdreg s26  }
0x1b: {  	s11 =	simm.s32 $0xB80;
	s9 =	sshrl.u32 s23, $0x3;
	[dreg:$0x5] =	wrdreg s25  }
0x1c: {  	s20 =	simm.s32 $0x800;
	s19 =	simm.s32 $0x1000;
	s22 =	simm.s32 $0x5000  }
0x1d: {  	s23 =	simm.s32 $0x1;
	s26 =	simm.s32 $0x2;
	s25 =	simm.s32 $0x200  }
0x1e: {  	s0 =	simm.s32 $0xA00;
	s24 =	sadd.s32 s9, s8;
	s8 =	simm.s32 $0x100  }
0x1f: {  	s9 =	simm.s32 $0x380;
	[dreg:$0x4] =	wrdreg s24;
	s24 =	simm.s32 $0x3  }
.LBB2_1:
0x20: {  	s7 =	rddreg [dreg:$0x6]  }
0x21: {  	[spmem:s13], [sflag:s12] =	dma.local [hbm:s7], $0x2800  }
0x22: {  	_ =	swait.ge [sflag:s16], $0x2800  }
0x23: {  	[sflag:s16] =	ssyncset.done $0x0  }
0x24: {  	[sflag:s16] =	ssyncadd.s32 $0xFFFFD800  }
0x25: {  	[bflag:$0x0] =	sbarrier.arrive $0xFFFF  }
0x26: {  	s13 =	rddreg [dreg:$0x8]  }
0x27: {  	[tilespmem:s3], [sflag:$0x5] =	stream.linear.gather [hbm4b:s13+s3], $0x400, $0x38;
	[tilespmem:$0x1D000] =	vst v63  }
0x28: {  	_ =	swait.ge [sflag:s16], $0x400  }
0x29: {  	[sflag:s16] =	ssyncset.done $0x0  }
0x2a: {  	s12 =	rddreg [dreg:$0x9];
	[sflag:s16] =	ssyncadd.s32 $0xFFFFFC00  }
0x2b: {  	[tilespmem:s20], [sflag:$0x5] =	stream.linear.gather [hbm4b:s12+s3], $0x400, $0x38;
	[tilespmem:$0x1D000] =	vst v63  }
0x2c: {  	_ =	swait.ge [sflag:s16], $0x400  }
0x2d: {  	[sflag:s16] =	ssyncset.done $0x0  }
0x2e: {  	[sflag:s16] =	ssyncadd.s32 $0xFFFFFC00  }
0x2f: {  	[tilespmem:s19], [sflag:$0x1] =	stream.indirect.gather [hbm4b:s4+s18], $0x80, s3, s18, $0xb8;
	[tilespmem:$0x1D000] =	vst v63  }
0x30: {  	s13 =	rddreg [dreg:$0xa]  }
0x31: {  	[tilespmem:s21], [sflag:$0x5] =	stream.linear.gather [hbm4b:s13+s3], $0x400, $0x38;
	[tilespmem:$0x1D000] =	vst v63  }
0x32: {  	_ =	swait.ge [sflag:s16], $0x400  }
0x33: {  	[sflag:s16] =	ssyncset.done $0x0  }
0x34: {  	s12 =	rddreg [dreg:$0xb];
	[sflag:s16] =	ssyncadd.s32 $0xFFFFFC00  }
0x35: {  	[tilespmem:s31], [sflag:$0x5] =	stream.linear.gather [hbm4b:s12+s3], $0x400, $0x38;
	[tilespmem:$0x1D000] =	vst v63  }
0x36: {  	_ =	swait.ge [sflag:s16], $0x400  }
0x37: {  	[sflag:s16] =	ssyncset.done $0x0  }
0x38: {  	[sflag:s16] =	ssyncadd.s32 $0xFFFFFC00  }
0x39: {  	[tilespmem:s22], [sflag:$0x2] =	stream.indirect.gather [hbm4b:s4+s18], $0x80, s18, s18, $0xb8;
	[tilespmem:$0x1D000] =	vst v63  }
0x3a: {  	_ =	swait.ge [sflag:s23], $0x4000  }
0x3b: {  	[sflag:s23] =	ssyncset.done $0x0  }
0x3c: {  	[sflag:s23] =	ssyncadd.s32 $0xFFFFC000  }
0x3d: {  	[spmem:s1] =	stream.indirect.scatter.add.f32 [tilespmem:s19], [sflag:$0x3], $0x80, s20, s18, $0xb8;
	[tilespmem:$0x1D000] =	vst v63  }
0x3e: {  	_ =	swait.ge [sflag:s24], $0x4000  }
0x3f: {  	[sflag:s24] =	ssyncset.done $0x0  }
0x40: {  	[sflag:s24] =	ssyncadd.s32 $0xFFFFC000  }
0x41: {  	[tilespmem:s19], [sflag:$0x1] =	stream.indirect.gather [hbm4b:s4+s18], $0x80, s8, s18, $0xb8;
	[tilespmem:$0x1D000] =	vst v63  }
0x42: {  	_ =	swait.ge [sflag:s26], $0x4000  }
0x43: {  	[sflag:s26] =	ssyncset.done $0x0  }
0x44: {  	[sflag:s26] =	ssyncadd.s32 $0xFFFFC000  }
0x45: {  	[spmem:s1] =	stream.indirect.scatter.add.f32 [tilespmem:s22], [sflag:$0x4], $0x80, s6, s18, $0xb8;
	[tilespmem:$0x1D000] =	vst v63  }
0x46: {  	_ =	swait.ge [sflag:s29], $0x4000  }
0x47: {  	[sflag:s29] =	ssyncset.done $0x0  }
0x48: {  	[sflag:s29] =	ssyncadd.s32 $0xFFFFC000  }
0x49: {  	[tilespmem:s22], [sflag:$0x2] =	stream.indirect.gather [hbm4b:s4+s18], $0x80, s14, s18, $0xb8;
	[tilespmem:$0x1D000] =	vst v63  }
0x4a: {  	_ =	swait.ge [sflag:s23], $0x4000  }
0x4b: {  	[sflag:s23] =	ssyncset.done $0x0  }
0x4c: {  	[sflag:s23] =	ssyncadd.s32 $0xFFFFC000  }
0x4d: {  	[spmem:s1] =	stream.indirect.scatter.add.f32 [tilespmem:s19], [sflag:$0x3], $0x80, s15, s18, $0xb8;
	[tilespmem:$0x1D000] =	vst v63  }
0x4e: {  	_ =	swait.ge [sflag:s24], $0x4000  }
0x4f: {  	[sflag:s24] =	ssyncset.done $0x0  }
0x50: {  	[sflag:s24] =	ssyncadd.s32 $0xFFFFC000  }
0x51: {  	[tilespmem:s19], [sflag:$0x1] =	stream.indirect.gather [hbm4b:s4+s18], $0x80, s25, s18, $0xb8;
	[tilespmem:$0x1D000] =	vst v63  }
0x52: {  	_ =	swait.ge [sflag:s26], $0x4000  }
0x53: {  	[sflag:s26] =	ssyncset.done $0x0  }
0x54: {  	[sflag:s26] =	ssyncadd.s32 $0xFFFFC000  }
0x55: {  	[spmem:s1] =	stream.indirect.scatter.add.f32 [tilespmem:s22], [sflag:$0x4], $0x80, s28, s18, $0xb8;
	[tilespmem:$0x1D000] =	vst v63  }
0x56: {  	_ =	swait.ge [sflag:s29], $0x4000  }
0x57: {  	[sflag:s29] =	ssyncset.done $0x0  }
0x58: {  	[sflag:s29] =	ssyncadd.s32 $0xFFFFC000  }
0x59: {  	[tilespmem:s22], [sflag:$0x2] =	stream.indirect.gather [hbm4b:s4+s18], $0x80, s30, s18, $0xb8;
	[tilespmem:$0x1D000] =	vst v63  }
0x5a: {  	_ =	swait.ge [sflag:s23], $0x4000  }
0x5b: {  	[sflag:s23] =	ssyncset.done $0x0  }
0x5c: {  	[sflag:s23] =	ssyncadd.s32 $0xFFFFC000  }
0x5d: {  	[spmem:s1] =	stream.indirect.scatter.add.f32 [tilespmem:s19], [sflag:$0x3], $0x80, s0, s18, $0xb8;
	[tilespmem:$0x1D000] =	vst v63  }
0x5e: {  	_ =	swait.ge [sflag:s24], $0x4000  }
0x5f: {  	[sflag:s24] =	ssyncset.done $0x0  }
0x60: {  	[sflag:s24] =	ssyncadd.s32 $0xFFFFC000  }
0x61: {  	[tilespmem:s19], [sflag:$0x1] =	stream.indirect.gather [hbm4b:s4+s18], $0x80, s2, s18, $0xb8;
	[tilespmem:$0x1D000] =	vst v63  }
0x62: {  	_ =	swait.ge [sflag:s26], $0x4000  }
0x63: {  	[sflag:s26] =	ssyncset.done $0x0  }
0x64: {  	[sflag:s26] =	ssyncadd.s32 $0xFFFFC000  }
0x65: {  	[spmem:s1] =	stream.indirect.scatter.add.f32 [tilespmem:s22], [sflag:$0x4], $0x80, s5, s18, $0xb8;
	[tilespmem:$0x1D000] =	vst v63  }
0x66: {  	_ =	swait.ge [sflag:s29], $0x4000  }
0x67: {  	[sflag:s29] =	ssyncset.done $0x0  }
0x68: {  	[sflag:s29] =	ssyncadd.s32 $0xFFFFC000  }
0x69: {  	[tilespmem:s22], [sflag:$0x2] =	stream.indirect.gather [hbm4b:s4+s18], $0x80, s9, s18, $0xb8;
	[tilespmem:$0x1D000] =	vst v63  }
0x6a: {  	_ =	swait.ge [sflag:s23], $0x4000  }
0x6b: {  	[sflag:s23] =	ssyncset.done $0x0  }
0x6c: {  	[sflag:s23] =	ssyncadd.s32 $0xFFFFC000  }
0x6d: {  	[spmem:s1] =	stream.indirect.scatter.add.f32 [tilespmem:s19], [sflag:$0x3], $0x80, s10, s18, $0xb8;
	[tilespmem:$0x1D000] =	vst v63  }
0x6e: {  	_ =	swait.ge [sflag:s24], $0x4000  }
0x6f: {  	[sflag:s24] =	ssyncset.done $0x0  }
0x70: {  	[sflag:s24] =	ssyncadd.s32 $0xFFFFC000  }
0x71: {  	[tilespmem:s19], [sflag:$0x1] =	stream.indirect.gather [hbm4b:s4+s18], $0x80, s21, s18, $0xb8;
	[tilespmem:$0x1D000] =	vst v63  }
0x72: {  	_ =	swait.ge [sflag:s26], $0x4000  }
0x73: {  	[sflag:s26] =	ssyncset.done $0x0  }
0x74: {  	[sflag:s26] =	ssyncadd.s32 $0xFFFFC000  }
0x75: {  	[spmem:s1] =	stream.indirect.scatter.add.f32 [tilespmem:s22], [sflag:$0x4], $0x80, s11, s18, $0xb8;
	[tilespmem:$0x1D000] =	vst v63  }
0x76: {  	_ =	swait.ge [sflag:s29], $0x4000  }
0x77: {  	[sflag:s29] =	ssyncset.done $0x0  }
0x78: {  	s13 =	rddreg [dreg:$0xc];
	[sflag:s29] =	ssyncadd.s32 $0xFFFFC000  }
0x79: {  	[tilespmem:s3], [sflag:$0x5] =	stream.linear.gather [hbm4b:s13+s3], $0x400, $0x38;
	[tilespmem:$0x1D000] =	vst v63  }
0x7a: {  	_ =	swait.ge [sflag:s16], $0x400  }
0x7b: {  	[sflag:s16] =	ssyncset.done $0x0  }
0x7c: {  	s12 =	rddreg [dreg:$0xd];
	[sflag:s16] =	ssyncadd.s32 $0xFFFFFC00  }
0x7d: {  	[tilespmem:s20], [sflag:$0x5] =	stream.linear.gather [hbm4b:s12+s3], $0x400, $0x38;
	[tilespmem:$0x1D000] =	vst v63  }
0x7e: {  	_ =	swait.ge [sflag:s16], $0x400  }
0x7f: {  	[sflag:s16] =	ssyncset.done $0x0  }
0x80: {  	[sflag:s16] =	ssyncadd.s32 $0xFFFFFC00  }
0x81: {  	[tilespmem:s22], [sflag:$0x2] =	stream.indirect.gather [hbm4b:s4+s18], $0x80, s17, s18, $0xb8;
	[tilespmem:$0x1D000] =	vst v63  }
0x82: {  	_ =	swait.ge [sflag:s23], $0x4000  }
0x83: {  	[sflag:s23] =	ssyncset.done $0x0  }
0x84: {  	[sflag:s23] =	ssyncadd.s32 $0xFFFFC000  }
0x85: {  	[spmem:s1] =	stream.indirect.scatter.add.f32 [tilespmem:s19], [sflag:$0x3], $0x80, s31, s18, $0xb8;
	[tilespmem:$0x1D000] =	vst v63  }
0x86: {  	_ =	swait.ge [sflag:s24], $0x4000  }
0x87: {  	[sflag:s24] =	ssyncset.done $0x0  }
0x88: {  	s13 =	simm.s32 $0x500;
	[sflag:s24] =	ssyncadd.s32 $0xFFFFC000  }
0x89: {  	[tilespmem:s19], [sflag:$0x1] =	stream.indirect.gather [hbm4b:s4+s18], $0x80, s13, s18, $0xb8;
	[tilespmem:$0x1D000] =	vst v63  }
0x8a: {  	_ =	swait.ge [sflag:s26], $0x4000  }
0x8b: {  	[sflag:s26] =	ssyncset.done $0x0  }
0x8c: {  	s12 =	simm.s32 $0xC80;
	[sflag:s26] =	ssyncadd.s32 $0xFFFFC000  }
0x8d: {  	[spmem:s1] =	stream.indirect.scatter.add.f32 [tilespmem:s22], [sflag:$0x4], $0x80, s12, s18, $0xb8;
	[tilespmem:$0x1D000] =	vst v63  }
0x8e: {  	_ =	swait.ge [sflag:s29], $0x4000  }
0x8f: {  	[sflag:s29] =	ssyncset.done $0x0  }
0x90: {  	s13 =	simm.s32 $0x580;
	[sflag:s29] =	ssyncadd.s32 $0xFFFFC000  }
0x91: {  	[tilespmem:s22], [sflag:$0x2] =	stream.indirect.gather [hbm4b:s4+s18], $0x80, s13, s18, $0xb8;
	[tilespmem:$0x1D000] =	vst v63  }
0x92: {  	_ =	swait.ge [sflag:s23], $0x4000  }
0x93: {  	[sflag:s23] =	ssyncset.done $0x0  }
0x94: {  	s12 =	simm.s32 $0xD00;
	[sflag:s23] =	ssyncadd.s32 $0xFFFFC000  }
0x95: {  	[spmem:s1] =	stream.indirect.scatter.add.f32 [tilespmem:s19], [sflag:$0x3], $0x80, s12, s18, $0xb8;
	[tilespmem:$0x1D000] =	vst v63  }
0x96: {  	_ =	swait.ge [sflag:s24], $0x4000  }
0x97: {  	[sflag:s24] =	ssyncset.done $0x0  }
0x98: {  	s13 =	simm.s32 $0x600;
	[sflag:s24] =	ssyncadd.s32 $0xFFFFC000  }
0x99: {  	[tilespmem:s19], [sflag:$0x1] =	stream.indirect.gather [hbm4b:s4+s18], $0x80, s13, s18, $0xb8;
	[tilespmem:$0x1D000] =	vst v63  }
0x9a: {  	_ =	swait.ge [sflag:s26], $0x4000  }
0x9b: {  	[sflag:s26] =	ssyncset.done $0x0  }
0x9c: {  	s12 =	simm.s32 $0xD80;
	[sflag:s26] =	ssyncadd.s32 $0xFFFFC000  }
0x9d: {  	[spmem:s1] =	stream.indirect.scatter.add.f32 [tilespmem:s22], [sflag:$0x4], $0x80, s12, s18, $0xb8;
	[tilespmem:$0x1D000] =	vst v63  }
0x9e: {  	_ =	swait.ge [sflag:s29], $0x4000  }
0x9f: {  	[sflag:s29] =	ssyncset.done $0x0  }
0xa0: {  	s13 =	simm.s32 $0x680;
	[sflag:s29] =	ssyncadd.s32 $0xFFFFC000  }
0xa1: {  	[tilespmem:s22], [sflag:$0x2] =	stream.indirect.gather [hbm4b:s4+s18], $0x80, s13, s18, $0xb8;
	[tilespmem:$0x1D000] =	vst v63  }
0xa2: {  	_ =	swait.ge [sflag:s23], $0x4000  }
0xa3: {  	[sflag:s23] =	ssyncset.done $0x0  }
0xa4: {  	s12 =	simm.s32 $0xE00;
	[sflag:s23] =	ssyncadd.s32 $0xFFFFC000  }
0xa5: {  	[spmem:s1] =	stream.indirect.scatter.add.f32 [tilespmem:s19], [sflag:$0x3], $0x80, s12, s18, $0xb8;
	[tilespmem:$0x1D000] =	vst v63  }
0xa6: {  	_ =	swait.ge [sflag:s24], $0x4000  }
0xa7: {  	[sflag:s24] =	ssyncset.done $0x0  }
0xa8: {  	s13 =	simm.s32 $0x700;
	[sflag:s24] =	ssyncadd.s32 $0xFFFFC000  }
0xa9: {  	[tilespmem:s19], [sflag:$0x1] =	stream.indirect.gather [hbm4b:s4+s18], $0x80, s13, s18, $0xb8;
	[tilespmem:$0x1D000] =	vst v63  }
0xaa: {  	_ =	swait.ge [sflag:s26], $0x4000  }
0xab: {  	[sflag:s26] =	ssyncset.done $0x0  }
0xac: {  	s12 =	simm.s32 $0xE80;
	[sflag:s26] =	ssyncadd.s32 $0xFFFFC000  }
0xad: {  	[spmem:s1] =	stream.indirect.scatter.add.f32 [tilespmem:s22], [sflag:$0x4], $0x80, s12, s18, $0xb8;
	[tilespmem:$0x1D000] =	vst v63  }
0xae: {  	_ =	swait.ge [sflag:s29], $0x4000  }
0xaf: {  	[sflag:s29] =	ssyncset.done $0x0  }
0xb0: {  	s13 =	simm.s32 $0x780;
	[sflag:s29] =	ssyncadd.s32 $0xFFFFC000  }
0xb1: {  	[tilespmem:s22], [sflag:$0x2] =	stream.indirect.gather [hbm4b:s4+s18], $0x80, s13, s18, $0xb8;
	[tilespmem:$0x1D000] =	vst v63  }
0xb2: {  	_ =	swait.ge [sflag:s23], $0x4000  }
0xb3: {  	[sflag:s23] =	ssyncset.done $0x0  }
0xb4: {  	s12 =	simm.s32 $0xF00;
	[sflag:s23] =	ssyncadd.s32 $0xFFFFC000  }
0xb5: {  	[spmem:s1] =	stream.indirect.scatter.add.f32 [tilespmem:s19], [sflag:$0x3], $0x80, s12, s18, $0xb8;
	[tilespmem:$0x1D000] =	vst v63  }
0xb6: {  	_ =	swait.ge [sflag:s24], $0x4000  }
0xb7: {  	[sflag:s24] =	ssyncset.done $0x0  }
0xb8: {  	[sflag:s24] =	ssyncadd.s32 $0xFFFFC000  }
0xb9: {  	[tilespmem:s19], [sflag:$0x1] =	stream.indirect.gather [hbm4b:s4+s18], $0x80, s3, s18, $0xb8;
	[tilespmem:$0x1D000] =	vst v63  }
0xba: {  	_ =	swait.ge [sflag:s26], $0x4000  }
0xbb: {  	[sflag:s26] =	ssyncset.done $0x0  }
0xbc: {  	s13 =	simm.s32 $0xF80;
	[sflag:s26] =	ssyncadd.s32 $0xFFFFC000  }
0xbd: {  	[spmem:s1] =	stream.indirect.scatter.add.f32 [tilespmem:s22], [sflag:$0x4], $0x80, s13, s18, $0xb8;
	[tilespmem:$0x1D000] =	vst v63  }
0xbe: {  	_ =	swait.ge [sflag:s29], $0x4000  }
0xbf: {  	s7 =	rddreg [dreg:$0x4];
	[sflag:s29] =	ssyncset.done $0x0  }
0xc0: {  	[sflag:s29] =	ssyncadd.s32 $0xFFFFC000;
	s12 =	sadd.s32 $0x0, s7  }
0xc1: {  	[tilespmem:s21], [sflag:$0x5] =	stream.linear.gather [hbm4b:s12+s3], $0x400, $0x38;
	[tilespmem:$0x1D000] =	vst v63  }
0xc2: {  	_ =	swait.ge [sflag:s16], $0x400  }
0xc3: {  	s13 =	rddreg [dreg:$0x3]  }
0xc4: {  	[sflag:s16] =	ssyncset.done $0x0;
	s12 =	sadd.s32 $0x0, s13  }
0xc5: {  	[sflag:s16] =	ssyncadd.s32 $0xFFFFFC00;
	s7 =	sadd.s32 $0x180, s12  }
0xc6: {  	[tilespmem:s31], [sflag:$0x5] =	stream.linear.gather [hbm4b:s7+s3], $0x400, $0x38;
	[tilespmem:$0x1D000] =	vst v63  }
0xc7: {  	_ =	swait.ge [sflag:s16], $0x400  }
0xc8: {  	[sflag:s16] =	ssyncset.done $0x0  }
0xc9: {  	[sflag:s16] =	ssyncadd.s32 $0xFFFFFC00  }
0xca: {  	[tilespmem:s22], [sflag:$0x2] =	stream.indirect.gather [hbm4b:s4+s18], $0x80, s18, s18, $0xb8;
	[tilespmem:$0x1D000] =	vst v63  }
0xcb: {  	_ =	swait.ge [sflag:s23], $0x4000  }
0xcc: {  	[sflag:s23] =	ssyncset.done $0x0  }
0xcd: {  	[sflag:s23] =	ssyncadd.s32 $0xFFFFC000  }
0xce: {  	[spmem:s1] =	stream.indirect.scatter.add.f32 [tilespmem:s19], [sflag:$0x3], $0x80, s20, s18, $0xb8;
	[tilespmem:$0x1D000] =	vst v63  }
0xcf: {  	_ =	swait.ge [sflag:s24], $0x4000  }
0xd0: {  	[sflag:s24] =	ssyncset.done $0x0  }
0xd1: {  	[sflag:s24] =	ssyncadd.s32 $0xFFFFC000  }
0xd2: {  	[tilespmem:s19], [sflag:$0x1] =	stream.indirect.gather [hbm4b:s4+s18], $0x80, s8, s18, $0xb8;
	[tilespmem:$0x1D000] =	vst v63  }
0xd3: {  	_ =	swait.ge [sflag:s26], $0x4000  }
0xd4: {  	[sflag:s26] =	ssyncset.done $0x0  }
0xd5: {  	[sflag:s26] =	ssyncadd.s32 $0xFFFFC000  }
0xd6: {  	[spmem:s1] =	stream.indirect.scatter.add.f32 [tilespmem:s22], [sflag:$0x4], $0x80, s6, s18, $0xb8;
	[tilespmem:$0x1D000] =	vst v63  }
0xd7: {  	_ =	swait.ge [sflag:s29], $0x4000  }
0xd8: {  	[sflag:s29] =	ssyncset.done $0x0  }
0xd9: {  	[sflag:s29] =	ssyncadd.s32 $0xFFFFC000  }
0xda: {  	[tilespmem:s22], [sflag:$0x2] =	stream.indirect.gather [hbm4b:s4+s18], $0x80, s14, s18, $0xb8;
	[tilespmem:$0x1D000] =	vst v63  }
0xdb: {  	_ =	swait.ge [sflag:s23], $0x4000  }
0xdc: {  	[sflag:s23] =	ssyncset.done $0x0  }
0xdd: {  	[sflag:s23] =	ssyncadd.s32 $0xFFFFC000  }
0xde: {  	[spmem:s1] =	stream.indirect.scatter.add.f32 [tilespmem:s19], [sflag:$0x3], $0x80, s15, s18, $0xb8;
	[tilespmem:$0x1D000] =	vst v63  }
0xdf: {  	_ =	swait.ge [sflag:s24], $0x4000  }
0xe0: {  	[sflag:s24] =	ssyncset.done $0x0  }
0xe1: {  	[sflag:s24] =	ssyncadd.s32 $0xFFFFC000  }
0xe2: {  	[tilespmem:s19], [sflag:$0x1] =	stream.indirect.gather [hbm4b:s4+s18], $0x80, s25, s18, $0xb8;
	[tilespmem:$0x1D000] =	vst v63  }
0xe3: {  	_ =	swait.ge [sflag:s26], $0x4000  }
0xe4: {  	[sflag:s26] =	ssyncset.done $0x0  }
0xe5: {  	[sflag:s26] =	ssyncadd.s32 $0xFFFFC000  }
0xe6: {  	[spmem:s1] =	stream.indirect.scatter.add.f32 [tilespmem:s22], [sflag:$0x4], $0x80, s28, s18, $0xb8;
	[tilespmem:$0x1D000] =	vst v63  }
0xe7: {  	_ =	swait.ge [sflag:s29], $0x4000  }
0xe8: {  	[sflag:s29] =	ssyncset.done $0x0  }
0xe9: {  	[sflag:s29] =	ssyncadd.s32 $0xFFFFC000  }
0xea: {  	[tilespmem:s22], [sflag:$0x2] =	stream.indirect.gather [hbm4b:s4+s18], $0x80, s30, s18, $0xb8;
	[tilespmem:$0x1D000] =	vst v63  }
0xeb: {  	_ =	swait.ge [sflag:s23], $0x4000  }
0xec: {  	[sflag:s23] =	ssyncset.done $0x0  }
0xed: {  	[sflag:s23] =	ssyncadd.s32 $0xFFFFC000  }
0xee: {  	[spmem:s1] =	stream.indirect.scatter.add.f32 [tilespmem:s19], [sflag:$0x3], $0x80, s0, s18, $0xb8;
	[tilespmem:$0x1D000] =	vst v63  }
0xef: {  	_ =	swait.ge [sflag:s24], $0x4000  }
0xf0: {  	[sflag:s24] =	ssyncset.done $0x0  }
0xf1: {  	[sflag:s24] =	ssyncadd.s32 $0xFFFFC000  }
0xf2: {  	[tilespmem:s19], [sflag:$0x1] =	stream.indirect.gather [hbm4b:s4+s18], $0x80, s2, s18, $0xb8;
	[tilespmem:$0x1D000] =	vst v63  }
0xf3: {  	_ =	swait.ge [sflag:s26], $0x4000  }
0xf4: {  	[sflag:s26] =	ssyncset.done $0x0  }
0xf5: {  	[sflag:s26] =	ssyncadd.s32 $0xFFFFC000  }
0xf6: {  	[spmem:s1] =	stream.indirect.scatter.add.f32 [tilespmem:s22], [sflag:$0x4], $0x80, s5, s18, $0xb8;
	[tilespmem:$0x1D000] =	vst v63  }
0xf7: {  	_ =	swait.ge [sflag:s29], $0x4000  }
0xf8: {  	[sflag:s29] =	ssyncset.done $0x0  }
0xf9: {  	[sflag:s29] =	ssyncadd.s32 $0xFFFFC000  }
0xfa: {  	[tilespmem:s22], [sflag:$0x2] =	stream.indirect.gather [hbm4b:s4+s18], $0x80, s9, s18, $0xb8;
	[tilespmem:$0x1D000] =	vst v63  }
0xfb: {  	_ =	swait.ge [sflag:s23], $0x4000  }
0xfc: {  	[sflag:s23] =	ssyncset.done $0x0  }
0xfd: {  	[sflag:s23] =	ssyncadd.s32 $0xFFFFC000  }
0xfe: {  	[spmem:s1] =	stream.indirect.scatter.add.f32 [tilespmem:s19], [sflag:$0x3], $0x80, s10, s18, $0xb8;
	[tilespmem:$0x1D000] =	vst v63  }
0xff: {  	_ =	swait.ge [sflag:s24], $0x4000  }
0x100: {  	[sflag:s24] =	ssyncset.done $0x0  }
0x101: {  	[sflag:s24] =	ssyncadd.s32 $0xFFFFC000  }
0x102: {  	[tilespmem:s19], [sflag:$0x1] =	stream.indirect.gather [hbm4b:s4+s18], $0x80, s21, s18, $0xb8;
	[tilespmem:$0x1D000] =	vst v63  }
0x103: {  	_ =	swait.ge [sflag:s26], $0x4000  }
0x104: {  	[sflag:s26] =	ssyncset.done $0x0  }
0x105: {  	[sflag:s26] =	ssyncadd.s32 $0xFFFFC000  }
0x106: {  	[spmem:s1] =	stream.indirect.scatter.add.f32 [tilespmem:s22], [sflag:$0x4], $0x80, s11, s18, $0xb8;
	[tilespmem:$0x1D000] =	vst v63  }
0x107: {  	_ =	swait.ge [sflag:s29], $0x4000  }
0x108: {  	s7 =	rddreg [dreg:$0x5];
	[sflag:s29] =	ssyncset.done $0x0  }
0x109: {  	[sflag:s29] =	ssyncadd.s32 $0xFFFFC000;
	s13 =	sadd.s32 $0x0, s7  }
0x10a: {  	[tilespmem:s3], [sflag:$0x5] =	stream.linear.gather [hbm4b:s13+s3], $0x400, $0x38;
	[tilespmem:$0x1D000] =	vst v63  }
0x10b: {  	_ =	swait.ge [sflag:s16], $0x400  }
0x10c: {  	[sflag:s16] =	ssyncset.done $0x0  }
0x10d: {  	s12 =	sadd.s32 $0x200, s12;
	[sflag:s16] =	ssyncadd.s32 $0xFFFFFC00  }
0x10e: {  	[tilespmem:s20], [sflag:$0x5] =	stream.linear.gather [hbm4b:s12+s3], $0x400, $0x38;
	[tilespmem:$0x1D000] =	vst v63  }
0x10f: {  	_ =	swait.ge [sflag:s16], $0x400  }
0x110: {  	[sflag:s16] =	ssyncset.done $0x0  }
0x111: {  	[sflag:s16] =	ssyncadd.s32 $0xFFFFFC00  }
0x112: {  	[tilespmem:s22], [sflag:$0x2] =	stream.indirect.gather [hbm4b:s4+s18], $0x80, s17, s18, $0xb8;
	[tilespmem:$0x1D000] =	vst v63  }
0x113: {  	_ =	swait.ge [sflag:s23], $0x4000  }
0x114: {  	[sflag:s23] =	ssyncset.done $0x0  }
0x115: {  	[sflag:s23] =	ssyncadd.s32 $0xFFFFC000  }
0x116: {  	[spmem:s1] =	stream.indirect.scatter.add.f32 [tilespmem:s19], [sflag:$0x3], $0x80, s31, s18, $0xb8;
	[tilespmem:$0x1D000] =	vst v63  }
0x117: {  	_ =	swait.ge [sflag:s24], $0x4000  }
0x118: {  	[sflag:s24] =	ssyncset.done $0x0  }
0x119: {  	s8 =	simm.s32 $0x500;
	[sflag:s24] =	ssyncadd.s32 $0xFFFFC000  }
0x11a: {  	[tilespmem:s19], [sflag:$0x1] =	stream.indirect.gather [hbm4b:s4+s18], $0x80, s8, s18, $0xb8;
	[tilespmem:$0x1D000] =	vst v63  }
0x11b: {  	_ =	swait.ge [sflag:s26], $0x4000  }
0x11c: {  	[sflag:s26] =	ssyncset.done $0x0  }
0x11d: {  	s9 =	simm.s32 $0xC80;
	[sflag:s26] =	ssyncadd.s32 $0xFFFFC000  }
0x11e: {  	[spmem:s1] =	stream.indirect.scatter.add.f32 [tilespmem:s22], [sflag:$0x4], $0x80, s9, s18, $0xb8;
	[tilespmem:$0x1D000] =	vst v63  }
0x11f: {  	_ =	swait.ge [sflag:s29], $0x4000  }
0x120: {  	[sflag:s29] =	ssyncset.done $0x0  }
0x121: {  	s10 =	simm.s32 $0x580;
	[sflag:s29] =	ssyncadd.s32 $0xFFFFC000  }
0x122: {  	[tilespmem:s22], [sflag:$0x2] =	stream.indirect.gather [hbm4b:s4+s18], $0x80, s10, s18, $0xb8;
	[tilespmem:$0x1D000] =	vst v63  }
0x123: {  	_ =	swait.ge [sflag:s23], $0x4000  }
0x124: {  	[sflag:s23] =	ssyncset.done $0x0  }
0x125: {  	s11 =	simm.s32 $0xD00;
	[sflag:s23] =	ssyncadd.s32 $0xFFFFC000  }
0x126: {  	[spmem:s1] =	stream.indirect.scatter.add.f32 [tilespmem:s19], [sflag:$0x3], $0x80, s11, s18, $0xb8;
	[tilespmem:$0x1D000] =	vst v63  }
0x127: {  	_ =	swait.ge [sflag:s24], $0x4000  }
0x128: {  	[sflag:s24] =	ssyncset.done $0x0  }
0x129: {  	s12 =	simm.s32 $0x600;
	[sflag:s24] =	ssyncadd.s32 $0xFFFFC000  }
0x12a: {  	[tilespmem:s19], [sflag:$0x1] =	stream.indirect.gather [hbm4b:s4+s18], $0x80, s12, s18, $0xb8;
	[tilespmem:$0x1D000] =	vst v63  }
0x12b: {  	_ =	swait.ge [sflag:s26], $0x4000  }
0x12c: {  	[sflag:s26] =	ssyncset.done $0x0  }
0x12d: {  	s13 =	simm.s32 $0xD80;
	[sflag:s26] =	ssyncadd.s32 $0xFFFFC000  }
0x12e: {  	[spmem:s1] =	stream.indirect.scatter.add.f32 [tilespmem:s22], [sflag:$0x4], $0x80, s13, s18, $0xb8;
	[tilespmem:$0x1D000] =	vst v63  }
0x12f: {  	_ =	swait.ge [sflag:s29], $0x4000  }
0x130: {  	[sflag:s29] =	ssyncset.done $0x0  }
0x131: {  	s14 =	simm.s32 $0x680;
	[sflag:s29] =	ssyncadd.s32 $0xFFFFC000  }
0x132: {  	[tilespmem:s22], [sflag:$0x2] =	stream.indirect.gather [hbm4b:s4+s18], $0x80, s14, s18, $0xb8;
	[tilespmem:$0x1D000] =	vst v63  }
0x133: {  	_ =	swait.ge [sflag:s23], $0x4000  }
0x134: {  	[sflag:s23] =	ssyncset.done $0x0  }
0x135: {  	s15 =	simm.s32 $0xE00;
	[sflag:s23] =	ssyncadd.s32 $0xFFFFC000  }
0x136: {  	[spmem:s1] =	stream.indirect.scatter.add.f32 [tilespmem:s19], [sflag:$0x3], $0x80, s15, s18, $0xb8;
	[tilespmem:$0x1D000] =	vst v63  }
0x137: {  	_ =	swait.ge [sflag:s24], $0x4000  }
0x138: {  	[sflag:s24] =	ssyncset.done $0x0  }
0x139: {  	s17 =	simm.s32 $0x700;
	[sflag:s24] =	ssyncadd.s32 $0xFFFFC000  }
0x13a: {  	[tilespmem:s19], [sflag:$0x1] =	stream.indirect.gather [hbm4b:s4+s18], $0x80, s17, s18, $0xb8;
	[tilespmem:$0x1D000] =	vst v63  }
0x13b: {  	_ =	swait.ge [sflag:s26], $0x4000  }
0x13c: {  	[sflag:s26] =	ssyncset.done $0x0  }
0x13d: {  	s20 =	simm.s32 $0xE80;
	[sflag:s26] =	ssyncadd.s32 $0xFFFFC000  }
0x13e: {  	[spmem:s1] =	stream.indirect.scatter.add.f32 [tilespmem:s22], [sflag:$0x4], $0x80, s20, s18, $0xb8;
	[tilespmem:$0x1D000] =	vst v63  }
0x13f: {  	_ =	swait.ge [sflag:s29], $0x4000  }
0x140: {  	[sflag:s29] =	ssyncset.done $0x0  }
0x141: {  	s21 =	simm.s32 $0x780;
	[sflag:s29] =	ssyncadd.s32 $0xFFFFC000  }
0x142: {  	[tilespmem:s22], [sflag:$0x2] =	stream.indirect.gather [hbm4b:s4+s18], $0x80, s21, s18, $0xb8;
	[tilespmem:$0x1D000] =	vst v63  }
0x143: {  	s6 =	simm.s32 $0x880;
	s25 =	simm.s32 $0xF00;
	_ =	swait.ge [sflag:s23], $0x4000  }
0x144: {  	s28 =	simm.s32 $0x200;
	s30 =	simm.s32 $0x980;
	[sflag:s23] =	ssyncset.done $0x0  }
0x145: {  	s0 =	simm.s32 $0xA00;
	s2 =	simm.s32 $0x300;
	[sflag:s23] =	ssyncadd.s32 $0xFFFFC000  }
0x146: {  	[spmem:s1] =	stream.indirect.scatter.add.f32 [tilespmem:s19], [sflag:$0x3], $0x80, s25, s18, $0xb8;
	[tilespmem:$0x1D000] =	vst v63  }
0x147: {  	s5 =	simm.s32 $0xA80;
	s31 =	simm.s32 $0x280;
	_ =	swait.ge [sflag:s24], $0x4000  }
0x148: {  	s8 =	simm.s32 $0xC00;
	s9 =	simm.s32 $0x380;
	[sflag:s24] =	ssyncset.done $0x0  }
0x149: {  	s10 =	simm.s32 $0xB00;
	s11 =	simm.s32 $0xB80;
	[sflag:s24] =	ssyncadd.s32 $0xFFFFC000  }
0x14a: {  	[tilespmem:s19], [sflag:$0x1] =	stream.indirect.gather [hbm4b:s4+s18], $0x80, s3, s18, $0xb8;
	[tilespmem:$0x1D000] =	vst v63  }
0x14b: {  	s12 =	simm.s32 $0x100;
	s15 =	simm.s32 $0x180;
	_ =	swait.ge [sflag:s26], $0x4000  }
0x14c: {  	s17 =	simm.s32 $0x480;
	s20 =	simm.s32 $0x800;
	[sflag:s26] =	ssyncset.done $0x0  }
0x14d: {  	s21 =	simm.s32 $0x400;
	s25 =	simm.s32 $0x900;
	[sflag:s26] =	ssyncadd.s32 $0xFFFFC000  }
.LBB2_2:
0x14e: {  	s7 =	simm.s32 $0xF80  }
0x14f: {  	[spmem:s1] =	stream.indirect.scatter.add.f32 [tilespmem:s22], [sflag:$0x4], $0x80, s7, s18, $0xb8;
	[tilespmem:$0x1D000] =	vst v63  }
0x150: {  	_ =	swait.ge [sflag:s29], $0x4000  }
0x151: {  	s13 =	smov.u32 s12;
	s14 =	rddreg [dreg:$0x4];
	[sflag:s29] =	ssyncset.done $0x0  }
0x152: {  	[sflag:s29] =	ssyncadd.s32 $0xFFFFC000;
	s14 =	sadd.s32 s13, s14  }
0x153: {  	[tilespmem:s21], [sflag:$0x5] =	stream.linear.gather [hbm4b:s14+s3], $0x400, $0x38;
	[tilespmem:$0x1D000] =	vst v63  }
0x154: {  	_ =	swait.ge [sflag:s16], $0x400  }
0x155: {  	s7 =	rddreg [dreg:$0x3]  }
0x156: {  	[sflag:s16] =	ssyncset.done $0x0;
	s14 =	sadd.s32 s13, s7  }
0x157: {  	[sflag:s16] =	ssyncadd.s32 $0xFFFFFC00;
	s7 =	sadd.s32 $0x180, s14  }
0x158: {  	[tilespmem:s8], [sflag:$0x5] =	stream.linear.gather [hbm4b:s7+s3], $0x400, $0x38;
	[tilespmem:$0x1D000] =	vst v63  }
0x159: {  	_ =	swait.ge [sflag:s16], $0x400  }
0x15a: {  	[sflag:s16] =	ssyncset.done $0x0  }
0x15b: {  	[sflag:s16] =	ssyncadd.s32 $0xFFFFFC00  }
0x15c: {  	[tilespmem:s22], [sflag:$0x2] =	stream.indirect.gather [hbm4b:s4+s18], $0x80, s18, s18, $0xb8;
	[tilespmem:$0x1D000] =	vst v63  }
0x15d: {  	_ =	swait.ge [sflag:s23], $0x4000  }
0x15e: {  	[sflag:s23] =	ssyncset.done $0x0  }
0x15f: {  	[sflag:s23] =	ssyncadd.s32 $0xFFFFC000  }
0x160: {  	[spmem:s1] =	stream.indirect.scatter.add.f32 [tilespmem:s19], [sflag:$0x3], $0x80, s20, s18, $0xb8;
	[tilespmem:$0x1D000] =	vst v63  }
0x161: {  	_ =	swait.ge [sflag:s24], $0x4000  }
0x162: {  	[sflag:s24] =	ssyncset.done $0x0  }
0x163: {  	s7 =	simm.s32 $0x100;
	[sflag:s24] =	ssyncadd.s32 $0xFFFFC000  }
0x164: {  	[tilespmem:s19], [sflag:$0x1] =	stream.indirect.gather [hbm4b:s4+s18], $0x80, s7, s18, $0xb8;
	[tilespmem:$0x1D000] =	vst v63  }
0x165: {  	_ =	swait.ge [sflag:s26], $0x4000  }
0x166: {  	[sflag:s26] =	ssyncset.done $0x0  }
0x167: {  	[sflag:s26] =	ssyncadd.s32 $0xFFFFC000  }
0x168: {  	[spmem:s1] =	stream.indirect.scatter.add.f32 [tilespmem:s22], [sflag:$0x4], $0x80, s6, s18, $0xb8;
	[tilespmem:$0x1D000] =	vst v63  }
0x169: {  	_ =	swait.ge [sflag:s29], $0x4000  }
0x16a: {  	[sflag:s29] =	ssyncset.done $0x0  }
0x16b: {  	[sflag:s29] =	ssyncadd.s32 $0xFFFFC000  }
0x16c: {  	[tilespmem:s22], [sflag:$0x2] =	stream.indirect.gather [hbm4b:s4+s18], $0x80, s15, s18, $0xb8;
	[tilespmem:$0x1D000] =	vst v63  }
0x16d: {  	_ =	swait.ge [sflag:s23], $0x4000  }
0x16e: {  	[sflag:s23] =	ssyncset.done $0x0  }
0x16f: {  	[sflag:s23] =	ssyncadd.s32 $0xFFFFC000  }
0x170: {  	[spmem:s1] =	stream.indirect.scatter.add.f32 [tilespmem:s19], [sflag:$0x3], $0x80, s25, s18, $0xb8;
	[tilespmem:$0x1D000] =	vst v63  }
0x171: {  	_ =	swait.ge [sflag:s24], $0x4000  }
0x172: {  	[sflag:s24] =	ssyncset.done $0x0  }
0x173: {  	[sflag:s24] =	ssyncadd.s32 $0xFFFFC000  }
0x174: {  	[tilespmem:s19], [sflag:$0x1] =	stream.indirect.gather [hbm4b:s4+s18], $0x80, s28, s18, $0xb8;
	[tilespmem:$0x1D000] =	vst v63  }
0x175: {  	_ =	swait.ge [sflag:s26], $0x4000  }
0x176: {  	[sflag:s26] =	ssyncset.done $0x0  }
0x177: {  	[sflag:s26] =	ssyncadd.s32 $0xFFFFC000  }
0x178: {  	[spmem:s1] =	stream.indirect.scatter.add.f32 [tilespmem:s22], [sflag:$0x4], $0x80, s30, s18, $0xb8;
	[tilespmem:$0x1D000] =	vst v63  }
0x179: {  	_ =	swait.ge [sflag:s29], $0x4000  }
0x17a: {  	[sflag:s29] =	ssyncset.done $0x0  }
0x17b: {  	[sflag:s29] =	ssyncadd.s32 $0xFFFFC000  }
0x17c: {  	[tilespmem:s22], [sflag:$0x2] =	stream.indirect.gather [hbm4b:s4+s18], $0x80, s31, s18, $0xb8;
	[tilespmem:$0x1D000] =	vst v63  }
0x17d: {  	_ =	swait.ge [sflag:s23], $0x4000  }
0x17e: {  	[sflag:s23] =	ssyncset.done $0x0  }
0x17f: {  	[sflag:s23] =	ssyncadd.s32 $0xFFFFC000  }
0x180: {  	[spmem:s1] =	stream.indirect.scatter.add.f32 [tilespmem:s19], [sflag:$0x3], $0x80, s0, s18, $0xb8;
	[tilespmem:$0x1D000] =	vst v63  }
0x181: {  	_ =	swait.ge [sflag:s24], $0x4000  }
0x182: {  	[sflag:s24] =	ssyncset.done $0x0  }
0x183: {  	[sflag:s24] =	ssyncadd.s32 $0xFFFFC000  }
0x184: {  	[tilespmem:s19], [sflag:$0x1] =	stream.indirect.gather [hbm4b:s4+s18], $0x80, s2, s18, $0xb8;
	[tilespmem:$0x1D000] =	vst v63  }
0x185: {  	_ =	swait.ge [sflag:s26], $0x4000  }
0x186: {  	[sflag:s26] =	ssyncset.done $0x0  }
0x187: {  	[sflag:s26] =	ssyncadd.s32 $0xFFFFC000  }
0x188: {  	[spmem:s1] =	stream.indirect.scatter.add.f32 [tilespmem:s22], [sflag:$0x4], $0x80, s5, s18, $0xb8;
	[tilespmem:$0x1D000] =	vst v63  }
0x189: {  	_ =	swait.ge [sflag:s29], $0x4000  }
0x18a: {  	[sflag:s29] =	ssyncset.done $0x0  }
0x18b: {  	[sflag:s29] =	ssyncadd.s32 $0xFFFFC000  }
0x18c: {  	[tilespmem:s22], [sflag:$0x2] =	stream.indirect.gather [hbm4b:s4+s18], $0x80, s9, s18, $0xb8;
	[tilespmem:$0x1D000] =	vst v63  }
0x18d: {  	_ =	swait.ge [sflag:s23], $0x4000  }
0x18e: {  	[sflag:s23] =	ssyncset.done $0x0  }
0x18f: {  	[sflag:s23] =	ssyncadd.s32 $0xFFFFC000  }
0x190: {  	[spmem:s1] =	stream.indirect.scatter.add.f32 [tilespmem:s19], [sflag:$0x3], $0x80, s10, s18, $0xb8;
	[tilespmem:$0x1D000] =	vst v63  }
0x191: {  	_ =	swait.ge [sflag:s24], $0x4000  }
0x192: {  	[sflag:s24] =	ssyncset.done $0x0  }
0x193: {  	[sflag:s24] =	ssyncadd.s32 $0xFFFFC000  }
0x194: {  	[tilespmem:s19], [sflag:$0x1] =	stream.indirect.gather [hbm4b:s4+s18], $0x80, s21, s18, $0xb8;
	[tilespmem:$0x1D000] =	vst v63  }
0x195: {  	_ =	swait.ge [sflag:s26], $0x4000  }
0x196: {  	[sflag:s26] =	ssyncset.done $0x0  }
0x197: {  	[sflag:s26] =	ssyncadd.s32 $0xFFFFC000  }
0x198: {  	[spmem:s1] =	stream.indirect.scatter.add.f32 [tilespmem:s22], [sflag:$0x4], $0x80, s11, s18, $0xb8;
	[tilespmem:$0x1D000] =	vst v63  }
0x199: {  	_ =	swait.ge [sflag:s29], $0x4000  }
0x19a: {  	s7 =	rddreg [dreg:$0x5];
	[sflag:s29] =	ssyncset.done $0x0  }
0x19b: {  	[sflag:s29] =	ssyncadd.s32 $0xFFFFC000;
	s7 =	sadd.s32 s13, s7  }
0x19c: {  	[tilespmem:s3], [sflag:$0x5] =	stream.linear.gather [hbm4b:s7+s3], $0x400, $0x38;
	[tilespmem:$0x1D000] =	vst v63  }
0x19d: {  	_ =	swait.ge [sflag:s16], $0x400  }
0x19e: {  	[sflag:s16] =	ssyncset.done $0x0  }
0x19f: {  	s14 =	sadd.s32 $0x200, s14;
	[sflag:s16] =	ssyncadd.s32 $0xFFFFFC00  }
0x1a0: {  	[tilespmem:s20], [sflag:$0x5] =	stream.linear.gather [hbm4b:s14+s3], $0x400, $0x38;
	[tilespmem:$0x1D000] =	vst v63  }
0x1a1: {  	_ =	swait.ge [sflag:s16], $0x400  }
0x1a2: {  	[sflag:s16] =	ssyncset.done $0x0  }
0x1a3: {  	[sflag:s16] =	ssyncadd.s32 $0xFFFFFC00  }
0x1a4: {  	[tilespmem:s22], [sflag:$0x2] =	stream.indirect.gather [hbm4b:s4+s18], $0x80, s17, s18, $0xb8;
	[tilespmem:$0x1D000] =	vst v63  }
0x1a5: {  	_ =	swait.ge [sflag:s23], $0x4000  }
0x1a6: {  	[sflag:s23] =	ssyncset.done $0x0  }
0x1a7: {  	[sflag:s23] =	ssyncadd.s32 $0xFFFFC000  }
0x1a8: {  	[spmem:s1] =	stream.indirect.scatter.add.f32 [tilespmem:s19], [sflag:$0x3], $0x80, s8, s18, $0xb8;
	[tilespmem:$0x1D000] =	vst v63  }
0x1a9: {  	_ =	swait.ge [sflag:s24], $0x4000  }
0x1aa: {  	[sflag:s24] =	ssyncset.done $0x0  }
0x1ab: {  	s13 =	simm.s32 $0x500;
	[sflag:s24] =	ssyncadd.s32 $0xFFFFC000  }
0x1ac: {  	[tilespmem:s19], [sflag:$0x1] =	stream.indirect.gather [hbm4b:s4+s18], $0x80, s13, s18, $0xb8;
	[tilespmem:$0x1D000] =	vst v63  }
0x1ad: {  	_ =	swait.ge [sflag:s26], $0x4000  }
0x1ae: {  	[sflag:s26] =	ssyncset.done $0x0  }
0x1af: {  	s14 =	simm.s32 $0xC80;
	[sflag:s26] =	ssyncadd.s32 $0xFFFFC000  }
0x1b0: {  	[spmem:s1] =	stream.indirect.scatter.add.f32 [tilespmem:s22], [sflag:$0x4], $0x80, s14, s18, $0xb8;
	[tilespmem:$0x1D000] =	vst v63  }
0x1b1: {  	_ =	swait.ge [sflag:s29], $0x4000  }
0x1b2: {  	[sflag:s29] =	ssyncset.done $0x0  }
0x1b3: {  	s13 =	simm.s32 $0x580;
	[sflag:s29] =	ssyncadd.s32 $0xFFFFC000  }
0x1b4: {  	[tilespmem:s22], [sflag:$0x2] =	stream.indirect.gather [hbm4b:s4+s18], $0x80, s13, s18, $0xb8;
	[tilespmem:$0x1D000] =	vst v63  }
0x1b5: {  	_ =	swait.ge [sflag:s23], $0x4000  }
0x1b6: {  	[sflag:s23] =	ssyncset.done $0x0  }
0x1b7: {  	s14 =	simm.s32 $0xD00;
	[sflag:s23] =	ssyncadd.s32 $0xFFFFC000  }
0x1b8: {  	[spmem:s1] =	stream.indirect.scatter.add.f32 [tilespmem:s19], [sflag:$0x3], $0x80, s14, s18, $0xb8;
	[tilespmem:$0x1D000] =	vst v63  }
0x1b9: {  	_ =	swait.ge [sflag:s24], $0x4000  }
0x1ba: {  	[sflag:s24] =	ssyncset.done $0x0  }
0x1bb: {  	s13 =	simm.s32 $0x600;
	[sflag:s24] =	ssyncadd.s32 $0xFFFFC000  }
0x1bc: {  	[tilespmem:s19], [sflag:$0x1] =	stream.indirect.gather [hbm4b:s4+s18], $0x80, s13, s18, $0xb8;
	[tilespmem:$0x1D000] =	vst v63  }
0x1bd: {  	_ =	swait.ge [sflag:s26], $0x4000  }
0x1be: {  	[sflag:s26] =	ssyncset.done $0x0  }
0x1bf: {  	s14 =	simm.s32 $0xD80;
	[sflag:s26] =	ssyncadd.s32 $0xFFFFC000  }
0x1c0: {  	[spmem:s1] =	stream.indirect.scatter.add.f32 [tilespmem:s22], [sflag:$0x4], $0x80, s14, s18, $0xb8;
	[tilespmem:$0x1D000] =	vst v63  }
0x1c1: {  	_ =	swait.ge [sflag:s29], $0x4000  }
0x1c2: {  	[sflag:s29] =	ssyncset.done $0x0  }
0x1c3: {  	s13 =	simm.s32 $0x680;
	[sflag:s29] =	ssyncadd.s32 $0xFFFFC000  }
0x1c4: {  	[tilespmem:s22], [sflag:$0x2] =	stream.indirect.gather [hbm4b:s4+s18], $0x80, s13, s18, $0xb8;
	[tilespmem:$0x1D000] =	vst v63  }
0x1c5: {  	_ =	swait.ge [sflag:s23], $0x4000  }
0x1c6: {  	[sflag:s23] =	ssyncset.done $0x0  }
0x1c7: {  	s14 =	simm.s32 $0xE00;
	[sflag:s23] =	ssyncadd.s32 $0xFFFFC000  }
0x1c8: {  	[spmem:s1] =	stream.indirect.scatter.add.f32 [tilespmem:s19], [sflag:$0x3], $0x80, s14, s18, $0xb8;
	[tilespmem:$0x1D000] =	vst v63  }
0x1c9: {  	_ =	swait.ge [sflag:s24], $0x4000  }
0x1ca: {  	[sflag:s24] =	ssyncset.done $0x0  }
0x1cb: {  	s13 =	simm.s32 $0x700;
	[sflag:s24] =	ssyncadd.s32 $0xFFFFC000  }
0x1cc: {  	[tilespmem:s19], [sflag:$0x1] =	stream.indirect.gather [hbm4b:s4+s18], $0x80, s13, s18, $0xb8;
	[tilespmem:$0x1D000] =	vst v63  }
0x1cd: {  	_ =	swait.ge [sflag:s26], $0x4000  }
0x1ce: {  	[sflag:s26] =	ssyncset.done $0x0  }
0x1cf: {  	s14 =	simm.s32 $0xE80;
	[sflag:s26] =	ssyncadd.s32 $0xFFFFC000  }
0x1d0: {  	[spmem:s1] =	stream.indirect.scatter.add.f32 [tilespmem:s22], [sflag:$0x4], $0x80, s14, s18, $0xb8;
	[tilespmem:$0x1D000] =	vst v63  }
0x1d1: {  	_ =	swait.ge [sflag:s29], $0x4000  }
0x1d2: {  	[sflag:s29] =	ssyncset.done $0x0  }
0x1d3: {  	s13 =	simm.s32 $0x780;
	[sflag:s29] =	ssyncadd.s32 $0xFFFFC000  }
0x1d4: {  	[tilespmem:s22], [sflag:$0x2] =	stream.indirect.gather [hbm4b:s4+s18], $0x80, s13, s18, $0xb8;
	[tilespmem:$0x1D000] =	vst v63  }
0x1d5: {  	_ =	swait.ge [sflag:s23], $0x4000  }
0x1d6: {  	[sflag:s23] =	ssyncset.done $0x0  }
0x1d7: {  	s14 =	simm.s32 $0xF00;
	[sflag:s23] =	ssyncadd.s32 $0xFFFFC000  }
0x1d8: {  	[spmem:s1] =	stream.indirect.scatter.add.f32 [tilespmem:s19], [sflag:$0x3], $0x80, s14, s18, $0xb8;
	[tilespmem:$0x1D000] =	vst v63  }
0x1d9: {  	_ =	swait.ge [sflag:s24], $0x4000  }
0x1da: {  	p0 =	sne.s32 s12, $0x800;
	[sflag:s24] =	ssyncset.done $0x0  }
.Ltmp0:
0x1db: {  	[sflag:s24] =	ssyncadd.s32 $0xFFFFC000;
	(pc) =	sbr.rel @p0 .LBB2_2-.Ltmp0, $4  }
0x1dc: {  	[tilespmem:s19], [sflag:$0x1] =	stream.indirect.gather [hbm4b:s4+s18], $0x80, s3, s18, $0xb8;
	[tilespmem:$0x1D000] =	vst v63  }
0x1dd: {  	_ =	swait.ge [sflag:s26], $0x4000  }
0x1de: {  	[sflag:s26] =	ssyncset.done $0x0  }
0x1df: {  	s12 =	sadd.s32 $0x100, s12;
	[sflag:s26] =	ssyncadd.s32 $0xFFFFC000  }
0x1e0: {  	s0 =	simm.s32 $0xF80  }
0x1e1: {  	[spmem:s1] =	stream.indirect.scatter.add.f32 [tilespmem:s22], [sflag:$0x4], $0x80, s0, s18, $0xb8;
	[tilespmem:$0x1D000] =	vst v63  }
0x1e2: {  	_ =	swait.ge [sflag:s29], $0x4000  }
0x1e3: {  	[sflag:s29] =	ssyncset.done $0x0  }
0x1e4: {  	[sflag:s29] =	ssyncadd.s32 $0xFFFFC000  }
0x1e5: {  	_ =	swait.ge [sflag:s23], $0x4000  }
0x1e6: {  	[sflag:s23] =	ssyncset.done $0x0  }
0x1e7: {  	[sflag:s23] =	ssyncadd.s32 $0xFFFFC000  }
0x1e8: {  	[bflag:$0x0] =	sbarrier.arrive $0xFFFF  }
0x1e9: {  	s12 =	rddreg [dreg:$0x7]  }
0x1ea: {  	s7 =	rddreg [dreg:$0xe]  }
0x1eb: {  	s13 =	rddreg [dreg:$0x10]  }
0x1ec: {  	[hbm:s7], [sflag:s12] =	dma.local [spmem:s13], $0x2800  }
0x1ed: {  	s8 =	simm.s32 $0x100;
	_ =	swait.ge [sflag:s16], $0x2800  }
0x1ee: {  	s6 =	simm.s32 $0x880;
	s14 =	simm.s32 $0x180;
	s21 =	rddreg [dreg:$0x11]  }
0x1ef: {  	s15 =	simm.s32 $0x900;
	s25 =	rddreg [dreg:$0xf];
	s0 =	sadd.s32 $0x1, s21  }
0x1f0: {  	s28 =	simm.s32 $0x980;
	s30 =	simm.s32 $0x280;
	p0 =	sne.s32 s0, s25  }
.Ltmp1:
0x1f1: {  	s2 =	simm.s32 $0x300;
	s5 =	simm.s32 $0xA80;
	(pc) =	sbr.rel @p0 .LBB2_1-.Ltmp1, $4  }
0x1f2: {  	s9 =	simm.s32 $0x380;
	s10 =	simm.s32 $0xB00;
	s11 =	simm.s32 $0xB80  }
0x1f3: {  	s17 =	simm.s32 $0x480;
	s20 =	simm.s32 $0x800;
	[sflag:s16] =	ssyncset.done $0x0  }
0x1f4: {  	s31 =	simm.s32 $0xC00;
	[sflag:s16] =	ssyncadd.s32 $0xFFFFD800;
	s21 =	simm.s32 $0x400  }
0x1f5: {  	[dreg:$0x11] =	wrdreg s0;
	s25 =	simm.s32 $0x200;
	s0 =	simm.s32 $0xA00  }
0x1f6: {  	_ =	sfence.sel $0x180000  }
0x1f7: {  	[bflag:$0x0] =	sbarrier.arrive $0xFFFF  }
0x1f8: {  	_ =	strace $0x9000004A  }
0x1f9: {  	s0 =	stileid.u32;
	[bflag:$0x2] =	sbarrier.arrive $0xFFFF  }
0x1fa: {  	p0 =	sne.s32 s0, $0x0;
	s0 =	rddreg [dreg:$0x2]  }
0x1fb: {  	s0 =	sadd.s32 @!p0 $0x100000, s0  }
0x1fc: {  	[sflag:s0] =	ssyncadd.tile.s32 @!p0 $0x1;
	_ =	shalt  }
.Lfunc_end2:
_tile_overlayer_lowered:
.L_overlay_start_2:
0x1fd: {  	(tag) =	ssettag $0x2  }
0x1fe: {  	s0 =	rddreg [dreg:$0x0];
	s2 =	stileid.u32  }
0x1ff: {  	s1 =	rddreg [dreg:$0x1];
	p0 =	sne.s32 s2, $0x0  }
0x200: {  	s3 =	rddreg [dreg:$0x2];
	[bflag:$0x3] =	sbarrier.arrive $0xFFFF;
	s2 =	simm.s32 @!p0 $0x1C05  }
0x201: {  	[timem:s3], [sflag:s2] =	dma.local @!p0 [hbm:s0], s1  }
0x202: {  	s0 =	simm.s32 @!p0 $0x5  }
0x203: {  	_ =	swait.ge @!p0 [sflag:s0], s1  }
0x204: {  	s1 =	ssub.s32 @!p0 $0x0, s1;
	[sflag:s0] =	ssyncset.done @!p0 $0x0  }
0x205: {  	[sflag:s0] =	ssyncadd.s32 @!p0 s1  }
0x206: {  	[bflag:$0x3] =	sbarrier.arrive $0xFFFF  }
0x207: {  	_ =	shalt  }

</sc_bundles>
